<compile_context>
chip_gen: v7x
topology: tpu7x:2x2x1
jax: 0.10.2.dev20260603
libtpu: 0.0.44.dev20260713+nightly
codegen_flags: <defaults>
</compile_context>

<pallas_src>
import functools

import jax
import jax.numpy as jnp
from jax import lax
from jax.experimental import pallas as pl
from jax.experimental.pallas import tpu as pltpu
from jax.experimental.pallas import tpu_sc as plsc

N_NODES = 10000
N_EDGES = 320000
D_FEAT = 128
S_SUB = 50000
N_GRAPHS = 256
EMB = 64
HID = 64

N_TILES = 32
NROWS_PER_TILE = N_NODES // 16

EDGE_CHUNK = 128
EDGE_GRP = 2
EDGE_CHUNKS = N_EDGES // (N_TILES * EDGE_CHUNK)
EDGE_PAIRS = EDGE_CHUNKS // (2 * EDGE_GRP)
EDGE_TAIL = EDGE_CHUNKS - EDGE_PAIRS * 2 * EDGE_GRP
EDGES_PER_TILE = EDGE_CHUNKS * EDGE_CHUNK
EDGE_REM_BASE = N_TILES * EDGES_PER_TILE
EDGE_DST_ROWS = N_EDGES // EDGE_CHUNK

SUB_CHUNK = 64
SUB_GRP = 4
SUB_CHUNKS = 24
SUB_PAIRS = SUB_CHUNKS // (2 * SUB_GRP)
SUB_PER_TILE = SUB_CHUNKS * SUB_CHUNK
SUB_REM_BASE = N_TILES * SUB_PER_TILE
SUB_REM64 = 13
SUB_TAIL_BASE = SUB_REM_BASE + SUB_REM64 * SUB_CHUNK
SUB_TAIL = S_SUB - SUB_TAIL_BASE

BIN_REP = 4
GP = N_GRAPHS * BIN_REP
GROWS_PER_TILE = GP // 16

ROW_BLK = 2000


def _sc_mesh():
    return plsc.VectorSubcoreMesh(core_axis_name="c", subcore_axis_name="s")


_SC_PARAMS = pltpu.CompilerParams(use_tc_tiling_on_sc=False)


@functools.partial(
    pl.kernel,
    out_type=jax.ShapeDtypeStruct((2, N_NODES, 8), jnp.float32),
    mesh=_sc_mesh(),
    compiler_params=_SC_PARAMS,
    scratch_types=[
        pltpu.VMEM((EDGE_CHUNKS + 1, EDGE_CHUNK), jnp.int32),
        pltpu.VMEM((EDGE_CHUNK, 8), jnp.float32),
        pltpu.SemaphoreType.DMA,
        pltpu.VMEM_SHARED((N_NODES, 8), jnp.float32),
    ],
)
def _deg_kernel(dst2_hbm, ones_hbm, zeros_hbm, out_hbm, dst_all, ones_v, sem,
                deg_sh):
    c = lax.axis_index("c")
    s = lax.axis_index("s")
    wid = c * 16 + s
    r0 = s * NROWS_PER_TILE
    pltpu.sync_copy(zeros_hbm, deg_sh.at[pl.ds(r0, NROWS_PER_TILE)])
    pltpu.sync_copy(dst2_hbm.at[pl.ds(wid * EDGE_CHUNKS, EDGE_CHUNKS)],
                    dst_all.at[pl.ds(0, EDGE_CHUNKS)])

    @pl.when(wid < 4)
    def _():
        pltpu.sync_copy(dst2_hbm.at[pl.ds(N_TILES * EDGE_CHUNKS + wid, 1)],
                        dst_all.at[pl.ds(EDGE_CHUNKS, 1)])

    pltpu.sync_copy(ones_hbm, ones_v)
    plsc.subcore_barrier()

    def fire(chunk):
        return pltpu.async_copy(ones_v, deg_sh.at[dst_all.at[chunk]], sem,
                                add=True)

    def body(gp, _):
        ds = [fire(gp * 8 + k) for k in range(8)]
        for d in ds:
            d.wait()
        return 0

    lax.fori_loop(0, EDGE_CHUNKS // 8, body, 0)
    tail = [fire(72 + k) for k in range(EDGE_CHUNKS - 72)]
    for d in tail:
        d.wait()

    @pl.when(wid < 4)
    def _():
        fire(EDGE_CHUNKS).wait()

    plsc.subcore_barrier()
    pltpu.sync_copy(deg_sh.at[pl.ds(r0, NROWS_PER_TILE)],
                    out_hbm.at[c, pl.ds(r0, NROWS_PER_TILE)])


def _enc_body(dp_ref, x_ref, w_ref, y_ref, dinv_ref):
    dp = dp_ref[...]
    deg = dp[0] + dp[1] + 1.0
    dinv = lax.rsqrt(deg)
    xw = jnp.dot(x_ref[...], w_ref[...], preferred_element_type=jnp.float32)
    y_ref[...] = xw * dinv[:, 0:1]
    dinv_ref[...] = dinv


def _enc_call(deg_parts, x, w_enc):
    grid = N_NODES // ROW_BLK
    return pl.pallas_call(
        _enc_body,
        grid=(grid,),
        in_specs=[
            pl.BlockSpec((2, ROW_BLK, 8), lambda i: (0, i, 0)),
            pl.BlockSpec((ROW_BLK, D_FEAT), lambda i: (i, 0)),
            pl.BlockSpec((D_FEAT, EMB), lambda i: (0, 0)),
        ],
        out_specs=[
            pl.BlockSpec((ROW_BLK, EMB), lambda i: (i, 0)),
            pl.BlockSpec((ROW_BLK, 8), lambda i: (i, 0)),
        ],
        out_shape=[
            jax.ShapeDtypeStruct((N_NODES, EMB), jnp.float32),
            jax.ShapeDtypeStruct((N_NODES, 8), jnp.float32),
        ],
    )(deg_parts, x, w_enc)


@functools.partial(
    pl.kernel,
    out_type=jax.ShapeDtypeStruct((2, N_NODES, EMB), jnp.float32),
    mesh=_sc_mesh(),
    compiler_params=_SC_PARAMS,
    scratch_types=[
        pltpu.VMEM((EDGES_PER_TILE + EDGE_CHUNK,), jnp.int32),
        [pltpu.VMEM((EDGE_CHUNK,), jnp.int32) for _ in range(EDGE_GRP)],
        [pltpu.VMEM((EDGE_CHUNK,), jnp.int32) for _ in range(EDGE_GRP)],
        [pltpu.VMEM((EDGE_CHUNK, EMB), jnp.float32) for _ in range(EDGE_GRP)],
        [pltpu.VMEM((EDGE_CHUNK, EMB), jnp.float32) for _ in range(EDGE_GRP)],
        pltpu.SemaphoreType.DMA,
        pltpu.SemaphoreType.DMA,
        pltpu.SemaphoreType.DMA,
        pltpu.SemaphoreType.DMA,
        pltpu.SemaphoreType.DMA,
        pltpu.SemaphoreType.DMA,
        pltpu.VMEM_SHARED((N_NODES, EMB), jnp.float32),
        pltpu.VMEM_SHARED((N_NODES, EMB), jnp.float32),
    ],
)
def _edge_kernel(src_hbm, dst2_hbm, y_hbm, zeros_hbm, out_hbm,
                 src_all, dbuf_a, dbuf_b, bufs_a, bufs_b,
                 sga, sgb, ssa, ssb, sda, sdb, acc_sh, y_sh):
    c = lax.axis_index("c")
    s = lax.axis_index("s")
    wid = c * 16 + s
    r0 = s * NROWS_PER_TILE
    pltpu.sync_copy(zeros_hbm, acc_sh.at[pl.ds(r0, NROWS_PER_TILE)])
    pltpu.sync_copy(y_hbm.at[pl.ds(r0, NROWS_PER_TILE)],
                    y_sh.at[pl.ds(r0, NROWS_PER_TILE)])
    pltpu.sync_copy(src_hbm.at[pl.ds(wid * EDGES_PER_TILE, EDGES_PER_TILE)],
                    src_all.at[pl.ds(0, EDGES_PER_TILE)])

    @pl.when(wid < 4)
    def _():
        pltpu.sync_copy(src_hbm.at[pl.ds(EDGE_REM_BASE + wid * EDGE_CHUNK,
                                         EDGE_CHUNK)],
                        src_all.at[pl.ds(EDGES_PER_TILE, EDGE_CHUNK)])

    def fire_gather(chunk, buf, sem):
        idx = src_all.at[pl.ds(chunk * EDGE_CHUNK, EDGE_CHUNK)]
        return pltpu.async_copy(y_sh.at[idx], buf, sem)

    def fire_dst(row, dbuf, sem):
        return pltpu.async_copy(dst2_hbm.at[row], dbuf, sem)

    plsc.subcore_barrier()

    def run_group(chunks, rows, dbufs, bufs, sg, sd):
        dd = [fire_dst(rows[k], dbufs[k], sd) for k in range(len(chunks))]
        gg = [fire_gather(chunks[k], bufs[k], sg) for k in range(len(chunks))]
        return dd, gg

    def drain_fire_scatter(dd, gg, dbufs, bufs, ss):
        for d in gg:
            d.wait()
        for d in dd:
            d.wait()
        return [pltpu.async_copy(bufs[k], acc_sh.at[dbufs[k]], ss, add=True)
                for k in range(len(dd))]

    def body(gp, _):
        base_a = gp * 2 * EDGE_GRP
        ca = [base_a + k for k in range(EDGE_GRP)]
        cb = [base_a + EDGE_GRP + k for k in range(EDGE_GRP)]
        ra = [wid * EDGE_CHUNKS + ch for ch in ca]
        rb = [wid * EDGE_CHUNKS + ch for ch in cb]
        da, ga = run_group(ca, ra, dbuf_a, bufs_a, sga, sda)
        db, gb = run_group(cb, rb, dbuf_b, bufs_b, sgb, sdb)
        sa = drain_fire_scatter(da, ga, dbuf_a, bufs_a, ssa)
        sb = drain_fire_scatter(db, gb, dbuf_b, bufs_b, ssb)
        for d in sa:
            d.wait()
        for d in sb:
            d.wait()
        return 0

    lax.fori_loop(0, EDGE_PAIRS, body, 0)

    ct = [EDGE_PAIRS * 2 * EDGE_GRP + k for k in range(EDGE_TAIL)]
    rt = [wid * EDGE_CHUNKS + ch for ch in ct]
    dt, gt = run_group(ct, rt, dbuf_a, bufs_a, sga, sda)
    st = drain_fire_scatter(dt, gt, dbuf_a, bufs_a, ssa)
    for d in st:
        d.wait()

    @pl.when(wid < 4)
    def _():
        dr, gr = run_group([EDGE_CHUNKS], [N_TILES * EDGE_CHUNKS + wid],
                           dbuf_b, bufs_b, sgb, sdb)
        sr = drain_fire_scatter(dr, gr, dbuf_b, bufs_b, ssb)
        for d in sr:
            d.wait()

    plsc.subcore_barrier()
    pltpu.sync_copy(acc_sh.at[pl.ds(r0, NROWS_PER_TILE)],
                    out_hbm.at[c, pl.ds(r0, NROWS_PER_TILE)])


def _combine_body(a_ref, y_ref, dinv_ref, b_ref, h_ref):
    a = a_ref[...]
    acc = a[0] + a[1] + y_ref[...]
    h_ref[...] = jnp.maximum(acc * dinv_ref[...][:, 0:1] + b_ref[...], 0.0)


def _combine_call(acc_parts, y, dinv, b_enc2d):
    grid = N_NODES // ROW_BLK
    return pl.pallas_call(
        _combine_body,
        grid=(grid,),
        in_specs=[
            pl.BlockSpec((2, ROW_BLK, EMB), lambda i: (0, i, 0)),
            pl.BlockSpec((ROW_BLK, EMB), lambda i: (i, 0)),
            pl.BlockSpec((ROW_BLK, 8), lambda i: (i, 0)),
            pl.BlockSpec((1, EMB), lambda i: (0, 0)),
        ],
        out_specs=pl.BlockSpec((ROW_BLK, EMB), lambda i: (i, 0)),
        out_shape=jax.ShapeDtypeStruct((N_NODES, EMB), jnp.float32),
    )(acc_parts, y, dinv, b_enc2d)


@functools.partial(
    pl.kernel,
    out_type=[
        jax.ShapeDtypeStruct((2, GP, EMB), jnp.float32),
        jax.ShapeDtypeStruct((2, GP, 8), jnp.float32),
    ],
    mesh=_sc_mesh(),
    compiler_params=_SC_PARAMS,
    scratch_types=[
        pltpu.VMEM((SUB_PER_TILE + SUB_CHUNK,), jnp.int32),
        [pltpu.VMEM((SUB_CHUNK,), jnp.int32) for _ in range(SUB_GRP)],
        [pltpu.VMEM((SUB_CHUNK,), jnp.int32) for _ in range(SUB_GRP)],
        [pltpu.VMEM((SUB_CHUNK, EMB), jnp.float32) for _ in range(SUB_GRP)],
        [pltpu.VMEM((SUB_CHUNK, EMB), jnp.float32) for _ in range(SUB_GRP)],
        pltpu.VMEM((SUB_CHUNK, 8), jnp.float32),
        pltpu.VMEM((SUB_TAIL, EMB), jnp.float32),
        pltpu.VMEM((SUB_TAIL,), jnp.int32),
        pltpu.SemaphoreType.DMA,
        pltpu.SemaphoreType.DMA,
        pltpu.SemaphoreType.DMA,
        pltpu.SemaphoreType.DMA,
        pltpu.SemaphoreType.DMA,
        pltpu.SemaphoreType.DMA,
        pltpu.VMEM_SHARED((GP, EMB), jnp.float32),
        pltpu.VMEM_SHARED((GP, 8), jnp.float32),
        pltpu.VMEM_SHARED((N_NODES, EMB), jnp.float32),
    ],
)
def _pool_kernel(sub_hbm, bin2_hbm, h_hbm, zp_hbm, zc_hbm, ones_hbm,
                 pool_hbm, cnt_hbm,
                 sub_all, bbuf_a, bbuf_b, bufs_a, bufs_b, ones_v,
                 tbuf, tibuf, sga, sgb, ssa, ssb, sda, sdb,
                 pool_sh, cnt_sh, h_sh):
    c = lax.axis_index("c")
    s = lax.axis_index("s")
    wid = c * 16 + s
    g0 = s * GROWS_PER_TILE
    r0 = s * NROWS_PER_TILE
    pltpu.sync_copy(zp_hbm, pool_sh.at[pl.ds(g0, GROWS_PER_TILE)])
    pltpu.sync_copy(zc_hbm, cnt_sh.at[pl.ds(g0, GROWS_PER_TILE)])
    pltpu.sync_copy(h_hbm.at[pl.ds(r0, NROWS_PER_TILE)],
                    h_sh.at[pl.ds(r0, NROWS_PER_TILE)])
    pltpu.sync_copy(sub_hbm.at[pl.ds(wid * SUB_PER_TILE, SUB_PER_TILE)],
                    sub_all.at[pl.ds(0, SUB_PER_TILE)])

    @pl.when(wid < SUB_REM64)
    def _():
        pltpu.sync_copy(sub_hbm.at[pl.ds(SUB_REM_BASE + wid * SUB_CHUNK,
                                         SUB_CHUNK)],
                        sub_all.at[pl.ds(SUB_PER_TILE, SUB_CHUNK)])

    @pl.when(wid == SUB_REM64)
    def _():
        pltpu.sync_copy(sub_hbm.at[pl.ds(SUB_TAIL_BASE, SUB_TAIL)],
                        sub_all.at[pl.ds(SUB_PER_TILE, SUB_TAIL)])

    pltpu.sync_copy(ones_hbm, ones_v)

    def fire_gather(chunk, buf, sem):
        idx = sub_all.at[pl.ds(chunk * SUB_CHUNK, SUB_CHUNK)]
        return pltpu.async_copy(h_sh.at[idx], buf, sem)

    def fire_bin(base, bbuf, sem, n=SUB_CHUNK):
        return pltpu.async_copy(bin2_hbm.at[pl.ds(base, n)],
                                bbuf.at[pl.ds(0, n)], sem)

    rep_lane = lax.rem(lax.iota(jnp.int32, 16), BIN_REP)

    def replicate_bins(bbuf, n=SUB_CHUNK):
        for j in range(n // 16):
            sl = pl.ds(j * 16, 16)
            bbuf[sl] = bbuf[sl] * BIN_REP + rep_lane

    plsc.subcore_barrier()

    def run_group(chunks, bases, bbufs, bufs, sg, sd):
        bb = [fire_bin(bases[k], bbufs[k], sd) for k in range(len(chunks))]
        gg = [fire_gather(chunks[k], bufs[k], sg) for k in range(len(chunks))]
        return bb, gg

    def drain_fire_scatter(bb, gg, bbufs, bufs, ss):
        for d in gg:
            d.wait()
        for d in bb:
            d.wait()
        out = []
        for k in range(len(bb)):
            replicate_bins(bbufs[k])
            out.append(pltpu.async_copy(bufs[k], pool_sh.at[bbufs[k]], ss,
                                        add=True))
            out.append(pltpu.async_copy(ones_v, cnt_sh.at[bbufs[k]], ss,
                                        add=True))
        return out

    def body(gp, _):
        base_a = gp * 2 * SUB_GRP
        ca = [base_a + k for k in range(SUB_GRP)]
        cb = [base_a + SUB_GRP + k for k in range(SUB_GRP)]
        ra = [wid * SUB_PER_TILE + ch * SUB_CHUNK for ch in ca]
        rb = [wid * SUB_PER_TILE + ch * SUB_CHUNK for ch in cb]
        ba, ga = run_group(ca, ra, bbuf_a, bufs_a, sga, sda)
        bb, gb = run_group(cb, rb, bbuf_b, bufs_b, sgb, sdb)
        sa = drain_fire_scatter(ba, ga, bbuf_a, bufs_a, ssa)
        sb = drain_fire_scatter(bb, gb, bbuf_b, bufs_b, ssb)
        for d in sa:
            d.wait()
        for d in sb:
            d.wait()
        return 0

    lax.fori_loop(0, SUB_PAIRS, body, 0)

    @pl.when(wid < SUB_REM64)
    def _():
        br, gr = run_group([SUB_CHUNKS], [SUB_REM_BASE + wid * SUB_CHUNK],
                           bbuf_a, bufs_a, sga, sda)
        sr = drain_fire_scatter(br, gr, bbuf_a, bufs_a, ssa)
        for d in sr:
            d.wait()

    @pl.when(wid == SUB_REM64)
    def _():
        db = pltpu.async_copy(bin2_hbm.at[pl.ds(SUB_TAIL_BASE, SUB_TAIL)],
                              tibuf, sda)
        gg = pltpu.async_copy(
            h_sh.at[sub_all.at[pl.ds(SUB_PER_TILE, SUB_TAIL)]], tbuf, sga)
        gg.wait()
        db.wait()
        tibuf[pl.ds(0, 16)] = tibuf[pl.ds(0, 16)] * BIN_REP + rep_lane
        s1 = pltpu.async_copy(tbuf, pool_sh.at[tibuf], ssa, add=True)
        s2 = pltpu.async_copy(ones_v.at[pl.ds(0, SUB_TAIL)], cnt_sh.at[tibuf],
                              ssa, add=True)
        s1.wait()
        s2.wait()

    plsc.subcore_barrier()
    pltpu.sync_copy(pool_sh.at[pl.ds(g0, GROWS_PER_TILE)],
                    pool_hbm.at[c, pl.ds(g0, GROWS_PER_TILE)])
    pltpu.sync_copy(cnt_sh.at[pl.ds(g0, GROWS_PER_TILE)],
                    cnt_hbm.at[c, pl.ds(g0, GROWS_PER_TILE)])


def _head_body(pool_ref, cnt_ref, w1_ref, b1_ref, g_ref, be_ref, w2_ref, b2_ref,
               out_ref):
    pp = pool_ref[...]
    cc = cnt_ref[...]
    pool = (pp[0] + pp[1]).reshape(N_GRAPHS, BIN_REP, EMB).sum(axis=1)
    cnt = (cc[0] + cc[1]).reshape(N_GRAPHS, BIN_REP, 8).sum(axis=1)[:, 0:1]
    pooled = pool / jnp.maximum(cnt, 1.0)
    z = jnp.dot(pooled, w1_ref[...], preferred_element_type=jnp.float32) + b1_ref[...]
    z = jnp.maximum(z, 0.0)
    mu = jnp.mean(z, axis=0, keepdims=True)
    var = jnp.mean((z - mu) ** 2, axis=0, keepdims=True)
    z = (z - mu) / jnp.sqrt(var + 1e-5) * g_ref[...] + be_ref[...]
    out_ref[...] = jnp.sum(z * w2_ref[...], axis=1, keepdims=True) + b2_ref[...]


def _head_call(pool_parts, cnt_parts, w1, b1_2d, gamma2d, beta2d, w2row, b2_2d):
    return pl.pallas_call(
        _head_body,
        out_shape=jax.ShapeDtypeStruct((N_GRAPHS, 1), jnp.float32),
    )(pool_parts, cnt_parts, w1, b1_2d, gamma2d, beta2d, w2row, b2_2d)


def kernel(full_x, full_edge_index, subgraph_node_indices, batch_vector,
           W_enc, b_enc, W1, b1, gamma, beta, W2, b2):
    src = full_edge_index[0]
    dst2d = full_edge_index[1].reshape(EDGE_DST_ROWS, EDGE_CHUNK)


    ones_e = jnp.ones((EDGE_CHUNK, 8), jnp.float32)
    zeros_deg = jnp.zeros((NROWS_PER_TILE, 8), jnp.float32)
    zeros_acc = jnp.zeros((NROWS_PER_TILE, EMB), jnp.float32)
    ones_s = jnp.ones((SUB_CHUNK, 8), jnp.float32)
    zeros_pool = jnp.zeros((GROWS_PER_TILE, EMB), jnp.float32)
    zeros_cnt = jnp.zeros((GROWS_PER_TILE, 8), jnp.float32)

    deg_parts = _deg_kernel(dst2d, ones_e, zeros_deg)
    y, dinv = _enc_call(deg_parts, full_x, W_enc)
    acc_parts = _edge_kernel(src, dst2d, y, zeros_acc)
    h = _combine_call(acc_parts, y, dinv, b_enc.reshape(1, EMB))
    pool_parts, cnt_parts = _pool_kernel(subgraph_node_indices, batch_vector,
                                         h, zeros_pool, zeros_cnt, ones_s)
    return _head_call(pool_parts, cnt_parts, W1, b1.reshape(1, HID),
                      gamma.reshape(1, HID), beta.reshape(1, HID),
                      W2.reshape(1, HID), b2.reshape(1, 1))

# --- scband reference (transcript-rebuilt; emitter-appended) ---
"""Pipeline reference for scband-transductive-gnn-74612171866465 (READ-ONLY COPY).

The authoritative reference and input builder live on the scoring server;
editing this copy changes nothing except your own understanding.
"""

import jax, jax.numpy as jnp
import numpy as np

N_NODES = 10000
N_EDGES = 320000
D_FEAT = 128
S_SUB = 50000
N_GRAPHS = 256
EMB = 64
HID = 64


def setup_inputs(seed: int = 0) -> dict:
    key = jax.random.key(seed)
    ks = jax.random.split(key, 8)
    full_x = jax.random.normal(ks[0], (N_NODES, D_FEAT), dtype=jnp.float32)
    full_edge_index = jax.random.randint(ks[1], (2, N_EDGES), 0, N_NODES, dtype=jnp.int32)
    subgraph_node_indices = jax.random.randint(ks[2], (S_SUB,), 0, N_NODES, dtype=jnp.int32)
    batch_vector = jnp.sort(jax.random.randint(ks[3], (S_SUB,), 0, N_GRAPHS, dtype=jnp.int32))
    W_enc = jax.random.normal(ks[4], (D_FEAT, EMB), dtype=jnp.float32) * (1.0 / np.sqrt(D_FEAT))
    b_enc = jnp.zeros((EMB,), dtype=jnp.float32)
    W1 = jax.random.normal(ks[5], (EMB, HID), dtype=jnp.float32) * (1.0 / np.sqrt(EMB))
    b1 = jnp.zeros((HID,), dtype=jnp.float32)
    gamma = jnp.ones((HID,), dtype=jnp.float32)
    beta = jnp.zeros((HID,), dtype=jnp.float32)
    W2 = jax.random.normal(ks[6], (HID, 1), dtype=jnp.float32) * (1.0 / np.sqrt(HID))
    b2 = jnp.zeros((1,), dtype=jnp.float32)
    return {
        'full_x': full_x,
        'full_edge_index': full_edge_index,
        'subgraph_node_indices': subgraph_node_indices,
        'batch_vector': batch_vector,
        'W_enc': W_enc, 'b_enc': b_enc,
        'W1': W1, 'b1': b1,
        'gamma': gamma, 'beta': beta,
        'W2': W2, 'b2': b2,
    }


def reference(full_x, full_edge_index, subgraph_node_indices, batch_vector,
              W_enc, b_enc, W1, b1, gamma, beta, W2, b2):
    N = full_x.shape[0]
    # GCNConv (PyG semantics): add self-loops, symmetric deg normalization
    loops = jnp.arange(N, dtype=full_edge_index.dtype)
    src = jnp.concatenate([full_edge_index[0], loops])
    dst = jnp.concatenate([full_edge_index[1], loops])
    deg = jnp.zeros((N,), jnp.float32).at[dst].add(1.0)
    dinv = jnp.where(deg > 0, jax.lax.rsqrt(jnp.maximum(deg, 1e-12)), 0.0)
    norm = dinv[src] * dinv[dst]
    xw = full_x @ W_enc
    agg = jnp.zeros((N, xw.shape[1]), jnp.float32).at[dst].add(xw[src] * norm[:, None])
    h = jax.nn.relu(agg + b_enc)
    # gather subgraph node embeddings
    sub = h[subgraph_node_indices]
    # global_mean_pool over batch_vector
    sums = jax.ops.segment_sum(sub, batch_vector, num_segments=N_GRAPHS)
    cnts = jax.ops.segment_sum(jnp.ones((sub.shape[0],), jnp.float32), batch_vector, num_segments=N_GRAPHS)
    pooled = sums / jnp.maximum(cnts, 1.0)[:, None]
    # predictor: Linear -> ReLU -> BatchNorm1d (training-mode batch stats) -> Linear
    z = pooled @ W1 + b1
    z = jax.nn.relu(z)
    mu = jnp.mean(z, axis=0)
    var = jnp.var(z, axis=0)
    z = (z - mu) / jnp.sqrt(var + 1e-5) * gamma + beta
    return z @ W2 + b2

if __name__ == "__main__":
    import jax
    _d = setup_inputs()
    print(jax.jit(kernel)(*tuple(_d.values())))

</pallas_src>

<mosaic_0001>
#map = affine_map<(d0, d1) -> (0, 0)>
#map1 = affine_map<(d0, d1) -> (0, 0, 0)>
module attributes {stable_mosaic.version = 14 : i64} {
  func.func @_deg_kernel(%arg0: i32, %arg1: i32, %arg2: memref<2500x128xi32, #tpu.memory_space<hbm>>, %arg3: memref<128x8xf32, #tpu.memory_space<hbm>>, %arg4: memref<625x8xf32, #tpu.memory_space<hbm>>, %arg5: memref<2x10000x8xf32, #tpu.memory_space<hbm>>, %arg6: memref<79x128xi32, #tpu.memory_space<vmem>>, %arg7: memref<128x8xf32, #tpu.memory_space<vmem>>, %arg8: memref<!tpu.dma_semaphore, #tpu.memory_space<semaphore_mem>>, %arg9: memref<10000x8xf32, #tpu.memory_space<vmem_shared>>) attributes {dimension_semantics = [#tpu.dimension_semantics<core_parallel>, #tpu.dimension_semantics<subcore_parallel>], iteration_bounds = array<i64: 2, 16>, scalar_prefetch = 0 : i64, scratch_operands = 4 : i64, tpu.core_type = #tpu.core_type<sc_vector_subcore>, window_params = [{transform_indices = #map}, {transform_indices = #map}, {transform_indices = #map}, {transform_indices = #map1}]} {
    %mul3A = arith.constant 16 : i32
    %mul3A_0 = arith.muli %arg0, %mul3A : i32
    %add3A = arith.addi %mul3A_0, %arg1 : i32
    %mul3A_1 = arith.constant 625 : i32
    %mul3A_2 = arith.muli %arg1, %mul3A_1 : i32
    "tpu.region"() ({
      %run_scoped3A = tpu.sem_alloc : memref<!tpu.dma_semaphore, #tpu.memory_space<semaphore_mem>>
      %dma_start3A_101 = arith.constant 0 : i32
      %dma_start3A_102 = tpu.memref_slice %arg9[%mul3A_2, %dma_start3A_101] : memref<10000x8xf32, #tpu.memory_space<vmem_shared>> -> memref<625x8xf32, #tpu.memory_space<vmem_shared>>
      tpu.enqueue_dma source(%arg4 : memref<625x8xf32, #tpu.memory_space<hbm>>) target(%dma_start3A_102 : memref<625x8xf32, #tpu.memory_space<vmem_shared>>) target_semaphore(%run_scoped3A : memref<!tpu.dma_semaphore, #tpu.memory_space<semaphore_mem>>)
      %dma_wait3A_103 = arith.constant 0 : i32
      %dma_wait3A_104 = tpu.memref_slice %arg9[%mul3A_2, %dma_wait3A_103] : memref<10000x8xf32, #tpu.memory_space<vmem_shared>> -> memref<625x8xf32, #tpu.memory_space<vmem_shared>>
      tpu.wait_dma2 semaphore(%run_scoped3A : memref<!tpu.dma_semaphore, #tpu.memory_space<semaphore_mem>>) src(%arg4 : memref<625x8xf32, #tpu.memory_space<hbm>>) dst(%dma_wait3A_104 : memref<625x8xf32, #tpu.memory_space<vmem_shared>>)
      tpu.yield
    }) : () -> ()
    %mul3A_3 = arith.constant 78 : i32
    %mul3A_4 = arith.muli %add3A, %mul3A_3 : i32
    "tpu.region"() ({
      %run_scoped3A = tpu.sem_alloc : memref<!tpu.dma_semaphore, #tpu.memory_space<semaphore_mem>>
      %dma_start3A_101 = arith.constant 0 : i32
      %dma_start3A_102 = arith.constant 0 : i32
      %dma_start3A_103 = tpu.memref_slice %arg6[%dma_start3A_101, %dma_start3A_102] : memref<79x128xi32, #tpu.memory_space<vmem>> -> memref<78x128xi32, #tpu.memory_space<vmem>>
      %dma_start3A_104 = arith.constant 0 : i32
      %dma_start3A_105 = tpu.memref_slice %arg2[%mul3A_4, %dma_start3A_104] : memref<2500x128xi32, #tpu.memory_space<hbm>> -> memref<78x128xi32, #tpu.memory_space<hbm>>
      %dma_start3A_106 = arith.constant 0 : i32
      %dma_start3A_107 = arith.constant 0 : i32
      %dma_start3A_108 = tpu.memref_slice %arg6[%dma_start3A_106, %dma_start3A_107] : memref<79x128xi32, #tpu.memory_space<vmem>> -> memref<78x128xi32, #tpu.memory_space<vmem>>
      %dma_start3A_109 = arith.constant 0 : i32
      %dma_start3A_110 = tpu.memref_slice %arg2[%mul3A_4, %dma_start3A_109] : memref<2500x128xi32, #tpu.memory_space<hbm>> -> memref<78x128xi32, #tpu.memory_space<hbm>>
      tpu.enqueue_dma source(%dma_start3A_110 : memref<78x128xi32, #tpu.memory_space<hbm>>) target(%dma_start3A_108 : memref<78x128xi32, #tpu.memory_space<vmem>>) target_semaphore(%run_scoped3A : memref<!tpu.dma_semaphore, #tpu.memory_space<semaphore_mem>>)
      %dma_wait3A_111 = arith.constant 0 : i32
      %dma_wait3A_112 = arith.constant 0 : i32
      %dma_wait3A_113 = tpu.memref_slice %arg6[%dma_wait3A_111, %dma_wait3A_112] : memref<79x128xi32, #tpu.memory_space<vmem>> -> memref<78x128xi32, #tpu.memory_space<vmem>>
      %dma_wait3A_114 = arith.constant 0 : i32
      %dma_wait3A_115 = tpu.memref_slice %arg2[%mul3A_4, %dma_wait3A_114] : memref<2500x128xi32, #tpu.memory_space<hbm>> -> memref<78x128xi32, #tpu.memory_space<hbm>>
      %dma_wait3A_116 = arith.constant 0 : i32
      %dma_wait3A_117 = arith.constant 0 : i32
      %dma_wait3A_118 = tpu.memref_slice %arg6[%dma_wait3A_116, %dma_wait3A_117] : memref<79x128xi32, #tpu.memory_space<vmem>> -> memref<78x128xi32, #tpu.memory_space<vmem>>
      %dma_wait3A_119 = arith.constant 0 : i32
      %dma_wait3A_120 = tpu.memref_slice %arg2[%mul3A_4, %dma_wait3A_119] : memref<2500x128xi32, #tpu.memory_space<hbm>> -> memref<78x128xi32, #tpu.memory_space<hbm>>
      tpu.wait_dma2 semaphore(%run_scoped3A : memref<!tpu.dma_semaphore, #tpu.memory_space<semaphore_mem>>) src(%dma_wait3A_120 : memref<78x128xi32, #tpu.memory_space<hbm>>) dst(%dma_wait3A_118 : memref<78x128xi32, #tpu.memory_space<vmem>>)
      tpu.yield
    }) : () -> ()
    %lt3A = arith.constant 4 : i32
    %lt3A_5 = arith.cmpi slt, %add3A, %lt3A : i32
    %convert_element_type3A = arith.extui %lt3A_5 : i1 to i32
    %cond3A = arith.constant 0 : i32
    %cond3A_6 = arith.cmpi ne, %convert_element_type3A, %cond3A : i32
    scf.if %cond3A_6 {
      %add3A_101 = arith.constant 2496 : i32
      %add3A_102 = arith.addi %add3A_101, %add3A : i32
      "tpu.region"() ({
        %run_scoped3A = tpu.sem_alloc : memref<!tpu.dma_semaphore, #tpu.memory_space<semaphore_mem>>
        %dma_start3A_103 = arith.constant 78 : i32
        %dma_start3A_104 = arith.constant 0 : i32
        %dma_start3A_105 = tpu.memref_slice %arg6[%dma_start3A_103, %dma_start3A_104] : memref<79x128xi32, #tpu.memory_space<vmem>> -> memref<1x128xi32, #tpu.memory_space<vmem>>
        %dma_start3A_106 = arith.constant 0 : i32
        %dma_start3A_107 = tpu.memref_slice %arg2[%add3A_102, %dma_start3A_106] : memref<2500x128xi32, #tpu.memory_space<hbm>> -> memref<1x128xi32, #tpu.memory_space<hbm>>
        %dma_start3A_108 = arith.constant 78 : i32
        %dma_start3A_109 = arith.constant 0 : i32
        %dma_start3A_110 = tpu.memref_slice %arg6[%dma_start3A_108, %dma_start3A_109] : memref<79x128xi32, #tpu.memory_space<vmem>> -> memref<1x128xi32, #tpu.memory_space<vmem>>
        %dma_start3A_111 = arith.constant 0 : i32
        %dma_start3A_112 = tpu.memref_slice %arg2[%add3A_102, %dma_start3A_111] : memref<2500x128xi32, #tpu.memory_space<hbm>> -> memref<1x128xi32, #tpu.memory_space<hbm>>
        tpu.enqueue_dma source(%dma_start3A_112 : memref<1x128xi32, #tpu.memory_space<hbm>>) target(%dma_start3A_110 : memref<1x128xi32, #tpu.memory_space<vmem>>) target_semaphore(%run_scoped3A : memref<!tpu.dma_semaphore, #tpu.memory_space<semaphore_mem>>)
        %dma_wait3A_113 = arith.constant 78 : i32
        %dma_wait3A_114 = arith.constant 0 : i32
        %dma_wait3A_115 = tpu.memref_slice %arg6[%dma_wait3A_113, %dma_wait3A_114] : memref<79x128xi32, #tpu.memory_space<vmem>> -> memref<1x128xi32, #tpu.memory_space<vmem>>
        %dma_wait3A_116 = arith.constant 0 : i32
        %dma_wait3A_117 = tpu.memref_slice %arg2[%add3A_102, %dma_wait3A_116] : memref<2500x128xi32, #tpu.memory_space<hbm>> -> memref<1x128xi32, #tpu.memory_space<hbm>>
        %dma_wait3A_118 = arith.constant 78 : i32
        %dma_wait3A_119 = arith.constant 0 : i32
        %dma_wait3A_120 = tpu.memref_slice %arg6[%dma_wait3A_118, %dma_wait3A_119] : memref<79x128xi32, #tpu.memory_space<vmem>> -> memref<1x128xi32, #tpu.memory_space<vmem>>
        %dma_wait3A_121 = arith.constant 0 : i32
        %dma_wait3A_122 = tpu.memref_slice %arg2[%add3A_102, %dma_wait3A_121] : memref<2500x128xi32, #tpu.memory_space<hbm>> -> memref<1x128xi32, #tpu.memory_space<hbm>>
        tpu.wait_dma2 semaphore(%run_scoped3A : memref<!tpu.dma_semaphore, #tpu.memory_space<semaphore_mem>>) src(%dma_wait3A_122 : memref<1x128xi32, #tpu.memory_space<hbm>>) dst(%dma_wait3A_120 : memref<1x128xi32, #tpu.memory_space<vmem>>)
        tpu.yield
      }) : () -> ()
    } else {
    }
    "tpu.region"() ({
      %run_scoped3A = tpu.sem_alloc : memref<!tpu.dma_semaphore, #tpu.memory_space<semaphore_mem>>
      tpu.enqueue_dma source(%arg3 : memref<128x8xf32, #tpu.memory_space<hbm>>) target(%arg7 : memref<128x8xf32, #tpu.memory_space<vmem>>) target_semaphore(%run_scoped3A : memref<!tpu.dma_semaphore, #tpu.memory_space<semaphore_mem>>)
      tpu.wait_dma2 semaphore(%run_scoped3A : memref<!tpu.dma_semaphore, #tpu.memory_space<semaphore_mem>>) src(%arg3 : memref<128x8xf32, #tpu.memory_space<hbm>>) dst(%arg7 : memref<128x8xf32, #tpu.memory_space<vmem>>)
      tpu.yield
    }) : () -> ()
    %barrier3A = arith.constant 0 : index
    tpu.barrier barrier_id(%barrier3A)
    %scan3A = arith.constant 0 : i32
    %scan3A_7 = arith.constant 0 : i32
    %scan3A_8 = arith.constant 9 : i32
    %scan3A_9 = arith.addi %scan3A_7, %scan3A_8 : i32
    %scan3A_10 = arith.constant 1 : i32
    %scan3A_11 = scf.for %scan3A_101 = %scan3A_7 to %scan3A_9 step %scan3A_10 iter_args(%scan3A_102 = %scan3A) -> (i32)  : i32 {
      %mul3A_103 = arith.constant 8 : i32
      %mul3A_104 = arith.muli %scan3A_101, %mul3A_103 : i32
      %add3A_105 = arith.constant 0 : i32
      %add3A_106 = arith.addi %mul3A_104, %add3A_105 : i32
      %dma_start3A_107 = arith.constant 0 : i32
      %dma_start3A_108 = tpu.memref_slice %arg6[%add3A_106, %dma_start3A_107] : memref<79x128xi32, #tpu.memory_space<vmem>> -> memref<1x128xi32, #tpu.memory_space<vmem>>
      %dma_start3A_109 = tpu.memref_squeeze %dma_start3A_108 : memref<1x128xi32, #tpu.memory_space<vmem>> -> memref<128xi32, #tpu.memory_space<vmem>>
      %dma_start3A_110 = arith.constant 0 : i32
      %dma_start3A_111 = arith.constant 0 : i32
      %dma_start3A_112 = tpu.memref_slice %arg9[%dma_start3A_110, %dma_start3A_111] : memref<10000x8xf32, #tpu.memory_space<vmem_shared>> -> memref<10000x8xf32, #tpu.memory_space<vmem_shared>>
      tpu.enqueue_indirect_dma source(%arg7 : memref<128x8xf32, #tpu.memory_space<vmem>>) target(%dma_start3A_112 : memref<10000x8xf32, #tpu.memory_space<vmem_shared>>) offsets(%dma_start3A_109 : memref<128xi32, #tpu.memory_space<vmem>>) semaphore(%arg8 : memref<!tpu.dma_semaphore, #tpu.memory_space<semaphore_mem>>) {add = true}
      %mul3A_113 = arith.constant 8 : i32
      %mul3A_114 = arith.muli %scan3A_101, %mul3A_113 : i32
      %add3A_115 = arith.constant 1 : i32
      %add3A_116 = arith.addi %mul3A_114, %add3A_115 : i32
      %dma_start3A_117 = arith.constant 0 : i32
      %dma_start3A_118 = tpu.memref_slice %arg6[%add3A_116, %dma_start3A_117] : memref<79x128xi32, #tpu.memory_space<vmem>> -> memref<1x128xi32, #tpu.memory_space<vmem>>
      %dma_start3A_119 = tpu.memref_squeeze %dma_start3A_118 : memref<1x128xi32, #tpu.memory_space<vmem>> -> memref<128xi32, #tpu.memory_space<vmem>>
      %dma_start3A_120 = arith.constant 0 : i32
      %dma_start3A_121 = arith.constant 0 : i32
      %dma_start3A_122 = tpu.memref_slice %arg9[%dma_start3A_120, %dma_start3A_121] : memref<10000x8xf32, #tpu.memory_space<vmem_shared>> -> memref<10000x8xf32, #tpu.memory_space<vmem_shared>>
      tpu.enqueue_indirect_dma source(%arg7 : memref<128x8xf32, #tpu.memory_space<vmem>>) target(%dma_start3A_122 : memref<10000x8xf32, #tpu.memory_space<vmem_shared>>) offsets(%dma_start3A_119 : memref<128xi32, #tpu.memory_space<vmem>>) semaphore(%arg8 : memref<!tpu.dma_semaphore, #tpu.memory_space<semaphore_mem>>) {add = true}
      %mul3A_123 = arith.constant 8 : i32
      %mul3A_124 = arith.muli %scan3A_101, %mul3A_123 : i32
      %add3A_125 = arith.constant 2 : i32
      %add3A_126 = arith.addi %mul3A_124, %add3A_125 : i32
      %dma_start3A_127 = arith.constant 0 : i32
      %dma_start3A_128 = tpu.memref_slice %arg6[%add3A_126, %dma_start3A_127] : memref<79x128xi32, #tpu.memory_space<vmem>> -> memref<1x128xi32, #tpu.memory_space<vmem>>
      %dma_start3A_129 = tpu.memref_squeeze %dma_start3A_128 : memref<1x128xi32, #tpu.memory_space<vmem>> -> memref<128xi32, #tpu.memory_space<vmem>>
      %dma_start3A_130 = arith.constant 0 : i32
      %dma_start3A_131 = arith.constant 0 : i32
      %dma_start3A_132 = tpu.memref_slice %arg9[%dma_start3A_130, %dma_start3A_131] : memref<10000x8xf32, #tpu.memory_space<vmem_shared>> -> memref<10000x8xf32, #tpu.memory_space<vmem_shared>>
      tpu.enqueue_indirect_dma source(%arg7 : memref<128x8xf32, #tpu.memory_space<vmem>>) target(%dma_start3A_132 : memref<10000x8xf32, #tpu.memory_space<vmem_shared>>) offsets(%dma_start3A_129 : memref<128xi32, #tpu.memory_space<vmem>>) semaphore(%arg8 : memref<!tpu.dma_semaphore, #tpu.memory_space<semaphore_mem>>) {add = true}
      %mul3A_133 = arith.constant 8 : i32
      %mul3A_134 = arith.muli %scan3A_101, %mul3A_133 : i32
      %add3A_135 = arith.constant 3 : i32
      %add3A_136 = arith.addi %mul3A_134, %add3A_135 : i32
      %dma_start3A_137 = arith.constant 0 : i32
      %dma_start3A_138 = tpu.memref_slice %arg6[%add3A_136, %dma_start3A_137] : memref<79x128xi32, #tpu.memory_space<vmem>> -> memref<1x128xi32, #tpu.memory_space<vmem>>
      %dma_start3A_139 = tpu.memref_squeeze %dma_start3A_138 : memref<1x128xi32, #tpu.memory_space<vmem>> -> memref<128xi32, #tpu.memory_space<vmem>>
      %dma_start3A_140 = arith.constant 0 : i32
      %dma_start3A_141 = arith.constant 0 : i32
      %dma_start3A_142 = tpu.memref_slice %arg9[%dma_start3A_140, %dma_start3A_141] : memref<10000x8xf32, #tpu.memory_space<vmem_shared>> -> memref<10000x8xf32, #tpu.memory_space<vmem_shared>>
      tpu.enqueue_indirect_dma source(%arg7 : memref<128x8xf32, #tpu.memory_space<vmem>>) target(%dma_start3A_142 : memref<10000x8xf32, #tpu.memory_space<vmem_shared>>) offsets(%dma_start3A_139 : memref<128xi32, #tpu.memory_space<vmem>>) semaphore(%arg8 : memref<!tpu.dma_semaphore, #tpu.memory_space<semaphore_mem>>) {add = true}
      %mul3A_143 = arith.constant 8 : i32
      %mul3A_144 = arith.muli %scan3A_101, %mul3A_143 : i32
      %add3A_145 = arith.constant 4 : i32
      %add3A_146 = arith.addi %mul3A_144, %add3A_145 : i32
      %dma_start3A_147 = arith.constant 0 : i32
      %dma_start3A_148 = tpu.memref_slice %arg6[%add3A_146, %dma_start3A_147] : memref<79x128xi32, #tpu.memory_space<vmem>> -> memref<1x128xi32, #tpu.memory_space<vmem>>
      %dma_start3A_149 = tpu.memref_squeeze %dma_start3A_148 : memref<1x128xi32, #tpu.memory_space<vmem>> -> memref<128xi32, #tpu.memory_space<vmem>>
      %dma_start3A_150 = arith.constant 0 : i32
      %dma_start3A_151 = arith.constant 0 : i32
      %dma_start3A_152 = tpu.memref_slice %arg9[%dma_start3A_150, %dma_start3A_151] : memref<10000x8xf32, #tpu.memory_space<vmem_shared>> -> memref<10000x8xf32, #tpu.memory_space<vmem_shared>>
      tpu.enqueue_indirect_dma source(%arg7 : memref<128x8xf32, #tpu.memory_space<vmem>>) target(%dma_start3A_152 : memref<10000x8xf32, #tpu.memory_space<vmem_shared>>) offsets(%dma_start3A_149 : memref<128xi32, #tpu.memory_space<vmem>>) semaphore(%arg8 : memref<!tpu.dma_semaphore, #tpu.memory_space<semaphore_mem>>) {add = true}
      %mul3A_153 = arith.constant 8 : i32
      %mul3A_154 = arith.muli %scan3A_101, %mul3A_153 : i32
      %add3A_155 = arith.constant 5 : i32
      %add3A_156 = arith.addi %mul3A_154, %add3A_155 : i32
      %dma_start3A_157 = arith.constant 0 : i32
      %dma_start3A_158 = tpu.memref_slice %arg6[%add3A_156, %dma_start3A_157] : memref<79x128xi32, #tpu.memory_space<vmem>> -> memref<1x128xi32, #tpu.memory_space<vmem>>
      %dma_start3A_159 = tpu.memref_squeeze %dma_start3A_158 : memref<1x128xi32, #tpu.memory_space<vmem>> -> memref<128xi32, #tpu.memory_space<vmem>>
      %dma_start3A_160 = arith.constant 0 : i32
      %dma_start3A_161 = arith.constant 0 : i32
      %dma_start3A_162 = tpu.memref_slice %arg9[%dma_start3A_160, %dma_start3A_161] : memref<10000x8xf32, #tpu.memory_space<vmem_shared>> -> memref<10000x8xf32, #tpu.memory_space<vmem_shared>>
      tpu.enqueue_indirect_dma source(%arg7 : memref<128x8xf32, #tpu.memory_space<vmem>>) target(%dma_start3A_162 : memref<10000x8xf32, #tpu.memory_space<vmem_shared>>) offsets(%dma_start3A_159 : memref<128xi32, #tpu.memory_space<vmem>>) semaphore(%arg8 : memref<!tpu.dma_semaphore, #tpu.memory_space<semaphore_mem>>) {add = true}
      %mul3A_163 = arith.constant 8 : i32
      %mul3A_164 = arith.muli %scan3A_101, %mul3A_163 : i32
      %add3A_165 = arith.constant 6 : i32
      %add3A_166 = arith.addi %mul3A_164, %add3A_165 : i32
      %dma_start3A_167 = arith.constant 0 : i32
      %dma_start3A_168 = tpu.memref_slice %arg6[%add3A_166, %dma_start3A_167] : memref<79x128xi32, #tpu.memory_space<vmem>> -> memref<1x128xi32, #tpu.memory_space<vmem>>
      %dma_start3A_169 = tpu.memref_squeeze %dma_start3A_168 : memref<1x128xi32, #tpu.memory_space<vmem>> -> memref<128xi32, #tpu.memory_space<vmem>>
      %dma_start3A_170 = arith.constant 0 : i32
      %dma_start3A_171 = arith.constant 0 : i32
      %dma_start3A_172 = tpu.memref_slice %arg9[%dma_start3A_170, %dma_start3A_171] : memref<10000x8xf32, #tpu.memory_space<vmem_shared>> -> memref<10000x8xf32, #tpu.memory_space<vmem_shared>>
      tpu.enqueue_indirect_dma source(%arg7 : memref<128x8xf32, #tpu.memory_space<vmem>>) target(%dma_start3A_172 : memref<10000x8xf32, #tpu.memory_space<vmem_shared>>) offsets(%dma_start3A_169 : memref<128xi32, #tpu.memory_space<vmem>>) semaphore(%arg8 : memref<!tpu.dma_semaphore, #tpu.memory_space<semaphore_mem>>) {add = true}
      %mul3A_173 = arith.constant 8 : i32
      %mul3A_174 = arith.muli %scan3A_101, %mul3A_173 : i32
      %add3A_175 = arith.constant 7 : i32
      %add3A_176 = arith.addi %mul3A_174, %add3A_175 : i32
      %dma_start3A_177 = arith.constant 0 : i32
      %dma_start3A_178 = tpu.memref_slice %arg6[%add3A_176, %dma_start3A_177] : memref<79x128xi32, #tpu.memory_space<vmem>> -> memref<1x128xi32, #tpu.memory_space<vmem>>
      %dma_start3A_179 = tpu.memref_squeeze %dma_start3A_178 : memref<1x128xi32, #tpu.memory_space<vmem>> -> memref<128xi32, #tpu.memory_space<vmem>>
      %dma_start3A_180 = arith.constant 0 : i32
      %dma_start3A_181 = arith.constant 0 : i32
      %dma_start3A_182 = tpu.memref_slice %arg9[%dma_start3A_180, %dma_start3A_181] : memref<10000x8xf32, #tpu.memory_space<vmem_shared>> -> memref<10000x8xf32, #tpu.memory_space<vmem_shared>>
      tpu.enqueue_indirect_dma source(%arg7 : memref<128x8xf32, #tpu.memory_space<vmem>>) target(%dma_start3A_182 : memref<10000x8xf32, #tpu.memory_space<vmem_shared>>) offsets(%dma_start3A_179 : memref<128xi32, #tpu.memory_space<vmem>>) semaphore(%arg8 : memref<!tpu.dma_semaphore, #tpu.memory_space<semaphore_mem>>) {add = true}
      %dma_wait3A_183 = arith.constant 0 : i32
      %dma_wait3A_184 = tpu.memref_slice %arg6[%add3A_106, %dma_wait3A_183] : memref<79x128xi32, #tpu.memory_space<vmem>> -> memref<1x128xi32, #tpu.memory_space<vmem>>
      %dma_wait3A_185 = tpu.memref_squeeze %dma_wait3A_184 : memref<1x128xi32, #tpu.memory_space<vmem>> -> memref<128xi32, #tpu.memory_space<vmem>>
      %dma_wait3A_186 = arith.constant 0 : i32
      %dma_wait3A_187 = arith.constant 0 : i32
      %dma_wait3A_188 = tpu.memref_slice %arg9[%dma_wait3A_186, %dma_wait3A_187] : memref<10000x8xf32, #tpu.memory_space<vmem_shared>> -> memref<10000x8xf32, #tpu.memory_space<vmem_shared>>
      tpu.wait_indirect_dma semaphore(%arg8 : memref<!tpu.dma_semaphore, #tpu.memory_space<semaphore_mem>>) src(%arg7 : memref<128x8xf32, #tpu.memory_space<vmem>>) dst(%dma_wait3A_188 : memref<10000x8xf32, #tpu.memory_space<vmem_shared>>)
      %dma_wait3A_189 = arith.constant 0 : i32
      %dma_wait3A_190 = tpu.memref_slice %arg6[%add3A_116, %dma_wait3A_189] : memref<79x128xi32, #tpu.memory_space<vmem>> -> memref<1x128xi32, #tpu.memory_space<vmem>>
      %dma_wait3A_191 = tpu.memref_squeeze %dma_wait3A_190 : memref<1x128xi32, #tpu.memory_space<vmem>> -> memref<128xi32, #tpu.memory_space<vmem>>
      %dma_wait3A_192 = arith.constant 0 : i32
      %dma_wait3A_193 = arith.constant 0 : i32
      %dma_wait3A_194 = tpu.memref_slice %arg9[%dma_wait3A_192, %dma_wait3A_193] : memref<10000x8xf32, #tpu.memory_space<vmem_shared>> -> memref<10000x8xf32, #tpu.memory_space<vmem_shared>>
      tpu.wait_indirect_dma semaphore(%arg8 : memref<!tpu.dma_semaphore, #tpu.memory_space<semaphore_mem>>) src(%arg7 : memref<128x8xf32, #tpu.memory_space<vmem>>) dst(%dma_wait3A_194 : memref<10000x8xf32, #tpu.memory_space<vmem_shared>>)
      %dma_wait3A_195 = arith.constant 0 : i32
      %dma_wait3A_196 = tpu.memref_slice %arg6[%add3A_126, %dma_wait3A_195] : memref<79x128xi32, #tpu.memory_space<vmem>> -> memref<1x128xi32, #tpu.memory_space<vmem>>
      %dma_wait3A_197 = tpu.memref_squeeze %dma_wait3A_196 : memref<1x128xi32, #tpu.memory_space<vmem>> -> memref<128xi32, #tpu.memory_space<vmem>>
      %dma_wait3A_198 = arith.constant 0 : i32
      %dma_wait3A_199 = arith.constant 0 : i32
      %dma_wait3A_200 = tpu.memref_slice %arg9[%dma_wait3A_198, %dma_wait3A_199] : memref<10000x8xf32, #tpu.memory_space<vmem_shared>> -> memref<10000x8xf32, #tpu.memory_space<vmem_shared>>
      tpu.wait_indirect_dma semaphore(%arg8 : memref<!tpu.dma_semaphore, #tpu.memory_space<semaphore_mem>>) src(%arg7 : memref<128x8xf32, #tpu.memory_space<vmem>>) dst(%dma_wait3A_200 : memref<10000x8xf32, #tpu.memory_space<vmem_shared>>)
      %dma_wait3A_201 = arith.constant 0 : i32
      %dma_wait3A_202 = tpu.memref_slice %arg6[%add3A_136, %dma_wait3A_201] : memref<79x128xi32, #tpu.memory_space<vmem>> -> memref<1x128xi32, #tpu.memory_space<vmem>>
      %dma_wait3A_203 = tpu.memref_squeeze %dma_wait3A_202 : memref<1x128xi32, #tpu.memory_space<vmem>> -> memref<128xi32, #tpu.memory_space<vmem>>
      %dma_wait3A_204 = arith.constant 0 : i32
      %dma_wait3A_205 = arith.constant 0 : i32
      %dma_wait3A_206 = tpu.memref_slice %arg9[%dma_wait3A_204, %dma_wait3A_205] : memref<10000x8xf32, #tpu.memory_space<vmem_shared>> -> memref<10000x8xf32, #tpu.memory_space<vmem_shared>>
      tpu.wait_indirect_dma semaphore(%arg8 : memref<!tpu.dma_semaphore, #tpu.memory_space<semaphore_mem>>) src(%arg7 : memref<128x8xf32, #tpu.memory_space<vmem>>) dst(%dma_wait3A_206 : memref<10000x8xf32, #tpu.memory_space<vmem_shared>>)
      %dma_wait3A_207 = arith.constant 0 : i32
      %dma_wait3A_208 = tpu.memref_slice %arg6[%add3A_146, %dma_wait3A_207] : memref<79x128xi32, #tpu.memory_space<vmem>> -> memref<1x128xi32, #tpu.memory_space<vmem>>
      %dma_wait3A_209 = tpu.memref_squeeze %dma_wait3A_208 : memref<1x128xi32, #tpu.memory_space<vmem>> -> memref<128xi32, #tpu.memory_space<vmem>>
      %dma_wait3A_210 = arith.constant 0 : i32
      %dma_wait3A_211 = arith.constant 0 : i32
      %dma_wait3A_212 = tpu.memref_slice %arg9[%dma_wait3A_210, %dma_wait3A_211] : memref<10000x8xf32, #tpu.memory_space<vmem_shared>> -> memref<10000x8xf32, #tpu.memory_space<vmem_shared>>
      tpu.wait_indirect_dma semaphore(%arg8 : memref<!tpu.dma_semaphore, #tpu.memory_space<semaphore_mem>>) src(%arg7 : memref<128x8xf32, #tpu.memory_space<vmem>>) dst(%dma_wait3A_212 : memref<10000x8xf32, #tpu.memory_space<vmem_shared>>)
      %dma_wait3A_213 = arith.constant 0 : i32
      %dma_wait3A_214 = tpu.memref_slice %arg6[%add3A_156, %dma_wait3A_213] : memref<79x128xi32, #tpu.memory_space<vmem>> -> memref<1x128xi32, #tpu.memory_space<vmem>>
      %dma_wait3A_215 = tpu.memref_squeeze %dma_wait3A_214 : memref<1x128xi32, #tpu.memory_space<vmem>> -> memref<128xi32, #tpu.memory_space<vmem>>
      %dma_wait3A_216 = arith.constant 0 : i32
      %dma_wait3A_217 = arith.constant 0 : i32
      %dma_wait3A_218 = tpu.memref_slice %arg9[%dma_wait3A_216, %dma_wait3A_217] : memref<10000x8xf32, #tpu.memory_space<vmem_shared>> -> memref<10000x8xf32, #tpu.memory_space<vmem_shared>>
      tpu.wait_indirect_dma semaphore(%arg8 : memref<!tpu.dma_semaphore, #tpu.memory_space<semaphore_mem>>) src(%arg7 : memref<128x8xf32, #tpu.memory_space<vmem>>) dst(%dma_wait3A_218 : memref<10000x8xf32, #tpu.memory_space<vmem_shared>>)
      %dma_wait3A_219 = arith.constant 0 : i32
      %dma_wait3A_220 = tpu.memref_slice %arg6[%add3A_166, %dma_wait3A_219] : memref<79x128xi32, #tpu.memory_space<vmem>> -> memref<1x128xi32, #tpu.memory_space<vmem>>
      %dma_wait3A_221 = tpu.memref_squeeze %dma_wait3A_220 : memref<1x128xi32, #tpu.memory_space<vmem>> -> memref<128xi32, #tpu.memory_space<vmem>>
      %dma_wait3A_222 = arith.constant 0 : i32
      %dma_wait3A_223 = arith.constant 0 : i32
      %dma_wait3A_224 = tpu.memref_slice %arg9[%dma_wait3A_222, %dma_wait3A_223] : memref<10000x8xf32, #tpu.memory_space<vmem_shared>> -> memref<10000x8xf32, #tpu.memory_space<vmem_shared>>
      tpu.wait_indirect_dma semaphore(%arg8 : memref<!tpu.dma_semaphore, #tpu.memory_space<semaphore_mem>>) src(%arg7 : memref<128x8xf32, #tpu.memory_space<vmem>>) dst(%dma_wait3A_224 : memref<10000x8xf32, #tpu.memory_space<vmem_shared>>)
      %dma_wait3A_225 = arith.constant 0 : i32
      %dma_wait3A_226 = tpu.memref_slice %arg6[%add3A_176, %dma_wait3A_225] : memref<79x128xi32, #tpu.memory_space<vmem>> -> memref<1x128xi32, #tpu.memory_space<vmem>>
      %dma_wait3A_227 = tpu.memref_squeeze %dma_wait3A_226 : memref<1x128xi32, #tpu.memory_space<vmem>> -> memref<128xi32, #tpu.memory_space<vmem>>
      %dma_wait3A_228 = arith.constant 0 : i32
      %dma_wait3A_229 = arith.constant 0 : i32
      %dma_wait3A_230 = tpu.memref_slice %arg9[%dma_wait3A_228, %dma_wait3A_229] : memref<10000x8xf32, #tpu.memory_space<vmem_shared>> -> memref<10000x8xf32, #tpu.memory_space<vmem_shared>>
      tpu.wait_indirect_dma semaphore(%arg8 : memref<!tpu.dma_semaphore, #tpu.memory_space<semaphore_mem>>) src(%arg7 : memref<128x8xf32, #tpu.memory_space<vmem>>) dst(%dma_wait3A_230 : memref<10000x8xf32, #tpu.memory_space<vmem_shared>>)
      %scan3A_231 = arith.constant 0 : i32
      scf.yield %scan3A_231 : i32
    }
    %scan3A_12 = arith.constant 9 : i32
    %dma_start3A = arith.constant 72 : i32
    %dma_start3A_13 = arith.constant 0 : i32
    %dma_start3A_14 = tpu.memref_slice %arg6[%dma_start3A, %dma_start3A_13] : memref<79x128xi32, #tpu.memory_space<vmem>> -> memref<1x128xi32, #tpu.memory_space<vmem>>
    %dma_start3A_15 = tpu.memref_squeeze %dma_start3A_14 : memref<1x128xi32, #tpu.memory_space<vmem>> -> memref<128xi32, #tpu.memory_space<vmem>>
    %dma_start3A_16 = arith.constant 0 : i32
    %dma_start3A_17 = arith.constant 0 : i32
    %dma_start3A_18 = tpu.memref_slice %arg9[%dma_start3A_16, %dma_start3A_17] : memref<10000x8xf32, #tpu.memory_space<vmem_shared>> -> memref<10000x8xf32, #tpu.memory_space<vmem_shared>>
    tpu.enqueue_indirect_dma source(%arg7 : memref<128x8xf32, #tpu.memory_space<vmem>>) target(%dma_start3A_18 : memref<10000x8xf32, #tpu.memory_space<vmem_shared>>) offsets(%dma_start3A_15 : memref<128xi32, #tpu.memory_space<vmem>>) semaphore(%arg8 : memref<!tpu.dma_semaphore, #tpu.memory_space<semaphore_mem>>) {add = true}
    %dma_start3A_19 = arith.constant 73 : i32
    %dma_start3A_20 = arith.constant 0 : i32
    %dma_start3A_21 = tpu.memref_slice %arg6[%dma_start3A_19, %dma_start3A_20] : memref<79x128xi32, #tpu.memory_space<vmem>> -> memref<1x128xi32, #tpu.memory_space<vmem>>
    %dma_start3A_22 = tpu.memref_squeeze %dma_start3A_21 : memref<1x128xi32, #tpu.memory_space<vmem>> -> memref<128xi32, #tpu.memory_space<vmem>>
    %dma_start3A_23 = arith.constant 0 : i32
    %dma_start3A_24 = arith.constant 0 : i32
    %dma_start3A_25 = tpu.memref_slice %arg9[%dma_start3A_23, %dma_start3A_24] : memref<10000x8xf32, #tpu.memory_space<vmem_shared>> -> memref<10000x8xf32, #tpu.memory_space<vmem_shared>>
    tpu.enqueue_indirect_dma source(%arg7 : memref<128x8xf32, #tpu.memory_space<vmem>>) target(%dma_start3A_25 : memref<10000x8xf32, #tpu.memory_space<vmem_shared>>) offsets(%dma_start3A_22 : memref<128xi32, #tpu.memory_space<vmem>>) semaphore(%arg8 : memref<!tpu.dma_semaphore, #tpu.memory_space<semaphore_mem>>) {add = true}
    %dma_start3A_26 = arith.constant 74 : i32
    %dma_start3A_27 = arith.constant 0 : i32
    %dma_start3A_28 = tpu.memref_slice %arg6[%dma_start3A_26, %dma_start3A_27] : memref<79x128xi32, #tpu.memory_space<vmem>> -> memref<1x128xi32, #tpu.memory_space<vmem>>
    %dma_start3A_29 = tpu.memref_squeeze %dma_start3A_28 : memref<1x128xi32, #tpu.memory_space<vmem>> -> memref<128xi32, #tpu.memory_space<vmem>>
    %dma_start3A_30 = arith.constant 0 : i32
    %dma_start3A_31 = arith.constant 0 : i32
    %dma_start3A_32 = tpu.memref_slice %arg9[%dma_start3A_30, %dma_start3A_31] : memref<10000x8xf32, #tpu.memory_space<vmem_shared>> -> memref<10000x8xf32, #tpu.memory_space<vmem_shared>>
    tpu.enqueue_indirect_dma source(%arg7 : memref<128x8xf32, #tpu.memory_space<vmem>>) target(%dma_start3A_32 : memref<10000x8xf32, #tpu.memory_space<vmem_shared>>) offsets(%dma_start3A_29 : memref<128xi32, #tpu.memory_space<vmem>>) semaphore(%arg8 : memref<!tpu.dma_semaphore, #tpu.memory_space<semaphore_mem>>) {add = true}
    %dma_start3A_33 = arith.constant 75 : i32
    %dma_start3A_34 = arith.constant 0 : i32
    %dma_start3A_35 = tpu.memref_slice %arg6[%dma_start3A_33, %dma_start3A_34] : memref<79x128xi32, #tpu.memory_space<vmem>> -> memref<1x128xi32, #tpu.memory_space<vmem>>
    %dma_start3A_36 = tpu.memref_squeeze %dma_start3A_35 : memref<1x128xi32, #tpu.memory_space<vmem>> -> memref<128xi32, #tpu.memory_space<vmem>>
    %dma_start3A_37 = arith.constant 0 : i32
    %dma_start3A_38 = arith.constant 0 : i32
    %dma_start3A_39 = tpu.memref_slice %arg9[%dma_start3A_37, %dma_start3A_38] : memref<10000x8xf32, #tpu.memory_space<vmem_shared>> -> memref<10000x8xf32, #tpu.memory_space<vmem_shared>>
    tpu.enqueue_indirect_dma source(%arg7 : memref<128x8xf32, #tpu.memory_space<vmem>>) target(%dma_start3A_39 : memref<10000x8xf32, #tpu.memory_space<vmem_shared>>) offsets(%dma_start3A_36 : memref<128xi32, #tpu.memory_space<vmem>>) semaphore(%arg8 : memref<!tpu.dma_semaphore, #tpu.memory_space<semaphore_mem>>) {add = true}
    %dma_start3A_40 = arith.constant 76 : i32
    %dma_start3A_41 = arith.constant 0 : i32
    %dma_start3A_42 = tpu.memref_slice %arg6[%dma_start3A_40, %dma_start3A_41] : memref<79x128xi32, #tpu.memory_space<vmem>> -> memref<1x128xi32, #tpu.memory_space<vmem>>
    %dma_start3A_43 = tpu.memref_squeeze %dma_start3A_42 : memref<1x128xi32, #tpu.memory_space<vmem>> -> memref<128xi32, #tpu.memory_space<vmem>>
    %dma_start3A_44 = arith.constant 0 : i32
    %dma_start3A_45 = arith.constant 0 : i32
    %dma_start3A_46 = tpu.memref_slice %arg9[%dma_start3A_44, %dma_start3A_45] : memref<10000x8xf32, #tpu.memory_space<vmem_shared>> -> memref<10000x8xf32, #tpu.memory_space<vmem_shared>>
    tpu.enqueue_indirect_dma source(%arg7 : memref<128x8xf32, #tpu.memory_space<vmem>>) target(%dma_start3A_46 : memref<10000x8xf32, #tpu.memory_space<vmem_shared>>) offsets(%dma_start3A_43 : memref<128xi32, #tpu.memory_space<vmem>>) semaphore(%arg8 : memref<!tpu.dma_semaphore, #tpu.memory_space<semaphore_mem>>) {add = true}
    %dma_start3A_47 = arith.constant 77 : i32
    %dma_start3A_48 = arith.constant 0 : i32
    %dma_start3A_49 = tpu.memref_slice %arg6[%dma_start3A_47, %dma_start3A_48] : memref<79x128xi32, #tpu.memory_space<vmem>> -> memref<1x128xi32, #tpu.memory_space<vmem>>
    %dma_start3A_50 = tpu.memref_squeeze %dma_start3A_49 : memref<1x128xi32, #tpu.memory_space<vmem>> -> memref<128xi32, #tpu.memory_space<vmem>>
    %dma_start3A_51 = arith.constant 0 : i32
    %dma_start3A_52 = arith.constant 0 : i32
    %dma_start3A_53 = tpu.memref_slice %arg9[%dma_start3A_51, %dma_start3A_52] : memref<10000x8xf32, #tpu.memory_space<vmem_shared>> -> memref<10000x8xf32, #tpu.memory_space<vmem_shared>>
    tpu.enqueue_indirect_dma source(%arg7 : memref<128x8xf32, #tpu.memory_space<vmem>>) target(%dma_start3A_53 : memref<10000x8xf32, #tpu.memory_space<vmem_shared>>) offsets(%dma_start3A_50 : memref<128xi32, #tpu.memory_space<vmem>>) semaphore(%arg8 : memref<!tpu.dma_semaphore, #tpu.memory_space<semaphore_mem>>) {add = true}
    %dma_wait3A = arith.constant 72 : i32
    %dma_wait3A_54 = arith.constant 0 : i32
    %dma_wait3A_55 = tpu.memref_slice %arg6[%dma_wait3A, %dma_wait3A_54] : memref<79x128xi32, #tpu.memory_space<vmem>> -> memref<1x128xi32, #tpu.memory_space<vmem>>
    %dma_wait3A_56 = tpu.memref_squeeze %dma_wait3A_55 : memref<1x128xi32, #tpu.memory_space<vmem>> -> memref<128xi32, #tpu.memory_space<vmem>>
    %dma_wait3A_57 = arith.constant 0 : i32
    %dma_wait3A_58 = arith.constant 0 : i32
    %dma_wait3A_59 = tpu.memref_slice %arg9[%dma_wait3A_57, %dma_wait3A_58] : memref<10000x8xf32, #tpu.memory_space<vmem_shared>> -> memref<10000x8xf32, #tpu.memory_space<vmem_shared>>
    tpu.wait_indirect_dma semaphore(%arg8 : memref<!tpu.dma_semaphore, #tpu.memory_space<semaphore_mem>>) src(%arg7 : memref<128x8xf32, #tpu.memory_space<vmem>>) dst(%dma_wait3A_59 : memref<10000x8xf32, #tpu.memory_space<vmem_shared>>)
    %dma_wait3A_60 = arith.constant 73 : i32
    %dma_wait3A_61 = arith.constant 0 : i32
    %dma_wait3A_62 = tpu.memref_slice %arg6[%dma_wait3A_60, %dma_wait3A_61] : memref<79x128xi32, #tpu.memory_space<vmem>> -> memref<1x128xi32, #tpu.memory_space<vmem>>
    %dma_wait3A_63 = tpu.memref_squeeze %dma_wait3A_62 : memref<1x128xi32, #tpu.memory_space<vmem>> -> memref<128xi32, #tpu.memory_space<vmem>>
    %dma_wait3A_64 = arith.constant 0 : i32
    %dma_wait3A_65 = arith.constant 0 : i32
    %dma_wait3A_66 = tpu.memref_slice %arg9[%dma_wait3A_64, %dma_wait3A_65] : memref<10000x8xf32, #tpu.memory_space<vmem_shared>> -> memref<10000x8xf32, #tpu.memory_space<vmem_shared>>
    tpu.wait_indirect_dma semaphore(%arg8 : memref<!tpu.dma_semaphore, #tpu.memory_space<semaphore_mem>>) src(%arg7 : memref<128x8xf32, #tpu.memory_space<vmem>>) dst(%dma_wait3A_66 : memref<10000x8xf32, #tpu.memory_space<vmem_shared>>)
    %dma_wait3A_67 = arith.constant 74 : i32
    %dma_wait3A_68 = arith.constant 0 : i32
    %dma_wait3A_69 = tpu.memref_slice %arg6[%dma_wait3A_67, %dma_wait3A_68] : memref<79x128xi32, #tpu.memory_space<vmem>> -> memref<1x128xi32, #tpu.memory_space<vmem>>
    %dma_wait3A_70 = tpu.memref_squeeze %dma_wait3A_69 : memref<1x128xi32, #tpu.memory_space<vmem>> -> memref<128xi32, #tpu.memory_space<vmem>>
    %dma_wait3A_71 = arith.constant 0 : i32
    %dma_wait3A_72 = arith.constant 0 : i32
    %dma_wait3A_73 = tpu.memref_slice %arg9[%dma_wait3A_71, %dma_wait3A_72] : memref<10000x8xf32, #tpu.memory_space<vmem_shared>> -> memref<10000x8xf32, #tpu.memory_space<vmem_shared>>
    tpu.wait_indirect_dma semaphore(%arg8 : memref<!tpu.dma_semaphore, #tpu.memory_space<semaphore_mem>>) src(%arg7 : memref<128x8xf32, #tpu.memory_space<vmem>>) dst(%dma_wait3A_73 : memref<10000x8xf32, #tpu.memory_space<vmem_shared>>)
    %dma_wait3A_74 = arith.constant 75 : i32
    %dma_wait3A_75 = arith.constant 0 : i32
    %dma_wait3A_76 = tpu.memref_slice %arg6[%dma_wait3A_74, %dma_wait3A_75] : memref<79x128xi32, #tpu.memory_space<vmem>> -> memref<1x128xi32, #tpu.memory_space<vmem>>
    %dma_wait3A_77 = tpu.memref_squeeze %dma_wait3A_76 : memref<1x128xi32, #tpu.memory_space<vmem>> -> memref<128xi32, #tpu.memory_space<vmem>>
    %dma_wait3A_78 = arith.constant 0 : i32
    %dma_wait3A_79 = arith.constant 0 : i32
    %dma_wait3A_80 = tpu.memref_slice %arg9[%dma_wait3A_78, %dma_wait3A_79] : memref<10000x8xf32, #tpu.memory_space<vmem_shared>> -> memref<10000x8xf32, #tpu.memory_space<vmem_shared>>
    tpu.wait_indirect_dma semaphore(%arg8 : memref<!tpu.dma_semaphore, #tpu.memory_space<semaphore_mem>>) src(%arg7 : memref<128x8xf32, #tpu.memory_space<vmem>>) dst(%dma_wait3A_80 : memref<10000x8xf32, #tpu.memory_space<vmem_shared>>)
    %dma_wait3A_81 = arith.constant 76 : i32
    %dma_wait3A_82 = arith.constant 0 : i32
    %dma_wait3A_83 = tpu.memref_slice %arg6[%dma_wait3A_81, %dma_wait3A_82] : memref<79x128xi32, #tpu.memory_space<vmem>> -> memref<1x128xi32, #tpu.memory_space<vmem>>
    %dma_wait3A_84 = tpu.memref_squeeze %dma_wait3A_83 : memref<1x128xi32, #tpu.memory_space<vmem>> -> memref<128xi32, #tpu.memory_space<vmem>>
    %dma_wait3A_85 = arith.constant 0 : i32
    %dma_wait3A_86 = arith.constant 0 : i32
    %dma_wait3A_87 = tpu.memref_slice %arg9[%dma_wait3A_85, %dma_wait3A_86] : memref<10000x8xf32, #tpu.memory_space<vmem_shared>> -> memref<10000x8xf32, #tpu.memory_space<vmem_shared>>
    tpu.wait_indirect_dma semaphore(%arg8 : memref<!tpu.dma_semaphore, #tpu.memory_space<semaphore_mem>>) src(%arg7 : memref<128x8xf32, #tpu.memory_space<vmem>>) dst(%dma_wait3A_87 : memref<10000x8xf32, #tpu.memory_space<vmem_shared>>)
    %dma_wait3A_88 = arith.constant 77 : i32
    %dma_wait3A_89 = arith.constant 0 : i32
    %dma_wait3A_90 = tpu.memref_slice %arg6[%dma_wait3A_88, %dma_wait3A_89] : memref<79x128xi32, #tpu.memory_space<vmem>> -> memref<1x128xi32, #tpu.memory_space<vmem>>
    %dma_wait3A_91 = tpu.memref_squeeze %dma_wait3A_90 : memref<1x128xi32, #tpu.memory_space<vmem>> -> memref<128xi32, #tpu.memory_space<vmem>>
    %dma_wait3A_92 = arith.constant 0 : i32
    %dma_wait3A_93 = arith.constant 0 : i32
    %dma_wait3A_94 = tpu.memref_slice %arg9[%dma_wait3A_92, %dma_wait3A_93] : memref<10000x8xf32, #tpu.memory_space<vmem_shared>> -> memref<10000x8xf32, #tpu.memory_space<vmem_shared>>
    tpu.wait_indirect_dma semaphore(%arg8 : memref<!tpu.dma_semaphore, #tpu.memory_space<semaphore_mem>>) src(%arg7 : memref<128x8xf32, #tpu.memory_space<vmem>>) dst(%dma_wait3A_94 : memref<10000x8xf32, #tpu.memory_space<vmem_shared>>)
    %lt3A_95 = arith.constant 4 : i32
    %lt3A_96 = arith.cmpi slt, %add3A, %lt3A_95 : i32
    %convert_element_type3A_97 = arith.extui %lt3A_96 : i1 to i32
    %cond3A_98 = arith.constant 0 : i32
    %cond3A_99 = arith.cmpi ne, %convert_element_type3A_97, %cond3A_98 : i32
    scf.if %cond3A_99 {
      %dma_start3A_101 = arith.constant 78 : i32
      %dma_start3A_102 = arith.constant 0 : i32
      %dma_start3A_103 = tpu.memref_slice %arg6[%dma_start3A_101, %dma_start3A_102] : memref<79x128xi32, #tpu.memory_space<vmem>> -> memref<1x128xi32, #tpu.memory_space<vmem>>
      %dma_start3A_104 = tpu.memref_squeeze %dma_start3A_103 : memref<1x128xi32, #tpu.memory_space<vmem>> -> memref<128xi32, #tpu.memory_space<vmem>>
      %dma_start3A_105 = arith.constant 0 : i32
      %dma_start3A_106 = arith.constant 0 : i32
      %dma_start3A_107 = tpu.memref_slice %arg9[%dma_start3A_105, %dma_start3A_106] : memref<10000x8xf32, #tpu.memory_space<vmem_shared>> -> memref<10000x8xf32, #tpu.memory_space<vmem_shared>>
      tpu.enqueue_indirect_dma source(%arg7 : memref<128x8xf32, #tpu.memory_space<vmem>>) target(%dma_start3A_107 : memref<10000x8xf32, #tpu.memory_space<vmem_shared>>) offsets(%dma_start3A_104 : memref<128xi32, #tpu.memory_space<vmem>>) semaphore(%arg8 : memref<!tpu.dma_semaphore, #tpu.memory_space<semaphore_mem>>) {add = true}
      %dma_wait3A_108 = arith.constant 78 : i32
      %dma_wait3A_109 = arith.constant 0 : i32
      %dma_wait3A_110 = tpu.memref_slice %arg6[%dma_wait3A_108, %dma_wait3A_109] : memref<79x128xi32, #tpu.memory_space<vmem>> -> memref<1x128xi32, #tpu.memory_space<vmem>>
      %dma_wait3A_111 = tpu.memref_squeeze %dma_wait3A_110 : memref<1x128xi32, #tpu.memory_space<vmem>> -> memref<128xi32, #tpu.memory_space<vmem>>
      %dma_wait3A_112 = arith.constant 0 : i32
      %dma_wait3A_113 = arith.constant 0 : i32
      %dma_wait3A_114 = tpu.memref_slice %arg9[%dma_wait3A_112, %dma_wait3A_113] : memref<10000x8xf32, #tpu.memory_space<vmem_shared>> -> memref<10000x8xf32, #tpu.memory_space<vmem_shared>>
      tpu.wait_indirect_dma semaphore(%arg8 : memref<!tpu.dma_semaphore, #tpu.memory_space<semaphore_mem>>) src(%arg7 : memref<128x8xf32, #tpu.memory_space<vmem>>) dst(%dma_wait3A_114 : memref<10000x8xf32, #tpu.memory_space<vmem_shared>>)
    } else {
    }
    %barrier3A_100 = arith.constant 0 : index
    tpu.barrier barrier_id(%barrier3A_100)
    "tpu.region"() ({
      %run_scoped3A = tpu.sem_alloc : memref<!tpu.dma_semaphore, #tpu.memory_space<semaphore_mem>>
      %dma_start3A_101 = arith.constant 0 : i32
      %dma_start3A_102 = tpu.memref_slice %arg5[%arg0, %mul3A_2, %dma_start3A_101] : memref<2x10000x8xf32, #tpu.memory_space<hbm>> -> memref<1x625x8xf32, #tpu.memory_space<hbm>>
      %dma_start3A_103 = tpu.memref_squeeze %dma_start3A_102 : memref<1x625x8xf32, #tpu.memory_space<hbm>> -> memref<625x8xf32, #tpu.memory_space<hbm>>
      %dma_start3A_104 = arith.constant 0 : i32
      %dma_start3A_105 = tpu.memref_slice %arg9[%mul3A_2, %dma_start3A_104] : memref<10000x8xf32, #tpu.memory_space<vmem_shared>> -> memref<625x8xf32, #tpu.memory_space<vmem_shared>>
      tpu.enqueue_dma source(%dma_start3A_105 : memref<625x8xf32, #tpu.memory_space<vmem_shared>>) target(%dma_start3A_103 : memref<625x8xf32, #tpu.memory_space<hbm>>) target_semaphore(%run_scoped3A : memref<!tpu.dma_semaphore, #tpu.memory_space<semaphore_mem>>)
      %dma_wait3A_106 = arith.constant 0 : i32
      %dma_wait3A_107 = tpu.memref_slice %arg5[%arg0, %mul3A_2, %dma_wait3A_106] : memref<2x10000x8xf32, #tpu.memory_space<hbm>> -> memref<1x625x8xf32, #tpu.memory_space<hbm>>
      %dma_wait3A_108 = tpu.memref_squeeze %dma_wait3A_107 : memref<1x625x8xf32, #tpu.memory_space<hbm>> -> memref<625x8xf32, #tpu.memory_space<hbm>>
      %dma_wait3A_109 = arith.constant 0 : i32
      %dma_wait3A_110 = tpu.memref_slice %arg9[%mul3A_2, %dma_wait3A_109] : memref<10000x8xf32, #tpu.memory_space<vmem_shared>> -> memref<625x8xf32, #tpu.memory_space<vmem_shared>>
      tpu.wait_dma2 semaphore(%run_scoped3A : memref<!tpu.dma_semaphore, #tpu.memory_space<semaphore_mem>>) src(%dma_wait3A_110 : memref<625x8xf32, #tpu.memory_space<vmem_shared>>) dst(%dma_wait3A_108 : memref<625x8xf32, #tpu.memory_space<hbm>>)
      tpu.yield
    }) : () -> ()
    return
  }
}

#map = affine_map<(d0, d1) -> (0)>
#map1 = affine_map<(d0, d1) -> (0, 0)>
#map2 = affine_map<(d0, d1) -> (0, 0, 0)>
module attributes {stable_mosaic.version = 14 : i64} {
  func.func @_pool_kernel(%arg0: i32, %arg1: i32, %arg2: memref<50000xi32, #tpu.memory_space<hbm>>, %arg3: memref<50000xi32, #tpu.memory_space<hbm>>, %arg4: memref<10000x64xf32, #tpu.memory_space<hbm>>, %arg5: memref<64x64xf32, #tpu.memory_space<hbm>>, %arg6: memref<64x8xf32, #tpu.memory_space<hbm>>, %arg7: memref<64x8xf32, #tpu.memory_space<hbm>>, %arg8: memref<2x1024x64xf32, #tpu.memory_space<hbm>>, %arg9: memref<2x1024x8xf32, #tpu.memory_space<hbm>>, %arg10: memref<1600xi32, #tpu.memory_space<vmem>>, %arg11: memref<64xi32, #tpu.memory_space<vmem>>, %arg12: memref<64xi32, #tpu.memory_space<vmem>>, %arg13: memref<64xi32, #tpu.memory_space<vmem>>, %arg14: memref<64xi32, #tpu.memory_space<vmem>>, %arg15: memref<64xi32, #tpu.memory_space<vmem>>, %arg16: memref<64xi32, #tpu.memory_space<vmem>>, %arg17: memref<64xi32, #tpu.memory_space<vmem>>, %arg18: memref<64xi32, #tpu.memory_space<vmem>>, %arg19: memref<64x64xf32, #tpu.memory_space<vmem>>, %arg20: memref<64x64xf32, #tpu.memory_space<vmem>>, %arg21: memref<64x64xf32, #tpu.memory_space<vmem>>, %arg22: memref<64x64xf32, #tpu.memory_space<vmem>>, %arg23: memref<64x64xf32, #tpu.memory_space<vmem>>, %arg24: memref<64x64xf32, #tpu.memory_space<vmem>>, %arg25: memref<64x64xf32, #tpu.memory_space<vmem>>, %arg26: memref<64x64xf32, #tpu.memory_space<vmem>>, %arg27: memref<64x8xf32, #tpu.memory_space<vmem>>, %arg28: memref<16x64xf32, #tpu.memory_space<vmem>>, %arg29: memref<16xi32, #tpu.memory_space<vmem>>, %arg30: memref<!tpu.dma_semaphore, #tpu.memory_space<semaphore_mem>>, %arg31: memref<!tpu.dma_semaphore, #tpu.memory_space<semaphore_mem>>, %arg32: memref<!tpu.dma_semaphore, #tpu.memory_space<semaphore_mem>>, %arg33: memref<!tpu.dma_semaphore, #tpu.memory_space<semaphore_mem>>, %arg34: memref<!tpu.dma_semaphore, #tpu.memory_space<semaphore_mem>>, %arg35: memref<!tpu.dma_semaphore, #tpu.memory_space<semaphore_mem>>, %arg36: memref<1024x64xf32, #tpu.memory_space<vmem_shared>>, %arg37: memref<1024x8xf32, #tpu.memory_space<vmem_shared>>, %arg38: memref<10000x64xf32, #tpu.memory_space<vmem_shared>>) attributes {dimension_semantics = [#tpu.dimension_semantics<core_parallel>, #tpu.dimension_semantics<subcore_parallel>], iteration_bounds = array<i64: 2, 16>, scalar_prefetch = 0 : i64, scratch_operands = 29 : i64, tpu.core_type = #tpu.core_type<sc_vector_subcore>, window_params = [{transform_indices = #map}, {transform_indices = #map}, {transform_indices = #map1}, {transform_indices = #map1}, {transform_indices = #map1}, {transform_indices = #map1}, {transform_indices = #map2}, {transform_indices = #map2}]} {
    %mul3A = arith.constant 16 : i32
    %mul3A_0 = arith.muli %arg0, %mul3A : i32
    %add3A = arith.addi %mul3A_0, %arg1 : i32
    %mul3A_1 = arith.constant 64 : i32
    %mul3A_2 = arith.muli %arg1, %mul3A_1 : i32
    %mul3A_3 = arith.constant 625 : i32
    %mul3A_4 = arith.muli %arg1, %mul3A_3 : i32
    "tpu.region"() ({
      %run_scoped3A = tpu.sem_alloc : memref<!tpu.dma_semaphore, #tpu.memory_space<semaphore_mem>>
      %dma_start3A = arith.constant 0 : i32
      %dma_start3A_32 = tpu.memref_slice %arg36[%mul3A_2, %dma_start3A] : memref<1024x64xf32, #tpu.memory_space<vmem_shared>> -> memref<64x64xf32, #tpu.memory_space<vmem_shared>>
      tpu.enqueue_dma source(%arg5 : memref<64x64xf32, #tpu.memory_space<hbm>>) target(%dma_start3A_32 : memref<64x64xf32, #tpu.memory_space<vmem_shared>>) target_semaphore(%run_scoped3A : memref<!tpu.dma_semaphore, #tpu.memory_space<semaphore_mem>>)
      %dma_wait3A = arith.constant 0 : i32
      %dma_wait3A_33 = tpu.memref_slice %arg36[%mul3A_2, %dma_wait3A] : memref<1024x64xf32, #tpu.memory_space<vmem_shared>> -> memref<64x64xf32, #tpu.memory_space<vmem_shared>>
      tpu.wait_dma2 semaphore(%run_scoped3A : memref<!tpu.dma_semaphore, #tpu.memory_space<semaphore_mem>>) src(%arg5 : memref<64x64xf32, #tpu.memory_space<hbm>>) dst(%dma_wait3A_33 : memref<64x64xf32, #tpu.memory_space<vmem_shared>>)
      tpu.yield
    }) : () -> ()
    "tpu.region"() ({
      %run_scoped3A = tpu.sem_alloc : memref<!tpu.dma_semaphore, #tpu.memory_space<semaphore_mem>>
      %dma_start3A = arith.constant 0 : i32
      %dma_start3A_32 = tpu.memref_slice %arg37[%mul3A_2, %dma_start3A] : memref<1024x8xf32, #tpu.memory_space<vmem_shared>> -> memref<64x8xf32, #tpu.memory_space<vmem_shared>>
      tpu.enqueue_dma source(%arg6 : memref<64x8xf32, #tpu.memory_space<hbm>>) target(%dma_start3A_32 : memref<64x8xf32, #tpu.memory_space<vmem_shared>>) target_semaphore(%run_scoped3A : memref<!tpu.dma_semaphore, #tpu.memory_space<semaphore_mem>>)
      %dma_wait3A = arith.constant 0 : i32
      %dma_wait3A_33 = tpu.memref_slice %arg37[%mul3A_2, %dma_wait3A] : memref<1024x8xf32, #tpu.memory_space<vmem_shared>> -> memref<64x8xf32, #tpu.memory_space<vmem_shared>>
      tpu.wait_dma2 semaphore(%run_scoped3A : memref<!tpu.dma_semaphore, #tpu.memory_space<semaphore_mem>>) src(%arg6 : memref<64x8xf32, #tpu.memory_space<hbm>>) dst(%dma_wait3A_33 : memref<64x8xf32, #tpu.memory_space<vmem_shared>>)
      tpu.yield
    }) : () -> ()
    "tpu.region"() ({
      %run_scoped3A = tpu.sem_alloc : memref<!tpu.dma_semaphore, #tpu.memory_space<semaphore_mem>>
      %dma_start3A = arith.constant 0 : i32
      %dma_start3A_32 = tpu.memref_slice %arg38[%mul3A_4, %dma_start3A] : memref<10000x64xf32, #tpu.memory_space<vmem_shared>> -> memref<625x64xf32, #tpu.memory_space<vmem_shared>>
      %dma_start3A_33 = arith.constant 0 : i32
      %dma_start3A_34 = tpu.memref_slice %arg4[%mul3A_4, %dma_start3A_33] : memref<10000x64xf32, #tpu.memory_space<hbm>> -> memref<625x64xf32, #tpu.memory_space<hbm>>
      tpu.enqueue_dma source(%dma_start3A_34 : memref<625x64xf32, #tpu.memory_space<hbm>>) target(%dma_start3A_32 : memref<625x64xf32, #tpu.memory_space<vmem_shared>>) target_semaphore(%run_scoped3A : memref<!tpu.dma_semaphore, #tpu.memory_space<semaphore_mem>>)
      %dma_wait3A = arith.constant 0 : i32
      %dma_wait3A_35 = tpu.memref_slice %arg38[%mul3A_4, %dma_wait3A] : memref<10000x64xf32, #tpu.memory_space<vmem_shared>> -> memref<625x64xf32, #tpu.memory_space<vmem_shared>>
      %dma_wait3A_36 = arith.constant 0 : i32
      %dma_wait3A_37 = tpu.memref_slice %arg4[%mul3A_4, %dma_wait3A_36] : memref<10000x64xf32, #tpu.memory_space<hbm>> -> memref<625x64xf32, #tpu.memory_space<hbm>>
      tpu.wait_dma2 semaphore(%run_scoped3A : memref<!tpu.dma_semaphore, #tpu.memory_space<semaphore_mem>>) src(%dma_wait3A_37 : memref<625x64xf32, #tpu.memory_space<hbm>>) dst(%dma_wait3A_35 : memref<625x64xf32, #tpu.memory_space<vmem_shared>>)
      tpu.yield
    }) : () -> ()
    %mul3A_5 = arith.constant 1536 : i32
    %mul3A_6 = arith.muli %add3A, %mul3A_5 : i32
    "tpu.region"() ({
      %run_scoped3A = tpu.sem_alloc : memref<!tpu.dma_semaphore, #tpu.memory_space<semaphore_mem>>
      %dma_start3A = arith.constant 0 : i32
      %dma_start3A_32 = tpu.memref_slice %arg10[%dma_start3A] : memref<1600xi32, #tpu.memory_space<vmem>> -> memref<1536xi32, #tpu.memory_space<vmem>>
      %dma_start3A_33 = tpu.memref_slice %arg2[%mul3A_6] : memref<50000xi32, #tpu.memory_space<hbm>> -> memref<1536xi32, #tpu.memory_space<hbm>>
      %dma_start3A_34 = arith.constant 0 : i32
      %dma_start3A_35 = tpu.memref_slice %arg10[%dma_start3A_34] : memref<1600xi32, #tpu.memory_space<vmem>> -> memref<1536xi32, #tpu.memory_space<vmem>>
      %dma_start3A_36 = tpu.memref_slice %arg2[%mul3A_6] : memref<50000xi32, #tpu.memory_space<hbm>> -> memref<1536xi32, #tpu.memory_space<hbm>>
      tpu.enqueue_dma source(%dma_start3A_36 : memref<1536xi32, #tpu.memory_space<hbm>>) target(%dma_start3A_35 : memref<1536xi32, #tpu.memory_space<vmem>>) target_semaphore(%run_scoped3A : memref<!tpu.dma_semaphore, #tpu.memory_space<semaphore_mem>>)
      %dma_wait3A = arith.constant 0 : i32
      %dma_wait3A_37 = tpu.memref_slice %arg10[%dma_wait3A] : memref<1600xi32, #tpu.memory_space<vmem>> -> memref<1536xi32, #tpu.memory_space<vmem>>
      %dma_wait3A_38 = tpu.memref_slice %arg2[%mul3A_6] : memref<50000xi32, #tpu.memory_space<hbm>> -> memref<1536xi32, #tpu.memory_space<hbm>>
      %dma_wait3A_39 = arith.constant 0 : i32
      %dma_wait3A_40 = tpu.memref_slice %arg10[%dma_wait3A_39] : memref<1600xi32, #tpu.memory_space<vmem>> -> memref<1536xi32, #tpu.memory_space<vmem>>
      %dma_wait3A_41 = tpu.memref_slice %arg2[%mul3A_6] : memref<50000xi32, #tpu.memory_space<hbm>> -> memref<1536xi32, #tpu.memory_space<hbm>>
      tpu.wait_dma2 semaphore(%run_scoped3A : memref<!tpu.dma_semaphore, #tpu.memory_space<semaphore_mem>>) src(%dma_wait3A_41 : memref<1536xi32, #tpu.memory_space<hbm>>) dst(%dma_wait3A_40 : memref<1536xi32, #tpu.memory_space<vmem>>)
      tpu.yield
    }) : () -> ()
    %lt3A = arith.constant 13 : i32
    %lt3A_7 = arith.cmpi slt, %add3A, %lt3A : i32
    %convert_element_type3A = arith.extui %lt3A_7 : i1 to i32
    %cond3A = arith.constant 0 : i32
    %cond3A_8 = arith.cmpi ne, %convert_element_type3A, %cond3A : i32
    scf.if %cond3A_8 {
      %mul3A_32 = arith.constant 64 : i32
      %mul3A_33 = arith.muli %add3A, %mul3A_32 : i32
      %add3A_34 = arith.constant 49152 : i32
      %add3A_35 = arith.addi %add3A_34, %mul3A_33 : i32
      "tpu.region"() ({
        %run_scoped3A = tpu.sem_alloc : memref<!tpu.dma_semaphore, #tpu.memory_space<semaphore_mem>>
        %dma_start3A = arith.constant 1536 : i32
        %dma_start3A_36 = tpu.memref_slice %arg10[%dma_start3A] : memref<1600xi32, #tpu.memory_space<vmem>> -> memref<64xi32, #tpu.memory_space<vmem>>
        %dma_start3A_37 = tpu.memref_slice %arg2[%add3A_35] : memref<50000xi32, #tpu.memory_space<hbm>> -> memref<64xi32, #tpu.memory_space<hbm>>
        %dma_start3A_38 = arith.constant 1536 : i32
        %dma_start3A_39 = tpu.memref_slice %arg10[%dma_start3A_38] : memref<1600xi32, #tpu.memory_space<vmem>> -> memref<64xi32, #tpu.memory_space<vmem>>
        %dma_start3A_40 = tpu.memref_slice %arg2[%add3A_35] : memref<50000xi32, #tpu.memory_space<hbm>> -> memref<64xi32, #tpu.memory_space<hbm>>
        tpu.enqueue_dma source(%dma_start3A_40 : memref<64xi32, #tpu.memory_space<hbm>>) target(%dma_start3A_39 : memref<64xi32, #tpu.memory_space<vmem>>) target_semaphore(%run_scoped3A : memref<!tpu.dma_semaphore, #tpu.memory_space<semaphore_mem>>)
        %dma_wait3A = arith.constant 1536 : i32
        %dma_wait3A_41 = tpu.memref_slice %arg10[%dma_wait3A] : memref<1600xi32, #tpu.memory_space<vmem>> -> memref<64xi32, #tpu.memory_space<vmem>>
        %dma_wait3A_42 = tpu.memref_slice %arg2[%add3A_35] : memref<50000xi32, #tpu.memory_space<hbm>> -> memref<64xi32, #tpu.memory_space<hbm>>
        %dma_wait3A_43 = arith.constant 1536 : i32
        %dma_wait3A_44 = tpu.memref_slice %arg10[%dma_wait3A_43] : memref<1600xi32, #tpu.memory_space<vmem>> -> memref<64xi32, #tpu.memory_space<vmem>>
        %dma_wait3A_45 = tpu.memref_slice %arg2[%add3A_35] : memref<50000xi32, #tpu.memory_space<hbm>> -> memref<64xi32, #tpu.memory_space<hbm>>
        tpu.wait_dma2 semaphore(%run_scoped3A : memref<!tpu.dma_semaphore, #tpu.memory_space<semaphore_mem>>) src(%dma_wait3A_45 : memref<64xi32, #tpu.memory_space<hbm>>) dst(%dma_wait3A_44 : memref<64xi32, #tpu.memory_space<vmem>>)
        tpu.yield
      }) : () -> ()
    } else {
    }
    %eq3A = arith.constant 13 : i32
    %eq3A_9 = arith.cmpi eq, %add3A, %eq3A : i32
    %convert_element_type3A_10 = arith.extui %eq3A_9 : i1 to i32
    %cond3A_11 = arith.constant 0 : i32
    %cond3A_12 = arith.cmpi ne, %convert_element_type3A_10, %cond3A_11 : i32
    scf.if %cond3A_12 {
      "tpu.region"() ({
        %run_scoped3A = tpu.sem_alloc : memref<!tpu.dma_semaphore, #tpu.memory_space<semaphore_mem>>
        %dma_start3A = arith.constant 1536 : i32
        %dma_start3A_32 = tpu.memref_slice %arg10[%dma_start3A] : memref<1600xi32, #tpu.memory_space<vmem>> -> memref<16xi32, #tpu.memory_space<vmem>>
        %dma_start3A_33 = arith.constant 49984 : i32
        %dma_start3A_34 = tpu.memref_slice %arg2[%dma_start3A_33] : memref<50000xi32, #tpu.memory_space<hbm>> -> memref<16xi32, #tpu.memory_space<hbm>>
        %dma_start3A_35 = arith.constant 1536 : i32
        %dma_start3A_36 = tpu.memref_slice %arg10[%dma_start3A_35] : memref<1600xi32, #tpu.memory_space<vmem>> -> memref<16xi32, #tpu.memory_space<vmem>>
        %dma_start3A_37 = arith.constant 49984 : i32
        %dma_start3A_38 = tpu.memref_slice %arg2[%dma_start3A_37] : memref<50000xi32, #tpu.memory_space<hbm>> -> memref<16xi32, #tpu.memory_space<hbm>>
        tpu.enqueue_dma source(%dma_start3A_38 : memref<16xi32, #tpu.memory_space<hbm>>) target(%dma_start3A_36 : memref<16xi32, #tpu.memory_space<vmem>>) target_semaphore(%run_scoped3A : memref<!tpu.dma_semaphore, #tpu.memory_space<semaphore_mem>>)
        %dma_wait3A = arith.constant 1536 : i32
        %dma_wait3A_39 = tpu.memref_slice %arg10[%dma_wait3A] : memref<1600xi32, #tpu.memory_space<vmem>> -> memref<16xi32, #tpu.memory_space<vmem>>
        %dma_wait3A_40 = arith.constant 49984 : i32
        %dma_wait3A_41 = tpu.memref_slice %arg2[%dma_wait3A_40] : memref<50000xi32, #tpu.memory_space<hbm>> -> memref<16xi32, #tpu.memory_space<hbm>>
        %dma_wait3A_42 = arith.constant 1536 : i32
        %dma_wait3A_43 = tpu.memref_slice %arg10[%dma_wait3A_42] : memref<1600xi32, #tpu.memory_space<vmem>> -> memref<16xi32, #tpu.memory_space<vmem>>
        %dma_wait3A_44 = arith.constant 49984 : i32
        %dma_wait3A_45 = tpu.memref_slice %arg2[%dma_wait3A_44] : memref<50000xi32, #tpu.memory_space<hbm>> -> memref<16xi32, #tpu.memory_space<hbm>>
        tpu.wait_dma2 semaphore(%run_scoped3A : memref<!tpu.dma_semaphore, #tpu.memory_space<semaphore_mem>>) src(%dma_wait3A_45 : memref<16xi32, #tpu.memory_space<hbm>>) dst(%dma_wait3A_43 : memref<16xi32, #tpu.memory_space<vmem>>)
        tpu.yield
      }) : () -> ()
    } else {
    }
    "tpu.region"() ({
      %run_scoped3A = tpu.sem_alloc : memref<!tpu.dma_semaphore, #tpu.memory_space<semaphore_mem>>
      tpu.enqueue_dma source(%arg7 : memref<64x8xf32, #tpu.memory_space<hbm>>) target(%arg27 : memref<64x8xf32, #tpu.memory_space<vmem>>) target_semaphore(%run_scoped3A : memref<!tpu.dma_semaphore, #tpu.memory_space<semaphore_mem>>)
      tpu.wait_dma2 semaphore(%run_scoped3A : memref<!tpu.dma_semaphore, #tpu.memory_space<semaphore_mem>>) src(%arg7 : memref<64x8xf32, #tpu.memory_space<hbm>>) dst(%arg27 : memref<64x8xf32, #tpu.memory_space<vmem>>)
      tpu.yield
    }) : () -> ()
    %iota3A = tpu.iota {dimensions = array<i32: 0>} : vector<16xi32>
    %rem3A = arith.constant 4 : i32
    %rem3A_13 = vector.broadcast %rem3A : i32 to vector<16xi32>
    %rem3A_14 = arith.remsi %iota3A, %rem3A_13 : vector<16xi32>
    %barrier3A = arith.constant 0 : index
    tpu.barrier barrier_id(%barrier3A)
    %scan3A = arith.constant 0 : i32
    %scan3A_15 = arith.constant 0 : i32
    %scan3A_16 = arith.constant 3 : i32
    %scan3A_17 = arith.addi %scan3A_15, %scan3A_16 : i32
    %scan3A_18 = arith.constant 1 : i32
    %scan3A_19 = scf.for %scan3A_32 = %scan3A_15 to %scan3A_17 step %scan3A_18 iter_args(%scan3A_33 = %scan3A) -> (i32)  : i32 {
      %mul3A_34 = arith.constant 2 : i32
      %mul3A_35 = arith.muli %scan3A_32, %mul3A_34 : i32
      %mul3A_36 = arith.constant 4 : i32
      %mul3A_37 = arith.muli %mul3A_35, %mul3A_36 : i32
      %add3A_38 = arith.constant 0 : i32
      %add3A_39 = arith.addi %mul3A_37, %add3A_38 : i32
      %add3A_40 = arith.constant 1 : i32
      %add3A_41 = arith.addi %mul3A_37, %add3A_40 : i32
      %add3A_42 = arith.constant 2 : i32
      %add3A_43 = arith.addi %mul3A_37, %add3A_42 : i32
      %add3A_44 = arith.constant 3 : i32
      %add3A_45 = arith.addi %mul3A_37, %add3A_44 : i32
      %add3A_46 = arith.constant 4 : i32
      %add3A_47 = arith.addi %mul3A_37, %add3A_46 : i32
      %add3A_48 = arith.constant 0 : i32
      %add3A_49 = arith.addi %add3A_47, %add3A_48 : i32
      %add3A_50 = arith.constant 4 : i32
      %add3A_51 = arith.addi %mul3A_37, %add3A_50 : i32
      %add3A_52 = arith.constant 1 : i32
      %add3A_53 = arith.addi %add3A_51, %add3A_52 : i32
      %add3A_54 = arith.constant 4 : i32
      %add3A_55 = arith.addi %mul3A_37, %add3A_54 : i32
      %add3A_56 = arith.constant 2 : i32
      %add3A_57 = arith.addi %add3A_55, %add3A_56 : i32
      %add3A_58 = arith.constant 4 : i32
      %add3A_59 = arith.addi %mul3A_37, %add3A_58 : i32
      %add3A_60 = arith.constant 3 : i32
      %add3A_61 = arith.addi %add3A_59, %add3A_60 : i32
      %mul3A_62 = arith.constant 1536 : i32
      %mul3A_63 = arith.muli %add3A, %mul3A_62 : i32
      %mul3A_64 = arith.constant 64 : i32
      %mul3A_65 = arith.muli %add3A_39, %mul3A_64 : i32
      %add3A_66 = arith.addi %mul3A_63, %mul3A_65 : i32
      %mul3A_67 = arith.constant 1536 : i32
      %mul3A_68 = arith.muli %add3A, %mul3A_67 : i32
      %mul3A_69 = arith.constant 64 : i32
      %mul3A_70 = arith.muli %add3A_41, %mul3A_69 : i32
      %add3A_71 = arith.addi %mul3A_68, %mul3A_70 : i32
      %mul3A_72 = arith.constant 1536 : i32
      %mul3A_73 = arith.muli %add3A, %mul3A_72 : i32
      %mul3A_74 = arith.constant 64 : i32
      %mul3A_75 = arith.muli %add3A_43, %mul3A_74 : i32
      %add3A_76 = arith.addi %mul3A_73, %mul3A_75 : i32
      %mul3A_77 = arith.constant 1536 : i32
      %mul3A_78 = arith.muli %add3A, %mul3A_77 : i32
      %mul3A_79 = arith.constant 64 : i32
      %mul3A_80 = arith.muli %add3A_45, %mul3A_79 : i32
      %add3A_81 = arith.addi %mul3A_78, %mul3A_80 : i32
      %mul3A_82 = arith.constant 1536 : i32
      %mul3A_83 = arith.muli %add3A, %mul3A_82 : i32
      %mul3A_84 = arith.constant 64 : i32
      %mul3A_85 = arith.muli %add3A_49, %mul3A_84 : i32
      %add3A_86 = arith.addi %mul3A_83, %mul3A_85 : i32
      %mul3A_87 = arith.constant 1536 : i32
      %mul3A_88 = arith.muli %add3A, %mul3A_87 : i32
      %mul3A_89 = arith.constant 64 : i32
      %mul3A_90 = arith.muli %add3A_53, %mul3A_89 : i32
      %add3A_91 = arith.addi %mul3A_88, %mul3A_90 : i32
      %mul3A_92 = arith.constant 1536 : i32
      %mul3A_93 = arith.muli %add3A, %mul3A_92 : i32
      %mul3A_94 = arith.constant 64 : i32
      %mul3A_95 = arith.muli %add3A_57, %mul3A_94 : i32
      %add3A_96 = arith.addi %mul3A_93, %mul3A_95 : i32
      %mul3A_97 = arith.constant 1536 : i32
      %mul3A_98 = arith.muli %add3A, %mul3A_97 : i32
      %mul3A_99 = arith.constant 64 : i32
      %mul3A_100 = arith.muli %add3A_61, %mul3A_99 : i32
      %add3A_101 = arith.addi %mul3A_98, %mul3A_100 : i32
      %dma_start3A = arith.constant 0 : i32
      %dma_start3A_102 = tpu.memref_slice %arg11[%dma_start3A] : memref<64xi32, #tpu.memory_space<vmem>> -> memref<64xi32, #tpu.memory_space<vmem>>
      %dma_start3A_103 = tpu.memref_slice %arg3[%add3A_66] : memref<50000xi32, #tpu.memory_space<hbm>> -> memref<64xi32, #tpu.memory_space<hbm>>
      %dma_start3A_104 = arith.constant 0 : i32
      %dma_start3A_105 = tpu.memref_slice %arg11[%dma_start3A_104] : memref<64xi32, #tpu.memory_space<vmem>> -> memref<64xi32, #tpu.memory_space<vmem>>
      %dma_start3A_106 = tpu.memref_slice %arg3[%add3A_66] : memref<50000xi32, #tpu.memory_space<hbm>> -> memref<64xi32, #tpu.memory_space<hbm>>
      tpu.enqueue_dma source(%dma_start3A_106 : memref<64xi32, #tpu.memory_space<hbm>>) target(%dma_start3A_105 : memref<64xi32, #tpu.memory_space<vmem>>) target_semaphore(%arg34 : memref<!tpu.dma_semaphore, #tpu.memory_space<semaphore_mem>>)
      %dma_start3A_107 = arith.constant 0 : i32
      %dma_start3A_108 = tpu.memref_slice %arg12[%dma_start3A_107] : memref<64xi32, #tpu.memory_space<vmem>> -> memref<64xi32, #tpu.memory_space<vmem>>
      %dma_start3A_109 = tpu.memref_slice %arg3[%add3A_71] : memref<50000xi32, #tpu.memory_space<hbm>> -> memref<64xi32, #tpu.memory_space<hbm>>
      %dma_start3A_110 = arith.constant 0 : i32
      %dma_start3A_111 = tpu.memref_slice %arg12[%dma_start3A_110] : memref<64xi32, #tpu.memory_space<vmem>> -> memref<64xi32, #tpu.memory_space<vmem>>
      %dma_start3A_112 = tpu.memref_slice %arg3[%add3A_71] : memref<50000xi32, #tpu.memory_space<hbm>> -> memref<64xi32, #tpu.memory_space<hbm>>
      tpu.enqueue_dma source(%dma_start3A_112 : memref<64xi32, #tpu.memory_space<hbm>>) target(%dma_start3A_111 : memref<64xi32, #tpu.memory_space<vmem>>) target_semaphore(%arg34 : memref<!tpu.dma_semaphore, #tpu.memory_space<semaphore_mem>>)
      %dma_start3A_113 = arith.constant 0 : i32
      %dma_start3A_114 = tpu.memref_slice %arg13[%dma_start3A_113] : memref<64xi32, #tpu.memory_space<vmem>> -> memref<64xi32, #tpu.memory_space<vmem>>
      %dma_start3A_115 = tpu.memref_slice %arg3[%add3A_76] : memref<50000xi32, #tpu.memory_space<hbm>> -> memref<64xi32, #tpu.memory_space<hbm>>
      %dma_start3A_116 = arith.constant 0 : i32
      %dma_start3A_117 = tpu.memref_slice %arg13[%dma_start3A_116] : memref<64xi32, #tpu.memory_space<vmem>> -> memref<64xi32, #tpu.memory_space<vmem>>
      %dma_start3A_118 = tpu.memref_slice %arg3[%add3A_76] : memref<50000xi32, #tpu.memory_space<hbm>> -> memref<64xi32, #tpu.memory_space<hbm>>
      tpu.enqueue_dma source(%dma_start3A_118 : memref<64xi32, #tpu.memory_space<hbm>>) target(%dma_start3A_117 : memref<64xi32, #tpu.memory_space<vmem>>) target_semaphore(%arg34 : memref<!tpu.dma_semaphore, #tpu.memory_space<semaphore_mem>>)
      %dma_start3A_119 = arith.constant 0 : i32
      %dma_start3A_120 = tpu.memref_slice %arg14[%dma_start3A_119] : memref<64xi32, #tpu.memory_space<vmem>> -> memref<64xi32, #tpu.memory_space<vmem>>
      %dma_start3A_121 = tpu.memref_slice %arg3[%add3A_81] : memref<50000xi32, #tpu.memory_space<hbm>> -> memref<64xi32, #tpu.memory_space<hbm>>
      %dma_start3A_122 = arith.constant 0 : i32
      %dma_start3A_123 = tpu.memref_slice %arg14[%dma_start3A_122] : memref<64xi32, #tpu.memory_space<vmem>> -> memref<64xi32, #tpu.memory_space<vmem>>
      %dma_start3A_124 = tpu.memref_slice %arg3[%add3A_81] : memref<50000xi32, #tpu.memory_space<hbm>> -> memref<64xi32, #tpu.memory_space<hbm>>
      tpu.enqueue_dma source(%dma_start3A_124 : memref<64xi32, #tpu.memory_space<hbm>>) target(%dma_start3A_123 : memref<64xi32, #tpu.memory_space<vmem>>) target_semaphore(%arg34 : memref<!tpu.dma_semaphore, #tpu.memory_space<semaphore_mem>>)
      %mul3A_125 = arith.constant 64 : i32
      %mul3A_126 = arith.muli %add3A_39, %mul3A_125 : i32
      %dma_start3A_127 = tpu.memref_slice %arg10[%mul3A_126] : memref<1600xi32, #tpu.memory_space<vmem>> -> memref<64xi32, #tpu.memory_space<vmem>>
      %dma_start3A_128 = arith.constant 0 : i32
      %dma_start3A_129 = arith.constant 0 : i32
      %dma_start3A_130 = tpu.memref_slice %arg38[%dma_start3A_128, %dma_start3A_129] : memref<10000x64xf32, #tpu.memory_space<vmem_shared>> -> memref<10000x64xf32, #tpu.memory_space<vmem_shared>>
      tpu.enqueue_indirect_dma source(%dma_start3A_130 : memref<10000x64xf32, #tpu.memory_space<vmem_shared>>) target(%arg19 : memref<64x64xf32, #tpu.memory_space<vmem>>) offsets(%dma_start3A_127 : memref<64xi32, #tpu.memory_space<vmem>>) semaphore(%arg30 : memref<!tpu.dma_semaphore, #tpu.memory_space<semaphore_mem>>)
      %mul3A_131 = arith.constant 64 : i32
      %mul3A_132 = arith.muli %add3A_41, %mul3A_131 : i32
      %dma_start3A_133 = tpu.memref_slice %arg10[%mul3A_132] : memref<1600xi32, #tpu.memory_space<vmem>> -> memref<64xi32, #tpu.memory_space<vmem>>
      %dma_start3A_134 = arith.constant 0 : i32
      %dma_start3A_135 = arith.constant 0 : i32
      %dma_start3A_136 = tpu.memref_slice %arg38[%dma_start3A_134, %dma_start3A_135] : memref<10000x64xf32, #tpu.memory_space<vmem_shared>> -> memref<10000x64xf32, #tpu.memory_space<vmem_shared>>
      tpu.enqueue_indirect_dma source(%dma_start3A_136 : memref<10000x64xf32, #tpu.memory_space<vmem_shared>>) target(%arg20 : memref<64x64xf32, #tpu.memory_space<vmem>>) offsets(%dma_start3A_133 : memref<64xi32, #tpu.memory_space<vmem>>) semaphore(%arg30 : memref<!tpu.dma_semaphore, #tpu.memory_space<semaphore_mem>>)
      %mul3A_137 = arith.constant 64 : i32
      %mul3A_138 = arith.muli %add3A_43, %mul3A_137 : i32
      %dma_start3A_139 = tpu.memref_slice %arg10[%mul3A_138] : memref<1600xi32, #tpu.memory_space<vmem>> -> memref<64xi32, #tpu.memory_space<vmem>>
      %dma_start3A_140 = arith.constant 0 : i32
      %dma_start3A_141 = arith.constant 0 : i32
      %dma_start3A_142 = tpu.memref_slice %arg38[%dma_start3A_140, %dma_start3A_141] : memref<10000x64xf32, #tpu.memory_space<vmem_shared>> -> memref<10000x64xf32, #tpu.memory_space<vmem_shared>>
      tpu.enqueue_indirect_dma source(%dma_start3A_142 : memref<10000x64xf32, #tpu.memory_space<vmem_shared>>) target(%arg21 : memref<64x64xf32, #tpu.memory_space<vmem>>) offsets(%dma_start3A_139 : memref<64xi32, #tpu.memory_space<vmem>>) semaphore(%arg30 : memref<!tpu.dma_semaphore, #tpu.memory_space<semaphore_mem>>)
      %mul3A_143 = arith.constant 64 : i32
      %mul3A_144 = arith.muli %add3A_45, %mul3A_143 : i32
      %dma_start3A_145 = tpu.memref_slice %arg10[%mul3A_144] : memref<1600xi32, #tpu.memory_space<vmem>> -> memref<64xi32, #tpu.memory_space<vmem>>
      %dma_start3A_146 = arith.constant 0 : i32
      %dma_start3A_147 = arith.constant 0 : i32
      %dma_start3A_148 = tpu.memref_slice %arg38[%dma_start3A_146, %dma_start3A_147] : memref<10000x64xf32, #tpu.memory_space<vmem_shared>> -> memref<10000x64xf32, #tpu.memory_space<vmem_shared>>
      tpu.enqueue_indirect_dma source(%dma_start3A_148 : memref<10000x64xf32, #tpu.memory_space<vmem_shared>>) target(%arg22 : memref<64x64xf32, #tpu.memory_space<vmem>>) offsets(%dma_start3A_145 : memref<64xi32, #tpu.memory_space<vmem>>) semaphore(%arg30 : memref<!tpu.dma_semaphore, #tpu.memory_space<semaphore_mem>>)
      %dma_start3A_149 = arith.constant 0 : i32
      %dma_start3A_150 = tpu.memref_slice %arg15[%dma_start3A_149] : memref<64xi32, #tpu.memory_space<vmem>> -> memref<64xi32, #tpu.memory_space<vmem>>
      %dma_start3A_151 = tpu.memref_slice %arg3[%add3A_86] : memref<50000xi32, #tpu.memory_space<hbm>> -> memref<64xi32, #tpu.memory_space<hbm>>
      %dma_start3A_152 = arith.constant 0 : i32
      %dma_start3A_153 = tpu.memref_slice %arg15[%dma_start3A_152] : memref<64xi32, #tpu.memory_space<vmem>> -> memref<64xi32, #tpu.memory_space<vmem>>
      %dma_start3A_154 = tpu.memref_slice %arg3[%add3A_86] : memref<50000xi32, #tpu.memory_space<hbm>> -> memref<64xi32, #tpu.memory_space<hbm>>
      tpu.enqueue_dma source(%dma_start3A_154 : memref<64xi32, #tpu.memory_space<hbm>>) target(%dma_start3A_153 : memref<64xi32, #tpu.memory_space<vmem>>) target_semaphore(%arg35 : memref<!tpu.dma_semaphore, #tpu.memory_space<semaphore_mem>>)
      %dma_start3A_155 = arith.constant 0 : i32
      %dma_start3A_156 = tpu.memref_slice %arg16[%dma_start3A_155] : memref<64xi32, #tpu.memory_space<vmem>> -> memref<64xi32, #tpu.memory_space<vmem>>
      %dma_start3A_157 = tpu.memref_slice %arg3[%add3A_91] : memref<50000xi32, #tpu.memory_space<hbm>> -> memref<64xi32, #tpu.memory_space<hbm>>
      %dma_start3A_158 = arith.constant 0 : i32
      %dma_start3A_159 = tpu.memref_slice %arg16[%dma_start3A_158] : memref<64xi32, #tpu.memory_space<vmem>> -> memref<64xi32, #tpu.memory_space<vmem>>
      %dma_start3A_160 = tpu.memref_slice %arg3[%add3A_91] : memref<50000xi32, #tpu.memory_space<hbm>> -> memref<64xi32, #tpu.memory_space<hbm>>
      tpu.enqueue_dma source(%dma_start3A_160 : memref<64xi32, #tpu.memory_space<hbm>>) target(%dma_start3A_159 : memref<64xi32, #tpu.memory_space<vmem>>) target_semaphore(%arg35 : memref<!tpu.dma_semaphore, #tpu.memory_space<semaphore_mem>>)
      %dma_start3A_161 = arith.constant 0 : i32
      %dma_start3A_162 = tpu.memref_slice %arg17[%dma_start3A_161] : memref<64xi32, #tpu.memory_space<vmem>> -> memref<64xi32, #tpu.memory_space<vmem>>
      %dma_start3A_163 = tpu.memref_slice %arg3[%add3A_96] : memref<50000xi32, #tpu.memory_space<hbm>> -> memref<64xi32, #tpu.memory_space<hbm>>
      %dma_start3A_164 = arith.constant 0 : i32
      %dma_start3A_165 = tpu.memref_slice %arg17[%dma_start3A_164] : memref<64xi32, #tpu.memory_space<vmem>> -> memref<64xi32, #tpu.memory_space<vmem>>
      %dma_start3A_166 = tpu.memref_slice %arg3[%add3A_96] : memref<50000xi32, #tpu.memory_space<hbm>> -> memref<64xi32, #tpu.memory_space<hbm>>
      tpu.enqueue_dma source(%dma_start3A_166 : memref<64xi32, #tpu.memory_space<hbm>>) target(%dma_start3A_165 : memref<64xi32, #tpu.memory_space<vmem>>) target_semaphore(%arg35 : memref<!tpu.dma_semaphore, #tpu.memory_space<semaphore_mem>>)
      %dma_start3A_167 = arith.constant 0 : i32
      %dma_start3A_168 = tpu.memref_slice %arg18[%dma_start3A_167] : memref<64xi32, #tpu.memory_space<vmem>> -> memref<64xi32, #tpu.memory_space<vmem>>
      %dma_start3A_169 = tpu.memref_slice %arg3[%add3A_101] : memref<50000xi32, #tpu.memory_space<hbm>> -> memref<64xi32, #tpu.memory_space<hbm>>
      %dma_start3A_170 = arith.constant 0 : i32
      %dma_start3A_171 = tpu.memref_slice %arg18[%dma_start3A_170] : memref<64xi32, #tpu.memory_space<vmem>> -> memref<64xi32, #tpu.memory_space<vmem>>
      %dma_start3A_172 = tpu.memref_slice %arg3[%add3A_101] : memref<50000xi32, #tpu.memory_space<hbm>> -> memref<64xi32, #tpu.memory_space<hbm>>
      tpu.enqueue_dma source(%dma_start3A_172 : memref<64xi32, #tpu.memory_space<hbm>>) target(%dma_start3A_171 : memref<64xi32, #tpu.memory_space<vmem>>) target_semaphore(%arg35 : memref<!tpu.dma_semaphore, #tpu.memory_space<semaphore_mem>>)
      %mul3A_173 = arith.constant 64 : i32
      %mul3A_174 = arith.muli %add3A_49, %mul3A_173 : i32
      %dma_start3A_175 = tpu.memref_slice %arg10[%mul3A_174] : memref<1600xi32, #tpu.memory_space<vmem>> -> memref<64xi32, #tpu.memory_space<vmem>>
      %dma_start3A_176 = arith.constant 0 : i32
      %dma_start3A_177 = arith.constant 0 : i32
      %dma_start3A_178 = tpu.memref_slice %arg38[%dma_start3A_176, %dma_start3A_177] : memref<10000x64xf32, #tpu.memory_space<vmem_shared>> -> memref<10000x64xf32, #tpu.memory_space<vmem_shared>>
      tpu.enqueue_indirect_dma source(%dma_start3A_178 : memref<10000x64xf32, #tpu.memory_space<vmem_shared>>) target(%arg23 : memref<64x64xf32, #tpu.memory_space<vmem>>) offsets(%dma_start3A_175 : memref<64xi32, #tpu.memory_space<vmem>>) semaphore(%arg31 : memref<!tpu.dma_semaphore, #tpu.memory_space<semaphore_mem>>)
      %mul3A_179 = arith.constant 64 : i32
      %mul3A_180 = arith.muli %add3A_53, %mul3A_179 : i32
      %dma_start3A_181 = tpu.memref_slice %arg10[%mul3A_180] : memref<1600xi32, #tpu.memory_space<vmem>> -> memref<64xi32, #tpu.memory_space<vmem>>
      %dma_start3A_182 = arith.constant 0 : i32
      %dma_start3A_183 = arith.constant 0 : i32
      %dma_start3A_184 = tpu.memref_slice %arg38[%dma_start3A_182, %dma_start3A_183] : memref<10000x64xf32, #tpu.memory_space<vmem_shared>> -> memref<10000x64xf32, #tpu.memory_space<vmem_shared>>
      tpu.enqueue_indirect_dma source(%dma_start3A_184 : memref<10000x64xf32, #tpu.memory_space<vmem_shared>>) target(%arg24 : memref<64x64xf32, #tpu.memory_space<vmem>>) offsets(%dma_start3A_181 : memref<64xi32, #tpu.memory_space<vmem>>) semaphore(%arg31 : memref<!tpu.dma_semaphore, #tpu.memory_space<semaphore_mem>>)
      %mul3A_185 = arith.constant 64 : i32
      %mul3A_186 = arith.muli %add3A_57, %mul3A_185 : i32
      %dma_start3A_187 = tpu.memref_slice %arg10[%mul3A_186] : memref<1600xi32, #tpu.memory_space<vmem>> -> memref<64xi32, #tpu.memory_space<vmem>>
      %dma_start3A_188 = arith.constant 0 : i32
      %dma_start3A_189 = arith.constant 0 : i32
      %dma_start3A_190 = tpu.memref_slice %arg38[%dma_start3A_188, %dma_start3A_189] : memref<10000x64xf32, #tpu.memory_space<vmem_shared>> -> memref<10000x64xf32, #tpu.memory_space<vmem_shared>>
      tpu.enqueue_indirect_dma source(%dma_start3A_190 : memref<10000x64xf32, #tpu.memory_space<vmem_shared>>) target(%arg25 : memref<64x64xf32, #tpu.memory_space<vmem>>) offsets(%dma_start3A_187 : memref<64xi32, #tpu.memory_space<vmem>>) semaphore(%arg31 : memref<!tpu.dma_semaphore, #tpu.memory_space<semaphore_mem>>)
      %mul3A_191 = arith.constant 64 : i32
      %mul3A_192 = arith.muli %add3A_61, %mul3A_191 : i32
      %dma_start3A_193 = tpu.memref_slice %arg10[%mul3A_192] : memref<1600xi32, #tpu.memory_space<vmem>> -> memref<64xi32, #tpu.memory_space<vmem>>
      %dma_start3A_194 = arith.constant 0 : i32
      %dma_start3A_195 = arith.constant 0 : i32
      %dma_start3A_196 = tpu.memref_slice %arg38[%dma_start3A_194, %dma_start3A_195] : memref<10000x64xf32, #tpu.memory_space<vmem_shared>> -> memref<10000x64xf32, #tpu.memory_space<vmem_shared>>
      tpu.enqueue_indirect_dma source(%dma_start3A_196 : memref<10000x64xf32, #tpu.memory_space<vmem_shared>>) target(%arg26 : memref<64x64xf32, #tpu.memory_space<vmem>>) offsets(%dma_start3A_193 : memref<64xi32, #tpu.memory_space<vmem>>) semaphore(%arg31 : memref<!tpu.dma_semaphore, #tpu.memory_space<semaphore_mem>>)
      %dma_wait3A = tpu.memref_slice %arg10[%mul3A_126] : memref<1600xi32, #tpu.memory_space<vmem>> -> memref<64xi32, #tpu.memory_space<vmem>>
      %dma_wait3A_197 = arith.constant 0 : i32
      %dma_wait3A_198 = arith.constant 0 : i32
      %dma_wait3A_199 = tpu.memref_slice %arg38[%dma_wait3A_197, %dma_wait3A_198] : memref<10000x64xf32, #tpu.memory_space<vmem_shared>> -> memref<10000x64xf32, #tpu.memory_space<vmem_shared>>
      tpu.wait_indirect_dma semaphore(%arg30 : memref<!tpu.dma_semaphore, #tpu.memory_space<semaphore_mem>>) src(%dma_wait3A_199 : memref<10000x64xf32, #tpu.memory_space<vmem_shared>>) dst(%arg19 : memref<64x64xf32, #tpu.memory_space<vmem>>)
      %dma_wait3A_200 = tpu.memref_slice %arg10[%mul3A_132] : memref<1600xi32, #tpu.memory_space<vmem>> -> memref<64xi32, #tpu.memory_space<vmem>>
      %dma_wait3A_201 = arith.constant 0 : i32
      %dma_wait3A_202 = arith.constant 0 : i32
      %dma_wait3A_203 = tpu.memref_slice %arg38[%dma_wait3A_201, %dma_wait3A_202] : memref<10000x64xf32, #tpu.memory_space<vmem_shared>> -> memref<10000x64xf32, #tpu.memory_space<vmem_shared>>
      tpu.wait_indirect_dma semaphore(%arg30 : memref<!tpu.dma_semaphore, #tpu.memory_space<semaphore_mem>>) src(%dma_wait3A_203 : memref<10000x64xf32, #tpu.memory_space<vmem_shared>>) dst(%arg20 : memref<64x64xf32, #tpu.memory_space<vmem>>)
      %dma_wait3A_204 = tpu.memref_slice %arg10[%mul3A_138] : memref<1600xi32, #tpu.memory_space<vmem>> -> memref<64xi32, #tpu.memory_space<vmem>>
      %dma_wait3A_205 = arith.constant 0 : i32
      %dma_wait3A_206 = arith.constant 0 : i32
      %dma_wait3A_207 = tpu.memref_slice %arg38[%dma_wait3A_205, %dma_wait3A_206] : memref<10000x64xf32, #tpu.memory_space<vmem_shared>> -> memref<10000x64xf32, #tpu.memory_space<vmem_shared>>
      tpu.wait_indirect_dma semaphore(%arg30 : memref<!tpu.dma_semaphore, #tpu.memory_space<semaphore_mem>>) src(%dma_wait3A_207 : memref<10000x64xf32, #tpu.memory_space<vmem_shared>>) dst(%arg21 : memref<64x64xf32, #tpu.memory_space<vmem>>)
      %dma_wait3A_208 = tpu.memref_slice %arg10[%mul3A_144] : memref<1600xi32, #tpu.memory_space<vmem>> -> memref<64xi32, #tpu.memory_space<vmem>>
      %dma_wait3A_209 = arith.constant 0 : i32
      %dma_wait3A_210 = arith.constant 0 : i32
      %dma_wait3A_211 = tpu.memref_slice %arg38[%dma_wait3A_209, %dma_wait3A_210] : memref<10000x64xf32, #tpu.memory_space<vmem_shared>> -> memref<10000x64xf32, #tpu.memory_space<vmem_shared>>
      tpu.wait_indirect_dma semaphore(%arg30 : memref<!tpu.dma_semaphore, #tpu.memory_space<semaphore_mem>>) src(%dma_wait3A_211 : memref<10000x64xf32, #tpu.memory_space<vmem_shared>>) dst(%arg22 : memref<64x64xf32, #tpu.memory_space<vmem>>)
      %dma_wait3A_212 = arith.constant 0 : i32
      %dma_wait3A_213 = tpu.memref_slice %arg11[%dma_wait3A_212] : memref<64xi32, #tpu.memory_space<vmem>> -> memref<64xi32, #tpu.memory_space<vmem>>
      %dma_wait3A_214 = tpu.memref_slice %arg3[%add3A_66] : memref<50000xi32, #tpu.memory_space<hbm>> -> memref<64xi32, #tpu.memory_space<hbm>>
      %dma_wait3A_215 = arith.constant 0 : i32
      %dma_wait3A_216 = tpu.memref_slice %arg11[%dma_wait3A_215] : memref<64xi32, #tpu.memory_space<vmem>> -> memref<64xi32, #tpu.memory_space<vmem>>
      %dma_wait3A_217 = tpu.memref_slice %arg3[%add3A_66] : memref<50000xi32, #tpu.memory_space<hbm>> -> memref<64xi32, #tpu.memory_space<hbm>>
      tpu.wait_dma2 semaphore(%arg34 : memref<!tpu.dma_semaphore, #tpu.memory_space<semaphore_mem>>) src(%dma_wait3A_217 : memref<64xi32, #tpu.memory_space<hbm>>) dst(%dma_wait3A_216 : memref<64xi32, #tpu.memory_space<vmem>>)
      %dma_wait3A_218 = arith.constant 0 : i32
      %dma_wait3A_219 = tpu.memref_slice %arg12[%dma_wait3A_218] : memref<64xi32, #tpu.memory_space<vmem>> -> memref<64xi32, #tpu.memory_space<vmem>>
      %dma_wait3A_220 = tpu.memref_slice %arg3[%add3A_71] : memref<50000xi32, #tpu.memory_space<hbm>> -> memref<64xi32, #tpu.memory_space<hbm>>
      %dma_wait3A_221 = arith.constant 0 : i32
      %dma_wait3A_222 = tpu.memref_slice %arg12[%dma_wait3A_221] : memref<64xi32, #tpu.memory_space<vmem>> -> memref<64xi32, #tpu.memory_space<vmem>>
      %dma_wait3A_223 = tpu.memref_slice %arg3[%add3A_71] : memref<50000xi32, #tpu.memory_space<hbm>> -> memref<64xi32, #tpu.memory_space<hbm>>
      tpu.wait_dma2 semaphore(%arg34 : memref<!tpu.dma_semaphore, #tpu.memory_space<semaphore_mem>>) src(%dma_wait3A_223 : memref<64xi32, #tpu.memory_space<hbm>>) dst(%dma_wait3A_222 : memref<64xi32, #tpu.memory_space<vmem>>)
      %dma_wait3A_224 = arith.constant 0 : i32
      %dma_wait3A_225 = tpu.memref_slice %arg13[%dma_wait3A_224] : memref<64xi32, #tpu.memory_space<vmem>> -> memref<64xi32, #tpu.memory_space<vmem>>
      %dma_wait3A_226 = tpu.memref_slice %arg3[%add3A_76] : memref<50000xi32, #tpu.memory_space<hbm>> -> memref<64xi32, #tpu.memory_space<hbm>>
      %dma_wait3A_227 = arith.constant 0 : i32
      %dma_wait3A_228 = tpu.memref_slice %arg13[%dma_wait3A_227] : memref<64xi32, #tpu.memory_space<vmem>> -> memref<64xi32, #tpu.memory_space<vmem>>
      %dma_wait3A_229 = tpu.memref_slice %arg3[%add3A_76] : memref<50000xi32, #tpu.memory_space<hbm>> -> memref<64xi32, #tpu.memory_space<hbm>>
      tpu.wait_dma2 semaphore(%arg34 : memref<!tpu.dma_semaphore, #tpu.memory_space<semaphore_mem>>) src(%dma_wait3A_229 : memref<64xi32, #tpu.memory_space<hbm>>) dst(%dma_wait3A_228 : memref<64xi32, #tpu.memory_space<vmem>>)
      %dma_wait3A_230 = arith.constant 0 : i32
      %dma_wait3A_231 = tpu.memref_slice %arg14[%dma_wait3A_230] : memref<64xi32, #tpu.memory_space<vmem>> -> memref<64xi32, #tpu.memory_space<vmem>>
      %dma_wait3A_232 = tpu.memref_slice %arg3[%add3A_81] : memref<50000xi32, #tpu.memory_space<hbm>> -> memref<64xi32, #tpu.memory_space<hbm>>
      %dma_wait3A_233 = arith.constant 0 : i32
      %dma_wait3A_234 = tpu.memref_slice %arg14[%dma_wait3A_233] : memref<64xi32, #tpu.memory_space<vmem>> -> memref<64xi32, #tpu.memory_space<vmem>>
      %dma_wait3A_235 = tpu.memref_slice %arg3[%add3A_81] : memref<50000xi32, #tpu.memory_space<hbm>> -> memref<64xi32, #tpu.memory_space<hbm>>
      tpu.wait_dma2 semaphore(%arg34 : memref<!tpu.dma_semaphore, #tpu.memory_space<semaphore_mem>>) src(%dma_wait3A_235 : memref<64xi32, #tpu.memory_space<hbm>>) dst(%dma_wait3A_234 : memref<64xi32, #tpu.memory_space<vmem>>)
      %get3A = arith.constant 0 : index
      %get3A_236 = tpu.vector_load %arg11[%get3A] {strides = array<i32>} : memref<64xi32, #tpu.memory_space<vmem>>, vector<16xi32>,
      %get3A_237 = vector.shape_cast %get3A_236 : vector<16xi32> to vector<16xi32>
      %mul3A_238 = arith.constant 4 : i32
      %mul3A_239 = vector.broadcast %mul3A_238 : i32 to vector<16xi32>
      %mul3A_240 = arith.muli %get3A_237, %mul3A_239 : vector<16xi32>
      %add3A_241 = arith.addi %mul3A_240, %rem3A_14 : vector<16xi32>
      %swap3A = arith.constant 0 : index
      %swap3A_242 = tpu.vector_load %arg11[%swap3A] {strides = array<i32>} : memref<64xi32, #tpu.memory_space<vmem>>, vector<16xi32>,
      %swap3A_243 = vector.shape_cast %swap3A_242 : vector<16xi32> to vector<16xi32>
      %swap3A_244 = vector.shape_cast %add3A_241 : vector<16xi32> to vector<16xi32>
      tpu.vector_store %arg11[%swap3A], %swap3A_244 {strides = array<i32>} : memref<64xi32, #tpu.memory_space<vmem>>, vector<16xi32>,
      %get3A_245 = arith.constant 16 : index
      %get3A_246 = tpu.vector_load %arg11[%get3A_245] {strides = array<i32>} : memref<64xi32, #tpu.memory_space<vmem>>, vector<16xi32>,
      %get3A_247 = vector.shape_cast %get3A_246 : vector<16xi32> to vector<16xi32>
      %mul3A_248 = arith.constant 4 : i32
      %mul3A_249 = vector.broadcast %mul3A_248 : i32 to vector<16xi32>
      %mul3A_250 = arith.muli %get3A_247, %mul3A_249 : vector<16xi32>
      %add3A_251 = arith.addi %mul3A_250, %rem3A_14 : vector<16xi32>
      %swap3A_252 = arith.constant 16 : index
      %swap3A_253 = tpu.vector_load %arg11[%swap3A_252] {strides = array<i32>} : memref<64xi32, #tpu.memory_space<vmem>>, vector<16xi32>,
      %swap3A_254 = vector.shape_cast %swap3A_253 : vector<16xi32> to vector<16xi32>
      %swap3A_255 = vector.shape_cast %add3A_251 : vector<16xi32> to vector<16xi32>
      tpu.vector_store %arg11[%swap3A_252], %swap3A_255 {strides = array<i32>} : memref<64xi32, #tpu.memory_space<vmem>>, vector<16xi32>,
      %get3A_256 = arith.constant 32 : index
      %get3A_257 = tpu.vector_load %arg11[%get3A_256] {strides = array<i32>} : memref<64xi32, #tpu.memory_space<vmem>>, vector<16xi32>,
      %get3A_258 = vector.shape_cast %get3A_257 : vector<16xi32> to vector<16xi32>
      %mul3A_259 = arith.constant 4 : i32
      %mul3A_260 = vector.broadcast %mul3A_259 : i32 to vector<16xi32>
      %mul3A_261 = arith.muli %get3A_258, %mul3A_260 : vector<16xi32>
      %add3A_262 = arith.addi %mul3A_261, %rem3A_14 : vector<16xi32>
      %swap3A_263 = arith.constant 32 : index
      %swap3A_264 = tpu.vector_load %arg11[%swap3A_263] {strides = array<i32>} : memref<64xi32, #tpu.memory_space<vmem>>, vector<16xi32>,
      %swap3A_265 = vector.shape_cast %swap3A_264 : vector<16xi32> to vector<16xi32>
      %swap3A_266 = vector.shape_cast %add3A_262 : vector<16xi32> to vector<16xi32>
      tpu.vector_store %arg11[%swap3A_263], %swap3A_266 {strides = array<i32>} : memref<64xi32, #tpu.memory_space<vmem>>, vector<16xi32>,
      %get3A_267 = arith.constant 48 : index
      %get3A_268 = tpu.vector_load %arg11[%get3A_267] {strides = array<i32>} : memref<64xi32, #tpu.memory_space<vmem>>, vector<16xi32>,
      %get3A_269 = vector.shape_cast %get3A_268 : vector<16xi32> to vector<16xi32>
      %mul3A_270 = arith.constant 4 : i32
      %mul3A_271 = vector.broadcast %mul3A_270 : i32 to vector<16xi32>
      %mul3A_272 = arith.muli %get3A_269, %mul3A_271 : vector<16xi32>
      %add3A_273 = arith.addi %mul3A_272, %rem3A_14 : vector<16xi32>
      %swap3A_274 = arith.constant 48 : index
      %swap3A_275 = tpu.vector_load %arg11[%swap3A_274] {strides = array<i32>} : memref<64xi32, #tpu.memory_space<vmem>>, vector<16xi32>,
      %swap3A_276 = vector.shape_cast %swap3A_275 : vector<16xi32> to vector<16xi32>
      %swap3A_277 = vector.shape_cast %add3A_273 : vector<16xi32> to vector<16xi32>
      tpu.vector_store %arg11[%swap3A_274], %swap3A_277 {strides = array<i32>} : memref<64xi32, #tpu.memory_space<vmem>>, vector<16xi32>,
      %dma_start3A_278 = arith.constant 0 : i32
      %dma_start3A_279 = arith.constant 0 : i32
      %dma_start3A_280 = tpu.memref_slice %arg36[%dma_start3A_278, %dma_start3A_279] : memref<1024x64xf32, #tpu.memory_space<vmem_shared>> -> memref<1024x64xf32, #tpu.memory_space<vmem_shared>>
      tpu.enqueue_indirect_dma source(%arg19 : memref<64x64xf32, #tpu.memory_space<vmem>>) target(%dma_start3A_280 : memref<1024x64xf32, #tpu.memory_space<vmem_shared>>) offsets(%arg11 : memref<64xi32, #tpu.memory_space<vmem>>) semaphore(%arg32 : memref<!tpu.dma_semaphore, #tpu.memory_space<semaphore_mem>>) {add = true}
      %dma_start3A_281 = arith.constant 0 : i32
      %dma_start3A_282 = arith.constant 0 : i32
      %dma_start3A_283 = tpu.memref_slice %arg37[%dma_start3A_281, %dma_start3A_282] : memref<1024x8xf32, #tpu.memory_space<vmem_shared>> -> memref<1024x8xf32, #tpu.memory_space<vmem_shared>>
      tpu.enqueue_indirect_dma source(%arg27 : memref<64x8xf32, #tpu.memory_space<vmem>>) target(%dma_start3A_283 : memref<1024x8xf32, #tpu.memory_space<vmem_shared>>) offsets(%arg11 : memref<64xi32, #tpu.memory_space<vmem>>) semaphore(%arg32 : memref<!tpu.dma_semaphore, #tpu.memory_space<semaphore_mem>>) {add = true}
      %get3A_284 = arith.constant 0 : index
      %get3A_285 = tpu.vector_load %arg12[%get3A_284] {strides = array<i32>} : memref<64xi32, #tpu.memory_space<vmem>>, vector<16xi32>,
      %get3A_286 = vector.shape_cast %get3A_285 : vector<16xi32> to vector<16xi32>
      %mul3A_287 = arith.constant 4 : i32
      %mul3A_288 = vector.broadcast %mul3A_287 : i32 to vector<16xi32>
      %mul3A_289 = arith.muli %get3A_286, %mul3A_288 : vector<16xi32>
      %add3A_290 = arith.addi %mul3A_289, %rem3A_14 : vector<16xi32>
      %swap3A_291 = arith.constant 0 : index
      %swap3A_292 = tpu.vector_load %arg12[%swap3A_291] {strides = array<i32>} : memref<64xi32, #tpu.memory_space<vmem>>, vector<16xi32>,
      %swap3A_293 = vector.shape_cast %swap3A_292 : vector<16xi32> to vector<16xi32>
      %swap3A_294 = vector.shape_cast %add3A_290 : vector<16xi32> to vector<16xi32>
      tpu.vector_store %arg12[%swap3A_291], %swap3A_294 {strides = array<i32>} : memref<64xi32, #tpu.memory_space<vmem>>, vector<16xi32>,
      %get3A_295 = arith.constant 16 : index
      %get3A_296 = tpu.vector_load %arg12[%get3A_295] {strides = array<i32>} : memref<64xi32, #tpu.memory_space<vmem>>, vector<16xi32>,
      %get3A_297 = vector.shape_cast %get3A_296 : vector<16xi32> to vector<16xi32>
      %mul3A_298 = arith.constant 4 : i32
      %mul3A_299 = vector.broadcast %mul3A_298 : i32 to vector<16xi32>
      %mul3A_300 = arith.muli %get3A_297, %mul3A_299 : vector<16xi32>
      %add3A_301 = arith.addi %mul3A_300, %rem3A_14 : vector<16xi32>
      %swap3A_302 = arith.constant 16 : index
      %swap3A_303 = tpu.vector_load %arg12[%swap3A_302] {strides = array<i32>} : memref<64xi32, #tpu.memory_space<vmem>>, vector<16xi32>,
      %swap3A_304 = vector.shape_cast %swap3A_303 : vector<16xi32> to vector<16xi32>
      %swap3A_305 = vector.shape_cast %add3A_301 : vector<16xi32> to vector<16xi32>
      tpu.vector_store %arg12[%swap3A_302], %swap3A_305 {strides = array<i32>} : memref<64xi32, #tpu.memory_space<vmem>>, vector<16xi32>,
      %get3A_306 = arith.constant 32 : index
      %get3A_307 = tpu.vector_load %arg12[%get3A_306] {strides = array<i32>} : memref<64xi32, #tpu.memory_space<vmem>>, vector<16xi32>,
      %get3A_308 = vector.shape_cast %get3A_307 : vector<16xi32> to vector<16xi32>
      %mul3A_309 = arith.constant 4 : i32
      %mul3A_310 = vector.broadcast %mul3A_309 : i32 to vector<16xi32>
      %mul3A_311 = arith.muli %get3A_308, %mul3A_310 : vector<16xi32>
      %add3A_312 = arith.addi %mul3A_311, %rem3A_14 : vector<16xi32>
      %swap3A_313 = arith.constant 32 : index
      %swap3A_314 = tpu.vector_load %arg12[%swap3A_313] {strides = array<i32>} : memref<64xi32, #tpu.memory_space<vmem>>, vector<16xi32>,
      %swap3A_315 = vector.shape_cast %swap3A_314 : vector<16xi32> to vector<16xi32>
      %swap3A_316 = vector.shape_cast %add3A_312 : vector<16xi32> to vector<16xi32>
      tpu.vector_store %arg12[%swap3A_313], %swap3A_316 {strides = array<i32>} : memref<64xi32, #tpu.memory_space<vmem>>, vector<16xi32>,
      %get3A_317 = arith.constant 48 : index
      %get3A_318 = tpu.vector_load %arg12[%get3A_317] {strides = array<i32>} : memref<64xi32, #tpu.memory_space<vmem>>, vector<16xi32>,
      %get3A_319 = vector.shape_cast %get3A_318 : vector<16xi32> to vector<16xi32>
      %mul3A_320 = arith.constant 4 : i32
      %mul3A_321 = vector.broadcast %mul3A_320 : i32 to vector<16xi32>
      %mul3A_322 = arith.muli %get3A_319, %mul3A_321 : vector<16xi32>
      %add3A_323 = arith.addi %mul3A_322, %rem3A_14 : vector<16xi32>
      %swap3A_324 = arith.constant 48 : index
      %swap3A_325 = tpu.vector_load %arg12[%swap3A_324] {strides = array<i32>} : memref<64xi32, #tpu.memory_space<vmem>>, vector<16xi32>,
      %swap3A_326 = vector.shape_cast %swap3A_325 : vector<16xi32> to vector<16xi32>
      %swap3A_327 = vector.shape_cast %add3A_323 : vector<16xi32> to vector<16xi32>
      tpu.vector_store %arg12[%swap3A_324], %swap3A_327 {strides = array<i32>} : memref<64xi32, #tpu.memory_space<vmem>>, vector<16xi32>,
      %dma_start3A_328 = arith.constant 0 : i32
      %dma_start3A_329 = arith.constant 0 : i32
      %dma_start3A_330 = tpu.memref_slice %arg36[%dma_start3A_328, %dma_start3A_329] : memref<1024x64xf32, #tpu.memory_space<vmem_shared>> -> memref<1024x64xf32, #tpu.memory_space<vmem_shared>>
      tpu.enqueue_indirect_dma source(%arg20 : memref<64x64xf32, #tpu.memory_space<vmem>>) target(%dma_start3A_330 : memref<1024x64xf32, #tpu.memory_space<vmem_shared>>) offsets(%arg12 : memref<64xi32, #tpu.memory_space<vmem>>) semaphore(%arg32 : memref<!tpu.dma_semaphore, #tpu.memory_space<semaphore_mem>>) {add = true}
      %dma_start3A_331 = arith.constant 0 : i32
      %dma_start3A_332 = arith.constant 0 : i32
      %dma_start3A_333 = tpu.memref_slice %arg37[%dma_start3A_331, %dma_start3A_332] : memref<1024x8xf32, #tpu.memory_space<vmem_shared>> -> memref<1024x8xf32, #tpu.memory_space<vmem_shared>>
      tpu.enqueue_indirect_dma source(%arg27 : memref<64x8xf32, #tpu.memory_space<vmem>>) target(%dma_start3A_333 : memref<1024x8xf32, #tpu.memory_space<vmem_shared>>) offsets(%arg12 : memref<64xi32, #tpu.memory_space<vmem>>) semaphore(%arg32 : memref<!tpu.dma_semaphore, #tpu.memory_space<semaphore_mem>>) {add = true}
      %get3A_334 = arith.constant 0 : index
      %get3A_335 = tpu.vector_load %arg13[%get3A_334] {strides = array<i32>} : memref<64xi32, #tpu.memory_space<vmem>>, vector<16xi32>,
      %get3A_336 = vector.shape_cast %get3A_335 : vector<16xi32> to vector<16xi32>
      %mul3A_337 = arith.constant 4 : i32
      %mul3A_338 = vector.broadcast %mul3A_337 : i32 to vector<16xi32>
      %mul3A_339 = arith.muli %get3A_336, %mul3A_338 : vector<16xi32>
      %add3A_340 = arith.addi %mul3A_339, %rem3A_14 : vector<16xi32>
      %swap3A_341 = arith.constant 0 : index
      %swap3A_342 = tpu.vector_load %arg13[%swap3A_341] {strides = array<i32>} : memref<64xi32, #tpu.memory_space<vmem>>, vector<16xi32>,
      %swap3A_343 = vector.shape_cast %swap3A_342 : vector<16xi32> to vector<16xi32>
      %swap3A_344 = vector.shape_cast %add3A_340 : vector<16xi32> to vector<16xi32>
      tpu.vector_store %arg13[%swap3A_341], %swap3A_344 {strides = array<i32>} : memref<64xi32, #tpu.memory_space<vmem>>, vector<16xi32>,
      %get3A_345 = arith.constant 16 : index
      %get3A_346 = tpu.vector_load %arg13[%get3A_345] {strides = array<i32>} : memref<64xi32, #tpu.memory_space<vmem>>, vector<16xi32>,
      %get3A_347 = vector.shape_cast %get3A_346 : vector<16xi32> to vector<16xi32>
      %mul3A_348 = arith.constant 4 : i32
      %mul3A_349 = vector.broadcast %mul3A_348 : i32 to vector<16xi32>
      %mul3A_350 = arith.muli %get3A_347, %mul3A_349 : vector<16xi32>
      %add3A_351 = arith.addi %mul3A_350, %rem3A_14 : vector<16xi32>
      %swap3A_352 = arith.constant 16 : index
      %swap3A_353 = tpu.vector_load %arg13[%swap3A_352] {strides = array<i32>} : memref<64xi32, #tpu.memory_space<vmem>>, vector<16xi32>,
      %swap3A_354 = vector.shape_cast %swap3A_353 : vector<16xi32> to vector<16xi32>
      %swap3A_355 = vector.shape_cast %add3A_351 : vector<16xi32> to vector<16xi32>
      tpu.vector_store %arg13[%swap3A_352], %swap3A_355 {strides = array<i32>} : memref<64xi32, #tpu.memory_space<vmem>>, vector<16xi32>,
      %get3A_356 = arith.constant 32 : index
      %get3A_357 = tpu.vector_load %arg13[%get3A_356] {strides = array<i32>} : memref<64xi32, #tpu.memory_space<vmem>>, vector<16xi32>,
      %get3A_358 = vector.shape_cast %get3A_357 : vector<16xi32> to vector<16xi32>
      %mul3A_359 = arith.constant 4 : i32
      %mul3A_360 = vector.broadcast %mul3A_359 : i32 to vector<16xi32>
      %mul3A_361 = arith.muli %get3A_358, %mul3A_360 : vector<16xi32>
      %add3A_362 = arith.addi %mul3A_361, %rem3A_14 : vector<16xi32>
      %swap3A_363 = arith.constant 32 : index
      %swap3A_364 = tpu.vector_load %arg13[%swap3A_363] {strides = array<i32>} : memref<64xi32, #tpu.memory_space<vmem>>, vector<16xi32>,
      %swap3A_365 = vector.shape_cast %swap3A_364 : vector<16xi32> to vector<16xi32>
      %swap3A_366 = vector.shape_cast %add3A_362 : vector<16xi32> to vector<16xi32>
      tpu.vector_store %arg13[%swap3A_363], %swap3A_366 {strides = array<i32>} : memref<64xi32, #tpu.memory_space<vmem>>, vector<16xi32>,
      %get3A_367 = arith.constant 48 : index
      %get3A_368 = tpu.vector_load %arg13[%get3A_367] {strides = array<i32>} : memref<64xi32, #tpu.memory_space<vmem>>, vector<16xi32>,
      %get3A_369 = vector.shape_cast %get3A_368 : vector<16xi32> to vector<16xi32>
      %mul3A_370 = arith.constant 4 : i32
      %mul3A_371 = vector.broadcast %mul3A_370 : i32 to vector<16xi32>
      %mul3A_372 = arith.muli %get3A_369, %mul3A_371 : vector<16xi32>
      %add3A_373 = arith.addi %mul3A_372, %rem3A_14 : vector<16xi32>
      %swap3A_374 = arith.constant 48 : index
      %swap3A_375 = tpu.vector_load %arg13[%swap3A_374] {strides = array<i32>} : memref<64xi32, #tpu.memory_space<vmem>>, vector<16xi32>,
      %swap3A_376 = vector.shape_cast %swap3A_375 : vector<16xi32> to vector<16xi32>
      %swap3A_377 = vector.shape_cast %add3A_373 : vector<16xi32> to vector<16xi32>
      tpu.vector_store %arg13[%swap3A_374], %swap3A_377 {strides = array<i32>} : memref<64xi32, #tpu.memory_space<vmem>>, vector<16xi32>,
      %dma_start3A_378 = arith.constant 0 : i32
      %dma_start3A_379 = arith.constant 0 : i32
      %dma_start3A_380 = tpu.memref_slice %arg36[%dma_start3A_378, %dma_start3A_379] : memref<1024x64xf32, #tpu.memory_space<vmem_shared>> -> memref<1024x64xf32, #tpu.memory_space<vmem_shared>>
      tpu.enqueue_indirect_dma source(%arg21 : memref<64x64xf32, #tpu.memory_space<vmem>>) target(%dma_start3A_380 : memref<1024x64xf32, #tpu.memory_space<vmem_shared>>) offsets(%arg13 : memref<64xi32, #tpu.memory_space<vmem>>) semaphore(%arg32 : memref<!tpu.dma_semaphore, #tpu.memory_space<semaphore_mem>>) {add = true}
      %dma_start3A_381 = arith.constant 0 : i32
      %dma_start3A_382 = arith.constant 0 : i32
      %dma_start3A_383 = tpu.memref_slice %arg37[%dma_start3A_381, %dma_start3A_382] : memref<1024x8xf32, #tpu.memory_space<vmem_shared>> -> memref<1024x8xf32, #tpu.memory_space<vmem_shared>>
      tpu.enqueue_indirect_dma source(%arg27 : memref<64x8xf32, #tpu.memory_space<vmem>>) target(%dma_start3A_383 : memref<1024x8xf32, #tpu.memory_space<vmem_shared>>) offsets(%arg13 : memref<64xi32, #tpu.memory_space<vmem>>) semaphore(%arg32 : memref<!tpu.dma_semaphore, #tpu.memory_space<semaphore_mem>>) {add = true}
      %get3A_384 = arith.constant 0 : index
      %get3A_385 = tpu.vector_load %arg14[%get3A_384] {strides = array<i32>} : memref<64xi32, #tpu.memory_space<vmem>>, vector<16xi32>,
      %get3A_386 = vector.shape_cast %get3A_385 : vector<16xi32> to vector<16xi32>
      %mul3A_387 = arith.constant 4 : i32
      %mul3A_388 = vector.broadcast %mul3A_387 : i32 to vector<16xi32>
      %mul3A_389 = arith.muli %get3A_386, %mul3A_388 : vector<16xi32>
      %add3A_390 = arith.addi %mul3A_389, %rem3A_14 : vector<16xi32>
      %swap3A_391 = arith.constant 0 : index
      %swap3A_392 = tpu.vector_load %arg14[%swap3A_391] {strides = array<i32>} : memref<64xi32, #tpu.memory_space<vmem>>, vector<16xi32>,
      %swap3A_393 = vector.shape_cast %swap3A_392 : vector<16xi32> to vector<16xi32>
      %swap3A_394 = vector.shape_cast %add3A_390 : vector<16xi32> to vector<16xi32>
      tpu.vector_store %arg14[%swap3A_391], %swap3A_394 {strides = array<i32>} : memref<64xi32, #tpu.memory_space<vmem>>, vector<16xi32>,
      %get3A_395 = arith.constant 16 : index
      %get3A_396 = tpu.vector_load %arg14[%get3A_395] {strides = array<i32>} : memref<64xi32, #tpu.memory_space<vmem>>, vector<16xi32>,
      %get3A_397 = vector.shape_cast %get3A_396 : vector<16xi32> to vector<16xi32>
      %mul3A_398 = arith.constant 4 : i32
      %mul3A_399 = vector.broadcast %mul3A_398 : i32 to vector<16xi32>
      %mul3A_400 = arith.muli %get3A_397, %mul3A_399 : vector<16xi32>
      %add3A_401 = arith.addi %mul3A_400, %rem3A_14 : vector<16xi32>
      %swap3A_402 = arith.constant 16 : index
      %swap3A_403 = tpu.vector_load %arg14[%swap3A_402] {strides = array<i32>} : memref<64xi32, #tpu.memory_space<vmem>>, vector<16xi32>,
      %swap3A_404 = vector.shape_cast %swap3A_403 : vector<16xi32> to vector<16xi32>
      %swap3A_405 = vector.shape_cast %add3A_401 : vector<16xi32> to vector<16xi32>
      tpu.vector_store %arg14[%swap3A_402], %swap3A_405 {strides = array<i32>} : memref<64xi32, #tpu.memory_space<vmem>>, vector<16xi32>,
      %get3A_406 = arith.constant 32 : index
      %get3A_407 = tpu.vector_load %arg14[%get3A_406] {strides = array<i32>} : memref<64xi32, #tpu.memory_space<vmem>>, vector<16xi32>,
      %get3A_408 = vector.shape_cast %get3A_407 : vector<16xi32> to vector<16xi32>
      %mul3A_409 = arith.constant 4 : i32
      %mul3A_410 = vector.broadcast %mul3A_409 : i32 to vector<16xi32>
      %mul3A_411 = arith.muli %get3A_408, %mul3A_410 : vector<16xi32>
      %add3A_412 = arith.addi %mul3A_411, %rem3A_14 : vector<16xi32>
      %swap3A_413 = arith.constant 32 : index
      %swap3A_414 = tpu.vector_load %arg14[%swap3A_413] {strides = array<i32>} : memref<64xi32, #tpu.memory_space<vmem>>, vector<16xi32>,
      %swap3A_415 = vector.shape_cast %swap3A_414 : vector<16xi32> to vector<16xi32>
      %swap3A_416 = vector.shape_cast %add3A_412 : vector<16xi32> to vector<16xi32>
      tpu.vector_store %arg14[%swap3A_413], %swap3A_416 {strides = array<i32>} : memref<64xi32, #tpu.memory_space<vmem>>, vector<16xi32>,
      %get3A_417 = arith.constant 48 : index
      %get3A_418 = tpu.vector_load %arg14[%get3A_417] {strides = array<i32>} : memref<64xi32, #tpu.memory_space<vmem>>, vector<16xi32>,
      %get3A_419 = vector.shape_cast %get3A_418 : vector<16xi32> to vector<16xi32>
      %mul3A_420 = arith.constant 4 : i32
      %mul3A_421 = vector.broadcast %mul3A_420 : i32 to vector<16xi32>
      %mul3A_422 = arith.muli %get3A_419, %mul3A_421 : vector<16xi32>
      %add3A_423 = arith.addi %mul3A_422, %rem3A_14 : vector<16xi32>
      %swap3A_424 = arith.constant 48 : index
      %swap3A_425 = tpu.vector_load %arg14[%swap3A_424] {strides = array<i32>} : memref<64xi32, #tpu.memory_space<vmem>>, vector<16xi32>,
      %swap3A_426 = vector.shape_cast %swap3A_425 : vector<16xi32> to vector<16xi32>
      %swap3A_427 = vector.shape_cast %add3A_423 : vector<16xi32> to vector<16xi32>
      tpu.vector_store %arg14[%swap3A_424], %swap3A_427 {strides = array<i32>} : memref<64xi32, #tpu.memory_space<vmem>>, vector<16xi32>,
      %dma_start3A_428 = arith.constant 0 : i32
      %dma_start3A_429 = arith.constant 0 : i32
      %dma_start3A_430 = tpu.memref_slice %arg36[%dma_start3A_428, %dma_start3A_429] : memref<1024x64xf32, #tpu.memory_space<vmem_shared>> -> memref<1024x64xf32, #tpu.memory_space<vmem_shared>>
      tpu.enqueue_indirect_dma source(%arg22 : memref<64x64xf32, #tpu.memory_space<vmem>>) target(%dma_start3A_430 : memref<1024x64xf32, #tpu.memory_space<vmem_shared>>) offsets(%arg14 : memref<64xi32, #tpu.memory_space<vmem>>) semaphore(%arg32 : memref<!tpu.dma_semaphore, #tpu.memory_space<semaphore_mem>>) {add = true}
      %dma_start3A_431 = arith.constant 0 : i32
      %dma_start3A_432 = arith.constant 0 : i32
      %dma_start3A_433 = tpu.memref_slice %arg37[%dma_start3A_431, %dma_start3A_432] : memref<1024x8xf32, #tpu.memory_space<vmem_shared>> -> memref<1024x8xf32, #tpu.memory_space<vmem_shared>>
      tpu.enqueue_indirect_dma source(%arg27 : memref<64x8xf32, #tpu.memory_space<vmem>>) target(%dma_start3A_433 : memref<1024x8xf32, #tpu.memory_space<vmem_shared>>) offsets(%arg14 : memref<64xi32, #tpu.memory_space<vmem>>) semaphore(%arg32 : memref<!tpu.dma_semaphore, #tpu.memory_space<semaphore_mem>>) {add = true}
      %dma_wait3A_434 = tpu.memref_slice %arg10[%mul3A_174] : memref<1600xi32, #tpu.memory_space<vmem>> -> memref<64xi32, #tpu.memory_space<vmem>>
      %dma_wait3A_435 = arith.constant 0 : i32
      %dma_wait3A_436 = arith.constant 0 : i32
      %dma_wait3A_437 = tpu.memref_slice %arg38[%dma_wait3A_435, %dma_wait3A_436] : memref<10000x64xf32, #tpu.memory_space<vmem_shared>> -> memref<10000x64xf32, #tpu.memory_space<vmem_shared>>
      tpu.wait_indirect_dma semaphore(%arg31 : memref<!tpu.dma_semaphore, #tpu.memory_space<semaphore_mem>>) src(%dma_wait3A_437 : memref<10000x64xf32, #tpu.memory_space<vmem_shared>>) dst(%arg23 : memref<64x64xf32, #tpu.memory_space<vmem>>)
      %dma_wait3A_438 = tpu.memref_slice %arg10[%mul3A_180] : memref<1600xi32, #tpu.memory_space<vmem>> -> memref<64xi32, #tpu.memory_space<vmem>>
      %dma_wait3A_439 = arith.constant 0 : i32
      %dma_wait3A_440 = arith.constant 0 : i32
      %dma_wait3A_441 = tpu.memref_slice %arg38[%dma_wait3A_439, %dma_wait3A_440] : memref<10000x64xf32, #tpu.memory_space<vmem_shared>> -> memref<10000x64xf32, #tpu.memory_space<vmem_shared>>
      tpu.wait_indirect_dma semaphore(%arg31 : memref<!tpu.dma_semaphore, #tpu.memory_space<semaphore_mem>>) src(%dma_wait3A_441 : memref<10000x64xf32, #tpu.memory_space<vmem_shared>>) dst(%arg24 : memref<64x64xf32, #tpu.memory_space<vmem>>)
      %dma_wait3A_442 = tpu.memref_slice %arg10[%mul3A_186] : memref<1600xi32, #tpu.memory_space<vmem>> -> memref<64xi32, #tpu.memory_space<vmem>>
      %dma_wait3A_443 = arith.constant 0 : i32
      %dma_wait3A_444 = arith.constant 0 : i32
      %dma_wait3A_445 = tpu.memref_slice %arg38[%dma_wait3A_443, %dma_wait3A_444] : memref<10000x64xf32, #tpu.memory_space<vmem_shared>> -> memref<10000x64xf32, #tpu.memory_space<vmem_shared>>
      tpu.wait_indirect_dma semaphore(%arg31 : memref<!tpu.dma_semaphore, #tpu.memory_space<semaphore_mem>>) src(%dma_wait3A_445 : memref<10000x64xf32, #tpu.memory_space<vmem_shared>>) dst(%arg25 : memref<64x64xf32, #tpu.memory_space<vmem>>)
      %dma_wait3A_446 = tpu.memref_slice %arg10[%mul3A_192] : memref<1600xi32, #tpu.memory_space<vmem>> -> memref<64xi32, #tpu.memory_space<vmem>>
      %dma_wait3A_447 = arith.constant 0 : i32
      %dma_wait3A_448 = arith.constant 0 : i32
      %dma_wait3A_449 = tpu.memref_slice %arg38[%dma_wait3A_447, %dma_wait3A_448] : memref<10000x64xf32, #tpu.memory_space<vmem_shared>> -> memref<10000x64xf32, #tpu.memory_space<vmem_shared>>
      tpu.wait_indirect_dma semaphore(%arg31 : memref<!tpu.dma_semaphore, #tpu.memory_space<semaphore_mem>>) src(%dma_wait3A_449 : memref<10000x64xf32, #tpu.memory_space<vmem_shared>>) dst(%arg26 : memref<64x64xf32, #tpu.memory_space<vmem>>)
      %dma_wait3A_450 = arith.constant 0 : i32
      %dma_wait3A_451 = tpu.memref_slice %arg15[%dma_wait3A_450] : memref<64xi32, #tpu.memory_space<vmem>> -> memref<64xi32, #tpu.memory_space<vmem>>
      %dma_wait3A_452 = tpu.memref_slice %arg3[%add3A_86] : memref<50000xi32, #tpu.memory_space<hbm>> -> memref<64xi32, #tpu.memory_space<hbm>>
      %dma_wait3A_453 = arith.constant 0 : i32
      %dma_wait3A_454 = tpu.memref_slice %arg15[%dma_wait3A_453] : memref<64xi32, #tpu.memory_space<vmem>> -> memref<64xi32, #tpu.memory_space<vmem>>
      %dma_wait3A_455 = tpu.memref_slice %arg3[%add3A_86] : memref<50000xi32, #tpu.memory_space<hbm>> -> memref<64xi32, #tpu.memory_space<hbm>>
      tpu.wait_dma2 semaphore(%arg35 : memref<!tpu.dma_semaphore, #tpu.memory_space<semaphore_mem>>) src(%dma_wait3A_455 : memref<64xi32, #tpu.memory_space<hbm>>) dst(%dma_wait3A_454 : memref<64xi32, #tpu.memory_space<vmem>>)
      %dma_wait3A_456 = arith.constant 0 : i32
      %dma_wait3A_457 = tpu.memref_slice %arg16[%dma_wait3A_456] : memref<64xi32, #tpu.memory_space<vmem>> -> memref<64xi32, #tpu.memory_space<vmem>>
      %dma_wait3A_458 = tpu.memref_slice %arg3[%add3A_91] : memref<50000xi32, #tpu.memory_space<hbm>> -> memref<64xi32, #tpu.memory_space<hbm>>
      %dma_wait3A_459 = arith.constant 0 : i32
      %dma_wait3A_460 = tpu.memref_slice %arg16[%dma_wait3A_459] : memref<64xi32, #tpu.memory_space<vmem>> -> memref<64xi32, #tpu.memory_space<vmem>>
      %dma_wait3A_461 = tpu.memref_slice %arg3[%add3A_91] : memref<50000xi32, #tpu.memory_space<hbm>> -> memref<64xi32, #tpu.memory_space<hbm>>
      tpu.wait_dma2 semaphore(%arg35 : memref<!tpu.dma_semaphore, #tpu.memory_space<semaphore_mem>>) src(%dma_wait3A_461 : memref<64xi32, #tpu.memory_space<hbm>>) dst(%dma_wait3A_460 : memref<64xi32, #tpu.memory_space<vmem>>)
      %dma_wait3A_462 = arith.constant 0 : i32
      %dma_wait3A_463 = tpu.memref_slice %arg17[%dma_wait3A_462] : memref<64xi32, #tpu.memory_space<vmem>> -> memref<64xi32, #tpu.memory_space<vmem>>
      %dma_wait3A_464 = tpu.memref_slice %arg3[%add3A_96] : memref<50000xi32, #tpu.memory_space<hbm>> -> memref<64xi32, #tpu.memory_space<hbm>>
      %dma_wait3A_465 = arith.constant 0 : i32
      %dma_wait3A_466 = tpu.memref_slice %arg17[%dma_wait3A_465] : memref<64xi32, #tpu.memory_space<vmem>> -> memref<64xi32, #tpu.memory_space<vmem>>
      %dma_wait3A_467 = tpu.memref_slice %arg3[%add3A_96] : memref<50000xi32, #tpu.memory_space<hbm>> -> memref<64xi32, #tpu.memory_space<hbm>>
      tpu.wait_dma2 semaphore(%arg35 : memref<!tpu.dma_semaphore, #tpu.memory_space<semaphore_mem>>) src(%dma_wait3A_467 : memref<64xi32, #tpu.memory_space<hbm>>) dst(%dma_wait3A_466 : memref<64xi32, #tpu.memory_space<vmem>>)
      %dma_wait3A_468 = arith.constant 0 : i32
      %dma_wait3A_469 = tpu.memref_slice %arg18[%dma_wait3A_468] : memref<64xi32, #tpu.memory_space<vmem>> -> memref<64xi32, #tpu.memory_space<vmem>>
      %dma_wait3A_470 = tpu.memref_slice %arg3[%add3A_101] : memref<50000xi32, #tpu.memory_space<hbm>> -> memref<64xi32, #tpu.memory_space<hbm>>
      %dma_wait3A_471 = arith.constant 0 : i32
      %dma_wait3A_472 = tpu.memref_slice %arg18[%dma_wait3A_471] : memref<64xi32, #tpu.memory_space<vmem>> -> memref<64xi32, #tpu.memory_space<vmem>>
      %dma_wait3A_473 = tpu.memref_slice %arg3[%add3A_101] : memref<50000xi32, #tpu.memory_space<hbm>> -> memref<64xi32, #tpu.memory_space<hbm>>
      tpu.wait_dma2 semaphore(%arg35 : memref<!tpu.dma_semaphore, #tpu.memory_space<semaphore_mem>>) src(%dma_wait3A_473 : memref<64xi32, #tpu.memory_space<hbm>>) dst(%dma_wait3A_472 : memref<64xi32, #tpu.memory_space<vmem>>)
      %get3A_474 = arith.constant 0 : index
      %get3A_475 = tpu.vector_load %arg15[%get3A_474] {strides = array<i32>} : memref<64xi32, #tpu.memory_space<vmem>>, vector<16xi32>,
      %get3A_476 = vector.shape_cast %get3A_475 : vector<16xi32> to vector<16xi32>
      %mul3A_477 = arith.constant 4 : i32
      %mul3A_478 = vector.broadcast %mul3A_477 : i32 to vector<16xi32>
      %mul3A_479 = arith.muli %get3A_476, %mul3A_478 : vector<16xi32>
      %add3A_480 = arith.addi %mul3A_479, %rem3A_14 : vector<16xi32>
      %swap3A_481 = arith.constant 0 : index
      %swap3A_482 = tpu.vector_load %arg15[%swap3A_481] {strides = array<i32>} : memref<64xi32, #tpu.memory_space<vmem>>, vector<16xi32>,
      %swap3A_483 = vector.shape_cast %swap3A_482 : vector<16xi32> to vector<16xi32>
      %swap3A_484 = vector.shape_cast %add3A_480 : vector<16xi32> to vector<16xi32>
      tpu.vector_store %arg15[%swap3A_481], %swap3A_484 {strides = array<i32>} : memref<64xi32, #tpu.memory_space<vmem>>, vector<16xi32>,
      %get3A_485 = arith.constant 16 : index
      %get3A_486 = tpu.vector_load %arg15[%get3A_485] {strides = array<i32>} : memref<64xi32, #tpu.memory_space<vmem>>, vector<16xi32>,
      %get3A_487 = vector.shape_cast %get3A_486 : vector<16xi32> to vector<16xi32>
      %mul3A_488 = arith.constant 4 : i32
      %mul3A_489 = vector.broadcast %mul3A_488 : i32 to vector<16xi32>
      %mul3A_490 = arith.muli %get3A_487, %mul3A_489 : vector<16xi32>
      %add3A_491 = arith.addi %mul3A_490, %rem3A_14 : vector<16xi32>
      %swap3A_492 = arith.constant 16 : index
      %swap3A_493 = tpu.vector_load %arg15[%swap3A_492] {strides = array<i32>} : memref<64xi32, #tpu.memory_space<vmem>>, vector<16xi32>,
      %swap3A_494 = vector.shape_cast %swap3A_493 : vector<16xi32> to vector<16xi32>
      %swap3A_495 = vector.shape_cast %add3A_491 : vector<16xi32> to vector<16xi32>
      tpu.vector_store %arg15[%swap3A_492], %swap3A_495 {strides = array<i32>} : memref<64xi32, #tpu.memory_space<vmem>>, vector<16xi32>,
      %get3A_496 = arith.constant 32 : index
      %get3A_497 = tpu.vector_load %arg15[%get3A_496] {strides = array<i32>} : memref<64xi32, #tpu.memory_space<vmem>>, vector<16xi32>,
      %get3A_498 = vector.shape_cast %get3A_497 : vector<16xi32> to vector<16xi32>
      %mul3A_499 = arith.constant 4 : i32
      %mul3A_500 = vector.broadcast %mul3A_499 : i32 to vector<16xi32>
      %mul3A_501 = arith.muli %get3A_498, %mul3A_500 : vector<16xi32>
      %add3A_502 = arith.addi %mul3A_501, %rem3A_14 : vector<16xi32>
      %swap3A_503 = arith.constant 32 : index
      %swap3A_504 = tpu.vector_load %arg15[%swap3A_503] {strides = array<i32>} : memref<64xi32, #tpu.memory_space<vmem>>, vector<16xi32>,
      %swap3A_505 = vector.shape_cast %swap3A_504 : vector<16xi32> to vector<16xi32>
      %swap3A_506 = vector.shape_cast %add3A_502 : vector<16xi32> to vector<16xi32>
      tpu.vector_store %arg15[%swap3A_503], %swap3A_506 {strides = array<i32>} : memref<64xi32, #tpu.memory_space<vmem>>, vector<16xi32>,
      %get3A_507 = arith.constant 48 : index
      %get3A_508 = tpu.vector_load %arg15[%get3A_507] {strides = array<i32>} : memref<64xi32, #tpu.memory_space<vmem>>, vector<16xi32>,
      %get3A_509 = vector.shape_cast %get3A_508 : vector<16xi32> to vector<16xi32>
      %mul3A_510 = arith.constant 4 : i32
      %mul3A_511 = vector.broadcast %mul3A_510 : i32 to vector<16xi32>
      %mul3A_512 = arith.muli %get3A_509, %mul3A_511 : vector<16xi32>
      %add3A_513 = arith.addi %mul3A_512, %rem3A_14 : vector<16xi32>
      %swap3A_514 = arith.constant 48 : index
      %swap3A_515 = tpu.vector_load %arg15[%swap3A_514] {strides = array<i32>} : memref<64xi32, #tpu.memory_space<vmem>>, vector<16xi32>,
      %swap3A_516 = vector.shape_cast %swap3A_515 : vector<16xi32> to vector<16xi32>
      %swap3A_517 = vector.shape_cast %add3A_513 : vector<16xi32> to vector<16xi32>
      tpu.vector_store %arg15[%swap3A_514], %swap3A_517 {strides = array<i32>} : memref<64xi32, #tpu.memory_space<vmem>>, vector<16xi32>,
      %dma_start3A_518 = arith.constant 0 : i32
      %dma_start3A_519 = arith.constant 0 : i32
      %dma_start3A_520 = tpu.memref_slice %arg36[%dma_start3A_518, %dma_start3A_519] : memref<1024x64xf32, #tpu.memory_space<vmem_shared>> -> memref<1024x64xf32, #tpu.memory_space<vmem_shared>>
      tpu.enqueue_indirect_dma source(%arg23 : memref<64x64xf32, #tpu.memory_space<vmem>>) target(%dma_start3A_520 : memref<1024x64xf32, #tpu.memory_space<vmem_shared>>) offsets(%arg15 : memref<64xi32, #tpu.memory_space<vmem>>) semaphore(%arg33 : memref<!tpu.dma_semaphore, #tpu.memory_space<semaphore_mem>>) {add = true}
      %dma_start3A_521 = arith.constant 0 : i32
      %dma_start3A_522 = arith.constant 0 : i32
      %dma_start3A_523 = tpu.memref_slice %arg37[%dma_start3A_521, %dma_start3A_522] : memref<1024x8xf32, #tpu.memory_space<vmem_shared>> -> memref<1024x8xf32, #tpu.memory_space<vmem_shared>>
      tpu.enqueue_indirect_dma source(%arg27 : memref<64x8xf32, #tpu.memory_space<vmem>>) target(%dma_start3A_523 : memref<1024x8xf32, #tpu.memory_space<vmem_shared>>) offsets(%arg15 : memref<64xi32, #tpu.memory_space<vmem>>) semaphore(%arg33 : memref<!tpu.dma_semaphore, #tpu.memory_space<semaphore_mem>>) {add = true}
      %get3A_524 = arith.constant 0 : index
      %get3A_525 = tpu.vector_load %arg16[%get3A_524] {strides = array<i32>} : memref<64xi32, #tpu.memory_space<vmem>>, vector<16xi32>,
      %get3A_526 = vector.shape_cast %get3A_525 : vector<16xi32> to vector<16xi32>
      %mul3A_527 = arith.constant 4 : i32
      %mul3A_528 = vector.broadcast %mul3A_527 : i32 to vector<16xi32>
      %mul3A_529 = arith.muli %get3A_526, %mul3A_528 : vector<16xi32>
      %add3A_530 = arith.addi %mul3A_529, %rem3A_14 : vector<16xi32>
      %swap3A_531 = arith.constant 0 : index
      %swap3A_532 = tpu.vector_load %arg16[%swap3A_531] {strides = array<i32>} : memref<64xi32, #tpu.memory_space<vmem>>, vector<16xi32>,
      %swap3A_533 = vector.shape_cast %swap3A_532 : vector<16xi32> to vector<16xi32>
      %swap3A_534 = vector.shape_cast %add3A_530 : vector<16xi32> to vector<16xi32>
      tpu.vector_store %arg16[%swap3A_531], %swap3A_534 {strides = array<i32>} : memref<64xi32, #tpu.memory_space<vmem>>, vector<16xi32>,
      %get3A_535 = arith.constant 16 : index
      %get3A_536 = tpu.vector_load %arg16[%get3A_535] {strides = array<i32>} : memref<64xi32, #tpu.memory_space<vmem>>, vector<16xi32>,
      %get3A_537 = vector.shape_cast %get3A_536 : vector<16xi32> to vector<16xi32>
      %mul3A_538 = arith.constant 4 : i32
      %mul3A_539 = vector.broadcast %mul3A_538 : i32 to vector<16xi32>
      %mul3A_540 = arith.muli %get3A_537, %mul3A_539 : vector<16xi32>
      %add3A_541 = arith.addi %mul3A_540, %rem3A_14 : vector<16xi32>
      %swap3A_542 = arith.constant 16 : index
      %swap3A_543 = tpu.vector_load %arg16[%swap3A_542] {strides = array<i32>} : memref<64xi32, #tpu.memory_space<vmem>>, vector<16xi32>,
      %swap3A_544 = vector.shape_cast %swap3A_543 : vector<16xi32> to vector<16xi32>
      %swap3A_545 = vector.shape_cast %add3A_541 : vector<16xi32> to vector<16xi32>
      tpu.vector_store %arg16[%swap3A_542], %swap3A_545 {strides = array<i32>} : memref<64xi32, #tpu.memory_space<vmem>>, vector<16xi32>,
      %get3A_546 = arith.constant 32 : index
      %get3A_547 = tpu.vector_load %arg16[%get3A_546] {strides = array<i32>} : memref<64xi32, #tpu.memory_space<vmem>>, vector<16xi32>,
      %get3A_548 = vector.shape_cast %get3A_547 : vector<16xi32> to vector<16xi32>
      %mul3A_549 = arith.constant 4 : i32
      %mul3A_550 = vector.broadcast %mul3A_549 : i32 to vector<16xi32>
      %mul3A_551 = arith.muli %get3A_548, %mul3A_550 : vector<16xi32>
      %add3A_552 = arith.addi %mul3A_551, %rem3A_14 : vector<16xi32>
      %swap3A_553 = arith.constant 32 : index
      %swap3A_554 = tpu.vector_load %arg16[%swap3A_553] {strides = array<i32>} : memref<64xi32, #tpu.memory_space<vmem>>, vector<16xi32>,
      %swap3A_555 = vector.shape_cast %swap3A_554 : vector<16xi32> to vector<16xi32>
      %swap3A_556 = vector.shape_cast %add3A_552 : vector<16xi32> to vector<16xi32>
      tpu.vector_store %arg16[%swap3A_553], %swap3A_556 {strides = array<i32>} : memref<64xi32, #tpu.memory_space<vmem>>, vector<16xi32>,
      %get3A_557 = arith.constant 48 : index
      %get3A_558 = tpu.vector_load %arg16[%get3A_557] {strides = array<i32>} : memref<64xi32, #tpu.memory_space<vmem>>, vector<16xi32>,
      %get3A_559 = vector.shape_cast %get3A_558 : vector<16xi32> to vector<16xi32>
      %mul3A_560 = arith.constant 4 : i32
      %mul3A_561 = vector.broadcast %mul3A_560 : i32 to vector<16xi32>
      %mul3A_562 = arith.muli %get3A_559, %mul3A_561 : vector<16xi32>
      %add3A_563 = arith.addi %mul3A_562, %rem3A_14 : vector<16xi32>
      %swap3A_564 = arith.constant 48 : index
      %swap3A_565 = tpu.vector_load %arg16[%swap3A_564] {strides = array<i32>} : memref<64xi32, #tpu.memory_space<vmem>>, vector<16xi32>,
      %swap3A_566 = vector.shape_cast %swap3A_565 : vector<16xi32> to vector<16xi32>
      %swap3A_567 = vector.shape_cast %add3A_563 : vector<16xi32> to vector<16xi32>
      tpu.vector_store %arg16[%swap3A_564], %swap3A_567 {strides = array<i32>} : memref<64xi32, #tpu.memory_space<vmem>>, vector<16xi32>,
      %dma_start3A_568 = arith.constant 0 : i32
      %dma_start3A_569 = arith.constant 0 : i32
      %dma_start3A_570 = tpu.memref_slice %arg36[%dma_start3A_568, %dma_start3A_569] : memref<1024x64xf32, #tpu.memory_space<vmem_shared>> -> memref<1024x64xf32, #tpu.memory_space<vmem_shared>>
      tpu.enqueue_indirect_dma source(%arg24 : memref<64x64xf32, #tpu.memory_space<vmem>>) target(%dma_start3A_570 : memref<1024x64xf32, #tpu.memory_space<vmem_shared>>) offsets(%arg16 : memref<64xi32, #tpu.memory_space<vmem>>) semaphore(%arg33 : memref<!tpu.dma_semaphore, #tpu.memory_space<semaphore_mem>>) {add = true}
      %dma_start3A_571 = arith.constant 0 : i32
      %dma_start3A_572 = arith.constant 0 : i32
      %dma_start3A_573 = tpu.memref_slice %arg37[%dma_start3A_571, %dma_start3A_572] : memref<1024x8xf32, #tpu.memory_space<vmem_shared>> -> memref<1024x8xf32, #tpu.memory_space<vmem_shared>>
      tpu.enqueue_indirect_dma source(%arg27 : memref<64x8xf32, #tpu.memory_space<vmem>>) target(%dma_start3A_573 : memref<1024x8xf32, #tpu.memory_space<vmem_shared>>) offsets(%arg16 : memref<64xi32, #tpu.memory_space<vmem>>) semaphore(%arg33 : memref<!tpu.dma_semaphore, #tpu.memory_space<semaphore_mem>>) {add = true}
      %get3A_574 = arith.constant 0 : index
      %get3A_575 = tpu.vector_load %arg17[%get3A_574] {strides = array<i32>} : memref<64xi32, #tpu.memory_space<vmem>>, vector<16xi32>,
      %get3A_576 = vector.shape_cast %get3A_575 : vector<16xi32> to vector<16xi32>
      %mul3A_577 = arith.constant 4 : i32
      %mul3A_578 = vector.broadcast %mul3A_577 : i32 to vector<16xi32>
      %mul3A_579 = arith.muli %get3A_576, %mul3A_578 : vector<16xi32>
      %add3A_580 = arith.addi %mul3A_579, %rem3A_14 : vector<16xi32>
      %swap3A_581 = arith.constant 0 : index
      %swap3A_582 = tpu.vector_load %arg17[%swap3A_581] {strides = array<i32>} : memref<64xi32, #tpu.memory_space<vmem>>, vector<16xi32>,
      %swap3A_583 = vector.shape_cast %swap3A_582 : vector<16xi32> to vector<16xi32>
      %swap3A_584 = vector.shape_cast %add3A_580 : vector<16xi32> to vector<16xi32>
      tpu.vector_store %arg17[%swap3A_581], %swap3A_584 {strides = array<i32>} : memref<64xi32, #tpu.memory_space<vmem>>, vector<16xi32>,
      %get3A_585 = arith.constant 16 : index
      %get3A_586 = tpu.vector_load %arg17[%get3A_585] {strides = array<i32>} : memref<64xi32, #tpu.memory_space<vmem>>, vector<16xi32>,
      %get3A_587 = vector.shape_cast %get3A_586 : vector<16xi32> to vector<16xi32>
      %mul3A_588 = arith.constant 4 : i32
      %mul3A_589 = vector.broadcast %mul3A_588 : i32 to vector<16xi32>
      %mul3A_590 = arith.muli %get3A_587, %mul3A_589 : vector<16xi32>
      %add3A_591 = arith.addi %mul3A_590, %rem3A_14 : vector<16xi32>
      %swap3A_592 = arith.constant 16 : index
      %swap3A_593 = tpu.vector_load %arg17[%swap3A_592] {strides = array<i32>} : memref<64xi32, #tpu.memory_space<vmem>>, vector<16xi32>,
      %swap3A_594 = vector.shape_cast %swap3A_593 : vector<16xi32> to vector<16xi32>
      %swap3A_595 = vector.shape_cast %add3A_591 : vector<16xi32> to vector<16xi32>
      tpu.vector_store %arg17[%swap3A_592], %swap3A_595 {strides = array<i32>} : memref<64xi32, #tpu.memory_space<vmem>>, vector<16xi32>,
      %get3A_596 = arith.constant 32 : index
      %get3A_597 = tpu.vector_load %arg17[%get3A_596] {strides = array<i32>} : memref<64xi32, #tpu.memory_space<vmem>>, vector<16xi32>,
      %get3A_598 = vector.shape_cast %get3A_597 : vector<16xi32> to vector<16xi32>
      %mul3A_599 = arith.constant 4 : i32
      %mul3A_600 = vector.broadcast %mul3A_599 : i32 to vector<16xi32>
      %mul3A_601 = arith.muli %get3A_598, %mul3A_600 : vector<16xi32>
      %add3A_602 = arith.addi %mul3A_601, %rem3A_14 : vector<16xi32>
      %swap3A_603 = arith.constant 32 : index
      %swap3A_604 = tpu.vector_load %arg17[%swap3A_603] {strides = array<i32>} : memref<64xi32, #tpu.memory_space<vmem>>, vector<16xi32>,
      %swap3A_605 = vector.shape_cast %swap3A_604 : vector<16xi32> to vector<16xi32>
      %swap3A_606 = vector.shape_cast %add3A_602 : vector<16xi32> to vector<16xi32>
      tpu.vector_store %arg17[%swap3A_603], %swap3A_606 {strides = array<i32>} : memref<64xi32, #tpu.memory_space<vmem>>, vector<16xi32>,
      %get3A_607 = arith.constant 48 : index
      %get3A_608 = tpu.vector_load %arg17[%get3A_607] {strides = array<i32>} : memref<64xi32, #tpu.memory_space<vmem>>, vector<16xi32>,
      %get3A_609 = vector.shape_cast %get3A_608 : vector<16xi32> to vector<16xi32>
      %mul3A_610 = arith.constant 4 : i32
      %mul3A_611 = vector.broadcast %mul3A_610 : i32 to vector<16xi32>
      %mul3A_612 = arith.muli %get3A_609, %mul3A_611 : vector<16xi32>
      %add3A_613 = arith.addi %mul3A_612, %rem3A_14 : vector<16xi32>
      %swap3A_614 = arith.constant 48 : index
      %swap3A_615 = tpu.vector_load %arg17[%swap3A_614] {strides = array<i32>} : memref<64xi32, #tpu.memory_space<vmem>>, vector<16xi32>,
      %swap3A_616 = vector.shape_cast %swap3A_615 : vector<16xi32> to vector<16xi32>
      %swap3A_617 = vector.shape_cast %add3A_613 : vector<16xi32> to vector<16xi32>
      tpu.vector_store %arg17[%swap3A_614], %swap3A_617 {strides = array<i32>} : memref<64xi32, #tpu.memory_space<vmem>>, vector<16xi32>,
      %dma_start3A_618 = arith.constant 0 : i32
      %dma_start3A_619 = arith.constant 0 : i32
      %dma_start3A_620 = tpu.memref_slice %arg36[%dma_start3A_618, %dma_start3A_619] : memref<1024x64xf32, #tpu.memory_space<vmem_shared>> -> memref<1024x64xf32, #tpu.memory_space<vmem_shared>>
      tpu.enqueue_indirect_dma source(%arg25 : memref<64x64xf32, #tpu.memory_space<vmem>>) target(%dma_start3A_620 : memref<1024x64xf32, #tpu.memory_space<vmem_shared>>) offsets(%arg17 : memref<64xi32, #tpu.memory_space<vmem>>) semaphore(%arg33 : memref<!tpu.dma_semaphore, #tpu.memory_space<semaphore_mem>>) {add = true}
      %dma_start3A_621 = arith.constant 0 : i32
      %dma_start3A_622 = arith.constant 0 : i32
      %dma_start3A_623 = tpu.memref_slice %arg37[%dma_start3A_621, %dma_start3A_622] : memref<1024x8xf32, #tpu.memory_space<vmem_shared>> -> memref<1024x8xf32, #tpu.memory_space<vmem_shared>>
      tpu.enqueue_indirect_dma source(%arg27 : memref<64x8xf32, #tpu.memory_space<vmem>>) target(%dma_start3A_623 : memref<1024x8xf32, #tpu.memory_space<vmem_shared>>) offsets(%arg17 : memref<64xi32, #tpu.memory_space<vmem>>) semaphore(%arg33 : memref<!tpu.dma_semaphore, #tpu.memory_space<semaphore_mem>>) {add = true}
      %get3A_624 = arith.constant 0 : index
      %get3A_625 = tpu.vector_load %arg18[%get3A_624] {strides = array<i32>} : memref<64xi32, #tpu.memory_space<vmem>>, vector<16xi32>,
      %get3A_626 = vector.shape_cast %get3A_625 : vector<16xi32> to vector<16xi32>
      %mul3A_627 = arith.constant 4 : i32
      %mul3A_628 = vector.broadcast %mul3A_627 : i32 to vector<16xi32>
      %mul3A_629 = arith.muli %get3A_626, %mul3A_628 : vector<16xi32>
      %add3A_630 = arith.addi %mul3A_629, %rem3A_14 : vector<16xi32>
      %swap3A_631 = arith.constant 0 : index
      %swap3A_632 = tpu.vector_load %arg18[%swap3A_631] {strides = array<i32>} : memref<64xi32, #tpu.memory_space<vmem>>, vector<16xi32>,
      %swap3A_633 = vector.shape_cast %swap3A_632 : vector<16xi32> to vector<16xi32>
      %swap3A_634 = vector.shape_cast %add3A_630 : vector<16xi32> to vector<16xi32>
      tpu.vector_store %arg18[%swap3A_631], %swap3A_634 {strides = array<i32>} : memref<64xi32, #tpu.memory_space<vmem>>, vector<16xi32>,
      %get3A_635 = arith.constant 16 : index
      %get3A_636 = tpu.vector_load %arg18[%get3A_635] {strides = array<i32>} : memref<64xi32, #tpu.memory_space<vmem>>, vector<16xi32>,
      %get3A_637 = vector.shape_cast %get3A_636 : vector<16xi32> to vector<16xi32>
      %mul3A_638 = arith.constant 4 : i32
      %mul3A_639 = vector.broadcast %mul3A_638 : i32 to vector<16xi32>
      %mul3A_640 = arith.muli %get3A_637, %mul3A_639 : vector<16xi32>
      %add3A_641 = arith.addi %mul3A_640, %rem3A_14 : vector<16xi32>
      %swap3A_642 = arith.constant 16 : index
      %swap3A_643 = tpu.vector_load %arg18[%swap3A_642] {strides = array<i32>} : memref<64xi32, #tpu.memory_space<vmem>>, vector<16xi32>,
      %swap3A_644 = vector.shape_cast %swap3A_643 : vector<16xi32> to vector<16xi32>
      %swap3A_645 = vector.shape_cast %add3A_641 : vector<16xi32> to vector<16xi32>
      tpu.vector_store %arg18[%swap3A_642], %swap3A_645 {strides = array<i32>} : memref<64xi32, #tpu.memory_space<vmem>>, vector<16xi32>,
      %get3A_646 = arith.constant 32 : index
      %get3A_647 = tpu.vector_load %arg18[%get3A_646] {strides = array<i32>} : memref<64xi32, #tpu.memory_space<vmem>>, vector<16xi32>,
      %get3A_648 = vector.shape_cast %get3A_647 : vector<16xi32> to vector<16xi32>
      %mul3A_649 = arith.constant 4 : i32
      %mul3A_650 = vector.broadcast %mul3A_649 : i32 to vector<16xi32>
      %mul3A_651 = arith.muli %get3A_648, %mul3A_650 : vector<16xi32>
      %add3A_652 = arith.addi %mul3A_651, %rem3A_14 : vector<16xi32>
      %swap3A_653 = arith.constant 32 : index
      %swap3A_654 = tpu.vector_load %arg18[%swap3A_653] {strides = array<i32>} : memref<64xi32, #tpu.memory_space<vmem>>, vector<16xi32>,
      %swap3A_655 = vector.shape_cast %swap3A_654 : vector<16xi32> to vector<16xi32>
      %swap3A_656 = vector.shape_cast %add3A_652 : vector<16xi32> to vector<16xi32>
      tpu.vector_store %arg18[%swap3A_653], %swap3A_656 {strides = array<i32>} : memref<64xi32, #tpu.memory_space<vmem>>, vector<16xi32>,
      %get3A_657 = arith.constant 48 : index
      %get3A_658 = tpu.vector_load %arg18[%get3A_657] {strides = array<i32>} : memref<64xi32, #tpu.memory_space<vmem>>, vector<16xi32>,
      %get3A_659 = vector.shape_cast %get3A_658 : vector<16xi32> to vector<16xi32>
      %mul3A_660 = arith.constant 4 : i32
      %mul3A_661 = vector.broadcast %mul3A_660 : i32 to vector<16xi32>
      %mul3A_662 = arith.muli %get3A_659, %mul3A_661 : vector<16xi32>
      %add3A_663 = arith.addi %mul3A_662, %rem3A_14 : vector<16xi32>
      %swap3A_664 = arith.constant 48 : index
      %swap3A_665 = tpu.vector_load %arg18[%swap3A_664] {strides = array<i32>} : memref<64xi32, #tpu.memory_space<vmem>>, vector<16xi32>,
      %swap3A_666 = vector.shape_cast %swap3A_665 : vector<16xi32> to vector<16xi32>
      %swap3A_667 = vector.shape_cast %add3A_663 : vector<16xi32> to vector<16xi32>
      tpu.vector_store %arg18[%swap3A_664], %swap3A_667 {strides = array<i32>} : memref<64xi32, #tpu.memory_space<vmem>>, vector<16xi32>,
      %dma_start3A_668 = arith.constant 0 : i32
      %dma_start3A_669 = arith.constant 0 : i32
      %dma_start3A_670 = tpu.memref_slice %arg36[%dma_start3A_668, %dma_start3A_669] : memref<1024x64xf32, #tpu.memory_space<vmem_shared>> -> memref<1024x64xf32, #tpu.memory_space<vmem_shared>>
      tpu.enqueue_indirect_dma source(%arg26 : memref<64x64xf32, #tpu.memory_space<vmem>>) target(%dma_start3A_670 : memref<1024x64xf32, #tpu.memory_space<vmem_shared>>) offsets(%arg18 : memref<64xi32, #tpu.memory_space<vmem>>) semaphore(%arg33 : memref<!tpu.dma_semaphore, #tpu.memory_space<semaphore_mem>>) {add = true}
      %dma_start3A_671 = arith.constant 0 : i32
      %dma_start3A_672 = arith.constant 0 : i32
      %dma_start3A_673 = tpu.memref_slice %arg37[%dma_start3A_671, %dma_start3A_672] : memref<1024x8xf32, #tpu.memory_space<vmem_shared>> -> memref<1024x8xf32, #tpu.memory_space<vmem_shared>>
      tpu.enqueue_indirect_dma source(%arg27 : memref<64x8xf32, #tpu.memory_space<vmem>>) target(%dma_start3A_673 : memref<1024x8xf32, #tpu.memory_space<vmem_shared>>) offsets(%arg18 : memref<64xi32, #tpu.memory_space<vmem>>) semaphore(%arg33 : memref<!tpu.dma_semaphore, #tpu.memory_space<semaphore_mem>>) {add = true}
      %dma_wait3A_674 = arith.constant 0 : i32
      %dma_wait3A_675 = arith.constant 0 : i32
      %dma_wait3A_676 = tpu.memref_slice %arg36[%dma_wait3A_674, %dma_wait3A_675] : memref<1024x64xf32, #tpu.memory_space<vmem_shared>> -> memref<1024x64xf32, #tpu.memory_space<vmem_shared>>
      tpu.wait_indirect_dma semaphore(%arg32 : memref<!tpu.dma_semaphore, #tpu.memory_space<semaphore_mem>>) src(%arg19 : memref<64x64xf32, #tpu.memory_space<vmem>>) dst(%dma_wait3A_676 : memref<1024x64xf32, #tpu.memory_space<vmem_shared>>)
      %dma_wait3A_677 = arith.constant 0 : i32
      %dma_wait3A_678 = arith.constant 0 : i32
      %dma_wait3A_679 = tpu.memref_slice %arg37[%dma_wait3A_677, %dma_wait3A_678] : memref<1024x8xf32, #tpu.memory_space<vmem_shared>> -> memref<1024x8xf32, #tpu.memory_space<vmem_shared>>
      tpu.wait_indirect_dma semaphore(%arg32 : memref<!tpu.dma_semaphore, #tpu.memory_space<semaphore_mem>>) src(%arg27 : memref<64x8xf32, #tpu.memory_space<vmem>>) dst(%dma_wait3A_679 : memref<1024x8xf32, #tpu.memory_space<vmem_shared>>)
      %dma_wait3A_680 = arith.constant 0 : i32
      %dma_wait3A_681 = arith.constant 0 : i32
      %dma_wait3A_682 = tpu.memref_slice %arg36[%dma_wait3A_680, %dma_wait3A_681] : memref<1024x64xf32, #tpu.memory_space<vmem_shared>> -> memref<1024x64xf32, #tpu.memory_space<vmem_shared>>
      tpu.wait_indirect_dma semaphore(%arg32 : memref<!tpu.dma_semaphore, #tpu.memory_space<semaphore_mem>>) src(%arg20 : memref<64x64xf32, #tpu.memory_space<vmem>>) dst(%dma_wait3A_682 : memref<1024x64xf32, #tpu.memory_space<vmem_shared>>)
      %dma_wait3A_683 = arith.constant 0 : i32
      %dma_wait3A_684 = arith.constant 0 : i32
      %dma_wait3A_685 = tpu.memref_slice %arg37[%dma_wait3A_683, %dma_wait3A_684] : memref<1024x8xf32, #tpu.memory_space<vmem_shared>> -> memref<1024x8xf32, #tpu.memory_space<vmem_shared>>
      tpu.wait_indirect_dma semaphore(%arg32 : memref<!tpu.dma_semaphore, #tpu.memory_space<semaphore_mem>>) src(%arg27 : memref<64x8xf32, #tpu.memory_space<vmem>>) dst(%dma_wait3A_685 : memref<1024x8xf32, #tpu.memory_space<vmem_shared>>)
      %dma_wait3A_686 = arith.constant 0 : i32
      %dma_wait3A_687 = arith.constant 0 : i32
      %dma_wait3A_688 = tpu.memref_slice %arg36[%dma_wait3A_686, %dma_wait3A_687] : memref<1024x64xf32, #tpu.memory_space<vmem_shared>> -> memref<1024x64xf32, #tpu.memory_space<vmem_shared>>
      tpu.wait_indirect_dma semaphore(%arg32 : memref<!tpu.dma_semaphore, #tpu.memory_space<semaphore_mem>>) src(%arg21 : memref<64x64xf32, #tpu.memory_space<vmem>>) dst(%dma_wait3A_688 : memref<1024x64xf32, #tpu.memory_space<vmem_shared>>)
      %dma_wait3A_689 = arith.constant 0 : i32
      %dma_wait3A_690 = arith.constant 0 : i32
      %dma_wait3A_691 = tpu.memref_slice %arg37[%dma_wait3A_689, %dma_wait3A_690] : memref<1024x8xf32, #tpu.memory_space<vmem_shared>> -> memref<1024x8xf32, #tpu.memory_space<vmem_shared>>
      tpu.wait_indirect_dma semaphore(%arg32 : memref<!tpu.dma_semaphore, #tpu.memory_space<semaphore_mem>>) src(%arg27 : memref<64x8xf32, #tpu.memory_space<vmem>>) dst(%dma_wait3A_691 : memref<1024x8xf32, #tpu.memory_space<vmem_shared>>)
      %dma_wait3A_692 = arith.constant 0 : i32
      %dma_wait3A_693 = arith.constant 0 : i32
      %dma_wait3A_694 = tpu.memref_slice %arg36[%dma_wait3A_692, %dma_wait3A_693] : memref<1024x64xf32, #tpu.memory_space<vmem_shared>> -> memref<1024x64xf32, #tpu.memory_space<vmem_shared>>
      tpu.wait_indirect_dma semaphore(%arg32 : memref<!tpu.dma_semaphore, #tpu.memory_space<semaphore_mem>>) src(%arg22 : memref<64x64xf32, #tpu.memory_space<vmem>>) dst(%dma_wait3A_694 : memref<1024x64xf32, #tpu.memory_space<vmem_shared>>)
      %dma_wait3A_695 = arith.constant 0 : i32
      %dma_wait3A_696 = arith.constant 0 : i32
      %dma_wait3A_697 = tpu.memref_slice %arg37[%dma_wait3A_695, %dma_wait3A_696] : memref<1024x8xf32, #tpu.memory_space<vmem_shared>> -> memref<1024x8xf32, #tpu.memory_space<vmem_shared>>
      tpu.wait_indirect_dma semaphore(%arg32 : memref<!tpu.dma_semaphore, #tpu.memory_space<semaphore_mem>>) src(%arg27 : memref<64x8xf32, #tpu.memory_space<vmem>>) dst(%dma_wait3A_697 : memref<1024x8xf32, #tpu.memory_space<vmem_shared>>)
      %dma_wait3A_698 = arith.constant 0 : i32
      %dma_wait3A_699 = arith.constant 0 : i32
      %dma_wait3A_700 = tpu.memref_slice %arg36[%dma_wait3A_698, %dma_wait3A_699] : memref<1024x64xf32, #tpu.memory_space<vmem_shared>> -> memref<1024x64xf32, #tpu.memory_space<vmem_shared>>
      tpu.wait_indirect_dma semaphore(%arg33 : memref<!tpu.dma_semaphore, #tpu.memory_space<semaphore_mem>>) src(%arg23 : memref<64x64xf32, #tpu.memory_space<vmem>>) dst(%dma_wait3A_700 : memref<1024x64xf32, #tpu.memory_space<vmem_shared>>)
      %dma_wait3A_701 = arith.constant 0 : i32
      %dma_wait3A_702 = arith.constant 0 : i32
      %dma_wait3A_703 = tpu.memref_slice %arg37[%dma_wait3A_701, %dma_wait3A_702] : memref<1024x8xf32, #tpu.memory_space<vmem_shared>> -> memref<1024x8xf32, #tpu.memory_space<vmem_shared>>
      tpu.wait_indirect_dma semaphore(%arg33 : memref<!tpu.dma_semaphore, #tpu.memory_space<semaphore_mem>>) src(%arg27 : memref<64x8xf32, #tpu.memory_space<vmem>>) dst(%dma_wait3A_703 : memref<1024x8xf32, #tpu.memory_space<vmem_shared>>)
      %dma_wait3A_704 = arith.constant 0 : i32
      %dma_wait3A_705 = arith.constant 0 : i32
      %dma_wait3A_706 = tpu.memref_slice %arg36[%dma_wait3A_704, %dma_wait3A_705] : memref<1024x64xf32, #tpu.memory_space<vmem_shared>> -> memref<1024x64xf32, #tpu.memory_space<vmem_shared>>
      tpu.wait_indirect_dma semaphore(%arg33 : memref<!tpu.dma_semaphore, #tpu.memory_space<semaphore_mem>>) src(%arg24 : memref<64x64xf32, #tpu.memory_space<vmem>>) dst(%dma_wait3A_706 : memref<1024x64xf32, #tpu.memory_space<vmem_shared>>)
      %dma_wait3A_707 = arith.constant 0 : i32
      %dma_wait3A_708 = arith.constant 0 : i32
      %dma_wait3A_709 = tpu.memref_slice %arg37[%dma_wait3A_707, %dma_wait3A_708] : memref<1024x8xf32, #tpu.memory_space<vmem_shared>> -> memref<1024x8xf32, #tpu.memory_space<vmem_shared>>
      tpu.wait_indirect_dma semaphore(%arg33 : memref<!tpu.dma_semaphore, #tpu.memory_space<semaphore_mem>>) src(%arg27 : memref<64x8xf32, #tpu.memory_space<vmem>>) dst(%dma_wait3A_709 : memref<1024x8xf32, #tpu.memory_space<vmem_shared>>)
      %dma_wait3A_710 = arith.constant 0 : i32
      %dma_wait3A_711 = arith.constant 0 : i32
      %dma_wait3A_712 = tpu.memref_slice %arg36[%dma_wait3A_710, %dma_wait3A_711] : memref<1024x64xf32, #tpu.memory_space<vmem_shared>> -> memref<1024x64xf32, #tpu.memory_space<vmem_shared>>
      tpu.wait_indirect_dma semaphore(%arg33 : memref<!tpu.dma_semaphore, #tpu.memory_space<semaphore_mem>>) src(%arg25 : memref<64x64xf32, #tpu.memory_space<vmem>>) dst(%dma_wait3A_712 : memref<1024x64xf32, #tpu.memory_space<vmem_shared>>)
      %dma_wait3A_713 = arith.constant 0 : i32
      %dma_wait3A_714 = arith.constant 0 : i32
      %dma_wait3A_715 = tpu.memref_slice %arg37[%dma_wait3A_713, %dma_wait3A_714] : memref<1024x8xf32, #tpu.memory_space<vmem_shared>> -> memref<1024x8xf32, #tpu.memory_space<vmem_shared>>
      tpu.wait_indirect_dma semaphore(%arg33 : memref<!tpu.dma_semaphore, #tpu.memory_space<semaphore_mem>>) src(%arg27 : memref<64x8xf32, #tpu.memory_space<vmem>>) dst(%dma_wait3A_715 : memref<1024x8xf32, #tpu.memory_space<vmem_shared>>)
      %dma_wait3A_716 = arith.constant 0 : i32
      %dma_wait3A_717 = arith.constant 0 : i32
      %dma_wait3A_718 = tpu.memref_slice %arg36[%dma_wait3A_716, %dma_wait3A_717] : memref<1024x64xf32, #tpu.memory_space<vmem_shared>> -> memref<1024x64xf32, #tpu.memory_space<vmem_shared>>
      tpu.wait_indirect_dma semaphore(%arg33 : memref<!tpu.dma_semaphore, #tpu.memory_space<semaphore_mem>>) src(%arg26 : memref<64x64xf32, #tpu.memory_space<vmem>>) dst(%dma_wait3A_718 : memref<1024x64xf32, #tpu.memory_space<vmem_shared>>)
      %dma_wait3A_719 = arith.constant 0 : i32
      %dma_wait3A_720 = arith.constant 0 : i32
      %dma_wait3A_721 = tpu.memref_slice %arg37[%dma_wait3A_719, %dma_wait3A_720] : memref<1024x8xf32, #tpu.memory_space<vmem_shared>> -> memref<1024x8xf32, #tpu.memory_space<vmem_shared>>
      tpu.wait_indirect_dma semaphore(%arg33 : memref<!tpu.dma_semaphore, #tpu.memory_space<semaphore_mem>>) src(%arg27 : memref<64x8xf32, #tpu.memory_space<vmem>>) dst(%dma_wait3A_721 : memref<1024x8xf32, #tpu.memory_space<vmem_shared>>)
      %scan3A_722 = arith.constant 0 : i32
      scf.yield %scan3A_722 : i32
    }
    %scan3A_20 = arith.constant 3 : i32
    %lt3A_21 = arith.constant 13 : i32
    %lt3A_22 = arith.cmpi slt, %add3A, %lt3A_21 : i32
    %convert_element_type3A_23 = arith.extui %lt3A_22 : i1 to i32
    %cond3A_24 = arith.constant 0 : i32
    %cond3A_25 = arith.cmpi ne, %convert_element_type3A_23, %cond3A_24 : i32
    scf.if %cond3A_25 {
      %mul3A_32 = arith.constant 64 : i32
      %mul3A_33 = arith.muli %add3A, %mul3A_32 : i32
      %add3A_34 = arith.constant 49152 : i32
      %add3A_35 = arith.addi %add3A_34, %mul3A_33 : i32
      %dma_start3A = arith.constant 0 : i32
      %dma_start3A_36 = tpu.memref_slice %arg11[%dma_start3A] : memref<64xi32, #tpu.memory_space<vmem>> -> memref<64xi32, #tpu.memory_space<vmem>>
      %dma_start3A_37 = tpu.memref_slice %arg3[%add3A_35] : memref<50000xi32, #tpu.memory_space<hbm>> -> memref<64xi32, #tpu.memory_space<hbm>>
      %dma_start3A_38 = arith.constant 0 : i32
      %dma_start3A_39 = tpu.memref_slice %arg11[%dma_start3A_38] : memref<64xi32, #tpu.memory_space<vmem>> -> memref<64xi32, #tpu.memory_space<vmem>>
      %dma_start3A_40 = tpu.memref_slice %arg3[%add3A_35] : memref<50000xi32, #tpu.memory_space<hbm>> -> memref<64xi32, #tpu.memory_space<hbm>>
      tpu.enqueue_dma source(%dma_start3A_40 : memref<64xi32, #tpu.memory_space<hbm>>) target(%dma_start3A_39 : memref<64xi32, #tpu.memory_space<vmem>>) target_semaphore(%arg34 : memref<!tpu.dma_semaphore, #tpu.memory_space<semaphore_mem>>)
      %dma_start3A_41 = arith.constant 1536 : i32
      %dma_start3A_42 = tpu.memref_slice %arg10[%dma_start3A_41] : memref<1600xi32, #tpu.memory_space<vmem>> -> memref<64xi32, #tpu.memory_space<vmem>>
      %dma_start3A_43 = arith.constant 0 : i32
      %dma_start3A_44 = arith.constant 0 : i32
      %dma_start3A_45 = tpu.memref_slice %arg38[%dma_start3A_43, %dma_start3A_44] : memref<10000x64xf32, #tpu.memory_space<vmem_shared>> -> memref<10000x64xf32, #tpu.memory_space<vmem_shared>>
      tpu.enqueue_indirect_dma source(%dma_start3A_45 : memref<10000x64xf32, #tpu.memory_space<vmem_shared>>) target(%arg19 : memref<64x64xf32, #tpu.memory_space<vmem>>) offsets(%dma_start3A_42 : memref<64xi32, #tpu.memory_space<vmem>>) semaphore(%arg30 : memref<!tpu.dma_semaphore, #tpu.memory_space<semaphore_mem>>)
      %dma_wait3A = arith.constant 1536 : i32
      %dma_wait3A_46 = tpu.memref_slice %arg10[%dma_wait3A] : memref<1600xi32, #tpu.memory_space<vmem>> -> memref<64xi32, #tpu.memory_space<vmem>>
      %dma_wait3A_47 = arith.constant 0 : i32
      %dma_wait3A_48 = arith.constant 0 : i32
      %dma_wait3A_49 = tpu.memref_slice %arg38[%dma_wait3A_47, %dma_wait3A_48] : memref<10000x64xf32, #tpu.memory_space<vmem_shared>> -> memref<10000x64xf32, #tpu.memory_space<vmem_shared>>
      tpu.wait_indirect_dma semaphore(%arg30 : memref<!tpu.dma_semaphore, #tpu.memory_space<semaphore_mem>>) src(%dma_wait3A_49 : memref<10000x64xf32, #tpu.memory_space<vmem_shared>>) dst(%arg19 : memref<64x64xf32, #tpu.memory_space<vmem>>)
      %dma_wait3A_50 = arith.constant 0 : i32
      %dma_wait3A_51 = tpu.memref_slice %arg11[%dma_wait3A_50] : memref<64xi32, #tpu.memory_space<vmem>> -> memref<64xi32, #tpu.memory_space<vmem>>
      %dma_wait3A_52 = tpu.memref_slice %arg3[%add3A_35] : memref<50000xi32, #tpu.memory_space<hbm>> -> memref<64xi32, #tpu.memory_space<hbm>>
      %dma_wait3A_53 = arith.constant 0 : i32
      %dma_wait3A_54 = tpu.memref_slice %arg11[%dma_wait3A_53] : memref<64xi32, #tpu.memory_space<vmem>> -> memref<64xi32, #tpu.memory_space<vmem>>
      %dma_wait3A_55 = tpu.memref_slice %arg3[%add3A_35] : memref<50000xi32, #tpu.memory_space<hbm>> -> memref<64xi32, #tpu.memory_space<hbm>>
      tpu.wait_dma2 semaphore(%arg34 : memref<!tpu.dma_semaphore, #tpu.memory_space<semaphore_mem>>) src(%dma_wait3A_55 : memref<64xi32, #tpu.memory_space<hbm>>) dst(%dma_wait3A_54 : memref<64xi32, #tpu.memory_space<vmem>>)
      %get3A = arith.constant 0 : index
      %get3A_56 = tpu.vector_load %arg11[%get3A] {strides = array<i32>} : memref<64xi32, #tpu.memory_space<vmem>>, vector<16xi32>,
      %get3A_57 = vector.shape_cast %get3A_56 : vector<16xi32> to vector<16xi32>
      %mul3A_58 = arith.constant 4 : i32
      %mul3A_59 = vector.broadcast %mul3A_58 : i32 to vector<16xi32>
      %mul3A_60 = arith.muli %get3A_57, %mul3A_59 : vector<16xi32>
      %add3A_61 = arith.addi %mul3A_60, %rem3A_14 : vector<16xi32>
      %swap3A = arith.constant 0 : index
      %swap3A_62 = tpu.vector_load %arg11[%swap3A] {strides = array<i32>} : memref<64xi32, #tpu.memory_space<vmem>>, vector<16xi32>,
      %swap3A_63 = vector.shape_cast %swap3A_62 : vector<16xi32> to vector<16xi32>
      %swap3A_64 = vector.shape_cast %add3A_61 : vector<16xi32> to vector<16xi32>
      tpu.vector_store %arg11[%swap3A], %swap3A_64 {strides = array<i32>} : memref<64xi32, #tpu.memory_space<vmem>>, vector<16xi32>,
      %get3A_65 = arith.constant 16 : index
      %get3A_66 = tpu.vector_load %arg11[%get3A_65] {strides = array<i32>} : memref<64xi32, #tpu.memory_space<vmem>>, vector<16xi32>,
      %get3A_67 = vector.shape_cast %get3A_66 : vector<16xi32> to vector<16xi32>
      %mul3A_68 = arith.constant 4 : i32
      %mul3A_69 = vector.broadcast %mul3A_68 : i32 to vector<16xi32>
      %mul3A_70 = arith.muli %get3A_67, %mul3A_69 : vector<16xi32>
      %add3A_71 = arith.addi %mul3A_70, %rem3A_14 : vector<16xi32>
      %swap3A_72 = arith.constant 16 : index
      %swap3A_73 = tpu.vector_load %arg11[%swap3A_72] {strides = array<i32>} : memref<64xi32, #tpu.memory_space<vmem>>, vector<16xi32>,
      %swap3A_74 = vector.shape_cast %swap3A_73 : vector<16xi32> to vector<16xi32>
      %swap3A_75 = vector.shape_cast %add3A_71 : vector<16xi32> to vector<16xi32>
      tpu.vector_store %arg11[%swap3A_72], %swap3A_75 {strides = array<i32>} : memref<64xi32, #tpu.memory_space<vmem>>, vector<16xi32>,
      %get3A_76 = arith.constant 32 : index
      %get3A_77 = tpu.vector_load %arg11[%get3A_76] {strides = array<i32>} : memref<64xi32, #tpu.memory_space<vmem>>, vector<16xi32>,
      %get3A_78 = vector.shape_cast %get3A_77 : vector<16xi32> to vector<16xi32>
      %mul3A_79 = arith.constant 4 : i32
      %mul3A_80 = vector.broadcast %mul3A_79 : i32 to vector<16xi32>
      %mul3A_81 = arith.muli %get3A_78, %mul3A_80 : vector<16xi32>
      %add3A_82 = arith.addi %mul3A_81, %rem3A_14 : vector<16xi32>
      %swap3A_83 = arith.constant 32 : index
      %swap3A_84 = tpu.vector_load %arg11[%swap3A_83] {strides = array<i32>} : memref<64xi32, #tpu.memory_space<vmem>>, vector<16xi32>,
      %swap3A_85 = vector.shape_cast %swap3A_84 : vector<16xi32> to vector<16xi32>
      %swap3A_86 = vector.shape_cast %add3A_82 : vector<16xi32> to vector<16xi32>
      tpu.vector_store %arg11[%swap3A_83], %swap3A_86 {strides = array<i32>} : memref<64xi32, #tpu.memory_space<vmem>>, vector<16xi32>,
      %get3A_87 = arith.constant 48 : index
      %get3A_88 = tpu.vector_load %arg11[%get3A_87] {strides = array<i32>} : memref<64xi32, #tpu.memory_space<vmem>>, vector<16xi32>,
      %get3A_89 = vector.shape_cast %get3A_88 : vector<16xi32> to vector<16xi32>
      %mul3A_90 = arith.constant 4 : i32
      %mul3A_91 = vector.broadcast %mul3A_90 : i32 to vector<16xi32>
      %mul3A_92 = arith.muli %get3A_89, %mul3A_91 : vector<16xi32>
      %add3A_93 = arith.addi %mul3A_92, %rem3A_14 : vector<16xi32>
      %swap3A_94 = arith.constant 48 : index
      %swap3A_95 = tpu.vector_load %arg11[%swap3A_94] {strides = array<i32>} : memref<64xi32, #tpu.memory_space<vmem>>, vector<16xi32>,
      %swap3A_96 = vector.shape_cast %swap3A_95 : vector<16xi32> to vector<16xi32>
      %swap3A_97 = vector.shape_cast %add3A_93 : vector<16xi32> to vector<16xi32>
      tpu.vector_store %arg11[%swap3A_94], %swap3A_97 {strides = array<i32>} : memref<64xi32, #tpu.memory_space<vmem>>, vector<16xi32>,
      %dma_start3A_98 = arith.constant 0 : i32
      %dma_start3A_99 = arith.constant 0 : i32
      %dma_start3A_100 = tpu.memref_slice %arg36[%dma_start3A_98, %dma_start3A_99] : memref<1024x64xf32, #tpu.memory_space<vmem_shared>> -> memref<1024x64xf32, #tpu.memory_space<vmem_shared>>
      tpu.enqueue_indirect_dma source(%arg19 : memref<64x64xf32, #tpu.memory_space<vmem>>) target(%dma_start3A_100 : memref<1024x64xf32, #tpu.memory_space<vmem_shared>>) offsets(%arg11 : memref<64xi32, #tpu.memory_space<vmem>>) semaphore(%arg32 : memref<!tpu.dma_semaphore, #tpu.memory_space<semaphore_mem>>) {add = true}
      %dma_start3A_101 = arith.constant 0 : i32
      %dma_start3A_102 = arith.constant 0 : i32
      %dma_start3A_103 = tpu.memref_slice %arg37[%dma_start3A_101, %dma_start3A_102] : memref<1024x8xf32, #tpu.memory_space<vmem_shared>> -> memref<1024x8xf32, #tpu.memory_space<vmem_shared>>
      tpu.enqueue_indirect_dma source(%arg27 : memref<64x8xf32, #tpu.memory_space<vmem>>) target(%dma_start3A_103 : memref<1024x8xf32, #tpu.memory_space<vmem_shared>>) offsets(%arg11 : memref<64xi32, #tpu.memory_space<vmem>>) semaphore(%arg32 : memref<!tpu.dma_semaphore, #tpu.memory_space<semaphore_mem>>) {add = true}
      %dma_wait3A_104 = arith.constant 0 : i32
      %dma_wait3A_105 = arith.constant 0 : i32
      %dma_wait3A_106 = tpu.memref_slice %arg36[%dma_wait3A_104, %dma_wait3A_105] : memref<1024x64xf32, #tpu.memory_space<vmem_shared>> -> memref<1024x64xf32, #tpu.memory_space<vmem_shared>>
      tpu.wait_indirect_dma semaphore(%arg32 : memref<!tpu.dma_semaphore, #tpu.memory_space<semaphore_mem>>) src(%arg19 : memref<64x64xf32, #tpu.memory_space<vmem>>) dst(%dma_wait3A_106 : memref<1024x64xf32, #tpu.memory_space<vmem_shared>>)
      %dma_wait3A_107 = arith.constant 0 : i32
      %dma_wait3A_108 = arith.constant 0 : i32
      %dma_wait3A_109 = tpu.memref_slice %arg37[%dma_wait3A_107, %dma_wait3A_108] : memref<1024x8xf32, #tpu.memory_space<vmem_shared>> -> memref<1024x8xf32, #tpu.memory_space<vmem_shared>>
      tpu.wait_indirect_dma semaphore(%arg32 : memref<!tpu.dma_semaphore, #tpu.memory_space<semaphore_mem>>) src(%arg27 : memref<64x8xf32, #tpu.memory_space<vmem>>) dst(%dma_wait3A_109 : memref<1024x8xf32, #tpu.memory_space<vmem_shared>>)
    } else {
    }
    %eq3A_26 = arith.constant 13 : i32
    %eq3A_27 = arith.cmpi eq, %add3A, %eq3A_26 : i32
    %convert_element_type3A_28 = arith.extui %eq3A_27 : i1 to i32
    %cond3A_29 = arith.constant 0 : i32
    %cond3A_30 = arith.cmpi ne, %convert_element_type3A_28, %cond3A_29 : i32
    scf.if %cond3A_30 {
      %dma_start3A = arith.constant 49984 : i32
      %dma_start3A_32 = tpu.memref_slice %arg3[%dma_start3A] : memref<50000xi32, #tpu.memory_space<hbm>> -> memref<16xi32, #tpu.memory_space<hbm>>
      %dma_start3A_33 = arith.constant 49984 : i32
      %dma_start3A_34 = tpu.memref_slice %arg3[%dma_start3A_33] : memref<50000xi32, #tpu.memory_space<hbm>> -> memref<16xi32, #tpu.memory_space<hbm>>
      tpu.enqueue_dma source(%dma_start3A_34 : memref<16xi32, #tpu.memory_space<hbm>>) target(%arg29 : memref<16xi32, #tpu.memory_space<vmem>>) target_semaphore(%arg34 : memref<!tpu.dma_semaphore, #tpu.memory_space<semaphore_mem>>)
      %dma_start3A_35 = arith.constant 1536 : i32
      %dma_start3A_36 = tpu.memref_slice %arg10[%dma_start3A_35] : memref<1600xi32, #tpu.memory_space<vmem>> -> memref<16xi32, #tpu.memory_space<vmem>>
      %dma_start3A_37 = arith.constant 0 : i32
      %dma_start3A_38 = arith.constant 0 : i32
      %dma_start3A_39 = tpu.memref_slice %arg38[%dma_start3A_37, %dma_start3A_38] : memref<10000x64xf32, #tpu.memory_space<vmem_shared>> -> memref<10000x64xf32, #tpu.memory_space<vmem_shared>>
      tpu.enqueue_indirect_dma source(%dma_start3A_39 : memref<10000x64xf32, #tpu.memory_space<vmem_shared>>) target(%arg28 : memref<16x64xf32, #tpu.memory_space<vmem>>) offsets(%dma_start3A_36 : memref<16xi32, #tpu.memory_space<vmem>>) semaphore(%arg30 : memref<!tpu.dma_semaphore, #tpu.memory_space<semaphore_mem>>)
      %dma_wait3A = arith.constant 1536 : i32
      %dma_wait3A_40 = tpu.memref_slice %arg10[%dma_wait3A] : memref<1600xi32, #tpu.memory_space<vmem>> -> memref<16xi32, #tpu.memory_space<vmem>>
      %dma_wait3A_41 = arith.constant 0 : i32
      %dma_wait3A_42 = arith.constant 0 : i32
      %dma_wait3A_43 = tpu.memref_slice %arg38[%dma_wait3A_41, %dma_wait3A_42] : memref<10000x64xf32, #tpu.memory_space<vmem_shared>> -> memref<10000x64xf32, #tpu.memory_space<vmem_shared>>
      tpu.wait_indirect_dma semaphore(%arg30 : memref<!tpu.dma_semaphore, #tpu.memory_space<semaphore_mem>>) src(%dma_wait3A_43 : memref<10000x64xf32, #tpu.memory_space<vmem_shared>>) dst(%arg28 : memref<16x64xf32, #tpu.memory_space<vmem>>)
      %dma_wait3A_44 = arith.constant 49984 : i32
      %dma_wait3A_45 = tpu.memref_slice %arg3[%dma_wait3A_44] : memref<50000xi32, #tpu.memory_space<hbm>> -> memref<16xi32, #tpu.memory_space<hbm>>
      %dma_wait3A_46 = arith.constant 49984 : i32
      %dma_wait3A_47 = tpu.memref_slice %arg3[%dma_wait3A_46] : memref<50000xi32, #tpu.memory_space<hbm>> -> memref<16xi32, #tpu.memory_space<hbm>>
      tpu.wait_dma2 semaphore(%arg34 : memref<!tpu.dma_semaphore, #tpu.memory_space<semaphore_mem>>) src(%dma_wait3A_47 : memref<16xi32, #tpu.memory_space<hbm>>) dst(%arg29 : memref<16xi32, #tpu.memory_space<vmem>>)
      %get3A = arith.constant 0 : index
      %get3A_48 = tpu.vector_load %arg29[%get3A] {strides = array<i32>} : memref<16xi32, #tpu.memory_space<vmem>>, vector<16xi32>,
      %get3A_49 = vector.shape_cast %get3A_48 : vector<16xi32> to vector<16xi32>
      %mul3A_50 = arith.constant 4 : i32
      %mul3A_51 = vector.broadcast %mul3A_50 : i32 to vector<16xi32>
      %mul3A_52 = arith.muli %get3A_49, %mul3A_51 : vector<16xi32>
      %add3A_53 = arith.addi %mul3A_52, %rem3A_14 : vector<16xi32>
      %swap3A = arith.constant 0 : index
      %swap3A_54 = tpu.vector_load %arg29[%swap3A] {strides = array<i32>} : memref<16xi32, #tpu.memory_space<vmem>>, vector<16xi32>,
      %swap3A_55 = vector.shape_cast %swap3A_54 : vector<16xi32> to vector<16xi32>
      %swap3A_56 = vector.shape_cast %add3A_53 : vector<16xi32> to vector<16xi32>
      tpu.vector_store %arg29[%swap3A], %swap3A_56 {strides = array<i32>} : memref<16xi32, #tpu.memory_space<vmem>>, vector<16xi32>,
      %dma_start3A_57 = arith.constant 0 : i32
      %dma_start3A_58 = arith.constant 0 : i32
      %dma_start3A_59 = tpu.memref_slice %arg36[%dma_start3A_57, %dma_start3A_58] : memref<1024x64xf32, #tpu.memory_space<vmem_shared>> -> memref<1024x64xf32, #tpu.memory_space<vmem_shared>>
      tpu.enqueue_indirect_dma source(%arg28 : memref<16x64xf32, #tpu.memory_space<vmem>>) target(%dma_start3A_59 : memref<1024x64xf32, #tpu.memory_space<vmem_shared>>) offsets(%arg29 : memref<16xi32, #tpu.memory_space<vmem>>) semaphore(%arg32 : memref<!tpu.dma_semaphore, #tpu.memory_space<semaphore_mem>>) {add = true}
      %dma_start3A_60 = arith.constant 0 : i32
      %dma_start3A_61 = arith.constant 0 : i32
      %dma_start3A_62 = tpu.memref_slice %arg27[%dma_start3A_60, %dma_start3A_61] : memref<64x8xf32, #tpu.memory_space<vmem>> -> memref<16x8xf32, #tpu.memory_space<vmem>>
      %dma_start3A_63 = arith.constant 0 : i32
      %dma_start3A_64 = arith.constant 0 : i32
      %dma_start3A_65 = tpu.memref_slice %arg37[%dma_start3A_63, %dma_start3A_64] : memref<1024x8xf32, #tpu.memory_space<vmem_shared>> -> memref<1024x8xf32, #tpu.memory_space<vmem_shared>>
      tpu.enqueue_indirect_dma source(%dma_start3A_62 : memref<16x8xf32, #tpu.memory_space<vmem>>) target(%dma_start3A_65 : memref<1024x8xf32, #tpu.memory_space<vmem_shared>>) offsets(%arg29 : memref<16xi32, #tpu.memory_space<vmem>>) semaphore(%arg32 : memref<!tpu.dma_semaphore, #tpu.memory_space<semaphore_mem>>) {add = true}
      %dma_wait3A_66 = arith.constant 0 : i32
      %dma_wait3A_67 = arith.constant 0 : i32
      %dma_wait3A_68 = tpu.memref_slice %arg36[%dma_wait3A_66, %dma_wait3A_67] : memref<1024x64xf32, #tpu.memory_space<vmem_shared>> -> memref<1024x64xf32, #tpu.memory_space<vmem_shared>>
      tpu.wait_indirect_dma semaphore(%arg32 : memref<!tpu.dma_semaphore, #tpu.memory_space<semaphore_mem>>) src(%arg28 : memref<16x64xf32, #tpu.memory_space<vmem>>) dst(%dma_wait3A_68 : memref<1024x64xf32, #tpu.memory_space<vmem_shared>>)
      %dma_wait3A_69 = arith.constant 0 : i32
      %dma_wait3A_70 = arith.constant 0 : i32
      %dma_wait3A_71 = tpu.memref_slice %arg27[%dma_wait3A_69, %dma_wait3A_70] : memref<64x8xf32, #tpu.memory_space<vmem>> -> memref<16x8xf32, #tpu.memory_space<vmem>>
      %dma_wait3A_72 = arith.constant 0 : i32
      %dma_wait3A_73 = arith.constant 0 : i32
      %dma_wait3A_74 = tpu.memref_slice %arg37[%dma_wait3A_72, %dma_wait3A_73] : memref<1024x8xf32, #tpu.memory_space<vmem_shared>> -> memref<1024x8xf32, #tpu.memory_space<vmem_shared>>
      tpu.wait_indirect_dma semaphore(%arg32 : memref<!tpu.dma_semaphore, #tpu.memory_space<semaphore_mem>>) src(%dma_wait3A_71 : memref<16x8xf32, #tpu.memory_space<vmem>>) dst(%dma_wait3A_74 : memref<1024x8xf32, #tpu.memory_space<vmem_shared>>)
    } else {
    }
    %barrier3A_31 = arith.constant 0 : index
    tpu.barrier barrier_id(%barrier3A_31)
    "tpu.region"() ({
      %run_scoped3A = tpu.sem_alloc : memref<!tpu.dma_semaphore, #tpu.memory_space<semaphore_mem>>
      %dma_start3A = arith.constant 0 : i32
      %dma_start3A_32 = tpu.memref_slice %arg8[%arg0, %mul3A_2, %dma_start3A] : memref<2x1024x64xf32, #tpu.memory_space<hbm>> -> memref<1x64x64xf32, #tpu.memory_space<hbm>>
      %dma_start3A_33 = tpu.memref_squeeze %dma_start3A_32 : memref<1x64x64xf32, #tpu.memory_space<hbm>> -> memref<64x64xf32, #tpu.memory_space<hbm>>
      %dma_start3A_34 = arith.constant 0 : i32
      %dma_start3A_35 = tpu.memref_slice %arg36[%mul3A_2, %dma_start3A_34] : memref<1024x64xf32, #tpu.memory_space<vmem_shared>> -> memref<64x64xf32, #tpu.memory_space<vmem_shared>>
      tpu.enqueue_dma source(%dma_start3A_35 : memref<64x64xf32, #tpu.memory_space<vmem_shared>>) target(%dma_start3A_33 : memref<64x64xf32, #tpu.memory_space<hbm>>) target_semaphore(%run_scoped3A : memref<!tpu.dma_semaphore, #tpu.memory_space<semaphore_mem>>)
      %dma_wait3A = arith.constant 0 : i32
      %dma_wait3A_36 = tpu.memref_slice %arg8[%arg0, %mul3A_2, %dma_wait3A] : memref<2x1024x64xf32, #tpu.memory_space<hbm>> -> memref<1x64x64xf32, #tpu.memory_space<hbm>>
      %dma_wait3A_37 = tpu.memref_squeeze %dma_wait3A_36 : memref<1x64x64xf32, #tpu.memory_space<hbm>> -> memref<64x64xf32, #tpu.memory_space<hbm>>
      %dma_wait3A_38 = arith.constant 0 : i32
      %dma_wait3A_39 = tpu.memref_slice %arg36[%mul3A_2, %dma_wait3A_38] : memref<1024x64xf32, #tpu.memory_space<vmem_shared>> -> memref<64x64xf32, #tpu.memory_space<vmem_shared>>
      tpu.wait_dma2 semaphore(%run_scoped3A : memref<!tpu.dma_semaphore, #tpu.memory_space<semaphore_mem>>) src(%dma_wait3A_39 : memref<64x64xf32, #tpu.memory_space<vmem_shared>>) dst(%dma_wait3A_37 : memref<64x64xf32, #tpu.memory_space<hbm>>)
      tpu.yield
    }) : () -> ()
    "tpu.region"() ({
      %run_scoped3A = tpu.sem_alloc : memref<!tpu.dma_semaphore, #tpu.memory_space<semaphore_mem>>
      %dma_start3A = arith.constant 0 : i32
      %dma_start3A_32 = tpu.memref_slice %arg9[%arg0, %mul3A_2, %dma_start3A] : memref<2x1024x8xf32, #tpu.memory_space<hbm>> -> memref<1x64x8xf32, #tpu.memory_space<hbm>>
      %dma_start3A_33 = tpu.memref_squeeze %dma_start3A_32 : memref<1x64x8xf32, #tpu.memory_space<hbm>> -> memref<64x8xf32, #tpu.memory_space<hbm>>
      %dma_start3A_34 = arith.constant 0 : i32
      %dma_start3A_35 = tpu.memref_slice %arg37[%mul3A_2, %dma_start3A_34] : memref<1024x8xf32, #tpu.memory_space<vmem_shared>> -> memref<64x8xf32, #tpu.memory_space<vmem_shared>>
      tpu.enqueue_dma source(%dma_start3A_35 : memref<64x8xf32, #tpu.memory_space<vmem_shared>>) target(%dma_start3A_33 : memref<64x8xf32, #tpu.memory_space<hbm>>) target_semaphore(%run_scoped3A : memref<!tpu.dma_semaphore, #tpu.memory_space<semaphore_mem>>)
      %dma_wait3A = arith.constant 0 : i32
      %dma_wait3A_36 = tpu.memref_slice %arg9[%arg0, %mul3A_2, %dma_wait3A] : memref<2x1024x8xf32, #tpu.memory_space<hbm>> -> memref<1x64x8xf32, #tpu.memory_space<hbm>>
      %dma_wait3A_37 = tpu.memref_squeeze %dma_wait3A_36 : memref<1x64x8xf32, #tpu.memory_space<hbm>> -> memref<64x8xf32, #tpu.memory_space<hbm>>
      %dma_wait3A_38 = arith.constant 0 : i32
      %dma_wait3A_39 = tpu.memref_slice %arg37[%mul3A_2, %dma_wait3A_38] : memref<1024x8xf32, #tpu.memory_space<vmem_shared>> -> memref<64x8xf32, #tpu.memory_space<vmem_shared>>
      tpu.wait_dma2 semaphore(%run_scoped3A : memref<!tpu.dma_semaphore, #tpu.memory_space<semaphore_mem>>) src(%dma_wait3A_39 : memref<64x8xf32, #tpu.memory_space<vmem_shared>>) dst(%dma_wait3A_37 : memref<64x8xf32, #tpu.memory_space<hbm>>)
      tpu.yield
    }) : () -> ()
    return
  }
}

#map = affine_map<(d0, d1) -> (0)>
#map1 = affine_map<(d0, d1) -> (0, 0)>
#map2 = affine_map<(d0, d1) -> (0, 0, 0)>
module attributes {stable_mosaic.version = 14 : i64} {
  func.func @_edge_kernel(%arg0: i32, %arg1: i32, %arg2: memref<320000xi32, #tpu.memory_space<hbm>>, %arg3: memref<2500x128xi32, #tpu.memory_space<hbm>>, %arg4: memref<10000x64xf32, #tpu.memory_space<hbm>>, %arg5: memref<625x64xf32, #tpu.memory_space<hbm>>, %arg6: memref<2x10000x64xf32, #tpu.memory_space<hbm>>, %arg7: memref<10112xi32, #tpu.memory_space<vmem>>, %arg8: memref<128xi32, #tpu.memory_space<vmem>>, %arg9: memref<128xi32, #tpu.memory_space<vmem>>, %arg10: memref<128xi32, #tpu.memory_space<vmem>>, %arg11: memref<128xi32, #tpu.memory_space<vmem>>, %arg12: memref<128x64xf32, #tpu.memory_space<vmem>>, %arg13: memref<128x64xf32, #tpu.memory_space<vmem>>, %arg14: memref<128x64xf32, #tpu.memory_space<vmem>>, %arg15: memref<128x64xf32, #tpu.memory_space<vmem>>, %arg16: memref<!tpu.dma_semaphore, #tpu.memory_space<semaphore_mem>>, %arg17: memref<!tpu.dma_semaphore, #tpu.memory_space<semaphore_mem>>, %arg18: memref<!tpu.dma_semaphore, #tpu.memory_space<semaphore_mem>>, %arg19: memref<!tpu.dma_semaphore, #tpu.memory_space<semaphore_mem>>, %arg20: memref<!tpu.dma_semaphore, #tpu.memory_space<semaphore_mem>>, %arg21: memref<!tpu.dma_semaphore, #tpu.memory_space<semaphore_mem>>, %arg22: memref<10000x64xf32, #tpu.memory_space<vmem_shared>>, %arg23: memref<10000x64xf32, #tpu.memory_space<vmem_shared>>) attributes {dimension_semantics = [#tpu.dimension_semantics<core_parallel>, #tpu.dimension_semantics<subcore_parallel>], iteration_bounds = array<i64: 2, 16>, scalar_prefetch = 0 : i64, scratch_operands = 17 : i64, tpu.core_type = #tpu.core_type<sc_vector_subcore>, window_params = [{transform_indices = #map}, {transform_indices = #map1}, {transform_indices = #map1}, {transform_indices = #map1}, {transform_indices = #map2}]} {
    %mul3A = arith.constant 16 : i32
    %mul3A_0 = arith.muli %arg0, %mul3A : i32
    %add3A = arith.addi %mul3A_0, %arg1 : i32
    %mul3A_1 = arith.constant 625 : i32
    %mul3A_2 = arith.muli %arg1, %mul3A_1 : i32
    "tpu.region"() ({
      %run_scoped3A = tpu.sem_alloc : memref<!tpu.dma_semaphore, #tpu.memory_space<semaphore_mem>>
      %dma_start3A_81 = arith.constant 0 : i32
      %dma_start3A_82 = tpu.memref_slice %arg22[%mul3A_2, %dma_start3A_81] : memref<10000x64xf32, #tpu.memory_space<vmem_shared>> -> memref<625x64xf32, #tpu.memory_space<vmem_shared>>
      tpu.enqueue_dma source(%arg5 : memref<625x64xf32, #tpu.memory_space<hbm>>) target(%dma_start3A_82 : memref<625x64xf32, #tpu.memory_space<vmem_shared>>) target_semaphore(%run_scoped3A : memref<!tpu.dma_semaphore, #tpu.memory_space<semaphore_mem>>)
      %dma_wait3A_83 = arith.constant 0 : i32
      %dma_wait3A_84 = tpu.memref_slice %arg22[%mul3A_2, %dma_wait3A_83] : memref<10000x64xf32, #tpu.memory_space<vmem_shared>> -> memref<625x64xf32, #tpu.memory_space<vmem_shared>>
      tpu.wait_dma2 semaphore(%run_scoped3A : memref<!tpu.dma_semaphore, #tpu.memory_space<semaphore_mem>>) src(%arg5 : memref<625x64xf32, #tpu.memory_space<hbm>>) dst(%dma_wait3A_84 : memref<625x64xf32, #tpu.memory_space<vmem_shared>>)
      tpu.yield
    }) : () -> ()
    "tpu.region"() ({
      %run_scoped3A = tpu.sem_alloc : memref<!tpu.dma_semaphore, #tpu.memory_space<semaphore_mem>>
      %dma_start3A_81 = arith.constant 0 : i32
      %dma_start3A_82 = tpu.memref_slice %arg23[%mul3A_2, %dma_start3A_81] : memref<10000x64xf32, #tpu.memory_space<vmem_shared>> -> memref<625x64xf32, #tpu.memory_space<vmem_shared>>
      %dma_start3A_83 = arith.constant 0 : i32
      %dma_start3A_84 = tpu.memref_slice %arg4[%mul3A_2, %dma_start3A_83] : memref<10000x64xf32, #tpu.memory_space<hbm>> -> memref<625x64xf32, #tpu.memory_space<hbm>>
      tpu.enqueue_dma source(%dma_start3A_84 : memref<625x64xf32, #tpu.memory_space<hbm>>) target(%dma_start3A_82 : memref<625x64xf32, #tpu.memory_space<vmem_shared>>) target_semaphore(%run_scoped3A : memref<!tpu.dma_semaphore, #tpu.memory_space<semaphore_mem>>)
      %dma_wait3A_85 = arith.constant 0 : i32
      %dma_wait3A_86 = tpu.memref_slice %arg23[%mul3A_2, %dma_wait3A_85] : memref<10000x64xf32, #tpu.memory_space<vmem_shared>> -> memref<625x64xf32, #tpu.memory_space<vmem_shared>>
      %dma_wait3A_87 = arith.constant 0 : i32
      %dma_wait3A_88 = tpu.memref_slice %arg4[%mul3A_2, %dma_wait3A_87] : memref<10000x64xf32, #tpu.memory_space<hbm>> -> memref<625x64xf32, #tpu.memory_space<hbm>>
      tpu.wait_dma2 semaphore(%run_scoped3A : memref<!tpu.dma_semaphore, #tpu.memory_space<semaphore_mem>>) src(%dma_wait3A_88 : memref<625x64xf32, #tpu.memory_space<hbm>>) dst(%dma_wait3A_86 : memref<625x64xf32, #tpu.memory_space<vmem_shared>>)
      tpu.yield
    }) : () -> ()
    %mul3A_3 = arith.constant 9984 : i32
    %mul3A_4 = arith.muli %add3A, %mul3A_3 : i32
    "tpu.region"() ({
      %run_scoped3A = tpu.sem_alloc : memref<!tpu.dma_semaphore, #tpu.memory_space<semaphore_mem>>
      %dma_start3A_81 = arith.constant 0 : i32
      %dma_start3A_82 = tpu.memref_slice %arg7[%dma_start3A_81] : memref<10112xi32, #tpu.memory_space<vmem>> -> memref<9984xi32, #tpu.memory_space<vmem>>
      %dma_start3A_83 = tpu.memref_slice %arg2[%mul3A_4] : memref<320000xi32, #tpu.memory_space<hbm>> -> memref<9984xi32, #tpu.memory_space<hbm>>
      %dma_start3A_84 = arith.constant 0 : i32
      %dma_start3A_85 = tpu.memref_slice %arg7[%dma_start3A_84] : memref<10112xi32, #tpu.memory_space<vmem>> -> memref<9984xi32, #tpu.memory_space<vmem>>
      %dma_start3A_86 = tpu.memref_slice %arg2[%mul3A_4] : memref<320000xi32, #tpu.memory_space<hbm>> -> memref<9984xi32, #tpu.memory_space<hbm>>
      tpu.enqueue_dma source(%dma_start3A_86 : memref<9984xi32, #tpu.memory_space<hbm>>) target(%dma_start3A_85 : memref<9984xi32, #tpu.memory_space<vmem>>) target_semaphore(%run_scoped3A : memref<!tpu.dma_semaphore, #tpu.memory_space<semaphore_mem>>)
      %dma_wait3A_87 = arith.constant 0 : i32
      %dma_wait3A_88 = tpu.memref_slice %arg7[%dma_wait3A_87] : memref<10112xi32, #tpu.memory_space<vmem>> -> memref<9984xi32, #tpu.memory_space<vmem>>
      %dma_wait3A_89 = tpu.memref_slice %arg2[%mul3A_4] : memref<320000xi32, #tpu.memory_space<hbm>> -> memref<9984xi32, #tpu.memory_space<hbm>>
      %dma_wait3A_90 = arith.constant 0 : i32
      %dma_wait3A_91 = tpu.memref_slice %arg7[%dma_wait3A_90] : memref<10112xi32, #tpu.memory_space<vmem>> -> memref<9984xi32, #tpu.memory_space<vmem>>
      %dma_wait3A_92 = tpu.memref_slice %arg2[%mul3A_4] : memref<320000xi32, #tpu.memory_space<hbm>> -> memref<9984xi32, #tpu.memory_space<hbm>>
      tpu.wait_dma2 semaphore(%run_scoped3A : memref<!tpu.dma_semaphore, #tpu.memory_space<semaphore_mem>>) src(%dma_wait3A_92 : memref<9984xi32, #tpu.memory_space<hbm>>) dst(%dma_wait3A_91 : memref<9984xi32, #tpu.memory_space<vmem>>)
      tpu.yield
    }) : () -> ()
    %lt3A = arith.constant 4 : i32
    %lt3A_5 = arith.cmpi slt, %add3A, %lt3A : i32
    %convert_element_type3A = arith.extui %lt3A_5 : i1 to i32
    %cond3A = arith.constant 0 : i32
    %cond3A_6 = arith.cmpi ne, %convert_element_type3A, %cond3A : i32
    scf.if %cond3A_6 {
      %mul3A_81 = arith.constant 128 : i32
      %mul3A_82 = arith.muli %add3A, %mul3A_81 : i32
      %add3A_83 = arith.constant 319488 : i32
      %add3A_84 = arith.addi %add3A_83, %mul3A_82 : i32
      "tpu.region"() ({
        %run_scoped3A = tpu.sem_alloc : memref<!tpu.dma_semaphore, #tpu.memory_space<semaphore_mem>>
        %dma_start3A_85 = arith.constant 9984 : i32
        %dma_start3A_86 = tpu.memref_slice %arg7[%dma_start3A_85] : memref<10112xi32, #tpu.memory_space<vmem>> -> memref<128xi32, #tpu.memory_space<vmem>>
        %dma_start3A_87 = tpu.memref_slice %arg2[%add3A_84] : memref<320000xi32, #tpu.memory_space<hbm>> -> memref<128xi32, #tpu.memory_space<hbm>>
        %dma_start3A_88 = arith.constant 9984 : i32
        %dma_start3A_89 = tpu.memref_slice %arg7[%dma_start3A_88] : memref<10112xi32, #tpu.memory_space<vmem>> -> memref<128xi32, #tpu.memory_space<vmem>>
        %dma_start3A_90 = tpu.memref_slice %arg2[%add3A_84] : memref<320000xi32, #tpu.memory_space<hbm>> -> memref<128xi32, #tpu.memory_space<hbm>>
        tpu.enqueue_dma source(%dma_start3A_90 : memref<128xi32, #tpu.memory_space<hbm>>) target(%dma_start3A_89 : memref<128xi32, #tpu.memory_space<vmem>>) target_semaphore(%run_scoped3A : memref<!tpu.dma_semaphore, #tpu.memory_space<semaphore_mem>>)
        %dma_wait3A_91 = arith.constant 9984 : i32
        %dma_wait3A_92 = tpu.memref_slice %arg7[%dma_wait3A_91] : memref<10112xi32, #tpu.memory_space<vmem>> -> memref<128xi32, #tpu.memory_space<vmem>>
        %dma_wait3A_93 = tpu.memref_slice %arg2[%add3A_84] : memref<320000xi32, #tpu.memory_space<hbm>> -> memref<128xi32, #tpu.memory_space<hbm>>
        %dma_wait3A_94 = arith.constant 9984 : i32
        %dma_wait3A_95 = tpu.memref_slice %arg7[%dma_wait3A_94] : memref<10112xi32, #tpu.memory_space<vmem>> -> memref<128xi32, #tpu.memory_space<vmem>>
        %dma_wait3A_96 = tpu.memref_slice %arg2[%add3A_84] : memref<320000xi32, #tpu.memory_space<hbm>> -> memref<128xi32, #tpu.memory_space<hbm>>
        tpu.wait_dma2 semaphore(%run_scoped3A : memref<!tpu.dma_semaphore, #tpu.memory_space<semaphore_mem>>) src(%dma_wait3A_96 : memref<128xi32, #tpu.memory_space<hbm>>) dst(%dma_wait3A_95 : memref<128xi32, #tpu.memory_space<vmem>>)
        tpu.yield
      }) : () -> ()
    } else {
    }
    %barrier3A = arith.constant 0 : index
    tpu.barrier barrier_id(%barrier3A)
    %scan3A = arith.constant 0 : i32
    %scan3A_7 = arith.constant 0 : i32
    %scan3A_8 = arith.constant 19 : i32
    %scan3A_9 = arith.addi %scan3A_7, %scan3A_8 : i32
    %scan3A_10 = arith.constant 1 : i32
    %scan3A_11 = scf.for %scan3A_81 = %scan3A_7 to %scan3A_9 step %scan3A_10 iter_args(%scan3A_82 = %scan3A) -> (i32)  : i32 {
      %mul3A_83 = arith.constant 2 : i32
      %mul3A_84 = arith.muli %scan3A_81, %mul3A_83 : i32
      %mul3A_85 = arith.constant 2 : i32
      %mul3A_86 = arith.muli %mul3A_84, %mul3A_85 : i32
      %add3A_87 = arith.constant 0 : i32
      %add3A_88 = arith.addi %mul3A_86, %add3A_87 : i32
      %add3A_89 = arith.constant 1 : i32
      %add3A_90 = arith.addi %mul3A_86, %add3A_89 : i32
      %add3A_91 = arith.constant 2 : i32
      %add3A_92 = arith.addi %mul3A_86, %add3A_91 : i32
      %add3A_93 = arith.constant 0 : i32
      %add3A_94 = arith.addi %add3A_92, %add3A_93 : i32
      %add3A_95 = arith.constant 2 : i32
      %add3A_96 = arith.addi %mul3A_86, %add3A_95 : i32
      %add3A_97 = arith.constant 1 : i32
      %add3A_98 = arith.addi %add3A_96, %add3A_97 : i32
      %mul3A_99 = arith.constant 78 : i32
      %mul3A_100 = arith.muli %add3A, %mul3A_99 : i32
      %add3A_101 = arith.addi %mul3A_100, %add3A_88 : i32
      %mul3A_102 = arith.constant 78 : i32
      %mul3A_103 = arith.muli %add3A, %mul3A_102 : i32
      %add3A_104 = arith.addi %mul3A_103, %add3A_90 : i32
      %mul3A_105 = arith.constant 78 : i32
      %mul3A_106 = arith.muli %add3A, %mul3A_105 : i32
      %add3A_107 = arith.addi %mul3A_106, %add3A_94 : i32
      %mul3A_108 = arith.constant 78 : i32
      %mul3A_109 = arith.muli %add3A, %mul3A_108 : i32
      %add3A_110 = arith.addi %mul3A_109, %add3A_98 : i32
      %dma_start3A_111 = arith.constant 0 : i32
      %dma_start3A_112 = tpu.memref_slice %arg3[%add3A_101, %dma_start3A_111] : memref<2500x128xi32, #tpu.memory_space<hbm>> -> memref<1x128xi32, #tpu.memory_space<hbm>>
      %dma_start3A_113 = tpu.memref_squeeze %dma_start3A_112 : memref<1x128xi32, #tpu.memory_space<hbm>> -> memref<128xi32, #tpu.memory_space<hbm>>
      %dma_start3A_114 = arith.constant 0 : i32
      %dma_start3A_115 = tpu.memref_slice %arg3[%add3A_101, %dma_start3A_114] : memref<2500x128xi32, #tpu.memory_space<hbm>> -> memref<1x128xi32, #tpu.memory_space<hbm>>
      %dma_start3A_116 = tpu.memref_squeeze %dma_start3A_115 : memref<1x128xi32, #tpu.memory_space<hbm>> -> memref<128xi32, #tpu.memory_space<hbm>>
      tpu.enqueue_dma source(%dma_start3A_116 : memref<128xi32, #tpu.memory_space<hbm>>) target(%arg8 : memref<128xi32, #tpu.memory_space<vmem>>) target_semaphore(%arg20 : memref<!tpu.dma_semaphore, #tpu.memory_space<semaphore_mem>>)
      %dma_start3A_117 = arith.constant 0 : i32
      %dma_start3A_118 = tpu.memref_slice %arg3[%add3A_104, %dma_start3A_117] : memref<2500x128xi32, #tpu.memory_space<hbm>> -> memref<1x128xi32, #tpu.memory_space<hbm>>
      %dma_start3A_119 = tpu.memref_squeeze %dma_start3A_118 : memref<1x128xi32, #tpu.memory_space<hbm>> -> memref<128xi32, #tpu.memory_space<hbm>>
      %dma_start3A_120 = arith.constant 0 : i32
      %dma_start3A_121 = tpu.memref_slice %arg3[%add3A_104, %dma_start3A_120] : memref<2500x128xi32, #tpu.memory_space<hbm>> -> memref<1x128xi32, #tpu.memory_space<hbm>>
      %dma_start3A_122 = tpu.memref_squeeze %dma_start3A_121 : memref<1x128xi32, #tpu.memory_space<hbm>> -> memref<128xi32, #tpu.memory_space<hbm>>
      tpu.enqueue_dma source(%dma_start3A_122 : memref<128xi32, #tpu.memory_space<hbm>>) target(%arg9 : memref<128xi32, #tpu.memory_space<vmem>>) target_semaphore(%arg20 : memref<!tpu.dma_semaphore, #tpu.memory_space<semaphore_mem>>)
      %mul3A_123 = arith.constant 128 : i32
      %mul3A_124 = arith.muli %add3A_88, %mul3A_123 : i32
      %dma_start3A_125 = tpu.memref_slice %arg7[%mul3A_124] : memref<10112xi32, #tpu.memory_space<vmem>> -> memref<128xi32, #tpu.memory_space<vmem>>
      %dma_start3A_126 = arith.constant 0 : i32
      %dma_start3A_127 = arith.constant 0 : i32
      %dma_start3A_128 = tpu.memref_slice %arg23[%dma_start3A_126, %dma_start3A_127] : memref<10000x64xf32, #tpu.memory_space<vmem_shared>> -> memref<10000x64xf32, #tpu.memory_space<vmem_shared>>
      tpu.enqueue_indirect_dma source(%dma_start3A_128 : memref<10000x64xf32, #tpu.memory_space<vmem_shared>>) target(%arg12 : memref<128x64xf32, #tpu.memory_space<vmem>>) offsets(%dma_start3A_125 : memref<128xi32, #tpu.memory_space<vmem>>) semaphore(%arg16 : memref<!tpu.dma_semaphore, #tpu.memory_space<semaphore_mem>>)
      %mul3A_129 = arith.constant 128 : i32
      %mul3A_130 = arith.muli %add3A_90, %mul3A_129 : i32
      %dma_start3A_131 = tpu.memref_slice %arg7[%mul3A_130] : memref<10112xi32, #tpu.memory_space<vmem>> -> memref<128xi32, #tpu.memory_space<vmem>>
      %dma_start3A_132 = arith.constant 0 : i32
      %dma_start3A_133 = arith.constant 0 : i32
      %dma_start3A_134 = tpu.memref_slice %arg23[%dma_start3A_132, %dma_start3A_133] : memref<10000x64xf32, #tpu.memory_space<vmem_shared>> -> memref<10000x64xf32, #tpu.memory_space<vmem_shared>>
      tpu.enqueue_indirect_dma source(%dma_start3A_134 : memref<10000x64xf32, #tpu.memory_space<vmem_shared>>) target(%arg13 : memref<128x64xf32, #tpu.memory_space<vmem>>) offsets(%dma_start3A_131 : memref<128xi32, #tpu.memory_space<vmem>>) semaphore(%arg16 : memref<!tpu.dma_semaphore, #tpu.memory_space<semaphore_mem>>)
      %dma_start3A_135 = arith.constant 0 : i32
      %dma_start3A_136 = tpu.memref_slice %arg3[%add3A_107, %dma_start3A_135] : memref<2500x128xi32, #tpu.memory_space<hbm>> -> memref<1x128xi32, #tpu.memory_space<hbm>>
      %dma_start3A_137 = tpu.memref_squeeze %dma_start3A_136 : memref<1x128xi32, #tpu.memory_space<hbm>> -> memref<128xi32, #tpu.memory_space<hbm>>
      %dma_start3A_138 = arith.constant 0 : i32
      %dma_start3A_139 = tpu.memref_slice %arg3[%add3A_107, %dma_start3A_138] : memref<2500x128xi32, #tpu.memory_space<hbm>> -> memref<1x128xi32, #tpu.memory_space<hbm>>
      %dma_start3A_140 = tpu.memref_squeeze %dma_start3A_139 : memref<1x128xi32, #tpu.memory_space<hbm>> -> memref<128xi32, #tpu.memory_space<hbm>>
      tpu.enqueue_dma source(%dma_start3A_140 : memref<128xi32, #tpu.memory_space<hbm>>) target(%arg10 : memref<128xi32, #tpu.memory_space<vmem>>) target_semaphore(%arg21 : memref<!tpu.dma_semaphore, #tpu.memory_space<semaphore_mem>>)
      %dma_start3A_141 = arith.constant 0 : i32
      %dma_start3A_142 = tpu.memref_slice %arg3[%add3A_110, %dma_start3A_141] : memref<2500x128xi32, #tpu.memory_space<hbm>> -> memref<1x128xi32, #tpu.memory_space<hbm>>
      %dma_start3A_143 = tpu.memref_squeeze %dma_start3A_142 : memref<1x128xi32, #tpu.memory_space<hbm>> -> memref<128xi32, #tpu.memory_space<hbm>>
      %dma_start3A_144 = arith.constant 0 : i32
      %dma_start3A_145 = tpu.memref_slice %arg3[%add3A_110, %dma_start3A_144] : memref<2500x128xi32, #tpu.memory_space<hbm>> -> memref<1x128xi32, #tpu.memory_space<hbm>>
      %dma_start3A_146 = tpu.memref_squeeze %dma_start3A_145 : memref<1x128xi32, #tpu.memory_space<hbm>> -> memref<128xi32, #tpu.memory_space<hbm>>
      tpu.enqueue_dma source(%dma_start3A_146 : memref<128xi32, #tpu.memory_space<hbm>>) target(%arg11 : memref<128xi32, #tpu.memory_space<vmem>>) target_semaphore(%arg21 : memref<!tpu.dma_semaphore, #tpu.memory_space<semaphore_mem>>)
      %mul3A_147 = arith.constant 128 : i32
      %mul3A_148 = arith.muli %add3A_94, %mul3A_147 : i32
      %dma_start3A_149 = tpu.memref_slice %arg7[%mul3A_148] : memref<10112xi32, #tpu.memory_space<vmem>> -> memref<128xi32, #tpu.memory_space<vmem>>
      %dma_start3A_150 = arith.constant 0 : i32
      %dma_start3A_151 = arith.constant 0 : i32
      %dma_start3A_152 = tpu.memref_slice %arg23[%dma_start3A_150, %dma_start3A_151] : memref<10000x64xf32, #tpu.memory_space<vmem_shared>> -> memref<10000x64xf32, #tpu.memory_space<vmem_shared>>
      tpu.enqueue_indirect_dma source(%dma_start3A_152 : memref<10000x64xf32, #tpu.memory_space<vmem_shared>>) target(%arg14 : memref<128x64xf32, #tpu.memory_space<vmem>>) offsets(%dma_start3A_149 : memref<128xi32, #tpu.memory_space<vmem>>) semaphore(%arg17 : memref<!tpu.dma_semaphore, #tpu.memory_space<semaphore_mem>>)
      %mul3A_153 = arith.constant 128 : i32
      %mul3A_154 = arith.muli %add3A_98, %mul3A_153 : i32
      %dma_start3A_155 = tpu.memref_slice %arg7[%mul3A_154] : memref<10112xi32, #tpu.memory_space<vmem>> -> memref<128xi32, #tpu.memory_space<vmem>>
      %dma_start3A_156 = arith.constant 0 : i32
      %dma_start3A_157 = arith.constant 0 : i32
      %dma_start3A_158 = tpu.memref_slice %arg23[%dma_start3A_156, %dma_start3A_157] : memref<10000x64xf32, #tpu.memory_space<vmem_shared>> -> memref<10000x64xf32, #tpu.memory_space<vmem_shared>>
      tpu.enqueue_indirect_dma source(%dma_start3A_158 : memref<10000x64xf32, #tpu.memory_space<vmem_shared>>) target(%arg15 : memref<128x64xf32, #tpu.memory_space<vmem>>) offsets(%dma_start3A_155 : memref<128xi32, #tpu.memory_space<vmem>>) semaphore(%arg17 : memref<!tpu.dma_semaphore, #tpu.memory_space<semaphore_mem>>)
      %dma_wait3A_159 = tpu.memref_slice %arg7[%mul3A_124] : memref<10112xi32, #tpu.memory_space<vmem>> -> memref<128xi32, #tpu.memory_space<vmem>>
      %dma_wait3A_160 = arith.constant 0 : i32
      %dma_wait3A_161 = arith.constant 0 : i32
      %dma_wait3A_162 = tpu.memref_slice %arg23[%dma_wait3A_160, %dma_wait3A_161] : memref<10000x64xf32, #tpu.memory_space<vmem_shared>> -> memref<10000x64xf32, #tpu.memory_space<vmem_shared>>
      tpu.wait_indirect_dma semaphore(%arg16 : memref<!tpu.dma_semaphore, #tpu.memory_space<semaphore_mem>>) src(%dma_wait3A_162 : memref<10000x64xf32, #tpu.memory_space<vmem_shared>>) dst(%arg12 : memref<128x64xf32, #tpu.memory_space<vmem>>)
      %dma_wait3A_163 = tpu.memref_slice %arg7[%mul3A_130] : memref<10112xi32, #tpu.memory_space<vmem>> -> memref<128xi32, #tpu.memory_space<vmem>>
      %dma_wait3A_164 = arith.constant 0 : i32
      %dma_wait3A_165 = arith.constant 0 : i32
      %dma_wait3A_166 = tpu.memref_slice %arg23[%dma_wait3A_164, %dma_wait3A_165] : memref<10000x64xf32, #tpu.memory_space<vmem_shared>> -> memref<10000x64xf32, #tpu.memory_space<vmem_shared>>
      tpu.wait_indirect_dma semaphore(%arg16 : memref<!tpu.dma_semaphore, #tpu.memory_space<semaphore_mem>>) src(%dma_wait3A_166 : memref<10000x64xf32, #tpu.memory_space<vmem_shared>>) dst(%arg13 : memref<128x64xf32, #tpu.memory_space<vmem>>)
      %dma_wait3A_167 = arith.constant 0 : i32
      %dma_wait3A_168 = tpu.memref_slice %arg3[%add3A_101, %dma_wait3A_167] : memref<2500x128xi32, #tpu.memory_space<hbm>> -> memref<1x128xi32, #tpu.memory_space<hbm>>
      %dma_wait3A_169 = tpu.memref_squeeze %dma_wait3A_168 : memref<1x128xi32, #tpu.memory_space<hbm>> -> memref<128xi32, #tpu.memory_space<hbm>>
      %dma_wait3A_170 = arith.constant 0 : i32
      %dma_wait3A_171 = tpu.memref_slice %arg3[%add3A_101, %dma_wait3A_170] : memref<2500x128xi32, #tpu.memory_space<hbm>> -> memref<1x128xi32, #tpu.memory_space<hbm>>
      %dma_wait3A_172 = tpu.memref_squeeze %dma_wait3A_171 : memref<1x128xi32, #tpu.memory_space<hbm>> -> memref<128xi32, #tpu.memory_space<hbm>>
      tpu.wait_dma2 semaphore(%arg20 : memref<!tpu.dma_semaphore, #tpu.memory_space<semaphore_mem>>) src(%dma_wait3A_172 : memref<128xi32, #tpu.memory_space<hbm>>) dst(%arg8 : memref<128xi32, #tpu.memory_space<vmem>>)
      %dma_wait3A_173 = arith.constant 0 : i32
      %dma_wait3A_174 = tpu.memref_slice %arg3[%add3A_104, %dma_wait3A_173] : memref<2500x128xi32, #tpu.memory_space<hbm>> -> memref<1x128xi32, #tpu.memory_space<hbm>>
      %dma_wait3A_175 = tpu.memref_squeeze %dma_wait3A_174 : memref<1x128xi32, #tpu.memory_space<hbm>> -> memref<128xi32, #tpu.memory_space<hbm>>
      %dma_wait3A_176 = arith.constant 0 : i32
      %dma_wait3A_177 = tpu.memref_slice %arg3[%add3A_104, %dma_wait3A_176] : memref<2500x128xi32, #tpu.memory_space<hbm>> -> memref<1x128xi32, #tpu.memory_space<hbm>>
      %dma_wait3A_178 = tpu.memref_squeeze %dma_wait3A_177 : memref<1x128xi32, #tpu.memory_space<hbm>> -> memref<128xi32, #tpu.memory_space<hbm>>
      tpu.wait_dma2 semaphore(%arg20 : memref<!tpu.dma_semaphore, #tpu.memory_space<semaphore_mem>>) src(%dma_wait3A_178 : memref<128xi32, #tpu.memory_space<hbm>>) dst(%arg9 : memref<128xi32, #tpu.memory_space<vmem>>)
      %dma_start3A_179 = arith.constant 0 : i32
      %dma_start3A_180 = arith.constant 0 : i32
      %dma_start3A_181 = tpu.memref_slice %arg22[%dma_start3A_179, %dma_start3A_180] : memref<10000x64xf32, #tpu.memory_space<vmem_shared>> -> memref<10000x64xf32, #tpu.memory_space<vmem_shared>>
      tpu.enqueue_indirect_dma source(%arg12 : memref<128x64xf32, #tpu.memory_space<vmem>>) target(%dma_start3A_181 : memref<10000x64xf32, #tpu.memory_space<vmem_shared>>) offsets(%arg8 : memref<128xi32, #tpu.memory_space<vmem>>) semaphore(%arg18 : memref<!tpu.dma_semaphore, #tpu.memory_space<semaphore_mem>>) {add = true}
      %dma_start3A_182 = arith.constant 0 : i32
      %dma_start3A_183 = arith.constant 0 : i32
      %dma_start3A_184 = tpu.memref_slice %arg22[%dma_start3A_182, %dma_start3A_183] : memref<10000x64xf32, #tpu.memory_space<vmem_shared>> -> memref<10000x64xf32, #tpu.memory_space<vmem_shared>>
      tpu.enqueue_indirect_dma source(%arg13 : memref<128x64xf32, #tpu.memory_space<vmem>>) target(%dma_start3A_184 : memref<10000x64xf32, #tpu.memory_space<vmem_shared>>) offsets(%arg9 : memref<128xi32, #tpu.memory_space<vmem>>) semaphore(%arg18 : memref<!tpu.dma_semaphore, #tpu.memory_space<semaphore_mem>>) {add = true}
      %dma_wait3A_185 = tpu.memref_slice %arg7[%mul3A_148] : memref<10112xi32, #tpu.memory_space<vmem>> -> memref<128xi32, #tpu.memory_space<vmem>>
      %dma_wait3A_186 = arith.constant 0 : i32
      %dma_wait3A_187 = arith.constant 0 : i32
      %dma_wait3A_188 = tpu.memref_slice %arg23[%dma_wait3A_186, %dma_wait3A_187] : memref<10000x64xf32, #tpu.memory_space<vmem_shared>> -> memref<10000x64xf32, #tpu.memory_space<vmem_shared>>
      tpu.wait_indirect_dma semaphore(%arg17 : memref<!tpu.dma_semaphore, #tpu.memory_space<semaphore_mem>>) src(%dma_wait3A_188 : memref<10000x64xf32, #tpu.memory_space<vmem_shared>>) dst(%arg14 : memref<128x64xf32, #tpu.memory_space<vmem>>)
      %dma_wait3A_189 = tpu.memref_slice %arg7[%mul3A_154] : memref<10112xi32, #tpu.memory_space<vmem>> -> memref<128xi32, #tpu.memory_space<vmem>>
      %dma_wait3A_190 = arith.constant 0 : i32
      %dma_wait3A_191 = arith.constant 0 : i32
      %dma_wait3A_192 = tpu.memref_slice %arg23[%dma_wait3A_190, %dma_wait3A_191] : memref<10000x64xf32, #tpu.memory_space<vmem_shared>> -> memref<10000x64xf32, #tpu.memory_space<vmem_shared>>
      tpu.wait_indirect_dma semaphore(%arg17 : memref<!tpu.dma_semaphore, #tpu.memory_space<semaphore_mem>>) src(%dma_wait3A_192 : memref<10000x64xf32, #tpu.memory_space<vmem_shared>>) dst(%arg15 : memref<128x64xf32, #tpu.memory_space<vmem>>)
      %dma_wait3A_193 = arith.constant 0 : i32
      %dma_wait3A_194 = tpu.memref_slice %arg3[%add3A_107, %dma_wait3A_193] : memref<2500x128xi32, #tpu.memory_space<hbm>> -> memref<1x128xi32, #tpu.memory_space<hbm>>
      %dma_wait3A_195 = tpu.memref_squeeze %dma_wait3A_194 : memref<1x128xi32, #tpu.memory_space<hbm>> -> memref<128xi32, #tpu.memory_space<hbm>>
      %dma_wait3A_196 = arith.constant 0 : i32
      %dma_wait3A_197 = tpu.memref_slice %arg3[%add3A_107, %dma_wait3A_196] : memref<2500x128xi32, #tpu.memory_space<hbm>> -> memref<1x128xi32, #tpu.memory_space<hbm>>
      %dma_wait3A_198 = tpu.memref_squeeze %dma_wait3A_197 : memref<1x128xi32, #tpu.memory_space<hbm>> -> memref<128xi32, #tpu.memory_space<hbm>>
      tpu.wait_dma2 semaphore(%arg21 : memref<!tpu.dma_semaphore, #tpu.memory_space<semaphore_mem>>) src(%dma_wait3A_198 : memref<128xi32, #tpu.memory_space<hbm>>) dst(%arg10 : memref<128xi32, #tpu.memory_space<vmem>>)
      %dma_wait3A_199 = arith.constant 0 : i32
      %dma_wait3A_200 = tpu.memref_slice %arg3[%add3A_110, %dma_wait3A_199] : memref<2500x128xi32, #tpu.memory_space<hbm>> -> memref<1x128xi32, #tpu.memory_space<hbm>>
      %dma_wait3A_201 = tpu.memref_squeeze %dma_wait3A_200 : memref<1x128xi32, #tpu.memory_space<hbm>> -> memref<128xi32, #tpu.memory_space<hbm>>
      %dma_wait3A_202 = arith.constant 0 : i32
      %dma_wait3A_203 = tpu.memref_slice %arg3[%add3A_110, %dma_wait3A_202] : memref<2500x128xi32, #tpu.memory_space<hbm>> -> memref<1x128xi32, #tpu.memory_space<hbm>>
      %dma_wait3A_204 = tpu.memref_squeeze %dma_wait3A_203 : memref<1x128xi32, #tpu.memory_space<hbm>> -> memref<128xi32, #tpu.memory_space<hbm>>
      tpu.wait_dma2 semaphore(%arg21 : memref<!tpu.dma_semaphore, #tpu.memory_space<semaphore_mem>>) src(%dma_wait3A_204 : memref<128xi32, #tpu.memory_space<hbm>>) dst(%arg11 : memref<128xi32, #tpu.memory_space<vmem>>)
      %dma_start3A_205 = arith.constant 0 : i32
      %dma_start3A_206 = arith.constant 0 : i32
      %dma_start3A_207 = tpu.memref_slice %arg22[%dma_start3A_205, %dma_start3A_206] : memref<10000x64xf32, #tpu.memory_space<vmem_shared>> -> memref<10000x64xf32, #tpu.memory_space<vmem_shared>>
      tpu.enqueue_indirect_dma source(%arg14 : memref<128x64xf32, #tpu.memory_space<vmem>>) target(%dma_start3A_207 : memref<10000x64xf32, #tpu.memory_space<vmem_shared>>) offsets(%arg10 : memref<128xi32, #tpu.memory_space<vmem>>) semaphore(%arg19 : memref<!tpu.dma_semaphore, #tpu.memory_space<semaphore_mem>>) {add = true}
      %dma_start3A_208 = arith.constant 0 : i32
      %dma_start3A_209 = arith.constant 0 : i32
      %dma_start3A_210 = tpu.memref_slice %arg22[%dma_start3A_208, %dma_start3A_209] : memref<10000x64xf32, #tpu.memory_space<vmem_shared>> -> memref<10000x64xf32, #tpu.memory_space<vmem_shared>>
      tpu.enqueue_indirect_dma source(%arg15 : memref<128x64xf32, #tpu.memory_space<vmem>>) target(%dma_start3A_210 : memref<10000x64xf32, #tpu.memory_space<vmem_shared>>) offsets(%arg11 : memref<128xi32, #tpu.memory_space<vmem>>) semaphore(%arg19 : memref<!tpu.dma_semaphore, #tpu.memory_space<semaphore_mem>>) {add = true}
      %dma_wait3A_211 = arith.constant 0 : i32
      %dma_wait3A_212 = arith.constant 0 : i32
      %dma_wait3A_213 = tpu.memref_slice %arg22[%dma_wait3A_211, %dma_wait3A_212] : memref<10000x64xf32, #tpu.memory_space<vmem_shared>> -> memref<10000x64xf32, #tpu.memory_space<vmem_shared>>
      tpu.wait_indirect_dma semaphore(%arg18 : memref<!tpu.dma_semaphore, #tpu.memory_space<semaphore_mem>>) src(%arg12 : memref<128x64xf32, #tpu.memory_space<vmem>>) dst(%dma_wait3A_213 : memref<10000x64xf32, #tpu.memory_space<vmem_shared>>)
      %dma_wait3A_214 = arith.constant 0 : i32
      %dma_wait3A_215 = arith.constant 0 : i32
      %dma_wait3A_216 = tpu.memref_slice %arg22[%dma_wait3A_214, %dma_wait3A_215] : memref<10000x64xf32, #tpu.memory_space<vmem_shared>> -> memref<10000x64xf32, #tpu.memory_space<vmem_shared>>
      tpu.wait_indirect_dma semaphore(%arg18 : memref<!tpu.dma_semaphore, #tpu.memory_space<semaphore_mem>>) src(%arg13 : memref<128x64xf32, #tpu.memory_space<vmem>>) dst(%dma_wait3A_216 : memref<10000x64xf32, #tpu.memory_space<vmem_shared>>)
      %dma_wait3A_217 = arith.constant 0 : i32
      %dma_wait3A_218 = arith.constant 0 : i32
      %dma_wait3A_219 = tpu.memref_slice %arg22[%dma_wait3A_217, %dma_wait3A_218] : memref<10000x64xf32, #tpu.memory_space<vmem_shared>> -> memref<10000x64xf32, #tpu.memory_space<vmem_shared>>
      tpu.wait_indirect_dma semaphore(%arg19 : memref<!tpu.dma_semaphore, #tpu.memory_space<semaphore_mem>>) src(%arg14 : memref<128x64xf32, #tpu.memory_space<vmem>>) dst(%dma_wait3A_219 : memref<10000x64xf32, #tpu.memory_space<vmem_shared>>)
      %dma_wait3A_220 = arith.constant 0 : i32
      %dma_wait3A_221 = arith.constant 0 : i32
      %dma_wait3A_222 = tpu.memref_slice %arg22[%dma_wait3A_220, %dma_wait3A_221] : memref<10000x64xf32, #tpu.memory_space<vmem_shared>> -> memref<10000x64xf32, #tpu.memory_space<vmem_shared>>
      tpu.wait_indirect_dma semaphore(%arg19 : memref<!tpu.dma_semaphore, #tpu.memory_space<semaphore_mem>>) src(%arg15 : memref<128x64xf32, #tpu.memory_space<vmem>>) dst(%dma_wait3A_222 : memref<10000x64xf32, #tpu.memory_space<vmem_shared>>)
      %scan3A_223 = arith.constant 0 : i32
      scf.yield %scan3A_223 : i32
    }
    %scan3A_12 = arith.constant 19 : i32
    %mul3A_13 = arith.constant 78 : i32
    %mul3A_14 = arith.muli %add3A, %mul3A_13 : i32
    %add3A_15 = arith.constant 76 : i32
    %add3A_16 = arith.addi %mul3A_14, %add3A_15 : i32
    %mul3A_17 = arith.constant 78 : i32
    %mul3A_18 = arith.muli %add3A, %mul3A_17 : i32
    %add3A_19 = arith.constant 77 : i32
    %add3A_20 = arith.addi %mul3A_18, %add3A_19 : i32
    %dma_start3A = arith.constant 0 : i32
    %dma_start3A_21 = tpu.memref_slice %arg3[%add3A_16, %dma_start3A] : memref<2500x128xi32, #tpu.memory_space<hbm>> -> memref<1x128xi32, #tpu.memory_space<hbm>>
    %dma_start3A_22 = tpu.memref_squeeze %dma_start3A_21 : memref<1x128xi32, #tpu.memory_space<hbm>> -> memref<128xi32, #tpu.memory_space<hbm>>
    %dma_start3A_23 = arith.constant 0 : i32
    %dma_start3A_24 = tpu.memref_slice %arg3[%add3A_16, %dma_start3A_23] : memref<2500x128xi32, #tpu.memory_space<hbm>> -> memref<1x128xi32, #tpu.memory_space<hbm>>
    %dma_start3A_25 = tpu.memref_squeeze %dma_start3A_24 : memref<1x128xi32, #tpu.memory_space<hbm>> -> memref<128xi32, #tpu.memory_space<hbm>>
    tpu.enqueue_dma source(%dma_start3A_25 : memref<128xi32, #tpu.memory_space<hbm>>) target(%arg8 : memref<128xi32, #tpu.memory_space<vmem>>) target_semaphore(%arg20 : memref<!tpu.dma_semaphore, #tpu.memory_space<semaphore_mem>>)
    %dma_start3A_26 = arith.constant 0 : i32
    %dma_start3A_27 = tpu.memref_slice %arg3[%add3A_20, %dma_start3A_26] : memref<2500x128xi32, #tpu.memory_space<hbm>> -> memref<1x128xi32, #tpu.memory_space<hbm>>
    %dma_start3A_28 = tpu.memref_squeeze %dma_start3A_27 : memref<1x128xi32, #tpu.memory_space<hbm>> -> memref<128xi32, #tpu.memory_space<hbm>>
    %dma_start3A_29 = arith.constant 0 : i32
    %dma_start3A_30 = tpu.memref_slice %arg3[%add3A_20, %dma_start3A_29] : memref<2500x128xi32, #tpu.memory_space<hbm>> -> memref<1x128xi32, #tpu.memory_space<hbm>>
    %dma_start3A_31 = tpu.memref_squeeze %dma_start3A_30 : memref<1x128xi32, #tpu.memory_space<hbm>> -> memref<128xi32, #tpu.memory_space<hbm>>
    tpu.enqueue_dma source(%dma_start3A_31 : memref<128xi32, #tpu.memory_space<hbm>>) target(%arg9 : memref<128xi32, #tpu.memory_space<vmem>>) target_semaphore(%arg20 : memref<!tpu.dma_semaphore, #tpu.memory_space<semaphore_mem>>)
    %dma_start3A_32 = arith.constant 9728 : i32
    %dma_start3A_33 = tpu.memref_slice %arg7[%dma_start3A_32] : memref<10112xi32, #tpu.memory_space<vmem>> -> memref<128xi32, #tpu.memory_space<vmem>>
    %dma_start3A_34 = arith.constant 0 : i32
    %dma_start3A_35 = arith.constant 0 : i32
    %dma_start3A_36 = tpu.memref_slice %arg23[%dma_start3A_34, %dma_start3A_35] : memref<10000x64xf32, #tpu.memory_space<vmem_shared>> -> memref<10000x64xf32, #tpu.memory_space<vmem_shared>>
    tpu.enqueue_indirect_dma source(%dma_start3A_36 : memref<10000x64xf32, #tpu.memory_space<vmem_shared>>) target(%arg12 : memref<128x64xf32, #tpu.memory_space<vmem>>) offsets(%dma_start3A_33 : memref<128xi32, #tpu.memory_space<vmem>>) semaphore(%arg16 : memref<!tpu.dma_semaphore, #tpu.memory_space<semaphore_mem>>)
    %dma_start3A_37 = arith.constant 9856 : i32
    %dma_start3A_38 = tpu.memref_slice %arg7[%dma_start3A_37] : memref<10112xi32, #tpu.memory_space<vmem>> -> memref<128xi32, #tpu.memory_space<vmem>>
    %dma_start3A_39 = arith.constant 0 : i32
    %dma_start3A_40 = arith.constant 0 : i32
    %dma_start3A_41 = tpu.memref_slice %arg23[%dma_start3A_39, %dma_start3A_40] : memref<10000x64xf32, #tpu.memory_space<vmem_shared>> -> memref<10000x64xf32, #tpu.memory_space<vmem_shared>>
    tpu.enqueue_indirect_dma source(%dma_start3A_41 : memref<10000x64xf32, #tpu.memory_space<vmem_shared>>) target(%arg13 : memref<128x64xf32, #tpu.memory_space<vmem>>) offsets(%dma_start3A_38 : memref<128xi32, #tpu.memory_space<vmem>>) semaphore(%arg16 : memref<!tpu.dma_semaphore, #tpu.memory_space<semaphore_mem>>)
    %dma_wait3A = arith.constant 9728 : i32
    %dma_wait3A_42 = tpu.memref_slice %arg7[%dma_wait3A] : memref<10112xi32, #tpu.memory_space<vmem>> -> memref<128xi32, #tpu.memory_space<vmem>>
    %dma_wait3A_43 = arith.constant 0 : i32
    %dma_wait3A_44 = arith.constant 0 : i32
    %dma_wait3A_45 = tpu.memref_slice %arg23[%dma_wait3A_43, %dma_wait3A_44] : memref<10000x64xf32, #tpu.memory_space<vmem_shared>> -> memref<10000x64xf32, #tpu.memory_space<vmem_shared>>
    tpu.wait_indirect_dma semaphore(%arg16 : memref<!tpu.dma_semaphore, #tpu.memory_space<semaphore_mem>>) src(%dma_wait3A_45 : memref<10000x64xf32, #tpu.memory_space<vmem_shared>>) dst(%arg12 : memref<128x64xf32, #tpu.memory_space<vmem>>)
    %dma_wait3A_46 = arith.constant 9856 : i32
    %dma_wait3A_47 = tpu.memref_slice %arg7[%dma_wait3A_46] : memref<10112xi32, #tpu.memory_space<vmem>> -> memref<128xi32, #tpu.memory_space<vmem>>
    %dma_wait3A_48 = arith.constant 0 : i32
    %dma_wait3A_49 = arith.constant 0 : i32
    %dma_wait3A_50 = tpu.memref_slice %arg23[%dma_wait3A_48, %dma_wait3A_49] : memref<10000x64xf32, #tpu.memory_space<vmem_shared>> -> memref<10000x64xf32, #tpu.memory_space<vmem_shared>>
    tpu.wait_indirect_dma semaphore(%arg16 : memref<!tpu.dma_semaphore, #tpu.memory_space<semaphore_mem>>) src(%dma_wait3A_50 : memref<10000x64xf32, #tpu.memory_space<vmem_shared>>) dst(%arg13 : memref<128x64xf32, #tpu.memory_space<vmem>>)
    %dma_wait3A_51 = arith.constant 0 : i32
    %dma_wait3A_52 = tpu.memref_slice %arg3[%add3A_16, %dma_wait3A_51] : memref<2500x128xi32, #tpu.memory_space<hbm>> -> memref<1x128xi32, #tpu.memory_space<hbm>>
    %dma_wait3A_53 = tpu.memref_squeeze %dma_wait3A_52 : memref<1x128xi32, #tpu.memory_space<hbm>> -> memref<128xi32, #tpu.memory_space<hbm>>
    %dma_wait3A_54 = arith.constant 0 : i32
    %dma_wait3A_55 = tpu.memref_slice %arg3[%add3A_16, %dma_wait3A_54] : memref<2500x128xi32, #tpu.memory_space<hbm>> -> memref<1x128xi32, #tpu.memory_space<hbm>>
    %dma_wait3A_56 = tpu.memref_squeeze %dma_wait3A_55 : memref<1x128xi32, #tpu.memory_space<hbm>> -> memref<128xi32, #tpu.memory_space<hbm>>
    tpu.wait_dma2 semaphore(%arg20 : memref<!tpu.dma_semaphore, #tpu.memory_space<semaphore_mem>>) src(%dma_wait3A_56 : memref<128xi32, #tpu.memory_space<hbm>>) dst(%arg8 : memref<128xi32, #tpu.memory_space<vmem>>)
    %dma_wait3A_57 = arith.constant 0 : i32
    %dma_wait3A_58 = tpu.memref_slice %arg3[%add3A_20, %dma_wait3A_57] : memref<2500x128xi32, #tpu.memory_space<hbm>> -> memref<1x128xi32, #tpu.memory_space<hbm>>
    %dma_wait3A_59 = tpu.memref_squeeze %dma_wait3A_58 : memref<1x128xi32, #tpu.memory_space<hbm>> -> memref<128xi32, #tpu.memory_space<hbm>>
    %dma_wait3A_60 = arith.constant 0 : i32
    %dma_wait3A_61 = tpu.memref_slice %arg3[%add3A_20, %dma_wait3A_60] : memref<2500x128xi32, #tpu.memory_space<hbm>> -> memref<1x128xi32, #tpu.memory_space<hbm>>
    %dma_wait3A_62 = tpu.memref_squeeze %dma_wait3A_61 : memref<1x128xi32, #tpu.memory_space<hbm>> -> memref<128xi32, #tpu.memory_space<hbm>>
    tpu.wait_dma2 semaphore(%arg20 : memref<!tpu.dma_semaphore, #tpu.memory_space<semaphore_mem>>) src(%dma_wait3A_62 : memref<128xi32, #tpu.memory_space<hbm>>) dst(%arg9 : memref<128xi32, #tpu.memory_space<vmem>>)
    %dma_start3A_63 = arith.constant 0 : i32
    %dma_start3A_64 = arith.constant 0 : i32
    %dma_start3A_65 = tpu.memref_slice %arg22[%dma_start3A_63, %dma_start3A_64] : memref<10000x64xf32, #tpu.memory_space<vmem_shared>> -> memref<10000x64xf32, #tpu.memory_space<vmem_shared>>
    tpu.enqueue_indirect_dma source(%arg12 : memref<128x64xf32, #tpu.memory_space<vmem>>) target(%dma_start3A_65 : memref<10000x64xf32, #tpu.memory_space<vmem_shared>>) offsets(%arg8 : memref<128xi32, #tpu.memory_space<vmem>>) semaphore(%arg18 : memref<!tpu.dma_semaphore, #tpu.memory_space<semaphore_mem>>) {add = true}
    %dma_start3A_66 = arith.constant 0 : i32
    %dma_start3A_67 = arith.constant 0 : i32
    %dma_start3A_68 = tpu.memref_slice %arg22[%dma_start3A_66, %dma_start3A_67] : memref<10000x64xf32, #tpu.memory_space<vmem_shared>> -> memref<10000x64xf32, #tpu.memory_space<vmem_shared>>
    tpu.enqueue_indirect_dma source(%arg13 : memref<128x64xf32, #tpu.memory_space<vmem>>) target(%dma_start3A_68 : memref<10000x64xf32, #tpu.memory_space<vmem_shared>>) offsets(%arg9 : memref<128xi32, #tpu.memory_space<vmem>>) semaphore(%arg18 : memref<!tpu.dma_semaphore, #tpu.memory_space<semaphore_mem>>) {add = true}
    %dma_wait3A_69 = arith.constant 0 : i32
    %dma_wait3A_70 = arith.constant 0 : i32
    %dma_wait3A_71 = tpu.memref_slice %arg22[%dma_wait3A_69, %dma_wait3A_70] : memref<10000x64xf32, #tpu.memory_space<vmem_shared>> -> memref<10000x64xf32, #tpu.memory_space<vmem_shared>>
    tpu.wait_indirect_dma semaphore(%arg18 : memref<!tpu.dma_semaphore, #tpu.memory_space<semaphore_mem>>) src(%arg12 : memref<128x64xf32, #tpu.memory_space<vmem>>) dst(%dma_wait3A_71 : memref<10000x64xf32, #tpu.memory_space<vmem_shared>>)
    %dma_wait3A_72 = arith.constant 0 : i32
    %dma_wait3A_73 = arith.constant 0 : i32
    %dma_wait3A_74 = tpu.memref_slice %arg22[%dma_wait3A_72, %dma_wait3A_73] : memref<10000x64xf32, #tpu.memory_space<vmem_shared>> -> memref<10000x64xf32, #tpu.memory_space<vmem_shared>>
    tpu.wait_indirect_dma semaphore(%arg18 : memref<!tpu.dma_semaphore, #tpu.memory_space<semaphore_mem>>) src(%arg13 : memref<128x64xf32, #tpu.memory_space<vmem>>) dst(%dma_wait3A_74 : memref<10000x64xf32, #tpu.memory_space<vmem_shared>>)
    %lt3A_75 = arith.constant 4 : i32
    %lt3A_76 = arith.cmpi slt, %add3A, %lt3A_75 : i32
    %convert_element_type3A_77 = arith.extui %lt3A_76 : i1 to i32
    %cond3A_78 = arith.constant 0 : i32
    %cond3A_79 = arith.cmpi ne, %convert_element_type3A_77, %cond3A_78 : i32
    scf.if %cond3A_79 {
      %add3A_81 = arith.constant 2496 : i32
      %add3A_82 = arith.addi %add3A_81, %add3A : i32
      %dma_start3A_83 = arith.constant 0 : i32
      %dma_start3A_84 = tpu.memref_slice %arg3[%add3A_82, %dma_start3A_83] : memref<2500x128xi32, #tpu.memory_space<hbm>> -> memref<1x128xi32, #tpu.memory_space<hbm>>
      %dma_start3A_85 = tpu.memref_squeeze %dma_start3A_84 : memref<1x128xi32, #tpu.memory_space<hbm>> -> memref<128xi32, #tpu.memory_space<hbm>>
      %dma_start3A_86 = arith.constant 0 : i32
      %dma_start3A_87 = tpu.memref_slice %arg3[%add3A_82, %dma_start3A_86] : memref<2500x128xi32, #tpu.memory_space<hbm>> -> memref<1x128xi32, #tpu.memory_space<hbm>>
      %dma_start3A_88 = tpu.memref_squeeze %dma_start3A_87 : memref<1x128xi32, #tpu.memory_space<hbm>> -> memref<128xi32, #tpu.memory_space<hbm>>
      tpu.enqueue_dma source(%dma_start3A_88 : memref<128xi32, #tpu.memory_space<hbm>>) target(%arg10 : memref<128xi32, #tpu.memory_space<vmem>>) target_semaphore(%arg21 : memref<!tpu.dma_semaphore, #tpu.memory_space<semaphore_mem>>)
      %dma_start3A_89 = arith.constant 9984 : i32
      %dma_start3A_90 = tpu.memref_slice %arg7[%dma_start3A_89] : memref<10112xi32, #tpu.memory_space<vmem>> -> memref<128xi32, #tpu.memory_space<vmem>>
      %dma_start3A_91 = arith.constant 0 : i32
      %dma_start3A_92 = arith.constant 0 : i32
      %dma_start3A_93 = tpu.memref_slice %arg23[%dma_start3A_91, %dma_start3A_92] : memref<10000x64xf32, #tpu.memory_space<vmem_shared>> -> memref<10000x64xf32, #tpu.memory_space<vmem_shared>>
      tpu.enqueue_indirect_dma source(%dma_start3A_93 : memref<10000x64xf32, #tpu.memory_space<vmem_shared>>) target(%arg14 : memref<128x64xf32, #tpu.memory_space<vmem>>) offsets(%dma_start3A_90 : memref<128xi32, #tpu.memory_space<vmem>>) semaphore(%arg17 : memref<!tpu.dma_semaphore, #tpu.memory_space<semaphore_mem>>)
      %dma_wait3A_94 = arith.constant 9984 : i32
      %dma_wait3A_95 = tpu.memref_slice %arg7[%dma_wait3A_94] : memref<10112xi32, #tpu.memory_space<vmem>> -> memref<128xi32, #tpu.memory_space<vmem>>
      %dma_wait3A_96 = arith.constant 0 : i32
      %dma_wait3A_97 = arith.constant 0 : i32
      %dma_wait3A_98 = tpu.memref_slice %arg23[%dma_wait3A_96, %dma_wait3A_97] : memref<10000x64xf32, #tpu.memory_space<vmem_shared>> -> memref<10000x64xf32, #tpu.memory_space<vmem_shared>>
      tpu.wait_indirect_dma semaphore(%arg17 : memref<!tpu.dma_semaphore, #tpu.memory_space<semaphore_mem>>) src(%dma_wait3A_98 : memref<10000x64xf32, #tpu.memory_space<vmem_shared>>) dst(%arg14 : memref<128x64xf32, #tpu.memory_space<vmem>>)
      %dma_wait3A_99 = arith.constant 0 : i32
      %dma_wait3A_100 = tpu.memref_slice %arg3[%add3A_82, %dma_wait3A_99] : memref<2500x128xi32, #tpu.memory_space<hbm>> -> memref<1x128xi32, #tpu.memory_space<hbm>>
      %dma_wait3A_101 = tpu.memref_squeeze %dma_wait3A_100 : memref<1x128xi32, #tpu.memory_space<hbm>> -> memref<128xi32, #tpu.memory_space<hbm>>
      %dma_wait3A_102 = arith.constant 0 : i32
      %dma_wait3A_103 = tpu.memref_slice %arg3[%add3A_82, %dma_wait3A_102] : memref<2500x128xi32, #tpu.memory_space<hbm>> -> memref<1x128xi32, #tpu.memory_space<hbm>>
      %dma_wait3A_104 = tpu.memref_squeeze %dma_wait3A_103 : memref<1x128xi32, #tpu.memory_space<hbm>> -> memref<128xi32, #tpu.memory_space<hbm>>
      tpu.wait_dma2 semaphore(%arg21 : memref<!tpu.dma_semaphore, #tpu.memory_space<semaphore_mem>>) src(%dma_wait3A_104 : memref<128xi32, #tpu.memory_space<hbm>>) dst(%arg10 : memref<128xi32, #tpu.memory_space<vmem>>)
      %dma_start3A_105 = arith.constant 0 : i32
      %dma_start3A_106 = arith.constant 0 : i32
      %dma_start3A_107 = tpu.memref_slice %arg22[%dma_start3A_105, %dma_start3A_106] : memref<10000x64xf32, #tpu.memory_space<vmem_shared>> -> memref<10000x64xf32, #tpu.memory_space<vmem_shared>>
      tpu.enqueue_indirect_dma source(%arg14 : memref<128x64xf32, #tpu.memory_space<vmem>>) target(%dma_start3A_107 : memref<10000x64xf32, #tpu.memory_space<vmem_shared>>) offsets(%arg10 : memref<128xi32, #tpu.memory_space<vmem>>) semaphore(%arg19 : memref<!tpu.dma_semaphore, #tpu.memory_space<semaphore_mem>>) {add = true}
      %dma_wait3A_108 = arith.constant 0 : i32
      %dma_wait3A_109 = arith.constant 0 : i32
      %dma_wait3A_110 = tpu.memref_slice %arg22[%dma_wait3A_108, %dma_wait3A_109] : memref<10000x64xf32, #tpu.memory_space<vmem_shared>> -> memref<10000x64xf32, #tpu.memory_space<vmem_shared>>
      tpu.wait_indirect_dma semaphore(%arg19 : memref<!tpu.dma_semaphore, #tpu.memory_space<semaphore_mem>>) src(%arg14 : memref<128x64xf32, #tpu.memory_space<vmem>>) dst(%dma_wait3A_110 : memref<10000x64xf32, #tpu.memory_space<vmem_shared>>)
    } else {
    }
    %barrier3A_80 = arith.constant 0 : index
    tpu.barrier barrier_id(%barrier3A_80)
    "tpu.region"() ({
      %run_scoped3A = tpu.sem_alloc : memref<!tpu.dma_semaphore, #tpu.memory_space<semaphore_mem>>
      %dma_start3A_81 = arith.constant 0 : i32
      %dma_start3A_82 = tpu.memref_slice %arg6[%arg0, %mul3A_2, %dma_start3A_81] : memref<2x10000x64xf32, #tpu.memory_space<hbm>> -> memref<1x625x64xf32, #tpu.memory_space<hbm>>
      %dma_start3A_83 = tpu.memref_squeeze %dma_start3A_82 : memref<1x625x64xf32, #tpu.memory_space<hbm>> -> memref<625x64xf32, #tpu.memory_space<hbm>>
      %dma_start3A_84 = arith.constant 0 : i32
      %dma_start3A_85 = tpu.memref_slice %arg22[%mul3A_2, %dma_start3A_84] : memref<10000x64xf32, #tpu.memory_space<vmem_shared>> -> memref<625x64xf32, #tpu.memory_space<vmem_shared>>
      tpu.enqueue_dma source(%dma_start3A_85 : memref<625x64xf32, #tpu.memory_space<vmem_shared>>) target(%dma_start3A_83 : memref<625x64xf32, #tpu.memory_space<hbm>>) target_semaphore(%run_scoped3A : memref<!tpu.dma_semaphore, #tpu.memory_space<semaphore_mem>>)
      %dma_wait3A_86 = arith.constant 0 : i32
      %dma_wait3A_87 = tpu.memref_slice %arg6[%arg0, %mul3A_2, %dma_wait3A_86] : memref<2x10000x64xf32, #tpu.memory_space<hbm>> -> memref<1x625x64xf32, #tpu.memory_space<hbm>>
      %dma_wait3A_88 = tpu.memref_squeeze %dma_wait3A_87 : memref<1x625x64xf32, #tpu.memory_space<hbm>> -> memref<625x64xf32, #tpu.memory_space<hbm>>
      %dma_wait3A_89 = arith.constant 0 : i32
      %dma_wait3A_90 = tpu.memref_slice %arg22[%mul3A_2, %dma_wait3A_89] : memref<10000x64xf32, #tpu.memory_space<vmem_shared>> -> memref<625x64xf32, #tpu.memory_space<vmem_shared>>
      tpu.wait_dma2 semaphore(%run_scoped3A : memref<!tpu.dma_semaphore, #tpu.memory_space<semaphore_mem>>) src(%dma_wait3A_90 : memref<625x64xf32, #tpu.memory_space<vmem_shared>>) dst(%dma_wait3A_88 : memref<625x64xf32, #tpu.memory_space<hbm>>)
      tpu.yield
    }) : () -> ()
    return
  }
}

module attributes {stable_mosaic.version = 14 : i64} {
  func.func @_enc_body(%arg0: i32, %arg1: memref<2x2000x8xf32, #tpu.memory_space<vmem>>, %arg2: memref<2000x128xf32, #tpu.memory_space<vmem>>, %arg3: memref<128x64xf32, #tpu.memory_space<vmem>>, %arg4: memref<2000x64xf32, #tpu.memory_space<vmem>>, %arg5: memref<2000x8xf32, #tpu.memory_space<vmem>>) attributes {dimension_semantics = [#tpu.dimension_semantics<arbitrary>], iteration_bounds = array<i64: 5>, scalar_prefetch = 0 : i64, scratch_operands = 0 : i64, tpu.core_type = #tpu.core_type<tc>, window_params = [{transform_indices = @transform_0, window_bounds = array<i64: 2, 2000, 8>}, {transform_indices = @transform_1, window_bounds = array<i64: 2000, 128>}, {pipeline_mode = #tpu.pipeline_mode<synchronous>, transform_indices = @transform_2, window_bounds = array<i64: 128, 64>}, {transform_indices = @transform_3, window_bounds = array<i64: 2000, 64>}, {transform_indices = @transform_4, window_bounds = array<i64: 2000, 8>}]} {
    %get3A = arith.constant 0 : index
    %get3A_0 = arith.constant 0 : index
    %get3A_1 = arith.constant 0 : index
    %get3A_2 = vector.load %arg1[%get3A, %get3A_0, %get3A_1] : memref<2x2000x8xf32, #tpu.memory_space<vmem>>, vector<2x2000x8xf32>
    %slice3A = vector.extract_strided_slice %get3A_2 {offsets = [0, 0, 0], sizes = [1, 2000, 8], strides = [1, 1, 1]} : vector<2x2000x8xf32> to vector<1x2000x8xf32>
    %squeeze3A = vector.shape_cast %slice3A : vector<1x2000x8xf32> to vector<2000x8xf32>
    %slice3A_3 = vector.extract_strided_slice %get3A_2 {offsets = [1, 0, 0], sizes = [1, 2000, 8], strides = [1, 1, 1]} : vector<2x2000x8xf32> to vector<1x2000x8xf32>
    %squeeze3A_4 = vector.shape_cast %slice3A_3 : vector<1x2000x8xf32> to vector<2000x8xf32>
    %add3A = arith.addf %squeeze3A, %squeeze3A_4 : vector<2000x8xf32>
    %add3A_5 = arith.constant 1.000000e+00 : f32
    %add3A_6 = vector.broadcast %add3A_5 : f32 to vector<2000x8xf32>
    %add3A_7 = arith.addf %add3A, %add3A_6 : vector<2000x8xf32>
    %rsqrt3A = math.rsqrt %add3A_7 : vector<2000x8xf32>
    %get3A_8 = arith.constant 0 : index
    %get3A_9 = arith.constant 0 : index
    %get3A_10 = vector.load %arg2[%get3A_8, %get3A_9] : memref<2000x128xf32, #tpu.memory_space<vmem>>, vector<2000x128xf32>
    %get3A_11 = arith.constant 0 : index
    %get3A_12 = arith.constant 0 : index
    %get3A_13 = vector.load %arg3[%get3A_11, %get3A_12] : memref<128x64xf32, #tpu.memory_space<vmem>>, vector<128x64xf32>
    %dot_general3A = arith.constant dense<0.000000e+00> : vector<2000x64xf32>
    %dot_general3A_14 = tpu.matmul %get3A_10, %get3A_13, %dot_general3A {dimension_numbers = #tpu.dot_dimension_numbers<[1], [0], [0], [1], [0, 0, 1, 1], [], []>, transpose_lhs_hint = false} : vector<2000x128xf32>, vector<128x64xf32>, vector<2000x64xf32> -> vector<2000x64xf32>
    %slice3A_15 = vector.extract_strided_slice %rsqrt3A {offsets = [0, 0], sizes = [2000, 1], strides = [1, 1]} : vector<2000x8xf32> to vector<2000x1xf32>
    %mul3A = vector.broadcast %slice3A_15 : vector<2000x1xf32> to vector<2000x64xf32>
    %mul3A_16 = arith.mulf %dot_general3A_14, %mul3A : vector<2000x64xf32>
    %swap3A = arith.constant 0 : index
    %swap3A_17 = arith.constant 0 : index
    %swap3A_18 = vector.load %arg4[%swap3A, %swap3A_17] : memref<2000x64xf32, #tpu.memory_space<vmem>>, vector<2000x64xf32>
    tpu.vector_store %arg4[%swap3A, %swap3A_17], %mul3A_16 {strides = array<i32>} : memref<2000x64xf32, #tpu.memory_space<vmem>>, vector<2000x64xf32>,
    %swap3A_19 = arith.constant 0 : index
    %swap3A_20 = arith.constant 0 : index
    %swap3A_21 = vector.load %arg5[%swap3A_19, %swap3A_20] : memref<2000x8xf32, #tpu.memory_space<vmem>>, vector<2000x8xf32>
    tpu.vector_store %arg5[%swap3A_19, %swap3A_20], %rsqrt3A {strides = array<i32>} : memref<2000x8xf32, #tpu.memory_space<vmem>>, vector<2000x8xf32>,
    return
  }
  func.func @transform_0(%arg0: i32) -> (i32, i32, i32) {
    %c0_i32 = arith.constant 0 : i32
    %c0_i32_0 = arith.constant 0 : i32
    %c0_i32_1 = arith.constant 0 : i32
    return %c0_i32, %arg0, %c0_i32_0 : i32, i32, i32
  }
  func.func @transform_1(%arg0: i32) -> (i32, i32) {
    %c0_i32 = arith.constant 0 : i32
    %c0_i32_0 = arith.constant 0 : i32
    return %arg0, %c0_i32 : i32, i32
  }
  func.func @transform_2(%arg0: i32) -> (i32, i32) {
    %c0_i32 = arith.constant 0 : i32
    %c0_i32_0 = arith.constant 0 : i32
    %c0_i32_1 = arith.constant 0 : i32
    return %c0_i32, %c0_i32_0 : i32, i32
  }
  func.func @transform_3(%arg0: i32) -> (i32, i32) {
    %c0_i32 = arith.constant 0 : i32
    %c0_i32_0 = arith.constant 0 : i32
    return %arg0, %c0_i32 : i32, i32
  }
  func.func @transform_4(%arg0: i32) -> (i32, i32) {
    %c0_i32 = arith.constant 0 : i32
    %c0_i32_0 = arith.constant 0 : i32
    return %arg0, %c0_i32 : i32, i32
  }
}

module attributes {stable_mosaic.version = 14 : i64} {
  func.func @_combine_body(%arg0: i32, %arg1: memref<2x2000x64xf32, #tpu.memory_space<vmem>>, %arg2: memref<2000x64xf32, #tpu.memory_space<vmem>>, %arg3: memref<2000x8xf32, #tpu.memory_space<vmem>>, %arg4: memref<1x64xf32, #tpu.memory_space<vmem>>, %arg5: memref<2000x64xf32, #tpu.memory_space<vmem>>) attributes {dimension_semantics = [#tpu.dimension_semantics<arbitrary>], iteration_bounds = array<i64: 5>, scalar_prefetch = 0 : i64, scratch_operands = 0 : i64, tpu.core_type = #tpu.core_type<tc>, window_params = [{transform_indices = @transform_0, window_bounds = array<i64: 2, 2000, 64>}, {transform_indices = @transform_1, window_bounds = array<i64: 2000, 64>}, {transform_indices = @transform_2, window_bounds = array<i64: 2000, 8>}, {pipeline_mode = #tpu.pipeline_mode<synchronous>, transform_indices = @transform_3, window_bounds = array<i64: 1, 64>}, {transform_indices = @transform_4, window_bounds = array<i64: 2000, 64>}]} {
    %get3A = arith.constant 0 : index
    %get3A_0 = arith.constant 0 : index
    %get3A_1 = arith.constant 0 : index
    %get3A_2 = vector.load %arg1[%get3A, %get3A_0, %get3A_1] : memref<2x2000x64xf32, #tpu.memory_space<vmem>>, vector<2x2000x64xf32>
    %slice3A = vector.extract_strided_slice %get3A_2 {offsets = [0, 0, 0], sizes = [1, 2000, 64], strides = [1, 1, 1]} : vector<2x2000x64xf32> to vector<1x2000x64xf32>
    %squeeze3A = vector.shape_cast %slice3A : vector<1x2000x64xf32> to vector<2000x64xf32>
    %slice3A_3 = vector.extract_strided_slice %get3A_2 {offsets = [1, 0, 0], sizes = [1, 2000, 64], strides = [1, 1, 1]} : vector<2x2000x64xf32> to vector<1x2000x64xf32>
    %squeeze3A_4 = vector.shape_cast %slice3A_3 : vector<1x2000x64xf32> to vector<2000x64xf32>
    %add3A = arith.addf %squeeze3A, %squeeze3A_4 : vector<2000x64xf32>
    %get3A_5 = arith.constant 0 : index
    %get3A_6 = arith.constant 0 : index
    %get3A_7 = vector.load %arg2[%get3A_5, %get3A_6] : memref<2000x64xf32, #tpu.memory_space<vmem>>, vector<2000x64xf32>
    %add3A_8 = arith.addf %add3A, %get3A_7 : vector<2000x64xf32>
    %get3A_9 = arith.constant 0 : index
    %get3A_10 = arith.constant 0 : index
    %get3A_11 = vector.load %arg3[%get3A_9, %get3A_10] : memref<2000x8xf32, #tpu.memory_space<vmem>>, vector<2000x8xf32>
    %slice3A_12 = vector.extract_strided_slice %get3A_11 {offsets = [0, 0], sizes = [2000, 1], strides = [1, 1]} : vector<2000x8xf32> to vector<2000x1xf32>
    %mul3A = vector.broadcast %slice3A_12 : vector<2000x1xf32> to vector<2000x64xf32>
    %mul3A_13 = arith.mulf %add3A_8, %mul3A : vector<2000x64xf32>
    %get3A_14 = arith.constant 0 : index
    %get3A_15 = arith.constant 0 : index
    %get3A_16 = vector.load %arg4[%get3A_14, %get3A_15] : memref<1x64xf32, #tpu.memory_space<vmem>>, vector<1x64xf32>
    %add3A_17 = vector.broadcast %get3A_16 : vector<1x64xf32> to vector<2000x64xf32>
    %add3A_18 = arith.addf %mul3A_13, %add3A_17 : vector<2000x64xf32>
    %max3A = arith.constant 0.000000e+00 : f32
    %max3A_19 = vector.broadcast %max3A : f32 to vector<2000x64xf32>
    %max3A_20 = arith.maximumf %add3A_18, %max3A_19 : vector<2000x64xf32>
    %swap3A = arith.constant 0 : index
    %swap3A_21 = arith.constant 0 : index
    %swap3A_22 = vector.load %arg5[%swap3A, %swap3A_21] : memref<2000x64xf32, #tpu.memory_space<vmem>>, vector<2000x64xf32>
    tpu.vector_store %arg5[%swap3A, %swap3A_21], %max3A_20 {strides = array<i32>} : memref<2000x64xf32, #tpu.memory_space<vmem>>, vector<2000x64xf32>,
    return
  }
  func.func @transform_0(%arg0: i32) -> (i32, i32, i32) {
    %c0_i32 = arith.constant 0 : i32
    %c0_i32_0 = arith.constant 0 : i32
    %c0_i32_1 = arith.constant 0 : i32
    return %c0_i32, %arg0, %c0_i32_0 : i32, i32, i32
  }
  func.func @transform_1(%arg0: i32) -> (i32, i32) {
    %c0_i32 = arith.constant 0 : i32
    %c0_i32_0 = arith.constant 0 : i32
    return %arg0, %c0_i32 : i32, i32
  }
  func.func @transform_2(%arg0: i32) -> (i32, i32) {
    %c0_i32 = arith.constant 0 : i32
    %c0_i32_0 = arith.constant 0 : i32
    return %arg0, %c0_i32 : i32, i32
  }
  func.func @transform_3(%arg0: i32) -> (i32, i32) {
    %c0_i32 = arith.constant 0 : i32
    %c0_i32_0 = arith.constant 0 : i32
    %c0_i32_1 = arith.constant 0 : i32
    return %c0_i32, %c0_i32_0 : i32, i32
  }
  func.func @transform_4(%arg0: i32) -> (i32, i32) {
    %c0_i32 = arith.constant 0 : i32
    %c0_i32_0 = arith.constant 0 : i32
    return %arg0, %c0_i32 : i32, i32
  }
}

module attributes {stable_mosaic.version = 14 : i64} {
  func.func @_head_body(%arg0: memref<2x1024x64xf32, #tpu.memory_space<vmem>>, %arg1: memref<2x1024x8xf32, #tpu.memory_space<vmem>>, %arg2: memref<64x64xf32, #tpu.memory_space<vmem>>, %arg3: memref<1x64xf32, #tpu.memory_space<vmem>>, %arg4: memref<1x64xf32, #tpu.memory_space<vmem>>, %arg5: memref<1x64xf32, #tpu.memory_space<vmem>>, %arg6: memref<1x64xf32, #tpu.memory_space<vmem>>, %arg7: memref<1x1xf32, #tpu.memory_space<vmem>>, %arg8: memref<256x1xf32, #tpu.memory_space<vmem>>) attributes {dimension_semantics = [], scalar_prefetch = 0 : i64, scratch_operands = 0 : i64, tpu.core_type = #tpu.core_type<tc>} {
    %get3A = arith.constant 0 : index
    %get3A_0 = arith.constant 0 : index
    %get3A_1 = arith.constant 0 : index
    %get3A_2 = vector.load %arg0[%get3A, %get3A_0, %get3A_1] : memref<2x1024x64xf32, #tpu.memory_space<vmem>>, vector<2x1024x64xf32>
    %get3A_3 = arith.constant 0 : index
    %get3A_4 = arith.constant 0 : index
    %get3A_5 = arith.constant 0 : index
    %get3A_6 = vector.load %arg1[%get3A_3, %get3A_4, %get3A_5] : memref<2x1024x8xf32, #tpu.memory_space<vmem>>, vector<2x1024x8xf32>
    %slice3A = vector.extract_strided_slice %get3A_2 {offsets = [0, 0, 0], sizes = [1, 1024, 64], strides = [1, 1, 1]} : vector<2x1024x64xf32> to vector<1x1024x64xf32>
    %squeeze3A = vector.shape_cast %slice3A : vector<1x1024x64xf32> to vector<1024x64xf32>
    %slice3A_7 = vector.extract_strided_slice %get3A_2 {offsets = [1, 0, 0], sizes = [1, 1024, 64], strides = [1, 1, 1]} : vector<2x1024x64xf32> to vector<1x1024x64xf32>
    %squeeze3A_8 = vector.shape_cast %slice3A_7 : vector<1x1024x64xf32> to vector<1024x64xf32>
    %add3A = arith.addf %squeeze3A, %squeeze3A_8 : vector<1024x64xf32>
    %reshape3A = vector.shape_cast %add3A : vector<1024x64xf32> to vector<256x4x64xf32>
    %reduce_sum3A = arith.constant dense<0.000000e+00> : vector<256x64xf32>
    %reduce_sum3A_9 = vector.multi_reduction <add>, %reshape3A, %reduce_sum3A [1] : vector<256x4x64xf32> to vector<256x64xf32>
    %slice3A_10 = vector.extract_strided_slice %get3A_6 {offsets = [0, 0, 0], sizes = [1, 1024, 8], strides = [1, 1, 1]} : vector<2x1024x8xf32> to vector<1x1024x8xf32>
    %squeeze3A_11 = vector.shape_cast %slice3A_10 : vector<1x1024x8xf32> to vector<1024x8xf32>
    %slice3A_12 = vector.extract_strided_slice %get3A_6 {offsets = [1, 0, 0], sizes = [1, 1024, 8], strides = [1, 1, 1]} : vector<2x1024x8xf32> to vector<1x1024x8xf32>
    %squeeze3A_13 = vector.shape_cast %slice3A_12 : vector<1x1024x8xf32> to vector<1024x8xf32>
    %add3A_14 = arith.addf %squeeze3A_11, %squeeze3A_13 : vector<1024x8xf32>
    %reshape3A_15 = vector.shape_cast %add3A_14 : vector<1024x8xf32> to vector<256x4x8xf32>
    %reduce_sum3A_16 = arith.constant dense<0.000000e+00> : vector<256x8xf32>
    %reduce_sum3A_17 = vector.multi_reduction <add>, %reshape3A_15, %reduce_sum3A_16 [1] : vector<256x4x8xf32> to vector<256x8xf32>
    %slice3A_18 = vector.extract_strided_slice %reduce_sum3A_17 {offsets = [0, 0], sizes = [256, 1], strides = [1, 1]} : vector<256x8xf32> to vector<256x1xf32>
    %max3A = arith.constant 1.000000e+00 : f32
    %max3A_19 = vector.broadcast %max3A : f32 to vector<256x1xf32>
    %max3A_20 = arith.maximumf %slice3A_18, %max3A_19 : vector<256x1xf32>
    %div3A = vector.broadcast %max3A_20 : vector<256x1xf32> to vector<256x64xf32>
    %div3A_21 = arith.divf %reduce_sum3A_9, %div3A : vector<256x64xf32>
    %get3A_22 = arith.constant 0 : index
    %get3A_23 = arith.constant 0 : index
    %get3A_24 = vector.load %arg2[%get3A_22, %get3A_23] : memref<64x64xf32, #tpu.memory_space<vmem>>, vector<64x64xf32>
    %dot_general3A = arith.constant dense<0.000000e+00> : vector<256x64xf32>
    %dot_general3A_25 = tpu.matmul %div3A_21, %get3A_24, %dot_general3A {dimension_numbers = #tpu.dot_dimension_numbers<[1], [0], [0], [1], [0, 0, 1, 1], [], []>, transpose_lhs_hint = false} : vector<256x64xf32>, vector<64x64xf32>, vector<256x64xf32> -> vector<256x64xf32>
    %get3A_26 = arith.constant 0 : index
    %get3A_27 = arith.constant 0 : index
    %get3A_28 = vector.load %arg3[%get3A_26, %get3A_27] : memref<1x64xf32, #tpu.memory_space<vmem>>, vector<1x64xf32>
    %add3A_29 = vector.broadcast %get3A_28 : vector<1x64xf32> to vector<256x64xf32>
    %add3A_30 = arith.addf %dot_general3A_25, %add3A_29 : vector<256x64xf32>
    %max3A_31 = arith.constant 0.000000e+00 : f32
    %max3A_32 = vector.broadcast %max3A_31 : f32 to vector<256x64xf32>
    %max3A_33 = arith.maximumf %add3A_30, %max3A_32 : vector<256x64xf32>
    %reduce_sum3A_34 = arith.constant dense<0.000000e+00> : vector<64xf32>
    %reduce_sum3A_35 = vector.multi_reduction <add>, %max3A_33, %reduce_sum3A_34 [0] : vector<256x64xf32> to vector<64xf32>
    %broadcast_in_dim3A = vector.shape_cast %reduce_sum3A_35 : vector<64xf32> to vector<1x64xf32>
    %div3A_36 = arith.constant 2.560000e+02 : f32
    %div3A_37 = vector.broadcast %div3A_36 : f32 to vector<1x64xf32>
    %div3A_38 = arith.divf %broadcast_in_dim3A, %div3A_37 : vector<1x64xf32>
    %sub3A = vector.broadcast %div3A_38 : vector<1x64xf32> to vector<256x64xf32>
    %sub3A_39 = arith.subf %max3A_33, %sub3A : vector<256x64xf32>
    %integer_pow3A = arith.mulf %sub3A_39, %sub3A_39 : vector<256x64xf32>
    %reduce_sum3A_40 = arith.constant dense<0.000000e+00> : vector<64xf32>
    %reduce_sum3A_41 = vector.multi_reduction <add>, %integer_pow3A, %reduce_sum3A_40 [0] : vector<256x64xf32> to vector<64xf32>
    %broadcast_in_dim3A_42 = vector.shape_cast %reduce_sum3A_41 : vector<64xf32> to vector<1x64xf32>
    %div3A_43 = arith.constant 2.560000e+02 : f32
    %div3A_44 = vector.broadcast %div3A_43 : f32 to vector<1x64xf32>
    %div3A_45 = arith.divf %broadcast_in_dim3A_42, %div3A_44 : vector<1x64xf32>
    %sub3A_46 = vector.broadcast %div3A_38 : vector<1x64xf32> to vector<256x64xf32>
    %sub3A_47 = arith.subf %max3A_33, %sub3A_46 : vector<256x64xf32>
    %add3A_48 = arith.constant 9.99999974E-6 : f32
    %add3A_49 = vector.broadcast %add3A_48 : f32 to vector<1x64xf32>
    %add3A_50 = arith.addf %div3A_45, %add3A_49 : vector<1x64xf32>
    %sqrt3A = math.sqrt %add3A_50 : vector<1x64xf32>
    %div3A_51 = vector.broadcast %sqrt3A : vector<1x64xf32> to vector<256x64xf32>
    %div3A_52 = arith.divf %sub3A_47, %div3A_51 : vector<256x64xf32>
    %get3A_53 = arith.constant 0 : index
    %get3A_54 = arith.constant 0 : index
    %get3A_55 = vector.load %arg4[%get3A_53, %get3A_54] : memref<1x64xf32, #tpu.memory_space<vmem>>, vector<1x64xf32>
    %mul3A = vector.broadcast %get3A_55 : vector<1x64xf32> to vector<256x64xf32>
    %mul3A_56 = arith.mulf %div3A_52, %mul3A : vector<256x64xf32>
    %get3A_57 = arith.constant 0 : index
    %get3A_58 = arith.constant 0 : index
    %get3A_59 = vector.load %arg5[%get3A_57, %get3A_58] : memref<1x64xf32, #tpu.memory_space<vmem>>, vector<1x64xf32>
    %add3A_60 = vector.broadcast %get3A_59 : vector<1x64xf32> to vector<256x64xf32>
    %add3A_61 = arith.addf %mul3A_56, %add3A_60 : vector<256x64xf32>
    %get3A_62 = arith.constant 0 : index
    %get3A_63 = arith.constant 0 : index
    %get3A_64 = vector.load %arg6[%get3A_62, %get3A_63] : memref<1x64xf32, #tpu.memory_space<vmem>>, vector<1x64xf32>
    %mul3A_65 = vector.broadcast %get3A_64 : vector<1x64xf32> to vector<256x64xf32>
    %mul3A_66 = arith.mulf %add3A_61, %mul3A_65 : vector<256x64xf32>
    %reduce_sum3A_67 = arith.constant dense<0.000000e+00> : vector<256xf32>
    %reduce_sum3A_68 = vector.multi_reduction <add>, %mul3A_66, %reduce_sum3A_67 [1] : vector<256x64xf32> to vector<256xf32>
    %broadcast_in_dim3A_69 = vector.shape_cast %reduce_sum3A_68 : vector<256xf32> to vector<256x1xf32>
    %get3A_70 = arith.constant 0 : index
    %get3A_71 = arith.constant 0 : index
    %get3A_72 = vector.load %arg7[%get3A_70, %get3A_71] : memref<1x1xf32, #tpu.memory_space<vmem>>, vector<1x1xf32>
    %add3A_73 = vector.broadcast %get3A_72 : vector<1x1xf32> to vector<256x1xf32>
    %add3A_74 = arith.addf %broadcast_in_dim3A_69, %add3A_73 : vector<256x1xf32>
    %swap3A = arith.constant 0 : index
    %swap3A_75 = arith.constant 0 : index
    %swap3A_76 = vector.load %arg8[%swap3A, %swap3A_75] : memref<256x1xf32, #tpu.memory_space<vmem>>, vector<256x1xf32>
    tpu.vector_store %arg8[%swap3A, %swap3A_75], %add3A_74 {strides = array<i32>} : memref<256x1xf32, #tpu.memory_space<vmem>>, vector<256x1xf32>,
    return
  }
}

</mosaic_0001>

<sc_bundles>
// kernel: kernel.11.cloned.1.call-start
scs
__scs_entry_jumppad:
0x0: {  	(pc) =	sbr.rel $0x88, $3  }
0x1: {  	(tag) =	ssettag $0x0;
	lr =	simm.s32 $0x1  }
0x2: {  	[smem:$0x3F95] =	sst lr;
	_ =	strace $0xD0000000  }
0x3: {  	_ = 	snop  }
0x4: {  	_ = 	snop  }
0x5: {  	_ = 	snop  }
0x6: {  	_ = 	snop  }
0x7: {  	_ = 	snop  }
__scs_overlays_trampoline_lowered:
0x8: {  	[smem:$0x3FA4] =	sst s0  }
0x9: {  	[smem:$0x3FA5] =	sst s1  }
0xa: {  	[smem:$0x3FA6] =	sst s2  }
0xb: {  	[smem:$0x3FA7] =	sst s3  }
0xc: {  	[smem:$0x3FA8] =	sst s4  }
0xd: {  	[smem:$0x3FA9] =	sst s5  }
0xe: {  	[smem:$0x3FAA] =	sst s6  }
0xf: {  	[smem:$0x3FAB] =	sst s7  }
0x10: {  	[smem:$0x3FAC] =	sst s8  }
0x11: {  	[smem:$0x3FAD] =	sst s9;
	s0 =	simm.s32 @!p0 $0x0  }
0x12: {  	s1 =	sld [smem:$0x3F93];
	s0 =	simm.s32 @p0 $0x1  }
0x13: {  	[smem:$0x3FAE] =	sst s0;
	s0 =	simm.s32 @!p1 $0x0  }
0x14: {  	s2 =	sld [smem:$0x3F92];
	s0 =	simm.s32 @p1 $0x1  }
0x15: {  	[smem:$0x3FAF] =	sst s0;
	s0 =	simm.s32 @!p2 $0x0  }
0x16: {  	s3 =	sld [smem:$0x3FDB];
	s0 =	simm.s32 @p2 $0x1  }
0x17: {  	s4 =	simm.s32 $0x1BF5;
	[smem:$0x3FB1] =	sst s0  }
0x18: {  	s0 =	sld [smem:$0x3F94];
	_ =	swait.ge [sflag:s4], $0x0  }
0x19: {  	s7 =	sld [smem:$0x3F95]  }
0x1a: {  	s8 =	sadd.s32 $0xFFFFE003, lr  }
0x1b: {  	s9 =	sadd.s32 $0xFFFFFEF7, lr;
	s5 =	simm.s32 $0xFFFFFFFF;
	p2 =	slt.u32 s8, $0xFFFFF086  }
0x1c: {  	p1 =	slt.u32 s9, $0xF7A;
	s5 =	simm.s32 @!p2 $0x0  }
0x1d: {  	s5 =	simm.s32 @p1 $0x1;
	p0 =	seq.s32 s7, s2  }
0x1e: {  	s7 =	smul.u32 @!p0 $0xF7A, s2;
	p2 =	seq.s32 @!p0 s5, $0x0  }
0x1f: {  	s9 =	smul.u32 $0xF7A, s1;
	s8 =	simm.s32 @!p0 $0x1BF5;
	p2 =	por !p2, p0  }
0x20: {  	[sflag:s8] =	ssyncset.s32 @!p0 $0xFFFFF086;
	s6 =	sadd.s32 @!p0 s3, s7;
	s7 =	simm.s32 @!p0 $0x108  }
0x21: {  	s3 =	sadd.s32 s3, s9;
	s6 =	sadd.s32 @!p0 $0x88, s6;
	s7 =	simm.s32 @p2 $0x1082  }
0x22: {  	[simem:s7], [sflag:s8] =	dma.local @!p0 [hbm:s6], $0xF7A  }
0x23: {  	s9 =	sor.u32 $0xD0000000, s2;
	s6 =	simm.s32 $0x108;
	_ =	swait.ge @!p0 [sflag:s8], $0x0  }
0x24: {  	s3 =	sadd.s32 $0x88, s3;
	s6 =	simm.s32 @!p1 $0x1082;
	[sflag:s4] =	ssyncset.s32 $0xFFFFF086  }
0x25: {  	[simem:s6], [sflag:s4] =	dma.local [hbm:s3], $0xF7A  }
0x26: {  	[smem:$0x3F95] =	sst s1;
	(tag) =	ssettag s2;
	_ =	strace s9  }
0x27: {  	s1 =	sld [smem:$0x3FA5]  }
0x28: {  	s2 =	sld [smem:$0x3FA6]  }
0x29: {  	s4 =	sld [smem:$0x3FA8]  }
0x2a: {  	p0 =	seq.s32 s5, $0x0;
	s5 =	sld [smem:$0x3FA9]  }
0x2b: {  	s6 =	sld [smem:$0x3FAA]  }
0x2c: {  	s7 =	sld [smem:$0x3FAB]  }
0x2d: {  	s3 =	simm.s32 $0x108;
	s8 =	sld [smem:$0x3FAC]  }
0x2e: {  	s3 =	simm.s32 @!p0 $0x1082;
	s9 =	sld [smem:$0x3FAD]  }
0x2f: {  	lr =	sadd.s32 s0, s3;
	s0 =	sld [smem:$0x3FA4]  }
0x30: {  	s3 =	sld [smem:$0x3FA7]  }
0x31: {  	[smem:$0x3FB0] =	sst s10  }
0x32: {  	s10 =	sld [smem:$0x3FAE];
	_ =	sdelay $0x3  }
0x33: {  	p0 =	seq.s32 s10, $0x1;
	s10 =	sld [smem:$0x3FB0];
	_ =	sdelay $0x3  }
0x34: {  	[smem:$0x3FB0] =	sst s10  }
0x35: {  	s10 =	sld [smem:$0x3FAF];
	_ =	sdelay $0x3  }
0x36: {  	p1 =	seq.s32 s10, $0x1;
	s10 =	sld [smem:$0x3FB0];
	_ =	sdelay $0x3  }
0x37: {  	[smem:$0x3FB0] =	sst s10  }
0x38: {  	s10 =	sld [smem:$0x3FB1]  }
0x39: {  	_ = 	snop;
	(pc) =	sbr.ind lr, $3  }
0x3a: {  	_ = 	snop  }
0x3b: {  	_ = 	snop  }
0x3c: {  	p2 =	seq.s32 s10, $0x1;
	s10 =	sld [smem:$0x3FB0]  }
0x3d: {  	_ =	shalt  }
0x3e: {  	_ =	shalt  }
0x3f: {  	_ =	shalt  }
0x40: {  	_ =	shalt  }
0x41: {  	_ =	shalt  }
0x42: {  	_ =	shalt  }
0x43: {  	_ =	shalt  }
0x44: {  	_ =	shalt  }
0x45: {  	_ =	shalt  }
0x46: {  	_ =	shalt  }
0x47: {  	_ =	shalt  }
0x48: {  	_ =	shalt  }
0x49: {  	_ =	shalt  }
0x4a: {  	_ =	shalt  }
0x4b: {  	_ =	shalt  }
0x4c: {  	_ =	shalt  }
0x4d: {  	_ =	shalt  }
0x4e: {  	_ =	shalt  }
0x4f: {  	_ =	shalt  }
0x50: {  	_ =	shalt  }
0x51: {  	_ =	shalt  }
0x52: {  	_ =	shalt  }
0x53: {  	_ =	shalt  }
0x54: {  	_ =	shalt  }
0x55: {  	_ =	shalt  }
0x56: {  	_ =	shalt  }
0x57: {  	_ =	shalt  }
0x58: {  	_ =	shalt  }
0x59: {  	_ =	shalt  }
0x5a: {  	_ =	shalt  }
0x5b: {  	_ =	shalt  }
0x5c: {  	_ =	shalt  }
0x5d: {  	_ =	shalt  }
0x5e: {  	_ =	shalt  }
0x5f: {  	_ =	shalt  }
0x60: {  	_ =	shalt  }
0x61: {  	_ =	shalt  }
0x62: {  	_ =	shalt  }
0x63: {  	_ =	shalt  }
0x64: {  	_ =	shalt  }
0x65: {  	_ =	shalt  }
0x66: {  	_ =	shalt  }
0x67: {  	_ =	shalt  }
0x68: {  	_ =	shalt  }
0x69: {  	_ =	shalt  }
0x6a: {  	_ =	shalt  }
0x6b: {  	_ =	shalt  }
0x6c: {  	_ =	shalt  }
0x6d: {  	_ =	shalt  }
0x6e: {  	_ =	shalt  }
0x6f: {  	_ =	shalt  }
0x70: {  	_ =	shalt  }
0x71: {  	_ =	shalt  }
0x72: {  	_ =	shalt  }
0x73: {  	_ =	shalt  }
0x74: {  	_ =	shalt  }
0x75: {  	_ =	shalt  }
0x76: {  	_ =	shalt  }
0x77: {  	_ =	shalt  }
0x78: {  	_ =	shalt  }
0x79: {  	_ =	shalt  }
0x7a: {  	_ =	shalt  }
0x7b: {  	_ =	shalt  }
0x7c: {  	_ =	shalt  }
0x7d: {  	_ =	shalt  }
0x7e: {  	_ =	shalt  }
0x7f: {  	_ =	shalt  }
0x80: {  	_ =	shalt  }
0x81: {  	_ =	shalt  }
0x82: {  	_ =	shalt  }
0x83: {  	_ =	shalt  }
0x84: {  	_ =	shalt  }
0x85: {  	_ =	shalt  }
0x86: {  	_ =	shalt  }
0x87: {  	_ =	shalt  }
.Lfunc_end0:
.L_simem_size_0:
called_computation.1_lowered:
.L_overlay_start_0:
0x88: {  	s2 =	sld [smem:$0x3FD9]  }
0x89: {  	s3 =	sld [smem:$0x3FFE];
	_ =	sdelay $0x1  }
0x8a: {  	s1 =	srdreg.scid  }
0x8b: {  	s0 =	sand.u32 $0x1, s1  }
0x8c: {  	s16 =	sshll.u32 s0, $0xA;
	s2 =	sadd.s32 s3, s2  }
0x8d: {  	s2 =	sadd.s32 s2, s16  }
0x8e: {  	[smem:$0x3FBC] =	sst s2  }
0x8f: {  	_ = 	snop  }
0x90: {  	(tm) =	ssettm $0x1  }
0x91: {  	s17 =	sld [smem:$0x3FFB];
	_ =	sdelay $0x3  }
0x92: {  	_ =	strace s17  }
0x93: {  	s2 =	sld [smem:$0x3FFC];
	_ =	sdelay $0x3  }
0x94: {  	_ =	strace s2  }
0x95: {  	s2 =	sld [smem:$0x3FFD];
	_ =	sdelay $0x3  }
0x96: {  	_ =	strace s2  }
0x97: {  	_ =	strace $0x8FFFFFFF  }
0x98: {  	s18 =	sld [smem:$0x3FDB];
	_ =	sdelay $0x1  }
0x99: {  	s19 =	simm.s32 $_scs_section_size  }
0x9a: {  	s4 =	simm.s32 $_size__tile_overlayer_lowered;
	s5 =	simm.s32 $_tile_overlayer_lowered  }
0x9b: {  	s22 =	simm.s32 $0x1BFF;
	s21 =	sshll.u32 s5, $0x1;
	s2 =	sadd.s32 s19, s18  }
0x9c: {  	s6 =	simm.s32 $0x0;
	s20 =	sshll.u32 s4, $0x1;
	s4 =	sadd.s32 s21, s2  }
0x9d: {  	[timem:s6], [sflag:s22] =	dma.local [hbm:s4], s20  }
0x9e: {  	_ =	swait.ge [sflag:s22], s20  }
0x9f: {  	s3 =	ssub.s32 $0x0, s20;
	[sflag:s22] =	ssyncset.done $0x0  }
0xa0: {  	[sflag:s22] =	ssyncadd.s32 s3;
	_ =	sdelay $0x1  }
0xa1: {  	s23 =	simm.s32 $0x1B8B  }
0xa2: {  	_ =	swait.ge [sflag:s23], $0x1  }
0xa3: {  	[sflag:s23] =	ssyncset.done $0x0  }
0xa4: {  	s25 =	simm.s32 $0x1B8E;
	s24 =	sld [smem:$0x3FFE];
	[sflag:s23] =	ssyncadd.s32 $0xFFFFFFFF  }
0xa5: {  	s26 =	simm.s32 $execute0_lowered;
	[smem:$0x3FD2] =	sst s25  }
0xa6: {  	s4 =	sshll.u32 s26, $0x1;
	_ =	strace $0x80000049;
	[dreg:$0x1] =	wrdreg $0xFFFFFFFF  }
0xa7: {  	s28 =	simm.s32 $_size_execute0_lowered;
	s2 =	sadd.s32 s2, s4;
	[dreg:$0x0] =	wrdreg $0x0  }
0xa8: {  	s4 =	sshll.u32 s28, $0x1;
	[dreg:$0x2] =	wrdreg s2  }
0xa9: {  	[dreg:$0x3] =	wrdreg s4  }
0xaa: {  	[dreg:$0x4] =	wrdreg $0xC0  }
0xab: {  	_ =	task [dreg:s6], $0x5FFFF  }
0xac: {  	[dreg:$0x1] =	wrdreg $0xFFFFFFFF  }
0xad: {  	[dreg:$0x0] =	wrdreg $0x60  }
0xae: {  	[dreg:$0x2] =	wrdreg s24  }
0xaf: {  	[dreg:$0x3] =	wrdreg $0xA9800  }
0xb0: {  	[dreg:$0x4] =	wrdreg $0x145C00  }
0xb1: {  	[dreg:$0x5] =	wrdreg $0x9  }
0xb2: {  	_ =	task.clear_ibuf [dreg:s6], $0x6FFFF;
	_ =	strace $0x90000049  }
0xb3: {  	s29 =	simm.s32 $0x9;
	_ =	strace $0x8000004B  }
0xb4: {  	_ =	swait.ge [sflag:s29], $0x1  }
0xb5: {  	[sflag:s29] =	ssyncadd.s32 $0xFFFFFFFF  }
0xb6: {  	_ =	strace $0x9000004B  }
0xb7: {  	_ =	sfence  }
0xb8: {  	s30 =	sld [smem:$0x0];
	_ =	sdelay $0x2  }
0xb9: {  	s31 =	sshll.u32 s1, $0xD;
	s1 =	sshrl.u32 s1, $0x2  }
0xba: {  	s3 =	sand.u32 $0x4000, s31;
	s1 =	sadd.s32 s1, s30  }
0xbb: {  	s0 =	sor.u32 s3, s0;
	s1 =	sshll.u32 s1, $0x11  }
0xbc: {  	s0 =	sor.u32 s1, s0  }
0xbd: {  	s0 =	sadd.s32 $0x8F2B, s0  }
0xbe: {  	[sflag:s0] =	ssyncadd.remote.s32 $0x1  }
0xbf: {  	_ =	sfence.sel $0xFFFF  }
0xc0: {  	[dreg:$0x0] =	wrdreg $0xFFFFFFFF;
	(pc) =	sbr.abs _section_cstart, $3  }
0xc1: {  	[dreg:$0x1] =	wrdreg $0xFFFFFFFF  }
0xc2: {  	_ =	task.clear_ibuf [dreg:s6], $0x2FFFF;
	_ =	strace $0x9FFFFFFF  }
0xc3: {  	(tm) =	ssettm $0x7FFFFFFF  }
tec
execute0_lowered:
.L_overlay_start_1:
0x0: {  	(tag) =	ssettag $0x1  }
0x1: {  	s0 =	rddreg [dreg:$0x0]  }
0x2: {  	s2 =	rddreg [dreg:$0x1]  }
0x3: {  	s3 =	rddreg [dreg:$0x2]  }
0x4: {  	s17 =	stileid.u32;
	s1 =	srdreg.scid;
	s4 =	simm.s32 $0x0  }
0x5: {  	s28 =	simm.s32 $0x2880;
	s29 =	simm.s32 $0x2900;
	s30 =	simm.s32 $0x6980  }
0x6: {  	s31 =	simm.s32 $0x8980;
	s5 =	smul.u32 $0x9C40, s17;
	s1 =	sand.u32 $0x1, s1  }
0x7: {  	[smem:$0x7FF] =	sst s4;
	s8 =	sadd.s32 $0xBE00, s0;
	s9 =	sadd.s32 $0x2000, s0  }
0x8: {  	s21 =	sadd.s32 $0x29600, s0;
	s24 =	sshll.u32 s17, $0x6;
	s16 =	smul.u32 $0x4E, s17  }
0x9: {  	s13 =	sshll.u32 s17, $0x4;
	s6 =	smul.u32 $0x9C400, s1;
	_ =	strace $0x8000004A  }
0xa: {  	[dreg:$0x4] =	wrdreg s21;
	s22 =	ssub.s32 $0x2, s1;
	s11 =	sshll.u32 s1, $0x4  }
0xb: {  	s14 =	smul.u32 $0x4E0, s1;
	s15 =	sadd.s32 s13, s8;
	s20 =	sadd.s32 s13, s9  }
0xc: {  	s1 =	smul.u32 $0x4E00, s1;
	s7 =	sshrl.u32 s5, $0x3;
	s23 =	sshrl.u32 s22, $0x1  }
0xd: {  	s11 =	sor.u32 s17, s11;
	s12 =	sadd.s32 s5, s2;
	s15 =	sadd.s32 $0x9C00, s15  }
0xe: {  	s10 =	sadd.s32 s7, s0;
	s6 =	sadd.s32 s5, s6;
	[dreg:$0x5] =	wrdreg s12  }
0xf: {  	s7 =	sor.u32 $0x1C07, s24;
	s25 =	smul.u32 $0x2700, s11;
	s5 =	sadd.s32 s5, s3  }
0x10: {  	s26 =	smul.u32 $0x4E0, s11;
	[dreg:$0x8] =	wrdreg s15;
	s21 =	sadd.s32 s16, s14  }
0x11: {  	s24 =	smul.u32 $0x4E0, s17;
	s1 =	sadd.s32 s1, s9;
	s6 =	sshrl.u32 s6, $0x3  }
0x12: {  	p0 =	sgt.u32 s11, $0x3;
	s10 =	sadd.s32 $0x15C00, s10;
	s0 =	sadd.s32 s6, s0  }
0x13: {  	s6 =	ssub.s32 s22, s23;
	[dreg:$0x6] =	wrdreg s10;
	s12 =	sshrl.u32 s25, $0x3  }
0x14: {  	s8 =	sadd.s32 s8, s26;
	s22 =	sshll.u32 s21, $0x4;
	s26 =	sshrl.u32 s5, $0x3  }
0x15: {  	s5 =	simm.s32 $0x2;
	s10 =	simm.s32 $0x0;
	s12 =	sadd.s32 s9, s12  }
0x16: {  	[dreg:$0x7] =	wrdreg s8;
	s8 =	sadd.s32 $0x9C00, s20;
	s0 =	sadd.s32 $0x2AA00, s0  }
0x17: {  	s23 =	sadd.s32 s22, s9;
	s6 =	smax.u32 s6, $0x1;
	[dreg:$0x10] =	wrdreg s26  }
0x18: {  	s20 =	simm.s32 $0x7;
	s22 =	simm.s32 $0x2780;
	[dreg:$0xb] =	wrdreg s8  }
0x19: {  	s26 =	simm.s32 $0x4980;
	s9 =	simm.s32 $0x4;
	[dreg:$0xc] =	wrdreg s0  }
0x1a: {  	s18 =	sadd.s32 $0x4C0, s12;
	s19 =	sadd.s32 $0x4D0, s12;
	[dreg:$0xd] =	wrdreg s6  }
0x1b: {  	s25 =	sadd.s32 $0x20, s23;
	s15 =	sadd.s32 $0x30, s23;
	[dreg:$0x9] =	wrdreg s18  }
0x1c: {  	s0 =	sadd.s32 $0x10, s23;
	s23 =	simm.s32 $0x2800;
	[dreg:$0xa] =	wrdreg s19  }
0x1d: {  	s6 =	simm.s32 $0x6;
	s8 =	simm.s32 $0x3;
	[dreg:$0xe] =	wrdreg s25  }
0x1e: {  	[dreg:$0xf] =	wrdreg s0;
	s19 =	sadd.s32 s24, s1;
	s24 =	simm.s32 $0x80  }
0x1f: {  	s25 =	simm.s32 $0x2980;
	s0 =	simm.s32 $0x1;
	s1 =	simm.s32 $0x5  }
.LBB2_1:
0x20: {  	s11 =	rddreg [dreg:$0x5]  }
0x21: {  	s12 =	rddreg [dreg:$0x4];
	s11 =	sshrl.u32 s11, $0x3  }
0x22: {  	[spmem:s11], [sflag:s7] =	dma.local [hbm:s12], $0x1388  }
0x23: {  	_ =	swait.ge [sflag:s20], $0x1388  }
0x24: {  	[sflag:s20] =	ssyncset.done $0x0;
	s21 =	rddreg [dreg:$0x6]  }
0x25: {  	s13 =	rddreg [dreg:$0x10];
	[sflag:s20] =	ssyncadd.s32 $0xFFFFEC78  }
0x26: {  	[spmem:s13], [sflag:s7] =	dma.local [hbm:s21], $0x1388  }
0x27: {  	_ =	swait.ge [sflag:s20], $0x1388  }
0x28: {  	[sflag:s20] =	ssyncset.done $0x0  }
0x29: {  	s13 =	rddreg [dreg:$0x7];
	[sflag:s20] =	ssyncadd.s32 $0xFFFFEC78  }
0x2a: {  	[tilespmem:s4], [sflag:$0x7] =	stream.linear.gather [hbm4b:s13+s4], $0x2700, $0x38;
	[tilespmem:$0x1E200] =	vst v63  }
0x2b: {  	_ =	swait.ge [sflag:s20], $0x2700  }
0x2c: {  	s12 =	simm.s32 @!p0 $0x0;
	[sflag:s20] =	ssyncset.done $0x0  }
0x2d: {  	s13 =	simm.s32 @!p0 $0x2700;
	s14 =	rddreg [dreg:$0x8];
	[sflag:s20] =	ssyncadd.s32 $0xFFFFD900  }
0x2e: {  	[tilespmem:s13], [sflag:$0x7] =	stream.linear.gather @!p0 [hbm4b:s14+s12], $0x80, $0x38;
	[tilespmem:$0x1E200] =	vst v63  }
0x2f: {  	s12 =	simm.s32 @!p0 $0x7  }
0x30: {  	_ =	swait.ge @!p0 [sflag:s12], $0x80  }
0x31: {  	[sflag:s12] =	ssyncset.done @!p0 $0x0  }
0x32: {  	[sflag:s12] =	ssyncadd.s32 @!p0 $0xFFFFFF80  }
0x33: {  	[bflag:$0x0] =	sbarrier.arrive $0xFFFF  }
0x34: {  	[tilespmem:s22], [sflag:$0x5] =	stream.linear.gather [hbm4b:s19+s4], $0x80, $0x38;
	[tilespmem:$0x1E200] =	vst v63  }
0x35: {  	s14 =	rddreg [dreg:$0xf]  }
0x36: {  	[tilespmem:s23], [sflag:$0x5] =	stream.linear.gather [hbm4b:s14+s4], $0x80, $0x38;
	[tilespmem:$0x1E200] =	vst v63  }
0x37: {  	s16 =	simm.s32 $0x0  }
0x38: {  	[tilespmem:s25], [sflag:$0x1] =	stream.indirect.gather [spmem:s3], $0x40, s16, s24, $0xb8;
	[tilespmem:$0x1E200] =	vst v63  }
0x39: {  	s17 =	simm.s32 $0x80  }
0x3a: {  	[tilespmem:s26], [sflag:$0x1] =	stream.indirect.gather [spmem:s3], $0x40, s17, s24, $0xb8;
	[tilespmem:$0x1E200] =	vst v63  }
0x3b: {  	s16 =	rddreg [dreg:$0xe]  }
0x3c: {  	[tilespmem:s28], [sflag:$0x6] =	stream.linear.gather [hbm4b:s16+s4], $0x80, $0x38;
	[tilespmem:$0x1E200] =	vst v63  }
0x3d: {  	_ = 	snop  }
0x3e: {  	[tilespmem:s29], [sflag:$0x6] =	stream.linear.gather [hbm4b:s15+s4], $0x80, $0x38;
	[tilespmem:$0x1E200] =	vst v63  }
0x3f: {  	s18 =	simm.s32 $0x100  }
0x40: {  	[tilespmem:s30], [sflag:$0x2] =	stream.indirect.gather [spmem:s3], $0x40, s18, s24, $0xb8;
	[tilespmem:$0x1E200] =	vst v63  }
0x41: {  	s21 =	simm.s32 $0x180  }
0x42: {  	[tilespmem:s31], [sflag:$0x2] =	stream.indirect.gather [spmem:s3], $0x40, s21, s24, $0xb8;
	[tilespmem:$0x1E200] =	vst v63  }
0x43: {  	_ =	swait.ge [sflag:s0], $0x2000  }
0x44: {  	[sflag:s0] =	ssyncset.done $0x0  }
0x45: {  	[sflag:s0] =	ssyncadd.s32 $0xFFFFE000  }
0x46: {  	_ =	swait.ge [sflag:s0], $0x2000  }
0x47: {  	[sflag:s0] =	ssyncset.done $0x0  }
0x48: {  	[sflag:s0] =	ssyncadd.s32 $0xFFFFE000  }
0x49: {  	_ =	swait.ge [sflag:s1], $0x80  }
0x4a: {  	[sflag:s1] =	ssyncset.done $0x0  }
0x4b: {  	[sflag:s1] =	ssyncadd.s32 $0xFFFFFF80  }
0x4c: {  	_ =	swait.ge [sflag:s1], $0x80  }
0x4d: {  	[sflag:s1] =	ssyncset.done $0x0  }
0x4e: {  	[sflag:s1] =	ssyncadd.s32 $0xFFFFFF80  }
0x4f: {  	[spmem:s2] =	stream.indirect.scatter.add.f32 [tilespmem:s25], [sflag:$0x3], $0x40, s22, s24, $0xb8;
	[tilespmem:$0x1E200] =	vst v63  }
0x50: {  	_ = 	snop  }
0x51: {  	[spmem:s2] =	stream.indirect.scatter.add.f32 [tilespmem:s26], [sflag:$0x3], $0x40, s23, s24, $0xb8;
	[tilespmem:$0x1E200] =	vst v63  }
0x52: {  	_ =	swait.ge [sflag:s5], $0x2000  }
0x53: {  	[sflag:s5] =	ssyncset.done $0x0  }
0x54: {  	[sflag:s5] =	ssyncadd.s32 $0xFFFFE000  }
0x55: {  	_ =	swait.ge [sflag:s5], $0x2000  }
0x56: {  	[sflag:s5] =	ssyncset.done $0x0  }
0x57: {  	[sflag:s5] =	ssyncadd.s32 $0xFFFFE000  }
0x58: {  	_ =	swait.ge [sflag:s6], $0x80  }
0x59: {  	[sflag:s6] =	ssyncset.done $0x0  }
0x5a: {  	[sflag:s6] =	ssyncadd.s32 $0xFFFFFF80  }
0x5b: {  	_ =	swait.ge [sflag:s6], $0x80  }
0x5c: {  	[sflag:s6] =	ssyncset.done $0x0  }
0x5d: {  	[sflag:s6] =	ssyncadd.s32 $0xFFFFFF80  }
0x5e: {  	[spmem:s2] =	stream.indirect.scatter.add.f32 [tilespmem:s30], [sflag:$0x4], $0x40, s28, s24, $0xb8;
	[tilespmem:$0x1E200] =	vst v63  }
0x5f: {  	_ = 	snop  }
0x60: {  	[spmem:s2] =	stream.indirect.scatter.add.f32 [tilespmem:s31], [sflag:$0x4], $0x40, s29, s24, $0xb8;
	[tilespmem:$0x1E200] =	vst v63  }
0x61: {  	_ =	swait.ge [sflag:s8], $0x2000  }
0x62: {  	[sflag:s8] =	ssyncset.done $0x0  }
0x63: {  	[sflag:s8] =	ssyncadd.s32 $0xFFFFE000  }
0x64: {  	_ =	swait.ge [sflag:s8], $0x2000  }
0x65: {  	[sflag:s8] =	ssyncset.done $0x0  }
0x66: {  	[sflag:s8] =	ssyncadd.s32 $0xFFFFE000  }
0x67: {  	_ =	swait.ge [sflag:s9], $0x2000  }
0x68: {  	[sflag:s9] =	ssyncset.done $0x0  }
0x69: {  	[sflag:s9] =	ssyncadd.s32 $0xFFFFE000  }
0x6a: {  	s12 =	simm.s32 $0x800;
	s13 =	sadd.s32 $0x40, s14;
	_ =	swait.ge [sflag:s9], $0x2000  }
0x6b: {  	s14 =	sadd.s32 $0x40, s19;
	s17 =	smov.u32 s15;
	[sflag:s9] =	ssyncset.done $0x0  }
.LBB2_2:
0x6c: {  	[sflag:s9] =	ssyncadd.s32 $0xFFFFE000;
	s17 =	sadd.s32 $0x40, s17;
	s16 =	sadd.s32 $0x40, s16  }
0x6d: {  	[tilespmem:s22], [sflag:$0x5] =	stream.linear.gather [hbm4b:s14+s4], $0x80, $0x38;
	[tilespmem:$0x1E200] =	vst v63  }
0x6e: {  	p1 =	sne.s32 s12, $0x9000;
	s21 =	smov.u32 s12;
	s12 =	sadd.s32 $0x800, s12  }
0x6f: {  	[tilespmem:s23], [sflag:$0x5] =	stream.linear.gather [hbm4b:s13+s4], $0x80, $0x38;
	[tilespmem:$0x1E200] =	vst v63  }
0x70: {  	s21 =	sshra.s32 s21, $0x2  }
0x71: {  	[tilespmem:s25], [sflag:$0x1] =	stream.indirect.gather [spmem:s3], $0x40, s21, s24, $0xb8;
	[tilespmem:$0x1E200] =	vst v63  }
0x72: {  	s18 =	sadd.s32 $0x80, s21  }
0x73: {  	[tilespmem:s26], [sflag:$0x1] =	stream.indirect.gather [spmem:s3], $0x40, s18, s24, $0xb8;
	[tilespmem:$0x1E200] =	vst v63  }
0x74: {  	_ = 	snop  }
0x75: {  	[tilespmem:s28], [sflag:$0x6] =	stream.linear.gather [hbm4b:s16+s4], $0x80, $0x38;
	[tilespmem:$0x1E200] =	vst v63  }
0x76: {  	_ = 	snop  }
0x77: {  	[tilespmem:s29], [sflag:$0x6] =	stream.linear.gather [hbm4b:s17+s4], $0x80, $0x38;
	[tilespmem:$0x1E200] =	vst v63  }
0x78: {  	s18 =	sadd.s32 $0x100, s21  }
0x79: {  	[tilespmem:s30], [sflag:$0x2] =	stream.indirect.gather [spmem:s3], $0x40, s18, s24, $0xb8;
	[tilespmem:$0x1E200] =	vst v63  }
0x7a: {  	s18 =	sadd.s32 $0x180, s21  }
0x7b: {  	[tilespmem:s31], [sflag:$0x2] =	stream.indirect.gather [spmem:s3], $0x40, s18, s24, $0xb8;
	[tilespmem:$0x1E200] =	vst v63  }
0x7c: {  	_ =	swait.ge [sflag:s0], $0x2000  }
0x7d: {  	[sflag:s0] =	ssyncset.done $0x0  }
0x7e: {  	[sflag:s0] =	ssyncadd.s32 $0xFFFFE000  }
0x7f: {  	_ =	swait.ge [sflag:s0], $0x2000  }
0x80: {  	[sflag:s0] =	ssyncset.done $0x0  }
0x81: {  	[sflag:s0] =	ssyncadd.s32 $0xFFFFE000  }
0x82: {  	_ =	swait.ge [sflag:s1], $0x80  }
0x83: {  	[sflag:s1] =	ssyncset.done $0x0  }
0x84: {  	[sflag:s1] =	ssyncadd.s32 $0xFFFFFF80  }
0x85: {  	_ =	swait.ge [sflag:s1], $0x80  }
0x86: {  	[sflag:s1] =	ssyncset.done $0x0  }
0x87: {  	[sflag:s1] =	ssyncadd.s32 $0xFFFFFF80  }
0x88: {  	[spmem:s2] =	stream.indirect.scatter.add.f32 [tilespmem:s25], [sflag:$0x3], $0x40, s22, s24, $0xb8;
	[tilespmem:$0x1E200] =	vst v63  }
0x89: {  	_ = 	snop  }
0x8a: {  	[spmem:s2] =	stream.indirect.scatter.add.f32 [tilespmem:s26], [sflag:$0x3], $0x40, s23, s24, $0xb8;
	[tilespmem:$0x1E200] =	vst v63  }
0x8b: {  	_ =	swait.ge [sflag:s5], $0x2000  }
0x8c: {  	[sflag:s5] =	ssyncset.done $0x0  }
0x8d: {  	[sflag:s5] =	ssyncadd.s32 $0xFFFFE000  }
0x8e: {  	_ =	swait.ge [sflag:s5], $0x2000  }
0x8f: {  	[sflag:s5] =	ssyncset.done $0x0  }
0x90: {  	[sflag:s5] =	ssyncadd.s32 $0xFFFFE000  }
0x91: {  	_ =	swait.ge [sflag:s6], $0x80  }
0x92: {  	[sflag:s6] =	ssyncset.done $0x0  }
0x93: {  	[sflag:s6] =	ssyncadd.s32 $0xFFFFFF80  }
0x94: {  	_ =	swait.ge [sflag:s6], $0x80  }
0x95: {  	[sflag:s6] =	ssyncset.done $0x0  }
0x96: {  	[sflag:s6] =	ssyncadd.s32 $0xFFFFFF80  }
0x97: {  	[spmem:s2] =	stream.indirect.scatter.add.f32 [tilespmem:s30], [sflag:$0x4], $0x40, s28, s24, $0xb8;
	[tilespmem:$0x1E200] =	vst v63  }
0x98: {  	_ = 	snop  }
0x99: {  	[spmem:s2] =	stream.indirect.scatter.add.f32 [tilespmem:s31], [sflag:$0x4], $0x40, s29, s24, $0xb8;
	[tilespmem:$0x1E200] =	vst v63  }
0x9a: {  	_ =	swait.ge [sflag:s8], $0x2000  }
0x9b: {  	[sflag:s8] =	ssyncset.done $0x0  }
0x9c: {  	[sflag:s8] =	ssyncadd.s32 $0xFFFFE000  }
0x9d: {  	_ =	swait.ge [sflag:s8], $0x2000  }
0x9e: {  	[sflag:s8] =	ssyncset.done $0x0  }
0x9f: {  	[sflag:s8] =	ssyncadd.s32 $0xFFFFE000  }
.Ltmp0:
0xa0: {  	_ =	swait.ge [sflag:s9], $0x2000;
	(pc) =	sbr.rel @p1 .LBB2_2-.Ltmp0, $4  }
0xa1: {  	[sflag:s9] =	ssyncset.done $0x0  }
0xa2: {  	[sflag:s9] =	ssyncadd.s32 $0xFFFFE000  }
0xa3: {  	_ =	swait.ge [sflag:s9], $0x2000  }
0xa4: {  	s14 =	sadd.s32 $0x40, s14;
	s13 =	sadd.s32 $0x40, s13;
	[sflag:s9] =	ssyncset.done $0x0  }
0xa5: {  	[sflag:s9] =	ssyncadd.s32 $0xFFFFE000;
	s12 =	rddreg [dreg:$0x9]  }
0xa6: {  	[tilespmem:s22], [sflag:$0x5] =	stream.linear.gather [hbm4b:s12+s4], $0x80, $0x38;
	[tilespmem:$0x1E200] =	vst v63  }
0xa7: {  	s14 =	rddreg [dreg:$0xa]  }
0xa8: {  	[tilespmem:s23], [sflag:$0x5] =	stream.linear.gather [hbm4b:s14+s4], $0x80, $0x38;
	[tilespmem:$0x1E200] =	vst v63  }
0xa9: {  	s16 =	simm.s32 $0x2600  }
0xaa: {  	[tilespmem:s25], [sflag:$0x1] =	stream.indirect.gather [spmem:s3], $0x40, s16, s24, $0xb8;
	[tilespmem:$0x1E200] =	vst v63  }
0xab: {  	s17 =	simm.s32 $0x2680  }
0xac: {  	[tilespmem:s26], [sflag:$0x1] =	stream.indirect.gather [spmem:s3], $0x40, s17, s24, $0xb8;
	[tilespmem:$0x1E200] =	vst v63  }
0xad: {  	_ =	swait.ge [sflag:s0], $0x2000  }
0xae: {  	[sflag:s0] =	ssyncset.done $0x0  }
0xaf: {  	[sflag:s0] =	ssyncadd.s32 $0xFFFFE000  }
0xb0: {  	_ =	swait.ge [sflag:s0], $0x2000  }
0xb1: {  	[sflag:s0] =	ssyncset.done $0x0  }
0xb2: {  	[sflag:s0] =	ssyncadd.s32 $0xFFFFE000  }
0xb3: {  	_ =	swait.ge [sflag:s1], $0x80  }
0xb4: {  	[sflag:s1] =	ssyncset.done $0x0  }
0xb5: {  	[sflag:s1] =	ssyncadd.s32 $0xFFFFFF80  }
0xb6: {  	_ =	swait.ge [sflag:s1], $0x80  }
0xb7: {  	[sflag:s1] =	ssyncset.done $0x0  }
0xb8: {  	[sflag:s1] =	ssyncadd.s32 $0xFFFFFF80  }
0xb9: {  	[spmem:s2] =	stream.indirect.scatter.add.f32 [tilespmem:s25], [sflag:$0x3], $0x40, s22, s24, $0xb8;
	[tilespmem:$0x1E200] =	vst v63  }
0xba: {  	_ = 	snop  }
0xbb: {  	[spmem:s2] =	stream.indirect.scatter.add.f32 [tilespmem:s26], [sflag:$0x3], $0x40, s23, s24, $0xb8;
	[tilespmem:$0x1E200] =	vst v63  }
0xbc: {  	_ =	swait.ge [sflag:s8], $0x2000  }
0xbd: {  	[sflag:s8] =	ssyncset.done $0x0  }
0xbe: {  	[sflag:s8] =	ssyncadd.s32 $0xFFFFE000  }
0xbf: {  	_ =	swait.ge [sflag:s8], $0x2000  }
0xc0: {  	s13 =	simm.s32 @!p0 $0x2880;
	[sflag:s8] =	ssyncset.done $0x0  }
0xc1: {  	s12 =	simm.s32 @!p0 $0x0;
	s14 =	rddreg [dreg:$0xb];
	[sflag:s8] =	ssyncadd.s32 $0xFFFFE000  }
0xc2: {  	[tilespmem:s13], [sflag:$0x6] =	stream.linear.gather @!p0 [hbm4b:s14+s12], $0x80, $0x38;
	[tilespmem:$0x1E200] =	vst v63  }
0xc3: {  	s16 =	simm.s32 @!p0 $0x6980;
	s12 =	simm.s32 @!p0 $0x80;
	s14 =	simm.s32 @!p0 $0x2700  }
0xc4: {  	[tilespmem:s16], [sflag:$0x2] =	stream.indirect.gather @!p0 [spmem:s3], $0x40, s14, s12, $0xb8;
	[tilespmem:$0x1E200] =	vst v63  }
0xc5: {  	s14 =	simm.s32 @!p0 $0x2  }
0xc6: {  	_ =	swait.ge @!p0 [sflag:s14], $0x2000  }
0xc7: {  	[sflag:s14] =	ssyncset.done @!p0 $0x0  }
0xc8: {  	[sflag:s14] =	ssyncadd.s32 @!p0 $0xFFFFE000;
	s14 =	simm.s32 @!p0 $0x6  }
0xc9: {  	_ =	swait.ge @!p0 [sflag:s14], $0x80  }
0xca: {  	[sflag:s14] =	ssyncset.done @!p0 $0x0  }
0xcb: {  	[sflag:s14] =	ssyncadd.s32 @!p0 $0xFFFFFF80  }
0xcc: {  	[spmem:s2] =	stream.indirect.scatter.add.f32 @!p0 [tilespmem:s16], [sflag:$0x4], $0x40, s13, s12, $0xb8;
	[tilespmem:$0x1E200] =	vst v63  }
0xcd: {  	s12 =	simm.s32 @!p0 $0x4  }
0xce: {  	_ =	swait.ge @!p0 [sflag:s12], $0x2000  }
0xcf: {  	[sflag:s12] =	ssyncset.done @!p0 $0x0  }
0xd0: {  	[sflag:s12] =	ssyncadd.s32 @!p0 $0xFFFFE000  }
0xd1: {  	[bflag:$0x0] =	sbarrier.arrive $0xFFFF  }
0xd2: {  	s18 =	rddreg [dreg:$0xc]  }
0xd3: {  	[hbm:s18], [sflag:s7] =	dma.local [spmem:s11], $0x1388  }
0xd4: {  	_ =	swait.ge [sflag:s20], $0x1388  }
0xd5: {  	s10 =	sadd.s32 $0x1, s10;
	s21 =	rddreg [dreg:$0xd]  }
0xd6: {  	p1 =	sne.s32 s10, s21  }
.Ltmp1:
0xd7: {  	_ = 	snop;
	(pc) =	sbr.rel @p1 .LBB2_1-.Ltmp1, $3  }
0xd8: {  	_ =	sdelay $0x1  }
0xd9: {  	[sflag:s20] =	ssyncset.done $0x0  }
0xda: {  	[sflag:s20] =	ssyncadd.s32 $0xFFFFEC78  }
0xdb: {  	_ =	sfence.sel $0x180000  }
0xdc: {  	[bflag:$0x0] =	sbarrier.arrive $0xFFFF  }
0xdd: {  	_ =	strace $0x9000004A  }
0xde: {  	s0 =	stileid.u32;
	[bflag:$0x2] =	sbarrier.arrive $0xFFFF  }
0xdf: {  	p0 =	sne.s32 s0, $0x0;
	s0 =	rddreg [dreg:$0x3]  }
0xe0: {  	s0 =	sadd.s32 @!p0 $0x100000, s0  }
0xe1: {  	[sflag:s0] =	ssyncadd.tile.s32 @!p0 $0x1;
	_ =	shalt  }
.Lfunc_end2:
_tile_overlayer_lowered:
.L_overlay_start_2:
0xe2: {  	(tag) =	ssettag $0x2  }
0xe3: {  	s0 =	rddreg [dreg:$0x0];
	s2 =	stileid.u32  }
0xe4: {  	s1 =	rddreg [dreg:$0x1];
	p0 =	sne.s32 s2, $0x0  }
0xe5: {  	s3 =	rddreg [dreg:$0x2];
	[bflag:$0x3] =	sbarrier.arrive $0xFFFF;
	s2 =	simm.s32 @!p0 $0x1C07  }
0xe6: {  	[timem:s3], [sflag:s2] =	dma.local @!p0 [hbm:s0], s1  }
0xe7: {  	s0 =	simm.s32 @!p0 $0x7  }
0xe8: {  	_ =	swait.ge @!p0 [sflag:s0], s1  }
0xe9: {  	s1 =	ssub.s32 @!p0 $0x0, s1;
	[sflag:s0] =	ssyncset.done @!p0 $0x0  }
0xea: {  	[sflag:s0] =	ssyncadd.s32 @!p0 s1  }
0xeb: {  	[bflag:$0x3] =	sbarrier.arrive $0xFFFF  }
0xec: {  	_ =	shalt  }

// kernel: kernel.14.cloned.1.call-start
scs
__scs_entry_jumppad:
0x0: {  	(pc) =	sbr.rel $0x88, $3  }
0x1: {  	(tag) =	ssettag $0x0;
	lr =	simm.s32 $0x1  }
0x2: {  	[smem:$0x3F95] =	sst lr;
	_ =	strace $0xD0000000  }
0x3: {  	_ = 	snop  }
0x4: {  	_ = 	snop  }
0x5: {  	_ = 	snop  }
0x6: {  	_ = 	snop  }
0x7: {  	_ = 	snop  }
__scs_overlays_trampoline_lowered:
0x8: {  	[smem:$0x3FA4] =	sst s0  }
0x9: {  	[smem:$0x3FA5] =	sst s1  }
0xa: {  	[smem:$0x3FA6] =	sst s2  }
0xb: {  	[smem:$0x3FA7] =	sst s3  }
0xc: {  	[smem:$0x3FA8] =	sst s4  }
0xd: {  	[smem:$0x3FA9] =	sst s5  }
0xe: {  	[smem:$0x3FAA] =	sst s6  }
0xf: {  	[smem:$0x3FAB] =	sst s7  }
0x10: {  	[smem:$0x3FAC] =	sst s8  }
0x11: {  	[smem:$0x3FAD] =	sst s9;
	s0 =	simm.s32 @!p0 $0x0  }
0x12: {  	s1 =	sld [smem:$0x3F93];
	s0 =	simm.s32 @p0 $0x1  }
0x13: {  	[smem:$0x3FAE] =	sst s0;
	s0 =	simm.s32 @!p1 $0x0  }
0x14: {  	s2 =	sld [smem:$0x3F92];
	s0 =	simm.s32 @p1 $0x1  }
0x15: {  	[smem:$0x3FAF] =	sst s0;
	s0 =	simm.s32 @!p2 $0x0  }
0x16: {  	s3 =	sld [smem:$0x3FDB];
	s0 =	simm.s32 @p2 $0x1  }
0x17: {  	s4 =	simm.s32 $0x1BF5;
	[smem:$0x3FB1] =	sst s0  }
0x18: {  	s0 =	sld [smem:$0x3F94];
	_ =	swait.ge [sflag:s4], $0x0  }
0x19: {  	s7 =	sld [smem:$0x3F95]  }
0x1a: {  	s8 =	sadd.s32 $0xFFFFE003, lr  }
0x1b: {  	s9 =	sadd.s32 $0xFFFFFEF7, lr;
	s5 =	simm.s32 $0xFFFFFFFF;
	p2 =	slt.u32 s8, $0xFFFFF086  }
0x1c: {  	p1 =	slt.u32 s9, $0xF7A;
	s5 =	simm.s32 @!p2 $0x0  }
0x1d: {  	s5 =	simm.s32 @p1 $0x1;
	p0 =	seq.s32 s7, s2  }
0x1e: {  	s7 =	smul.u32 @!p0 $0xF7A, s2;
	p2 =	seq.s32 @!p0 s5, $0x0  }
0x1f: {  	s9 =	smul.u32 $0xF7A, s1;
	s8 =	simm.s32 @!p0 $0x1BF5;
	p2 =	por !p2, p0  }
0x20: {  	[sflag:s8] =	ssyncset.s32 @!p0 $0xFFFFF086;
	s6 =	sadd.s32 @!p0 s3, s7;
	s7 =	simm.s32 @!p0 $0x108  }
0x21: {  	s3 =	sadd.s32 s3, s9;
	s6 =	sadd.s32 @!p0 $0x88, s6;
	s7 =	simm.s32 @p2 $0x1082  }
0x22: {  	[simem:s7], [sflag:s8] =	dma.local @!p0 [hbm:s6], $0xF7A  }
0x23: {  	s9 =	sor.u32 $0xD0000000, s2;
	s6 =	simm.s32 $0x108;
	_ =	swait.ge @!p0 [sflag:s8], $0x0  }
0x24: {  	s3 =	sadd.s32 $0x88, s3;
	s6 =	simm.s32 @!p1 $0x1082;
	[sflag:s4] =	ssyncset.s32 $0xFFFFF086  }
0x25: {  	[simem:s6], [sflag:s4] =	dma.local [hbm:s3], $0xF7A  }
0x26: {  	[smem:$0x3F95] =	sst s1;
	(tag) =	ssettag s2;
	_ =	strace s9  }
0x27: {  	s1 =	sld [smem:$0x3FA5]  }
0x28: {  	s2 =	sld [smem:$0x3FA6]  }
0x29: {  	s4 =	sld [smem:$0x3FA8]  }
0x2a: {  	p0 =	seq.s32 s5, $0x0;
	s5 =	sld [smem:$0x3FA9]  }
0x2b: {  	s6 =	sld [smem:$0x3FAA]  }
0x2c: {  	s7 =	sld [smem:$0x3FAB]  }
0x2d: {  	s3 =	simm.s32 $0x108;
	s8 =	sld [smem:$0x3FAC]  }
0x2e: {  	s3 =	simm.s32 @!p0 $0x1082;
	s9 =	sld [smem:$0x3FAD]  }
0x2f: {  	lr =	sadd.s32 s0, s3;
	s0 =	sld [smem:$0x3FA4]  }
0x30: {  	s3 =	sld [smem:$0x3FA7]  }
0x31: {  	[smem:$0x3FB0] =	sst s10  }
0x32: {  	s10 =	sld [smem:$0x3FAE];
	_ =	sdelay $0x3  }
0x33: {  	p0 =	seq.s32 s10, $0x1;
	s10 =	sld [smem:$0x3FB0];
	_ =	sdelay $0x3  }
0x34: {  	[smem:$0x3FB0] =	sst s10  }
0x35: {  	s10 =	sld [smem:$0x3FAF];
	_ =	sdelay $0x3  }
0x36: {  	p1 =	seq.s32 s10, $0x1;
	s10 =	sld [smem:$0x3FB0];
	_ =	sdelay $0x3  }
0x37: {  	[smem:$0x3FB0] =	sst s10  }
0x38: {  	s10 =	sld [smem:$0x3FB1]  }
0x39: {  	_ = 	snop;
	(pc) =	sbr.ind lr, $3  }
0x3a: {  	_ = 	snop  }
0x3b: {  	_ = 	snop  }
0x3c: {  	p2 =	seq.s32 s10, $0x1;
	s10 =	sld [smem:$0x3FB0]  }
0x3d: {  	_ =	shalt  }
0x3e: {  	_ =	shalt  }
0x3f: {  	_ =	shalt  }
0x40: {  	_ =	shalt  }
0x41: {  	_ =	shalt  }
0x42: {  	_ =	shalt  }
0x43: {  	_ =	shalt  }
0x44: {  	_ =	shalt  }
0x45: {  	_ =	shalt  }
0x46: {  	_ =	shalt  }
0x47: {  	_ =	shalt  }
0x48: {  	_ =	shalt  }
0x49: {  	_ =	shalt  }
0x4a: {  	_ =	shalt  }
0x4b: {  	_ =	shalt  }
0x4c: {  	_ =	shalt  }
0x4d: {  	_ =	shalt  }
0x4e: {  	_ =	shalt  }
0x4f: {  	_ =	shalt  }
0x50: {  	_ =	shalt  }
0x51: {  	_ =	shalt  }
0x52: {  	_ =	shalt  }
0x53: {  	_ =	shalt  }
0x54: {  	_ =	shalt  }
0x55: {  	_ =	shalt  }
0x56: {  	_ =	shalt  }
0x57: {  	_ =	shalt  }
0x58: {  	_ =	shalt  }
0x59: {  	_ =	shalt  }
0x5a: {  	_ =	shalt  }
0x5b: {  	_ =	shalt  }
0x5c: {  	_ =	shalt  }
0x5d: {  	_ =	shalt  }
0x5e: {  	_ =	shalt  }
0x5f: {  	_ =	shalt  }
0x60: {  	_ =	shalt  }
0x61: {  	_ =	shalt  }
0x62: {  	_ =	shalt  }
0x63: {  	_ =	shalt  }
0x64: {  	_ =	shalt  }
0x65: {  	_ =	shalt  }
0x66: {  	_ =	shalt  }
0x67: {  	_ =	shalt  }
0x68: {  	_ =	shalt  }
0x69: {  	_ =	shalt  }
0x6a: {  	_ =	shalt  }
0x6b: {  	_ =	shalt  }
0x6c: {  	_ =	shalt  }
0x6d: {  	_ =	shalt  }
0x6e: {  	_ =	shalt  }
0x6f: {  	_ =	shalt  }
0x70: {  	_ =	shalt  }
0x71: {  	_ =	shalt  }
0x72: {  	_ =	shalt  }
0x73: {  	_ =	shalt  }
0x74: {  	_ =	shalt  }
0x75: {  	_ =	shalt  }
0x76: {  	_ =	shalt  }
0x77: {  	_ =	shalt  }
0x78: {  	_ =	shalt  }
0x79: {  	_ =	shalt  }
0x7a: {  	_ =	shalt  }
0x7b: {  	_ =	shalt  }
0x7c: {  	_ =	shalt  }
0x7d: {  	_ =	shalt  }
0x7e: {  	_ =	shalt  }
0x7f: {  	_ =	shalt  }
0x80: {  	_ =	shalt  }
0x81: {  	_ =	shalt  }
0x82: {  	_ =	shalt  }
0x83: {  	_ =	shalt  }
0x84: {  	_ =	shalt  }
0x85: {  	_ =	shalt  }
0x86: {  	_ =	shalt  }
0x87: {  	_ =	shalt  }
.Lfunc_end0:
.L_simem_size_0:
called_computation.2_lowered:
.L_overlay_start_0:
0x88: {  	s2 =	sld [smem:$0x3FD9]  }
0x89: {  	s3 =	sld [smem:$0x3FFE];
	_ =	sdelay $0x1  }
0x8a: {  	s1 =	srdreg.scid  }
0x8b: {  	s0 =	sand.u32 $0x1, s1  }
0x8c: {  	s17 =	sshll.u32 s0, $0xA;
	s2 =	sadd.s32 s3, s2  }
0x8d: {  	s2 =	sadd.s32 s2, s17  }
0x8e: {  	[smem:$0x3FBC] =	sst s2  }
0x8f: {  	_ = 	snop  }
0x90: {  	s2 =	sld [smem:$0x3FC7]  }
0x91: {  	s18 =	sld [smem:$0x3FC6];
	(tm) =	ssettm $0x1  }
0x92: {  	s4 =	sld [smem:$0x3FFB];
	_ =	sdelay $0x3  }
0x93: {  	_ =	strace s4  }
0x94: {  	s4 =	sld [smem:$0x3FFC];
	_ =	sdelay $0x3  }
0x95: {  	_ =	strace s4  }
0x96: {  	s4 =	sld [smem:$0x3FFD];
	_ =	sdelay $0x3  }
0x97: {  	_ =	strace s4  }
0x98: {  	_ =	strace $0x8FFFFFFF  }
0x99: {  	s19 =	sld [smem:$0x3FDB];
	_ =	sdelay $0x1  }
0x9a: {  	s5 =	simm.s32 $_scs_section_size  }
0x9b: {  	s6 =	simm.s32 $_size__tile_overlayer_lowered;
	s7 =	simm.s32 $_tile_overlayer_lowered  }
0x9c: {  	s22 =	simm.s32 $0x1BFF;
	s21 =	sshll.u32 s7, $0x1;
	s4 =	sadd.s32 s5, s19  }
0x9d: {  	s8 =	simm.s32 $0x0;
	s20 =	sshll.u32 s6, $0x1;
	s6 =	sadd.s32 s21, s4  }
0x9e: {  	[timem:s8], [sflag:s22] =	dma.local [hbm:s6], s20  }
0x9f: {  	_ =	swait.ge [sflag:s22], s20  }
0xa0: {  	s5 =	ssub.s32 $0x0, s20;
	[sflag:s22] =	ssyncset.done $0x0  }
0xa1: {  	[sflag:s22] =	ssyncadd.s32 s5;
	_ =	sdelay $0x1  }
0xa2: {  	s23 =	simm.s32 $0x1B8B  }
0xa3: {  	_ =	swait.ge [sflag:s23], $0x1  }
0xa4: {  	[sflag:s23] =	ssyncset.done $0x0  }
0xa5: {  	s25 =	simm.s32 $0x1B8E;
	s24 =	sld [smem:$0x3FFE];
	[sflag:s23] =	ssyncadd.s32 $0xFFFFFFFF  }
0xa6: {  	s26 =	simm.s32 $execute0_lowered;
	[smem:$0x3FD2] =	sst s25  }
0xa7: {  	s6 =	sshll.u32 s26, $0x1;
	_ =	strace $0x8000004C;
	[dreg:$0x1] =	wrdreg $0xFFFFFFFF  }
0xa8: {  	s28 =	simm.s32 $_size_execute0_lowered;
	s4 =	sadd.s32 s4, s6;
	[dreg:$0x0] =	wrdreg $0x0  }
0xa9: {  	s6 =	sshll.u32 s28, $0x1;
	[dreg:$0x2] =	wrdreg s4  }
0xaa: {  	[dreg:$0x3] =	wrdreg s6  }
0xab: {  	[dreg:$0x4] =	wrdreg $0xC0  }
0xac: {  	_ =	task [dreg:s8], $0x5FFFF  }
0xad: {  	[dreg:$0x1] =	wrdreg $0xFFFFFFFF  }
0xae: {  	[dreg:$0x0] =	wrdreg $0x60  }
0xaf: {  	[dreg:$0x2] =	wrdreg s2  }
0xb0: {  	[dreg:$0x3] =	wrdreg s18  }
0xb1: {  	[dreg:$0x4] =	wrdreg s24  }
0xb2: {  	[dreg:$0x5] =	wrdreg $0x8E500  }
0xb3: {  	[dreg:$0x6] =	wrdreg $0x9E500  }
0xb4: {  	[dreg:$0x7] =	wrdreg $0xA0500  }
0xb5: {  	[dreg:$0x8] =	wrdreg $0x9  }
0xb6: {  	_ =	task.clear_ibuf [dreg:s8], $0x9FFFF;
	_ =	strace $0x9000004C  }
0xb7: {  	s29 =	simm.s32 $0x9;
	_ =	strace $0x8000004E  }
0xb8: {  	_ =	swait.ge [sflag:s29], $0x1  }
0xb9: {  	[sflag:s29] =	ssyncadd.s32 $0xFFFFFFFF  }
0xba: {  	_ =	strace $0x9000004E  }
0xbb: {  	_ =	sfence  }
0xbc: {  	s30 =	sld [smem:$0x0];
	_ =	sdelay $0x2  }
0xbd: {  	s31 =	sshll.u32 s1, $0xD;
	s1 =	sshrl.u32 s1, $0x2  }
0xbe: {  	s3 =	sand.u32 $0x4000, s31;
	s1 =	sadd.s32 s1, s30  }
0xbf: {  	s0 =	sor.u32 s3, s0;
	s1 =	sshll.u32 s1, $0x11  }
0xc0: {  	s0 =	sor.u32 s1, s0  }
0xc1: {  	s0 =	sadd.s32 $0x8F2B, s0  }
0xc2: {  	[sflag:s0] =	ssyncadd.remote.s32 $0x1  }
0xc3: {  	_ =	sfence.sel $0xFFFF  }
0xc4: {  	[dreg:$0x0] =	wrdreg $0xFFFFFFFF;
	(pc) =	sbr.abs _section_cstart, $3  }
0xc5: {  	[dreg:$0x1] =	wrdreg $0xFFFFFFFF  }
0xc6: {  	_ =	task.clear_ibuf [dreg:s8], $0x2FFFF;
	_ =	strace $0x9FFFFFFF  }
0xc7: {  	(tm) =	ssettm $0x7FFFFFFF  }
tec
execute0_lowered:
.L_overlay_start_1:
0x0: {  	(tag) =	ssettag $0x1  }
0x1: {  	s0 =	rddreg [dreg:$0x0]  }
0x2: {  	s16 =	rddreg [dreg:$0x1]  }
0x3: {  	s1 =	rddreg [dreg:$0x2]  }
0x4: {  	s2 =	rddreg [dreg:$0x3]  }
0x5: {  	s3 =	rddreg [dreg:$0x4]  }
0x6: {  	s5 =	rddreg [dreg:$0x5]  }
0x7: {  	s6 =	simm.s32 $0x0;
	s17 =	stileid.u32;
	s7 =	srdreg.scid  }
0x8: {  	s31 =	simm.s32 $0x7;
	s28 =	simm.s32 $0x6C0;
	s30 =	simm.s32 $0x40  }
0x9: {  	s29 =	simm.s32 $0x800;
	[smem:$0x7FF] =	sst s6;
	s4 =	smul.u32 $0x9C40, s17  }
0xa: {  	s7 =	sand.u32 $0x1, s7;
	s9 =	sshll.u32 s17, $0xC;
	s11 =	sadd.s32 $0x15A00, s1  }
0xb: {  	s22 =	sadd.s32 $0x15E00, s1;
	s23 =	sadd.s32 $0x15C00, s1;
	s24 =	sshll.u32 s17, $0x9  }
0xc: {  	s26 =	sshll.u32 s17, $0x6;
	_ =	strace $0x8000004D;
	[dreg:$0xf] =	wrdreg s11  }
0xd: {  	s19 =	sshll.u32 s17, $0x3;
	s20 =	sadd.s32 $0x1868, s0;
	[dreg:$0x10] =	wrdreg s22  }
0xe: {  	s10 =	sshll.u32 s7, $0x10;
	[dreg:$0x11] =	wrdreg s23;
	s12 =	sshll.u32 s7, $0xD  }
0xf: {  	s13 =	ssub.s32 $0x2, s7;
	s14 =	sshll.u32 s7, $0x4;
	s7 =	smul.u32 $0x6000, s7  }
0x10: {  	s22 =	sor.u32 $0x1C07, s26;
	s11 =	sadd.s32 s24, s3;
	[dreg:$0x17] =	wrdreg s20  }
0x11: {  	s20 =	sadd.s32 $0x1868, s16;
	s8 =	sshrl.u32 s4, $0x3;
	s10 =	sor.u32 s9, s10  }
0x12: {  	s12 =	sor.u32 s24, s12;
	s15 =	sshrl.u32 s13, $0x1;
	[dreg:$0x14] =	wrdreg s11  }
0x13: {  	s14 =	sor.u32 s17, s14;
	s9 =	sadd.s32 s9, s2;
	[dreg:$0x1a] =	wrdreg s20  }
0x14: {  	s4 =	sadd.s32 s4, s5;
	s20 =	simm.s32 $0x6;
	[dreg:$0x13] =	wrdreg s22  }
0x15: {  	s8 =	sadd.s32 s8, s1;
	s10 =	sshrl.u32 s10, $0x3;
	s12 =	sshrl.u32 s12, $0x3  }
0x16: {  	s25 =	smul.u32 $0x600, s14;
	[dreg:$0x12] =	wrdreg s9;
	p0 =	sgt.u32 s14, $0xC  }
0x17: {  	s9 =	simm.s32 $0x740;
	s10 =	sadd.s32 s10, s1;
	s1 =	sadd.s32 s12, s1  }
0x18: {  	s12 =	ssub.s32 s13, s15;
	s15 =	smul.u32 $0x600, s17;
	s8 =	sadd.s32 $0x2000, s8  }
0x19: {  	p2 =	sne.s32 @p0 s14, $0xD;
	s14 =	simm.s32 $0x3840;
	[dreg:$0x15] =	wrdreg s8  }
0x1a: {  	s18 =	sshrl.u32 s25, $0x3;
	s1 =	sadd.s32 $0x16000, s1;
	p1 =	por p2, !p0  }
0x1b: {  	p2 =	por !p2, !p0;
	s8 =	sadd.s32 s0, s18;
	s7 =	sadd.s32 s15, s7  }
0x1c: {  	s0 =	sadd.s32 s19, s0;
	[dreg:$0x1c] =	wrdreg s1;
	s1 =	simm.s32 $0x0  }
0x1d: {  	[dreg:$0x16] =	wrdreg s8;
	s21 =	sor.u32 $0x180, s7;
	s0 =	sadd.s32 $0x1800, s0  }
0x1e: {  	s24 =	sor.u32 $0x140, s7;
	s26 =	sor.u32 $0x100, s7;
	s13 =	sor.u32 $0xC0, s7  }
0x1f: {  	s17 =	sor.u32 $0x80, s7;
	[dreg:$0x18] =	wrdreg s0;
	s23 =	sshrl.u32 s21, $0x3  }
0x20: {  	s8 =	sadd.s32 s19, s16;
	s25 =	sshrl.u32 s24, $0x3;
	[dreg:$0x7] =	wrdreg s23  }
0x21: {  	s19 =	sor.u32 $0x40, s7;
	s11 =	sshrl.u32 s26, $0x3;
	[dreg:$0x8] =	wrdreg s25  }
0x22: {  	s16 =	simm.s32 $0x5840;
	s15 =	sshrl.u32 s13, $0x3;
	[dreg:$0x9] =	wrdreg s11  }
0x23: {  	s18 =	sshrl.u32 s17, $0x3;
	s8 =	sadd.s32 $0x1800, s8;
	[dreg:$0xa] =	wrdreg s15  }
0x24: {  	s21 =	sadd.s32 $0x16800, s10;
	s0 =	sshrl.u32 s19, $0x3;
	[dreg:$0x19] =	wrdreg s8  }
0x25: {  	s26 =	sshrl.u32 s4, $0x3;
	s4 =	simm.s32 $0x840;
	[dreg:$0xb] =	wrdreg s18  }
0x26: {  	s13 =	simm.s32 $0x2840;
	s10 =	simm.s32 $0x780;
	[dreg:$0x1b] =	wrdreg s21  }
0x27: {  	s17 =	simm.s32 $0x1;
	s19 =	simm.s32 $0x2;
	[dreg:$0xc] =	wrdreg s0  }
0x28: {  	s23 =	sshrl.u32 s7, $0x3;
	s7 =	sor.u32 $0x1C0, s7;
	s25 =	smax.u32 s12, $0x1  }
0x29: {  	[dreg:$0x1e] =	wrdreg s26;
	s26 =	simm.s32 $0x680;
	s8 =	simm.s32 $0x700  }
0x2a: {  	s12 =	simm.s32 $0x7C0;
	s15 =	simm.s32 $0x4840;
	s18 =	simm.s32 $0x5  }
0x2b: {  	s21 =	simm.s32 $0x3;
	[dreg:$0xd] =	wrdreg s23;
	s24 =	sshrl.u32 s7, $0x3  }
0x2c: {  	v0 =	vlaneseq.u32;
	[dreg:$0x1d] =	wrdreg s25;
	s25 =	simm.s32 $0x640;
	s7 =	simm.s32 $0x1840  }
0x2d: {  	v0 =	vand.u32 $0x3, v0;
	s23 =	simm.s32 $0x4;
	[dreg:$0xe] =	wrdreg s24;
	s24 =	simm.s32 $0x8840  }
.LBB2_1:
0x2e: {  	[dreg:$0x1f] =	wrdreg s1  }
0x2f: {  	s0 =	rddreg [dreg:$0x12]  }
0x30: {  	s11 =	rddreg [dreg:$0xf];
	s0 =	sshrl.u32 s0, $0x3  }
0x31: {  	[smem:$0x7FC] =	sst s0  }
0x32: {  	[spmem:s0], [sflag:s22] =	dma.local [hbm:s11], $0x200  }
0x33: {  	_ =	swait.ge [sflag:s31], $0x200  }
0x34: {  	s11 =	rddreg [dreg:$0x14]  }
0x35: {  	[sflag:s31] =	ssyncset.done $0x0;
	s0 =	sshrl.u32 s11, $0x3;
	s11 =	rddreg [dreg:$0x10]  }
0x36: {  	[sflag:s31] =	ssyncadd.s32 $0xFFFFFE00;
	[smem:$0x7FD] =	sst s0  }
0x37: {  	[spmem:s0], [sflag:s22] =	dma.local [hbm:s11], $0x40  }
0x38: {  	_ =	swait.ge [sflag:s31], $0x40  }
0x39: {  	[sflag:s31] =	ssyncset.done $0x0;
	s1 =	rddreg [dreg:$0x15]  }
0x3a: {  	s11 =	rddreg [dreg:$0x1e];
	[sflag:s31] =	ssyncadd.s32 $0xFFFFFFC0  }
0x3b: {  	[spmem:s11], [sflag:s22] =	dma.local [hbm:s1], $0x1388  }
0x3c: {  	_ =	swait.ge [sflag:s31], $0x1388  }
0x3d: {  	[sflag:s31] =	ssyncset.done $0x0  }
0x3e: {  	s1 =	rddreg [dreg:$0x16];
	[sflag:s31] =	ssyncadd.s32 $0xFFFFEC78  }
0x3f: {  	[tilespmem:s6], [sflag:$0x7] =	stream.linear.gather [hbm4b:s1+s6], $0x600, $0x38;
	[tilespmem:$0x13C90] =	vst v63  }
0x40: {  	_ =	swait.ge [sflag:s31], $0x600  }
0x41: {  	s11 =	simm.s32 @!p1 $0x600;
	[sflag:s31] =	ssyncset.done $0x0  }
0x42: {  	s1 =	simm.s32 @!p1 $0x0;
	s0 =	rddreg [dreg:$0x17];
	[sflag:s31] =	ssyncadd.s32 $0xFFFFFA00  }
0x43: {  	[tilespmem:s11], [sflag:$0x7] =	stream.linear.gather @!p1 [hbm4b:s0+s1], $0x10, $0x38;
	[tilespmem:$0x13C90] =	vst v63  }
0x44: {  	s1 =	simm.s32 @!p1 $0x7  }
0x45: {  	_ =	swait.ge @!p1 [sflag:s1], $0x10  }
0x46: {  	s11 =	simm.s32 @!p0 $0x600;
	[sflag:s1] =	ssyncset.done @!p1 $0x0  }
0x47: {  	s0 =	rddreg [dreg:$0x18];
	[sflag:s1] =	ssyncadd.s32 @!p1 $0xFFFFFFF0;
	s1 =	simm.s32 @!p0 $0x0  }
0x48: {  	[tilespmem:s11], [sflag:$0x7] =	stream.linear.gather @!p0 [hbm4b:s0+s1], $0x40, $0x38;
	[tilespmem:$0x13C90] =	vst v63  }
0x49: {  	s1 =	simm.s32 @!p0 $0x7  }
0x4a: {  	_ =	swait.ge @!p0 [sflag:s1], $0x40  }
0x4b: {  	[sflag:s1] =	ssyncset.done @!p0 $0x0  }
0x4c: {  	s11 =	rddreg [dreg:$0x11];
	[sflag:s1] =	ssyncadd.s32 @!p0 $0xFFFFFFC0  }
0x4d: {  	[tilespmem:s24], [sflag:$0x7] =	stream.linear.gather [hbm4b:s11+s6], $0x200, $0x38;
	[tilespmem:$0x13C90] =	vst v63  }
0x4e: {  	_ =	swait.ge [sflag:s31], $0x200  }
0x4f: {  	[sflag:s31] =	ssyncset.done $0x0  }
0x50: {  	[sflag:s31] =	ssyncadd.s32 $0xFFFFFE00  }
0x51: {  	[bflag:$0x0] =	sbarrier.arrive $0xFFFF  }
0x52: {  	s22 =	rddreg [dreg:$0xd]  }
0x53: {  	s0 =	rddreg [dreg:$0x1]  }
0x54: {  	s31 =	rddreg [dreg:$0xc];
	s1 =	sadd.s32 s0, s22  }
0x55: {  	[tilespmem:s25], [sflag:$0x5] =	stream.linear.gather [hbm4b:s1+s6], $0x40, $0x38;
	[tilespmem:$0x13C90] =	vst v63  }
0x56: {  	s22 =	rddreg [dreg:$0xb];
	s11 =	sadd.s32 s0, s31  }
0x57: {  	[tilespmem:s26], [sflag:$0x5] =	stream.linear.gather [hbm4b:s11+s6], $0x40, $0x38;
	[tilespmem:$0x13C90] =	vst v63  }
0x58: {  	s31 =	rddreg [dreg:$0xa];
	s1 =	sadd.s32 s0, s22  }
0x59: {  	[tilespmem:s28], [sflag:$0x5] =	stream.linear.gather [hbm4b:s1+s6], $0x40, $0x38;
	[tilespmem:$0x13C90] =	vst v63  }
0x5a: {  	s22 =	sadd.s32 s0, s31  }
0x5b: {  	[tilespmem:s8], [sflag:$0x5] =	stream.linear.gather [hbm4b:s22+s6], $0x40, $0x38;
	[tilespmem:$0x13C90] =	vst v63  }
0x5c: {  	s31 =	simm.s32 $0x0  }
0x5d: {  	[tilespmem:s4], [sflag:$0x1] =	stream.indirect.gather [spmem:s5], $0x40, s31, s30, $0xb8;
	[tilespmem:$0x13C90] =	vst v63  }
0x5e: {  	s11 =	simm.s32 $0x40  }
0x5f: {  	[tilespmem:s7], [sflag:$0x1] =	stream.indirect.gather [spmem:s5], $0x40, s11, s30, $0xb8;
	[tilespmem:$0x13C90] =	vst v63  }
0x60: {  	s22 =	simm.s32 $0x80  }
0x61: {  	[tilespmem:s13], [sflag:$0x1] =	stream.indirect.gather [spmem:s5], $0x40, s22, s30, $0xb8;
	[tilespmem:$0x13C90] =	vst v63  }
0x62: {  	s1 =	rddreg [dreg:$0x9];
	s31 =	simm.s32 $0xC0  }
0x63: {  	[tilespmem:s14], [sflag:$0x1] =	stream.indirect.gather [spmem:s5], $0x40, s31, s30, $0xb8;
	[tilespmem:$0x13C90] =	vst v63  }
0x64: {  	s1 =	sadd.s32 s0, s1;
	s22 =	rddreg [dreg:$0x8]  }
0x65: {  	[tilespmem:s9], [sflag:$0x6] =	stream.linear.gather [hbm4b:s1+s6], $0x40, $0x38;
	[tilespmem:$0x13C90] =	vst v63  }
0x66: {  	s11 =	sadd.s32 s0, s22;
	s31 =	rddreg [dreg:$0x7]  }
0x67: {  	[tilespmem:s10], [sflag:$0x6] =	stream.linear.gather [hbm4b:s11+s6], $0x40, $0x38;
	[tilespmem:$0x13C90] =	vst v63  }
0x68: {  	s22 =	rddreg [dreg:$0xe];
	s1 =	sadd.s32 s0, s31  }
0x69: {  	[tilespmem:s12], [sflag:$0x6] =	stream.linear.gather [hbm4b:s1+s6], $0x40, $0x38;
	[tilespmem:$0x13C90] =	vst v63  }
0x6a: {  	s31 =	sadd.s32 s0, s22  }
0x6b: {  	[tilespmem:s29], [sflag:$0x6] =	stream.linear.gather [hbm4b:s31+s6], $0x40, $0x38;
	[tilespmem:$0x13C90] =	vst v63  }
0x6c: {  	s11 =	simm.s32 $0x100  }
0x6d: {  	[tilespmem:s15], [sflag:$0x2] =	stream.indirect.gather [spmem:s5], $0x40, s11, s30, $0xb8;
	[tilespmem:$0x13C90] =	vst v63  }
0x6e: {  	s22 =	simm.s32 $0x140  }
0x6f: {  	[tilespmem:s16], [sflag:$0x2] =	stream.indirect.gather [spmem:s5], $0x40, s22, s30, $0xb8;
	[tilespmem:$0x13C90] =	vst v63  }
0x70: {  	s31 =	simm.s32 $0x180;
	s11 =	simm.s32 $0x6840  }
0x71: {  	[tilespmem:s11], [sflag:$0x2] =	stream.indirect.gather [spmem:s5], $0x40, s31, s30, $0xb8;
	[tilespmem:$0x13C90] =	vst v63  }
0x72: {  	s22 =	simm.s32 $0x1C0;
	s31 =	simm.s32 $0x7840  }
0x73: {  	[tilespmem:s31], [sflag:$0x2] =	stream.indirect.gather [spmem:s5], $0x40, s22, s30, $0xb8;
	[tilespmem:$0x13C90] =	vst v63  }
0x74: {  	_ =	swait.ge [sflag:s17], $0x1000  }
0x75: {  	[sflag:s17] =	ssyncset.done $0x0  }
0x76: {  	[sflag:s17] =	ssyncadd.s32 $0xFFFFF000  }
0x77: {  	_ =	swait.ge [sflag:s17], $0x1000  }
0x78: {  	[sflag:s17] =	ssyncset.done $0x0  }
0x79: {  	[sflag:s17] =	ssyncadd.s32 $0xFFFFF000  }
0x7a: {  	_ =	swait.ge [sflag:s17], $0x1000  }
0x7b: {  	[sflag:s17] =	ssyncset.done $0x0  }
0x7c: {  	[sflag:s17] =	ssyncadd.s32 $0xFFFFF000  }
0x7d: {  	_ =	swait.ge [sflag:s17], $0x1000  }
0x7e: {  	[sflag:s17] =	ssyncset.done $0x0  }
0x7f: {  	[sflag:s17] =	ssyncadd.s32 $0xFFFFF000  }
0x80: {  	_ =	swait.ge [sflag:s18], $0x40  }
0x81: {  	[sflag:s18] =	ssyncset.done $0x0  }
0x82: {  	[sflag:s18] =	ssyncadd.s32 $0xFFFFFFC0  }
0x83: {  	_ =	swait.ge [sflag:s18], $0x40  }
0x84: {  	[sflag:s18] =	ssyncset.done $0x0  }
0x85: {  	[sflag:s18] =	ssyncadd.s32 $0xFFFFFFC0  }
0x86: {  	_ =	swait.ge [sflag:s18], $0x40  }
0x87: {  	[sflag:s18] =	ssyncset.done $0x0  }
0x88: {  	[sflag:s18] =	ssyncadd.s32 $0xFFFFFFC0  }
0x89: {  	_ =	swait.ge [sflag:s18], $0x40  }
0x8a: {  	[sflag:s18] =	ssyncset.done $0x0  }
0x8b: {  	[sflag:s18] =	ssyncadd.s32 $0xFFFFFFC0  }
0x8c: {  	v1 =	vld [tilespmem:$0x670]  }
0x8d: {  	v2 =	vld [tilespmem:$0x660]  }
0x8e: {  	v3 =	vld [tilespmem:$0x640]  }
0x8f: {  	v4 =	vld [tilespmem:$0x650];
	_ =	sdelay $0x1  }
0x90: {  	v1 =	vshll.u32 v1, $0x2  }
0x91: {  	v2 =	vshll.u32 v2, $0x2;
	v1 =	vor.u32 v0, v1  }
0x92: {  	v3 =	vshll.u32 v3, $0x2;
	v2 =	vor.u32 v0, v2;
	[tilespmem:$0x670] =	vst v1  }
0x93: {  	v1 =	vor.u32 v0, v3;
	v3 =	vshll.u32 v4, $0x2;
	[tilespmem:$0x660] =	vst v2  }
0x94: {  	[tilespmem:$0x640] =	vst v1;
	v1 =	vor.u32 v0, v3  }
0x95: {  	[tilespmem:$0x650] =	vst v1  }
0x96: {  	[spmem:s2] =	stream.indirect.scatter.add.f32 [tilespmem:s4], [sflag:$0x3], $0x40, s25, s30, $0xb8;
	[tilespmem:$0x13C90] =	vst v63  }
0x97: {  	_ = 	snop  }
0x98: {  	[spmem:s3] =	stream.indirect.scatter.add.f32 [tilespmem:s24], [sflag:$0x3], $0x8, s25, s30, $0xb8;
	[tilespmem:$0x13C90] =	vst v63  }
0x99: {  	v1 =	vld [tilespmem:$0x680]  }
0x9a: {  	v2 =	vld [tilespmem:$0x690]  }
0x9b: {  	v3 =	vld [tilespmem:$0x6A0]  }
0x9c: {  	v57 =	vld [tilespmem:$0x6B0];
	_ =	sdelay $0x1  }
0x9d: {  	v1 =	vshll.u32 v1, $0x2  }
0x9e: {  	v2 =	vshll.u32 v2, $0x2;
	v1 =	vor.u32 v0, v1  }
0x9f: {  	[tilespmem:$0x680] =	vst v1;
	v1 =	vor.u32 v0, v2;
	v2 =	vshll.u32 v3, $0x2  }
0xa0: {  	[tilespmem:$0x690] =	vst v1;
	v1 =	vor.u32 v0, v2;
	v2 =	vshll.u32 v57, $0x2  }
0xa1: {  	[tilespmem:$0x6A0] =	vst v1;
	v1 =	vor.u32 v0, v2  }
0xa2: {  	[tilespmem:$0x6B0] =	vst v1  }
0xa3: {  	[spmem:s2] =	stream.indirect.scatter.add.f32 [tilespmem:s7], [sflag:$0x3], $0x40, s26, s30, $0xb8;
	[tilespmem:$0x13C90] =	vst v63  }
0xa4: {  	_ = 	snop  }
0xa5: {  	[spmem:s3] =	stream.indirect.scatter.add.f32 [tilespmem:s24], [sflag:$0x3], $0x8, s26, s30, $0xb8;
	[tilespmem:$0x13C90] =	vst v63  }
0xa6: {  	v1 =	vld [tilespmem:$0x6C0]  }
0xa7: {  	v2 =	vld [tilespmem:$0x6F0]  }
0xa8: {  	v3 =	vld [tilespmem:$0x6D0]  }
0xa9: {  	v58 =	vld [tilespmem:$0x6E0];
	_ =	sdelay $0x1  }
0xaa: {  	v1 =	vshll.u32 v1, $0x2  }
0xab: {  	v2 =	vshll.u32 v2, $0x2;
	v1 =	vor.u32 v0, v1  }
0xac: {  	v2 =	vor.u32 v0, v2;
	[tilespmem:$0x6C0] =	vst v1;
	v1 =	vshll.u32 v3, $0x2  }
0xad: {  	v3 =	vshll.u32 v58, $0x2;
	[tilespmem:$0x6F0] =	vst v2;
	v1 =	vor.u32 v0, v1  }
0xae: {  	[tilespmem:$0x6D0] =	vst v1;
	v1 =	vor.u32 v0, v3  }
0xaf: {  	[tilespmem:$0x6E0] =	vst v1  }
0xb0: {  	[spmem:s2] =	stream.indirect.scatter.add.f32 [tilespmem:s13], [sflag:$0x3], $0x40, s28, s30, $0xb8;
	[tilespmem:$0x13C90] =	vst v63  }
0xb1: {  	_ = 	snop  }
0xb2: {  	[spmem:s3] =	stream.indirect.scatter.add.f32 [tilespmem:s24], [sflag:$0x3], $0x8, s28, s30, $0xb8;
	[tilespmem:$0x13C90] =	vst v63  }
0xb3: {  	v1 =	vld [tilespmem:$0x710]  }
0xb4: {  	v3 =	vld [tilespmem:$0x700]  }
0xb5: {  	v2 =	vld [tilespmem:$0x720]  }
0xb6: {  	v59 =	vld [tilespmem:$0x730];
	_ =	sdelay $0x1  }
0xb7: {  	v1 =	vshll.u32 v1, $0x2  }
0xb8: {  	v3 =	vshll.u32 v3, $0x2;
	v1 =	vor.u32 v0, v1  }
0xb9: {  	v2 =	vshll.u32 v2, $0x2;
	v3 =	vor.u32 v0, v3;
	[tilespmem:$0x710] =	vst v1  }
0xba: {  	v1 =	vor.u32 v0, v2;
	v2 =	vshll.u32 v59, $0x2;
	[tilespmem:$0x700] =	vst v3  }
0xbb: {  	[tilespmem:$0x720] =	vst v1;
	v1 =	vor.u32 v0, v2  }
0xbc: {  	[tilespmem:$0x730] =	vst v1  }
0xbd: {  	[spmem:s2] =	stream.indirect.scatter.add.f32 [tilespmem:s14], [sflag:$0x3], $0x40, s8, s30, $0xb8;
	[tilespmem:$0x13C90] =	vst v63  }
0xbe: {  	_ = 	snop  }
0xbf: {  	[spmem:s3] =	stream.indirect.scatter.add.f32 [tilespmem:s24], [sflag:$0x3], $0x8, s8, s30, $0xb8;
	[tilespmem:$0x13C90] =	vst v63  }
0xc0: {  	_ =	swait.ge [sflag:s19], $0x1000  }
0xc1: {  	[sflag:s19] =	ssyncset.done $0x0  }
0xc2: {  	[sflag:s19] =	ssyncadd.s32 $0xFFFFF000  }
0xc3: {  	_ =	swait.ge [sflag:s19], $0x1000  }
0xc4: {  	[sflag:s19] =	ssyncset.done $0x0  }
0xc5: {  	[sflag:s19] =	ssyncadd.s32 $0xFFFFF000  }
0xc6: {  	_ =	swait.ge [sflag:s19], $0x1000  }
0xc7: {  	[sflag:s19] =	ssyncset.done $0x0  }
0xc8: {  	[sflag:s19] =	ssyncadd.s32 $0xFFFFF000  }
0xc9: {  	_ =	swait.ge [sflag:s19], $0x1000  }
0xca: {  	[sflag:s19] =	ssyncset.done $0x0  }
0xcb: {  	[sflag:s19] =	ssyncadd.s32 $0xFFFFF000  }
0xcc: {  	_ =	swait.ge [sflag:s20], $0x40  }
0xcd: {  	[sflag:s20] =	ssyncset.done $0x0  }
0xce: {  	[sflag:s20] =	ssyncadd.s32 $0xFFFFFFC0  }
0xcf: {  	_ =	swait.ge [sflag:s20], $0x40  }
0xd0: {  	[sflag:s20] =	ssyncset.done $0x0  }
0xd1: {  	[sflag:s20] =	ssyncadd.s32 $0xFFFFFFC0  }
0xd2: {  	_ =	swait.ge [sflag:s20], $0x40  }
0xd3: {  	[sflag:s20] =	ssyncset.done $0x0  }
0xd4: {  	[sflag:s20] =	ssyncadd.s32 $0xFFFFFFC0  }
0xd5: {  	_ =	swait.ge [sflag:s20], $0x40  }
0xd6: {  	[sflag:s20] =	ssyncset.done $0x0  }
0xd7: {  	[sflag:s20] =	ssyncadd.s32 $0xFFFFFFC0  }
0xd8: {  	v1 =	vld [tilespmem:$0x740]  }
0xd9: {  	v2 =	vld [tilespmem:$0x750]  }
0xda: {  	v3 =	vld [tilespmem:$0x760]  }
0xdb: {  	v60 =	vld [tilespmem:$0x770];
	_ =	sdelay $0x1  }
0xdc: {  	v1 =	vshll.u32 v1, $0x2  }
0xdd: {  	v2 =	vshll.u32 v2, $0x2;
	v1 =	vor.u32 v0, v1  }
0xde: {  	[tilespmem:$0x740] =	vst v1;
	v1 =	vor.u32 v0, v2;
	v2 =	vshll.u32 v3, $0x2  }
0xdf: {  	[tilespmem:$0x750] =	vst v1;
	v1 =	vor.u32 v0, v2;
	v2 =	vshll.u32 v60, $0x2  }
0xe0: {  	[tilespmem:$0x760] =	vst v1;
	v1 =	vor.u32 v0, v2  }
0xe1: {  	[tilespmem:$0x770] =	vst v1  }
0xe2: {  	[spmem:s2] =	stream.indirect.scatter.add.f32 [tilespmem:s15], [sflag:$0x4], $0x40, s9, s30, $0xb8;
	[tilespmem:$0x13C90] =	vst v63  }
0xe3: {  	_ = 	snop  }
0xe4: {  	[spmem:s3] =	stream.indirect.scatter.add.f32 [tilespmem:s24], [sflag:$0x4], $0x8, s9, s30, $0xb8;
	[tilespmem:$0x13C90] =	vst v63  }
0xe5: {  	v1 =	vld [tilespmem:$0x780]  }
0xe6: {  	v2 =	vld [tilespmem:$0x790]  }
0xe7: {  	v3 =	vld [tilespmem:$0x7A0]  }
0xe8: {  	v61 =	vld [tilespmem:$0x7B0];
	_ =	sdelay $0x1  }
0xe9: {  	v1 =	vshll.u32 v1, $0x2  }
0xea: {  	v2 =	vshll.u32 v2, $0x2;
	v1 =	vor.u32 v0, v1  }
0xeb: {  	[tilespmem:$0x780] =	vst v1;
	v1 =	vor.u32 v0, v2;
	v2 =	vshll.u32 v3, $0x2  }
0xec: {  	[tilespmem:$0x790] =	vst v1;
	v1 =	vor.u32 v0, v2;
	v2 =	vshll.u32 v61, $0x2  }
0xed: {  	[tilespmem:$0x7A0] =	vst v1;
	v1 =	vor.u32 v0, v2  }
0xee: {  	[tilespmem:$0x7B0] =	vst v1  }
0xef: {  	[spmem:s2] =	stream.indirect.scatter.add.f32 [tilespmem:s16], [sflag:$0x4], $0x40, s10, s30, $0xb8;
	[tilespmem:$0x13C90] =	vst v63  }
0xf0: {  	_ = 	snop  }
0xf1: {  	[spmem:s3] =	stream.indirect.scatter.add.f32 [tilespmem:s24], [sflag:$0x4], $0x8, s10, s30, $0xb8;
	[tilespmem:$0x13C90] =	vst v63  }
0xf2: {  	v1 =	vld [tilespmem:$0x7C0]  }
0xf3: {  	v2 =	vld [tilespmem:$0x7D0]  }
0xf4: {  	v3 =	vld [tilespmem:$0x7E0]  }
0xf5: {  	v62 =	vld [tilespmem:$0x7F0];
	_ =	sdelay $0x1  }
0xf6: {  	v1 =	vshll.u32 v1, $0x2  }
0xf7: {  	v2 =	vshll.u32 v2, $0x2;
	v1 =	vor.u32 v0, v1  }
0xf8: {  	[tilespmem:$0x7C0] =	vst v1;
	v1 =	vor.u32 v0, v2;
	v2 =	vshll.u32 v3, $0x2  }
0xf9: {  	[tilespmem:$0x7D0] =	vst v1;
	v1 =	vor.u32 v0, v2;
	v2 =	vshll.u32 v62, $0x2  }
0xfa: {  	[tilespmem:$0x7E0] =	vst v1;
	v1 =	vor.u32 v0, v2  }
0xfb: {  	[tilespmem:$0x7F0] =	vst v1  }
0xfc: {  	[spmem:s2] =	stream.indirect.scatter.add.f32 [tilespmem:s11], [sflag:$0x4], $0x40, s12, s30, $0xb8;
	[tilespmem:$0x13C90] =	vst v63  }
0xfd: {  	_ = 	snop  }
0xfe: {  	[spmem:s3] =	stream.indirect.scatter.add.f32 [tilespmem:s24], [sflag:$0x4], $0x8, s12, s30, $0xb8;
	[tilespmem:$0x13C90] =	vst v63  }
0xff: {  	v1 =	vld [tilespmem:$0x830]  }
0x100: {  	v2 =	vld [tilespmem:$0x800]  }
0x101: {  	v3 =	vld [tilespmem:$0x810]  }
0x102: {  	v63 =	vld [tilespmem:$0x820];
	_ =	sdelay $0x1  }
0x103: {  	v1 =	vshll.u32 v1, $0x2  }
0x104: {  	v2 =	vshll.u32 v2, $0x2;
	v1 =	vor.u32 v0, v1  }
0x105: {  	v3 =	vshll.u32 v3, $0x2;
	v2 =	vor.u32 v0, v2;
	[tilespmem:$0x830] =	vst v1  }
0x106: {  	[tilespmem:$0x800] =	vst v2;
	v1 =	vor.u32 v0, v3;
	v2 =	vshll.u32 v63, $0x2  }
0x107: {  	[tilespmem:$0x810] =	vst v1;
	v1 =	vor.u32 v0, v2  }
0x108: {  	[tilespmem:$0x820] =	vst v1  }
0x109: {  	[spmem:s2] =	stream.indirect.scatter.add.f32 [tilespmem:s31], [sflag:$0x4], $0x40, s29, s30, $0xb8;
	[tilespmem:$0x13C90] =	vst v63  }
0x10a: {  	_ = 	snop  }
0x10b: {  	[spmem:s3] =	stream.indirect.scatter.add.f32 [tilespmem:s24], [sflag:$0x4], $0x8, s29, s30, $0xb8;
	[tilespmem:$0x13C90] =	vst v63  }
0x10c: {  	_ =	swait.ge [sflag:s21], $0x1000  }
0x10d: {  	[sflag:s21] =	ssyncset.done $0x0  }
0x10e: {  	[sflag:s21] =	ssyncadd.s32 $0xFFFFF000  }
0x10f: {  	_ =	swait.ge [sflag:s21], $0x200  }
0x110: {  	[sflag:s21] =	ssyncset.done $0x0  }
0x111: {  	[sflag:s21] =	ssyncadd.s32 $0xFFFFFE00  }
0x112: {  	_ =	swait.ge [sflag:s21], $0x1000  }
0x113: {  	[sflag:s21] =	ssyncset.done $0x0  }
0x114: {  	[sflag:s21] =	ssyncadd.s32 $0xFFFFF000  }
0x115: {  	_ =	swait.ge [sflag:s21], $0x200  }
0x116: {  	[sflag:s21] =	ssyncset.done $0x0  }
0x117: {  	[sflag:s21] =	ssyncadd.s32 $0xFFFFFE00  }
0x118: {  	p4 =	por @p0 $0x0, $0x0;
	p3 =	por @!p1 $0x1, $0x1;
	_ =	swait.ge [sflag:s21], $0x1000  }
0x119: {  	p3 =	por @!p2 p4, p4;
	p4 =	por @!p0 $0x0, $0x0;
	[sflag:s21] =	ssyncset.done $0x0  }
0x11a: {  	p3 =	por @!p0 p4, p4;
	s1 =	smov.u32 s0;
	[sflag:s21] =	ssyncadd.s32 $0xFFFFF000  }
0x11b: {  	s7 =	simm.s32 $0x840;
	s26 =	simm.s32 $0x640;
	_ =	swait.ge [sflag:s21], $0x200  }
0x11c: {  	s13 =	simm.s32 $0x800;
	s28 =	simm.s32 $0x680;
	[sflag:s21] =	ssyncset.done $0x0  }
0x11d: {  	s14 =	simm.s32 $0x2840;
	s8 =	simm.s32 $0x700;
	[sflag:s21] =	ssyncadd.s32 $0xFFFFFE00  }
0x11e: {  	s9 =	simm.s32 $0x740;
	s16 =	simm.s32 $0x4840;
	_ =	swait.ge [sflag:s21], $0x1000  }
0x11f: {  	s10 =	simm.s32 $0x780;
	s11 =	simm.s32 $0x800;
	[sflag:s21] =	ssyncset.done $0x0  }
0x120: {  	s12 =	simm.s32 $0x7C0;
	s29 =	simm.s32 $0x6C0;
	[sflag:s21] =	ssyncadd.s32 $0xFFFFF000  }
.LBB2_2:
0x121: {  	_ =	swait.ge [sflag:s21], $0x200  }
0x122: {  	[sflag:s21] =	ssyncset.done $0x0  }
0x123: {  	[sflag:s21] =	ssyncadd.s32 $0xFFFFFE00  }
0x124: {  	_ =	swait.ge [sflag:s23], $0x1000  }
0x125: {  	[sflag:s23] =	ssyncset.done $0x0  }
0x126: {  	[sflag:s23] =	ssyncadd.s32 $0xFFFFF000  }
0x127: {  	_ =	swait.ge [sflag:s23], $0x200  }
0x128: {  	[sflag:s23] =	ssyncset.done $0x0  }
0x129: {  	[sflag:s23] =	ssyncadd.s32 $0xFFFFFE00  }
0x12a: {  	_ =	swait.ge [sflag:s23], $0x1000  }
0x12b: {  	[sflag:s23] =	ssyncset.done $0x0  }
0x12c: {  	[sflag:s23] =	ssyncadd.s32 $0xFFFFF000  }
0x12d: {  	_ =	swait.ge [sflag:s23], $0x200  }
0x12e: {  	[sflag:s23] =	ssyncset.done $0x0  }
0x12f: {  	[sflag:s23] =	ssyncadd.s32 $0xFFFFFE00  }
0x130: {  	_ =	swait.ge [sflag:s23], $0x1000  }
0x131: {  	[sflag:s23] =	ssyncset.done $0x0  }
0x132: {  	[sflag:s23] =	ssyncadd.s32 $0xFFFFF000  }
0x133: {  	_ =	swait.ge [sflag:s23], $0x200  }
0x134: {  	[sflag:s23] =	ssyncset.done $0x0  }
0x135: {  	[sflag:s23] =	ssyncadd.s32 $0xFFFFFE00  }
0x136: {  	_ =	swait.ge [sflag:s23], $0x1000  }
0x137: {  	[sflag:s23] =	ssyncset.done $0x0  }
0x138: {  	[sflag:s23] =	ssyncadd.s32 $0xFFFFF000  }
0x139: {  	_ =	swait.ge [sflag:s23], $0x200  }
0x13a: {  	s1 =	sadd.s32 $0x40, s1;
	s31 =	rddreg [dreg:$0xd];
	[sflag:s23] =	ssyncset.done $0x0  }
0x13b: {  	s0 =	rddreg [dreg:$0xc];
	[sflag:s23] =	ssyncadd.s32 $0xFFFFFE00;
	s31 =	sadd.s32 s1, s31  }
0x13c: {  	[tilespmem:s26], [sflag:$0x5] =	stream.linear.gather [hbm4b:s31+s6], $0x40, $0x38;
	[tilespmem:$0x13C90] =	vst v63  }
0x13d: {  	s4 =	rddreg [dreg:$0xb];
	s0 =	sadd.s32 s1, s0  }
0x13e: {  	[tilespmem:s28], [sflag:$0x5] =	stream.linear.gather [hbm4b:s0+s6], $0x40, $0x38;
	[tilespmem:$0x13C90] =	vst v63  }
0x13f: {  	s25 =	rddreg [dreg:$0xa];
	s4 =	sadd.s32 s1, s4  }
0x140: {  	[tilespmem:s29], [sflag:$0x5] =	stream.linear.gather [hbm4b:s4+s6], $0x40, $0x38;
	[tilespmem:$0x13C90] =	vst v63  }
0x141: {  	s22 =	smov.u32 s11;
	s15 =	sadd.s32 s1, s25  }
0x142: {  	[tilespmem:s8], [sflag:$0x5] =	stream.linear.gather [hbm4b:s15+s6], $0x40, $0x38;
	[tilespmem:$0x13C90] =	vst v63  }
0x143: {  	s0 =	sshra.s32 s22, $0x2  }
0x144: {  	[tilespmem:s7], [sflag:$0x1] =	stream.indirect.gather [spmem:s5], $0x40, s0, s30, $0xb8;
	[tilespmem:$0x13C90] =	vst v63  }
0x145: {  	s25 =	sadd.s32 $0x40, s0;
	s15 =	simm.s32 $0x1840  }
0x146: {  	[tilespmem:s15], [sflag:$0x1] =	stream.indirect.gather [spmem:s5], $0x40, s25, s30, $0xb8;
	[tilespmem:$0x13C90] =	vst v63  }
0x147: {  	s31 =	sadd.s32 $0x80, s0  }
0x148: {  	[tilespmem:s14], [sflag:$0x1] =	stream.indirect.gather [spmem:s5], $0x40, s31, s30, $0xb8;
	[tilespmem:$0x13C90] =	vst v63  }
0x149: {  	s22 =	rddreg [dreg:$0x9];
	s4 =	sadd.s32 $0xC0, s0;
	s25 =	simm.s32 $0x3840  }
0x14a: {  	[tilespmem:s25], [sflag:$0x1] =	stream.indirect.gather [spmem:s5], $0x40, s4, s30, $0xb8;
	[tilespmem:$0x13C90] =	vst v63  }
0x14b: {  	s31 =	rddreg [dreg:$0x8];
	s4 =	sadd.s32 s1, s22  }
0x14c: {  	[tilespmem:s9], [sflag:$0x6] =	stream.linear.gather [hbm4b:s4+s6], $0x40, $0x38;
	[tilespmem:$0x13C90] =	vst v63  }
0x14d: {  	s22 =	rddreg [dreg:$0x7];
	s4 =	sadd.s32 s1, s31  }
0x14e: {  	[tilespmem:s10], [sflag:$0x6] =	stream.linear.gather [hbm4b:s4+s6], $0x40, $0x38;
	[tilespmem:$0x13C90] =	vst v63  }
0x14f: {  	s22 =	sadd.s32 s1, s22;
	s31 =	rddreg [dreg:$0xe]  }
0x150: {  	[tilespmem:s12], [sflag:$0x6] =	stream.linear.gather [hbm4b:s22+s6], $0x40, $0x38;
	[tilespmem:$0x13C90] =	vst v63  }
0x151: {  	s22 =	sadd.s32 s1, s31  }
0x152: {  	[tilespmem:s13], [sflag:$0x6] =	stream.linear.gather [hbm4b:s22+s6], $0x40, $0x38;
	[tilespmem:$0x13C90] =	vst v63  }
0x153: {  	s31 =	sadd.s32 $0x100, s0  }
0x154: {  	[tilespmem:s16], [sflag:$0x2] =	stream.indirect.gather [spmem:s5], $0x40, s31, s30, $0xb8;
	[tilespmem:$0x13C90] =	vst v63  }
0x155: {  	s22 =	sadd.s32 $0x140, s0;
	s31 =	simm.s32 $0x5840  }
0x156: {  	[tilespmem:s31], [sflag:$0x2] =	stream.indirect.gather [spmem:s5], $0x40, s22, s30, $0xb8;
	[tilespmem:$0x13C90] =	vst v63  }
0x157: {  	s4 =	sadd.s32 $0x180, s0;
	s22 =	simm.s32 $0x6840  }
0x158: {  	[tilespmem:s22], [sflag:$0x2] =	stream.indirect.gather [spmem:s5], $0x40, s4, s30, $0xb8;
	[tilespmem:$0x13C90] =	vst v63  }
0x159: {  	s0 =	sadd.s32 $0x1C0, s0;
	s4 =	simm.s32 $0x7840  }
0x15a: {  	[tilespmem:s4], [sflag:$0x2] =	stream.indirect.gather [spmem:s5], $0x40, s0, s30, $0xb8;
	[tilespmem:$0x13C90] =	vst v63  }
0x15b: {  	_ =	swait.ge [sflag:s17], $0x1000  }
0x15c: {  	[sflag:s17] =	ssyncset.done $0x0  }
0x15d: {  	[sflag:s17] =	ssyncadd.s32 $0xFFFFF000  }
0x15e: {  	_ =	swait.ge [sflag:s17], $0x1000  }
0x15f: {  	[sflag:s17] =	ssyncset.done $0x0  }
0x160: {  	[sflag:s17] =	ssyncadd.s32 $0xFFFFF000  }
0x161: {  	_ =	swait.ge [sflag:s17], $0x1000  }
0x162: {  	[sflag:s17] =	ssyncset.done $0x0  }
0x163: {  	[sflag:s17] =	ssyncadd.s32 $0xFFFFF000  }
0x164: {  	_ =	swait.ge [sflag:s17], $0x1000  }
0x165: {  	[sflag:s17] =	ssyncset.done $0x0  }
0x166: {  	[sflag:s17] =	ssyncadd.s32 $0xFFFFF000  }
0x167: {  	_ =	swait.ge [sflag:s18], $0x40  }
0x168: {  	[sflag:s18] =	ssyncset.done $0x0  }
0x169: {  	[sflag:s18] =	ssyncadd.s32 $0xFFFFFFC0  }
0x16a: {  	_ =	swait.ge [sflag:s18], $0x40  }
0x16b: {  	[sflag:s18] =	ssyncset.done $0x0  }
0x16c: {  	[sflag:s18] =	ssyncadd.s32 $0xFFFFFFC0  }
0x16d: {  	_ =	swait.ge [sflag:s18], $0x40  }
0x16e: {  	[sflag:s18] =	ssyncset.done $0x0  }
0x16f: {  	[sflag:s18] =	ssyncadd.s32 $0xFFFFFFC0  }
0x170: {  	_ =	swait.ge [sflag:s18], $0x40  }
0x171: {  	[sflag:s18] =	ssyncset.done $0x0  }
0x172: {  	[sflag:s18] =	ssyncadd.s32 $0xFFFFFFC0  }
0x173: {  	v1 =	vld [tilespmem:$0x670]  }
0x174: {  	v2 =	vld [tilespmem:$0x660]  }
0x175: {  	v3 =	vld [tilespmem:$0x640]  }
0x176: {  	v4 =	vld [tilespmem:$0x650];
	_ =	sdelay $0x1  }
0x177: {  	v1 =	vshll.u32 v1, $0x2  }
0x178: {  	v2 =	vshll.u32 v2, $0x2;
	v1 =	vor.u32 v0, v1  }
0x179: {  	v3 =	vshll.u32 v3, $0x2;
	v2 =	vor.u32 v0, v2;
	[tilespmem:$0x670] =	vst v1  }
0x17a: {  	v1 =	vor.u32 v0, v3;
	v3 =	vshll.u32 v4, $0x2;
	[tilespmem:$0x660] =	vst v2  }
0x17b: {  	[tilespmem:$0x640] =	vst v1;
	v1 =	vor.u32 v0, v3  }
0x17c: {  	[tilespmem:$0x650] =	vst v1  }
0x17d: {  	[spmem:s2] =	stream.indirect.scatter.add.f32 [tilespmem:s7], [sflag:$0x3], $0x40, s26, s30, $0xb8;
	[tilespmem:$0x13C90] =	vst v63  }
0x17e: {  	_ = 	snop  }
0x17f: {  	[spmem:s3] =	stream.indirect.scatter.add.f32 [tilespmem:s24], [sflag:$0x3], $0x8, s26, s30, $0xb8;
	[tilespmem:$0x13C90] =	vst v63  }
0x180: {  	v1 =	vld [tilespmem:$0x680]  }
0x181: {  	v2 =	vld [tilespmem:$0x690]  }
0x182: {  	v3 =	vld [tilespmem:$0x6A0]  }
0x183: {  	v57 =	vld [tilespmem:$0x6B0];
	_ =	sdelay $0x1  }
0x184: {  	v1 =	vshll.u32 v1, $0x2  }
0x185: {  	v2 =	vshll.u32 v2, $0x2;
	v1 =	vor.u32 v0, v1  }
0x186: {  	[tilespmem:$0x680] =	vst v1;
	v1 =	vor.u32 v0, v2;
	v2 =	vshll.u32 v3, $0x2  }
0x187: {  	[tilespmem:$0x690] =	vst v1;
	v1 =	vor.u32 v0, v2;
	v2 =	vshll.u32 v57, $0x2  }
0x188: {  	[tilespmem:$0x6A0] =	vst v1;
	v1 =	vor.u32 v0, v2  }
0x189: {  	[tilespmem:$0x6B0] =	vst v1  }
0x18a: {  	[spmem:s2] =	stream.indirect.scatter.add.f32 [tilespmem:s15], [sflag:$0x3], $0x40, s28, s30, $0xb8;
	[tilespmem:$0x13C90] =	vst v63  }
0x18b: {  	_ = 	snop  }
0x18c: {  	[spmem:s3] =	stream.indirect.scatter.add.f32 [tilespmem:s24], [sflag:$0x3], $0x8, s28, s30, $0xb8;
	[tilespmem:$0x13C90] =	vst v63  }
0x18d: {  	v1 =	vld [tilespmem:$0x6C0]  }
0x18e: {  	v2 =	vld [tilespmem:$0x6F0]  }
0x18f: {  	v3 =	vld [tilespmem:$0x6D0]  }
0x190: {  	v58 =	vld [tilespmem:$0x6E0];
	_ =	sdelay $0x1  }
0x191: {  	v1 =	vshll.u32 v1, $0x2  }
0x192: {  	v2 =	vshll.u32 v2, $0x2;
	v1 =	vor.u32 v0, v1  }
0x193: {  	v2 =	vor.u32 v0, v2;
	[tilespmem:$0x6C0] =	vst v1;
	v1 =	vshll.u32 v3, $0x2  }
0x194: {  	v3 =	vshll.u32 v58, $0x2;
	[tilespmem:$0x6F0] =	vst v2;
	v1 =	vor.u32 v0, v1  }
0x195: {  	[tilespmem:$0x6D0] =	vst v1;
	v1 =	vor.u32 v0, v3  }
0x196: {  	[tilespmem:$0x6E0] =	vst v1  }
0x197: {  	[spmem:s2] =	stream.indirect.scatter.add.f32 [tilespmem:s14], [sflag:$0x3], $0x40, s29, s30, $0xb8;
	[tilespmem:$0x13C90] =	vst v63  }
0x198: {  	_ = 	snop  }
0x199: {  	[spmem:s3] =	stream.indirect.scatter.add.f32 [tilespmem:s24], [sflag:$0x3], $0x8, s29, s30, $0xb8;
	[tilespmem:$0x13C90] =	vst v63  }
0x19a: {  	v1 =	vld [tilespmem:$0x710]  }
0x19b: {  	v2 =	vld [tilespmem:$0x730]  }
0x19c: {  	v3 =	vld [tilespmem:$0x720]  }
0x19d: {  	v59 =	vld [tilespmem:$0x700];
	_ =	sdelay $0x1  }
0x19e: {  	v1 =	vshll.u32 v1, $0x2  }
0x19f: {  	v2 =	vshll.u32 v2, $0x2;
	v1 =	vor.u32 v0, v1  }
0x1a0: {  	v3 =	vshll.u32 v3, $0x2;
	v2 =	vor.u32 v0, v2;
	[tilespmem:$0x710] =	vst v1  }
0x1a1: {  	v4 =	vshll.u32 v59, $0x2;
	v1 =	vor.u32 v0, v3;
	[tilespmem:$0x730] =	vst v2  }
0x1a2: {  	v3 =	vor.u32 v0, v4;
	[tilespmem:$0x720] =	vst v1  }
0x1a3: {  	[tilespmem:$0x700] =	vst v3  }
0x1a4: {  	[spmem:s2] =	stream.indirect.scatter.add.f32 [tilespmem:s25], [sflag:$0x3], $0x40, s8, s30, $0xb8;
	[tilespmem:$0x13C90] =	vst v63  }
0x1a5: {  	_ = 	snop  }
0x1a6: {  	[spmem:s3] =	stream.indirect.scatter.add.f32 [tilespmem:s24], [sflag:$0x3], $0x8, s8, s30, $0xb8;
	[tilespmem:$0x13C90] =	vst v63  }
0x1a7: {  	_ =	swait.ge [sflag:s19], $0x1000  }
0x1a8: {  	[sflag:s19] =	ssyncset.done $0x0  }
0x1a9: {  	[sflag:s19] =	ssyncadd.s32 $0xFFFFF000  }
0x1aa: {  	_ =	swait.ge [sflag:s19], $0x1000  }
0x1ab: {  	[sflag:s19] =	ssyncset.done $0x0  }
0x1ac: {  	[sflag:s19] =	ssyncadd.s32 $0xFFFFF000  }
0x1ad: {  	_ =	swait.ge [sflag:s19], $0x1000  }
0x1ae: {  	[sflag:s19] =	ssyncset.done $0x0  }
0x1af: {  	[sflag:s19] =	ssyncadd.s32 $0xFFFFF000  }
0x1b0: {  	_ =	swait.ge [sflag:s19], $0x1000  }
0x1b1: {  	[sflag:s19] =	ssyncset.done $0x0  }
0x1b2: {  	[sflag:s19] =	ssyncadd.s32 $0xFFFFF000  }
0x1b3: {  	_ =	swait.ge [sflag:s20], $0x40  }
0x1b4: {  	[sflag:s20] =	ssyncset.done $0x0  }
0x1b5: {  	[sflag:s20] =	ssyncadd.s32 $0xFFFFFFC0  }
0x1b6: {  	_ =	swait.ge [sflag:s20], $0x40  }
0x1b7: {  	[sflag:s20] =	ssyncset.done $0x0  }
0x1b8: {  	[sflag:s20] =	ssyncadd.s32 $0xFFFFFFC0  }
0x1b9: {  	_ =	swait.ge [sflag:s20], $0x40  }
0x1ba: {  	[sflag:s20] =	ssyncset.done $0x0  }
0x1bb: {  	[sflag:s20] =	ssyncadd.s32 $0xFFFFFFC0  }
0x1bc: {  	_ =	swait.ge [sflag:s20], $0x40  }
0x1bd: {  	[sflag:s20] =	ssyncset.done $0x0  }
0x1be: {  	[sflag:s20] =	ssyncadd.s32 $0xFFFFFFC0  }
0x1bf: {  	v1 =	vld [tilespmem:$0x740]  }
0x1c0: {  	v2 =	vld [tilespmem:$0x750]  }
0x1c1: {  	v3 =	vld [tilespmem:$0x760]  }
0x1c2: {  	v60 =	vld [tilespmem:$0x770];
	_ =	sdelay $0x1  }
0x1c3: {  	v1 =	vshll.u32 v1, $0x2  }
0x1c4: {  	v2 =	vshll.u32 v2, $0x2;
	v1 =	vor.u32 v0, v1  }
0x1c5: {  	[tilespmem:$0x740] =	vst v1;
	v1 =	vor.u32 v0, v2;
	v2 =	vshll.u32 v3, $0x2  }
0x1c6: {  	[tilespmem:$0x750] =	vst v1;
	v1 =	vor.u32 v0, v2;
	v2 =	vshll.u32 v60, $0x2  }
0x1c7: {  	[tilespmem:$0x760] =	vst v1;
	v1 =	vor.u32 v0, v2  }
0x1c8: {  	[tilespmem:$0x770] =	vst v1  }
0x1c9: {  	[spmem:s2] =	stream.indirect.scatter.add.f32 [tilespmem:s16], [sflag:$0x4], $0x40, s9, s30, $0xb8;
	[tilespmem:$0x13C90] =	vst v63  }
0x1ca: {  	_ = 	snop  }
0x1cb: {  	[spmem:s3] =	stream.indirect.scatter.add.f32 [tilespmem:s24], [sflag:$0x4], $0x8, s9, s30, $0xb8;
	[tilespmem:$0x13C90] =	vst v63  }
0x1cc: {  	v1 =	vld [tilespmem:$0x780]  }
0x1cd: {  	v2 =	vld [tilespmem:$0x790]  }
0x1ce: {  	v3 =	vld [tilespmem:$0x7A0]  }
0x1cf: {  	v61 =	vld [tilespmem:$0x7B0];
	_ =	sdelay $0x1  }
0x1d0: {  	v1 =	vshll.u32 v1, $0x2  }
0x1d1: {  	v2 =	vshll.u32 v2, $0x2;
	v1 =	vor.u32 v0, v1  }
0x1d2: {  	[tilespmem:$0x780] =	vst v1;
	v1 =	vor.u32 v0, v2;
	v2 =	vshll.u32 v3, $0x2  }
0x1d3: {  	[tilespmem:$0x790] =	vst v1;
	v1 =	vor.u32 v0, v2;
	v2 =	vshll.u32 v61, $0x2  }
0x1d4: {  	[tilespmem:$0x7A0] =	vst v1;
	v1 =	vor.u32 v0, v2  }
0x1d5: {  	[tilespmem:$0x7B0] =	vst v1  }
0x1d6: {  	[spmem:s2] =	stream.indirect.scatter.add.f32 [tilespmem:s31], [sflag:$0x4], $0x40, s10, s30, $0xb8;
	[tilespmem:$0x13C90] =	vst v63  }
0x1d7: {  	_ = 	snop  }
0x1d8: {  	[spmem:s3] =	stream.indirect.scatter.add.f32 [tilespmem:s24], [sflag:$0x4], $0x8, s10, s30, $0xb8;
	[tilespmem:$0x13C90] =	vst v63  }
0x1d9: {  	v1 =	vld [tilespmem:$0x7C0]  }
0x1da: {  	v2 =	vld [tilespmem:$0x7D0]  }
0x1db: {  	v3 =	vld [tilespmem:$0x7E0]  }
0x1dc: {  	v62 =	vld [tilespmem:$0x7F0];
	_ =	sdelay $0x1  }
0x1dd: {  	v1 =	vshll.u32 v1, $0x2  }
0x1de: {  	v2 =	vshll.u32 v2, $0x2;
	v1 =	vor.u32 v0, v1  }
0x1df: {  	[tilespmem:$0x7C0] =	vst v1;
	v1 =	vor.u32 v0, v2;
	v2 =	vshll.u32 v3, $0x2  }
0x1e0: {  	[tilespmem:$0x7D0] =	vst v1;
	v1 =	vor.u32 v0, v2;
	v2 =	vshll.u32 v62, $0x2  }
0x1e1: {  	[tilespmem:$0x7E0] =	vst v1;
	v1 =	vor.u32 v0, v2  }
0x1e2: {  	[tilespmem:$0x7F0] =	vst v1  }
0x1e3: {  	[spmem:s2] =	stream.indirect.scatter.add.f32 [tilespmem:s22], [sflag:$0x4], $0x40, s12, s30, $0xb8;
	[tilespmem:$0x13C90] =	vst v63  }
0x1e4: {  	_ = 	snop  }
0x1e5: {  	[spmem:s3] =	stream.indirect.scatter.add.f32 [tilespmem:s24], [sflag:$0x4], $0x8, s12, s30, $0xb8;
	[tilespmem:$0x13C90] =	vst v63  }
0x1e6: {  	v1 =	vld [tilespmem:$0x830]  }
0x1e7: {  	v2 =	vld [tilespmem:$0x800]  }
0x1e8: {  	v3 =	vld [tilespmem:$0x810]  }
0x1e9: {  	v63 =	vld [tilespmem:$0x820];
	_ =	sdelay $0x1  }
0x1ea: {  	v1 =	vshll.u32 v1, $0x2  }
0x1eb: {  	v2 =	vshll.u32 v2, $0x2;
	v1 =	vor.u32 v0, v1  }
0x1ec: {  	v3 =	vshll.u32 v3, $0x2;
	v2 =	vor.u32 v0, v2;
	[tilespmem:$0x830] =	vst v1  }
0x1ed: {  	[tilespmem:$0x800] =	vst v2;
	v1 =	vor.u32 v0, v3;
	v2 =	vshll.u32 v63, $0x2  }
0x1ee: {  	[tilespmem:$0x810] =	vst v1;
	v1 =	vor.u32 v0, v2  }
0x1ef: {  	[tilespmem:$0x820] =	vst v1  }
0x1f0: {  	[spmem:s2] =	stream.indirect.scatter.add.f32 [tilespmem:s4], [sflag:$0x4], $0x40, s13, s30, $0xb8;
	[tilespmem:$0x13C90] =	vst v63  }
0x1f1: {  	_ = 	snop  }
0x1f2: {  	[spmem:s3] =	stream.indirect.scatter.add.f32 [tilespmem:s24], [sflag:$0x4], $0x8, s13, s30, $0xb8;
	[tilespmem:$0x13C90] =	vst v63  }
0x1f3: {  	_ =	swait.ge [sflag:s21], $0x1000  }
0x1f4: {  	[sflag:s21] =	ssyncset.done $0x0  }
0x1f5: {  	[sflag:s21] =	ssyncadd.s32 $0xFFFFF000  }
0x1f6: {  	_ =	swait.ge [sflag:s21], $0x200  }
0x1f7: {  	[sflag:s21] =	ssyncset.done $0x0  }
0x1f8: {  	[sflag:s21] =	ssyncadd.s32 $0xFFFFFE00  }
0x1f9: {  	_ =	swait.ge [sflag:s21], $0x1000  }
0x1fa: {  	[sflag:s21] =	ssyncset.done $0x0  }
0x1fb: {  	[sflag:s21] =	ssyncadd.s32 $0xFFFFF000  }
0x1fc: {  	_ =	swait.ge [sflag:s21], $0x200  }
0x1fd: {  	[sflag:s21] =	ssyncset.done $0x0  }
0x1fe: {  	[sflag:s21] =	ssyncadd.s32 $0xFFFFFE00  }
0x1ff: {  	_ =	swait.ge [sflag:s21], $0x1000  }
0x200: {  	[sflag:s21] =	ssyncset.done $0x0  }
0x201: {  	[sflag:s21] =	ssyncadd.s32 $0xFFFFF000  }
0x202: {  	p4 =	sne.s32 s11, $0x1000;
	_ =	swait.ge [sflag:s21], $0x200  }
.Ltmp0:
0x203: {  	[sflag:s21] =	ssyncset.done $0x0;
	(pc) =	sbr.rel @p4 .LBB2_2-.Ltmp0, $4  }
0x204: {  	[sflag:s21] =	ssyncadd.s32 $0xFFFFFE00  }
0x205: {  	_ =	swait.ge [sflag:s21], $0x1000  }
0x206: {  	[sflag:s21] =	ssyncset.done $0x0  }
0x207: {  	s11 =	sadd.s32 $0x800, s11;
	[sflag:s21] =	ssyncadd.s32 $0xFFFFF000  }
0x208: {  	_ =	swait.ge [sflag:s21], $0x200  }
0x209: {  	[sflag:s21] =	ssyncset.done $0x0  }
0x20a: {  	[sflag:s21] =	ssyncadd.s32 $0xFFFFFE00  }
0x20b: {  	_ =	swait.ge [sflag:s23], $0x1000  }
0x20c: {  	[sflag:s23] =	ssyncset.done $0x0  }
0x20d: {  	[sflag:s23] =	ssyncadd.s32 $0xFFFFF000  }
0x20e: {  	_ =	swait.ge [sflag:s23], $0x200  }
0x20f: {  	[sflag:s23] =	ssyncset.done $0x0  }
0x210: {  	[sflag:s23] =	ssyncadd.s32 $0xFFFFFE00  }
0x211: {  	_ =	swait.ge [sflag:s23], $0x1000  }
0x212: {  	[sflag:s23] =	ssyncset.done $0x0  }
0x213: {  	[sflag:s23] =	ssyncadd.s32 $0xFFFFF000  }
0x214: {  	_ =	swait.ge [sflag:s23], $0x200  }
0x215: {  	[sflag:s23] =	ssyncset.done $0x0  }
0x216: {  	[sflag:s23] =	ssyncadd.s32 $0xFFFFFE00  }
0x217: {  	_ =	swait.ge [sflag:s23], $0x1000  }
0x218: {  	[sflag:s23] =	ssyncset.done $0x0  }
0x219: {  	[sflag:s23] =	ssyncadd.s32 $0xFFFFF000  }
0x21a: {  	_ =	swait.ge [sflag:s23], $0x200  }
0x21b: {  	[sflag:s23] =	ssyncset.done $0x0  }
0x21c: {  	[sflag:s23] =	ssyncadd.s32 $0xFFFFFE00  }
0x21d: {  	_ =	swait.ge [sflag:s23], $0x1000  }
0x21e: {  	[sflag:s23] =	ssyncset.done $0x0  }
0x21f: {  	[sflag:s23] =	ssyncadd.s32 $0xFFFFF000  }
0x220: {  	_ =	swait.ge [sflag:s23], $0x200  }
0x221: {  	s0 =	simm.s32 @!p0 $0x0;
	[sflag:s23] =	ssyncset.done $0x0  }
0x222: {  	s1 =	simm.s32 @!p0 $0x640;
	s4 =	rddreg [dreg:$0x19];
	[sflag:s23] =	ssyncadd.s32 $0xFFFFFE00  }
0x223: {  	[tilespmem:s1], [sflag:$0x5] =	stream.linear.gather @!p0 [hbm4b:s4+s0], $0x40, $0x38;
	[tilespmem:$0x13C90] =	vst v63  }
0x224: {  	s11 =	simm.s32 @!p0 $0x840;
	s0 =	simm.s32 @!p0 $0x40;
	s4 =	simm.s32 @!p0 $0x600  }
0x225: {  	[tilespmem:s11], [sflag:$0x1] =	stream.indirect.gather @!p0 [spmem:s5], $0x40, s4, s0, $0xb8;
	[tilespmem:$0x13C90] =	vst v63  }
0x226: {  	s4 =	simm.s32 @!p0 $0x1  }
0x227: {  	_ =	swait.ge @!p0 [sflag:s4], $0x1000  }
0x228: {  	[sflag:s4] =	ssyncset.done @!p0 $0x0  }
0x229: {  	[sflag:s4] =	ssyncadd.s32 @!p0 $0xFFFFF000;
	s4 =	simm.s32 @!p0 $0x5  }
0x22a: {  	_ =	swait.ge @!p0 [sflag:s4], $0x40  }
0x22b: {  	[sflag:s4] =	ssyncset.done @!p0 $0x0  }
0x22c: {  	[sflag:s4] =	ssyncadd.s32 @!p0 $0xFFFFFFC0  }
0x22d: {  	v1 =	vld @!p0 [tilespmem:$0x640]  }
0x22e: {  	v2 =	vld @!p0 [tilespmem:$0x650]  }
0x22f: {  	v3 =	vld @!p0 [tilespmem:$0x660]  }
0x230: {  	v4 =	vld @!p0 [tilespmem:$0x670]  }
0x231: {  	v5 =	vlaneseq.u32 @!p0  }
0x232: {  	v5 =	vand.u32 @!p0 $0x3, v5;
	v1 =	vshll.u32 @!p0 v1, $0x2  }
0x233: {  	v2 =	vshll.u32 @!p0 v2, $0x2;
	v1 =	vor.u32 @!p0 v5, v1  }
0x234: {  	[tilespmem:$0x640] =	vst @!p0 v1;
	v1 =	vor.u32 @!p0 v5, v2;
	v2 =	vshll.u32 @!p0 v3, $0x2  }
0x235: {  	[tilespmem:$0x650] =	vst @!p0 v1;
	v1 =	vor.u32 @!p0 v5, v2;
	v2 =	vshll.u32 @!p0 v4, $0x2  }
0x236: {  	[tilespmem:$0x660] =	vst @!p0 v1;
	v1 =	vor.u32 @!p0 v5, v2  }
0x237: {  	[tilespmem:$0x670] =	vst @!p0 v1  }
0x238: {  	[spmem:s2] =	stream.indirect.scatter.add.f32 @!p0 [tilespmem:s11], [sflag:$0x3], $0x40, s1, s0, $0xb8;
	[tilespmem:$0x13C90] =	vst v63  }
0x239: {  	s4 =	simm.s32 @!p0 $0x8840  }
0x23a: {  	[spmem:s3] =	stream.indirect.scatter.add.f32 @!p0 [tilespmem:s4], [sflag:$0x3], $0x8, s1, s0, $0xb8;
	[tilespmem:$0x13C90] =	vst v63  }
0x23b: {  	s0 =	simm.s32 @!p0 $0x3  }
0x23c: {  	_ =	swait.ge @!p0 [sflag:s0], $0x1000  }
0x23d: {  	[sflag:s0] =	ssyncset.done @!p0 $0x0  }
0x23e: {  	[sflag:s0] =	ssyncadd.s32 @!p0 $0xFFFFF000  }
0x23f: {  	_ =	swait.ge @!p0 [sflag:s0], $0x200  }
0x240: {  	s1 =	simm.s32 @p3 $0x8E40;
	[sflag:s0] =	ssyncset.done @!p0 $0x0  }
0x241: {  	s4 =	rddreg [dreg:$0x1a];
	[sflag:s0] =	ssyncadd.s32 @!p0 $0xFFFFFE00;
	s0 =	simm.s32 @p3 $0x0  }
0x242: {  	[tilespmem:s1], [sflag:$0x5] =	stream.linear.gather @p3 [hbm4b:s4+s0], $0x10, $0x38;
	[tilespmem:$0x13C90] =	vst v63  }
0x243: {  	s11 =	simm.s32 @p3 $0x8A40;
	s0 =	simm.s32 @p3 $0x10;
	s4 =	simm.s32 @p3 $0x600  }
0x244: {  	[tilespmem:s11], [sflag:$0x1] =	stream.indirect.gather @p3 [spmem:s5], $0x40, s4, s0, $0xb8;
	[tilespmem:$0x13C90] =	vst v63  }
0x245: {  	s4 =	simm.s32 @p3 $0x1  }
0x246: {  	_ =	swait.ge @p3 [sflag:s4], $0x400  }
0x247: {  	[sflag:s4] =	ssyncset.done @p3 $0x0  }
0x248: {  	[sflag:s4] =	ssyncadd.s32 @p3 $0xFFFFFC00;
	s4 =	simm.s32 @p3 $0x5  }
0x249: {  	_ =	swait.ge @p3 [sflag:s4], $0x10  }
0x24a: {  	[sflag:s4] =	ssyncset.done @p3 $0x0  }
0x24b: {  	[sflag:s4] =	ssyncadd.s32 @p3 $0xFFFFFFF0  }
0x24c: {  	v1 =	vld @p3 [tilespmem:$0x8E40];
	_ =	sdelay $0x3  }
0x24d: {  	v2 =	vlaneseq.u32 @p3  }
0x24e: {  	v2 =	vand.u32 @p3 $0x3, v2;
	v1 =	vshll.u32 @p3 v1, $0x2  }
0x24f: {  	v1 =	vor.u32 @p3 v2, v1  }
0x250: {  	[tilespmem:$0x8E40] =	vst @p3 v1  }
0x251: {  	[spmem:s2] =	stream.indirect.scatter.add.f32 @p3 [tilespmem:s11], [sflag:$0x3], $0x40, s1, s0, $0xb8;
	[tilespmem:$0x13C90] =	vst v63  }
0x252: {  	s4 =	simm.s32 @p3 $0x8840  }
0x253: {  	[spmem:s3] =	stream.indirect.scatter.add.f32 @p3 [tilespmem:s4], [sflag:$0x3], $0x8, s1, s0, $0xb8;
	[tilespmem:$0x13C90] =	vst v63  }
0x254: {  	s0 =	simm.s32 @p3 $0x3  }
0x255: {  	_ =	swait.ge @p3 [sflag:s0], $0x400  }
0x256: {  	[sflag:s0] =	ssyncset.done @p3 $0x0  }
0x257: {  	[sflag:s0] =	ssyncadd.s32 @p3 $0xFFFFFC00  }
0x258: {  	_ =	swait.ge @p3 [sflag:s0], $0x80  }
0x259: {  	[sflag:s0] =	ssyncset.done @p3 $0x0  }
0x25a: {  	[sflag:s0] =	ssyncadd.s32 @p3 $0xFFFFFF80  }
0x25b: {  	[bflag:$0x0] =	sbarrier.arrive $0xFFFF  }
0x25c: {  	s14 =	sld [smem:$0x7FC]  }
0x25d: {  	s22 =	rddreg [dreg:$0x13]  }
0x25e: {  	s31 =	simm.s32 $0x7;
	s13 =	rddreg [dreg:$0x1b]  }
0x25f: {  	[hbm:s13], [sflag:s22] =	dma.local [spmem:s14], $0x200  }
0x260: {  	_ =	swait.ge [sflag:s31], $0x200  }
0x261: {  	s16 =	sld [smem:$0x7FD]  }
0x262: {  	[sflag:s31] =	ssyncset.done $0x0  }
0x263: {  	s15 =	rddreg [dreg:$0x1c];
	[sflag:s31] =	ssyncadd.s32 $0xFFFFFE00  }
0x264: {  	[hbm:s15], [sflag:s22] =	dma.local [spmem:s16], $0x40  }
0x265: {  	_ =	swait.ge [sflag:s31], $0x40  }
0x266: {  	s25 =	rddreg [dreg:$0x1f]  }
0x267: {  	s26 =	rddreg [dreg:$0x1d];
	s1 =	sadd.s32 $0x1, s25  }
0x268: {  	s7 =	simm.s32 $0x1840;
	s28 =	simm.s32 $0x6C0;
	p3 =	sne.s32 s1, s26  }
.Ltmp1:
0x269: {  	s8 =	simm.s32 $0x700;
	s9 =	simm.s32 $0x740;
	(pc) =	sbr.rel @p3 .LBB2_1-.Ltmp1, $4  }
0x26a: {  	s10 =	simm.s32 $0x780;
	s12 =	simm.s32 $0x7C0;
	s29 =	simm.s32 $0x800  }
0x26b: {  	s4 =	simm.s32 $0x840;
	s13 =	simm.s32 $0x2840;
	s14 =	simm.s32 $0x3840  }
0x26c: {  	s15 =	simm.s32 $0x4840;
	s16 =	simm.s32 $0x5840;
	[sflag:s31] =	ssyncset.done $0x0  }
0x26d: {  	[sflag:s31] =	ssyncadd.s32 $0xFFFFFFC0;
	s25 =	simm.s32 $0x640;
	s26 =	simm.s32 $0x680  }
0x26e: {  	_ =	sfence.sel $0x180000  }
0x26f: {  	[bflag:$0x0] =	sbarrier.arrive $0xFFFF  }
0x270: {  	_ =	strace $0x9000004D  }
0x271: {  	s0 =	stileid.u32;
	[bflag:$0x2] =	sbarrier.arrive $0xFFFF  }
0x272: {  	p0 =	sne.s32 s0, $0x0;
	s0 =	rddreg [dreg:$0x6]  }
0x273: {  	s0 =	sadd.s32 @!p0 $0x100000, s0  }
0x274: {  	[sflag:s0] =	ssyncadd.tile.s32 @!p0 $0x1;
	_ =	shalt  }
.Lfunc_end2:
_tile_overlayer_lowered:
.L_overlay_start_2:
0x275: {  	(tag) =	ssettag $0x2  }
0x276: {  	s0 =	rddreg [dreg:$0x0];
	s2 =	stileid.u32  }
0x277: {  	s1 =	rddreg [dreg:$0x1];
	p0 =	sne.s32 s2, $0x0  }
0x278: {  	s3 =	rddreg [dreg:$0x2];
	[bflag:$0x3] =	sbarrier.arrive $0xFFFF;
	s2 =	simm.s32 @!p0 $0x1C07  }
0x279: {  	[timem:s3], [sflag:s2] =	dma.local @!p0 [hbm:s0], s1  }
0x27a: {  	s0 =	simm.s32 @!p0 $0x7  }
0x27b: {  	_ =	swait.ge @!p0 [sflag:s0], s1  }
0x27c: {  	s1 =	ssub.s32 @!p0 $0x0, s1;
	[sflag:s0] =	ssyncset.done @!p0 $0x0  }
0x27d: {  	[sflag:s0] =	ssyncadd.s32 @!p0 s1  }
0x27e: {  	[bflag:$0x3] =	sbarrier.arrive $0xFFFF  }
0x27f: {  	_ =	shalt  }

// kernel: kernel.8.cloned.1.call-start
scs
__scs_entry_jumppad:
0x0: {  	(pc) =	sbr.rel $0x88, $3  }
0x1: {  	(tag) =	ssettag $0x0;
	lr =	simm.s32 $0x1  }
0x2: {  	[smem:$0x3F95] =	sst lr;
	_ =	strace $0xD0000000  }
0x3: {  	_ = 	snop  }
0x4: {  	_ = 	snop  }
0x5: {  	_ = 	snop  }
0x6: {  	_ = 	snop  }
0x7: {  	_ = 	snop  }
__scs_overlays_trampoline_lowered:
0x8: {  	[smem:$0x3FA4] =	sst s0  }
0x9: {  	[smem:$0x3FA5] =	sst s1  }
0xa: {  	[smem:$0x3FA6] =	sst s2  }
0xb: {  	[smem:$0x3FA7] =	sst s3  }
0xc: {  	[smem:$0x3FA8] =	sst s4  }
0xd: {  	[smem:$0x3FA9] =	sst s5  }
0xe: {  	[smem:$0x3FAA] =	sst s6  }
0xf: {  	[smem:$0x3FAB] =	sst s7  }
0x10: {  	[smem:$0x3FAC] =	sst s8  }
0x11: {  	[smem:$0x3FAD] =	sst s9;
	s0 =	simm.s32 @!p0 $0x0  }
0x12: {  	s1 =	sld [smem:$0x3F93];
	s0 =	simm.s32 @p0 $0x1  }
0x13: {  	[smem:$0x3FAE] =	sst s0;
	s0 =	simm.s32 @!p1 $0x0  }
0x14: {  	s2 =	sld [smem:$0x3F92];
	s0 =	simm.s32 @p1 $0x1  }
0x15: {  	[smem:$0x3FAF] =	sst s0;
	s0 =	simm.s32 @!p2 $0x0  }
0x16: {  	s3 =	sld [smem:$0x3FDB];
	s0 =	simm.s32 @p2 $0x1  }
0x17: {  	s4 =	simm.s32 $0x1BF5;
	[smem:$0x3FB1] =	sst s0  }
0x18: {  	s0 =	sld [smem:$0x3F94];
	_ =	swait.ge [sflag:s4], $0x0  }
0x19: {  	s7 =	sld [smem:$0x3F95]  }
0x1a: {  	s8 =	sadd.s32 $0xFFFFE003, lr  }
0x1b: {  	s9 =	sadd.s32 $0xFFFFFEF7, lr;
	s5 =	simm.s32 $0xFFFFFFFF;
	p2 =	slt.u32 s8, $0xFFFFF086  }
0x1c: {  	p1 =	slt.u32 s9, $0xF7A;
	s5 =	simm.s32 @!p2 $0x0  }
0x1d: {  	s5 =	simm.s32 @p1 $0x1;
	p0 =	seq.s32 s7, s2  }
0x1e: {  	s7 =	smul.u32 @!p0 $0xF7A, s2;
	p2 =	seq.s32 @!p0 s5, $0x0  }
0x1f: {  	s9 =	smul.u32 $0xF7A, s1;
	s8 =	simm.s32 @!p0 $0x1BF5;
	p2 =	por !p2, p0  }
0x20: {  	[sflag:s8] =	ssyncset.s32 @!p0 $0xFFFFF086;
	s6 =	sadd.s32 @!p0 s3, s7;
	s7 =	simm.s32 @!p0 $0x108  }
0x21: {  	s3 =	sadd.s32 s3, s9;
	s6 =	sadd.s32 @!p0 $0x88, s6;
	s7 =	simm.s32 @p2 $0x1082  }
0x22: {  	[simem:s7], [sflag:s8] =	dma.local @!p0 [hbm:s6], $0xF7A  }
0x23: {  	s9 =	sor.u32 $0xD0000000, s2;
	s6 =	simm.s32 $0x108;
	_ =	swait.ge @!p0 [sflag:s8], $0x0  }
0x24: {  	s3 =	sadd.s32 $0x88, s3;
	s6 =	simm.s32 @!p1 $0x1082;
	[sflag:s4] =	ssyncset.s32 $0xFFFFF086  }
0x25: {  	[simem:s6], [sflag:s4] =	dma.local [hbm:s3], $0xF7A  }
0x26: {  	[smem:$0x3F95] =	sst s1;
	(tag) =	ssettag s2;
	_ =	strace s9  }
0x27: {  	s1 =	sld [smem:$0x3FA5]  }
0x28: {  	s2 =	sld [smem:$0x3FA6]  }
0x29: {  	s4 =	sld [smem:$0x3FA8]  }
0x2a: {  	p0 =	seq.s32 s5, $0x0;
	s5 =	sld [smem:$0x3FA9]  }
0x2b: {  	s6 =	sld [smem:$0x3FAA]  }
0x2c: {  	s7 =	sld [smem:$0x3FAB]  }
0x2d: {  	s3 =	simm.s32 $0x108;
	s8 =	sld [smem:$0x3FAC]  }
0x2e: {  	s3 =	simm.s32 @!p0 $0x1082;
	s9 =	sld [smem:$0x3FAD]  }
0x2f: {  	lr =	sadd.s32 s0, s3;
	s0 =	sld [smem:$0x3FA4]  }
0x30: {  	s3 =	sld [smem:$0x3FA7]  }
0x31: {  	[smem:$0x3FB0] =	sst s10  }
0x32: {  	s10 =	sld [smem:$0x3FAE];
	_ =	sdelay $0x3  }
0x33: {  	p0 =	seq.s32 s10, $0x1;
	s10 =	sld [smem:$0x3FB0];
	_ =	sdelay $0x3  }
0x34: {  	[smem:$0x3FB0] =	sst s10  }
0x35: {  	s10 =	sld [smem:$0x3FAF];
	_ =	sdelay $0x3  }
0x36: {  	p1 =	seq.s32 s10, $0x1;
	s10 =	sld [smem:$0x3FB0];
	_ =	sdelay $0x3  }
0x37: {  	[smem:$0x3FB0] =	sst s10  }
0x38: {  	s10 =	sld [smem:$0x3FB1]  }
0x39: {  	_ = 	snop;
	(pc) =	sbr.ind lr, $3  }
0x3a: {  	_ = 	snop  }
0x3b: {  	_ = 	snop  }
0x3c: {  	p2 =	seq.s32 s10, $0x1;
	s10 =	sld [smem:$0x3FB0]  }
0x3d: {  	_ =	shalt  }
0x3e: {  	_ =	shalt  }
0x3f: {  	_ =	shalt  }
0x40: {  	_ =	shalt  }
0x41: {  	_ =	shalt  }
0x42: {  	_ =	shalt  }
0x43: {  	_ =	shalt  }
0x44: {  	_ =	shalt  }
0x45: {  	_ =	shalt  }
0x46: {  	_ =	shalt  }
0x47: {  	_ =	shalt  }
0x48: {  	_ =	shalt  }
0x49: {  	_ =	shalt  }
0x4a: {  	_ =	shalt  }
0x4b: {  	_ =	shalt  }
0x4c: {  	_ =	shalt  }
0x4d: {  	_ =	shalt  }
0x4e: {  	_ =	shalt  }
0x4f: {  	_ =	shalt  }
0x50: {  	_ =	shalt  }
0x51: {  	_ =	shalt  }
0x52: {  	_ =	shalt  }
0x53: {  	_ =	shalt  }
0x54: {  	_ =	shalt  }
0x55: {  	_ =	shalt  }
0x56: {  	_ =	shalt  }
0x57: {  	_ =	shalt  }
0x58: {  	_ =	shalt  }
0x59: {  	_ =	shalt  }
0x5a: {  	_ =	shalt  }
0x5b: {  	_ =	shalt  }
0x5c: {  	_ =	shalt  }
0x5d: {  	_ =	shalt  }
0x5e: {  	_ =	shalt  }
0x5f: {  	_ =	shalt  }
0x60: {  	_ =	shalt  }
0x61: {  	_ =	shalt  }
0x62: {  	_ =	shalt  }
0x63: {  	_ =	shalt  }
0x64: {  	_ =	shalt  }
0x65: {  	_ =	shalt  }
0x66: {  	_ =	shalt  }
0x67: {  	_ =	shalt  }
0x68: {  	_ =	shalt  }
0x69: {  	_ =	shalt  }
0x6a: {  	_ =	shalt  }
0x6b: {  	_ =	shalt  }
0x6c: {  	_ =	shalt  }
0x6d: {  	_ =	shalt  }
0x6e: {  	_ =	shalt  }
0x6f: {  	_ =	shalt  }
0x70: {  	_ =	shalt  }
0x71: {  	_ =	shalt  }
0x72: {  	_ =	shalt  }
0x73: {  	_ =	shalt  }
0x74: {  	_ =	shalt  }
0x75: {  	_ =	shalt  }
0x76: {  	_ =	shalt  }
0x77: {  	_ =	shalt  }
0x78: {  	_ =	shalt  }
0x79: {  	_ =	shalt  }
0x7a: {  	_ =	shalt  }
0x7b: {  	_ =	shalt  }
0x7c: {  	_ =	shalt  }
0x7d: {  	_ =	shalt  }
0x7e: {  	_ =	shalt  }
0x7f: {  	_ =	shalt  }
0x80: {  	_ =	shalt  }
0x81: {  	_ =	shalt  }
0x82: {  	_ =	shalt  }
0x83: {  	_ =	shalt  }
0x84: {  	_ =	shalt  }
0x85: {  	_ =	shalt  }
0x86: {  	_ =	shalt  }
0x87: {  	_ =	shalt  }
.Lfunc_end0:
.L_simem_size_0:
called_computation_lowered:
.L_overlay_start_0:
0x88: {  	s2 =	sld [smem:$0x3FD9]  }
0x89: {  	s3 =	sld [smem:$0x3FFE];
	_ =	sdelay $0x1  }
0x8a: {  	s1 =	srdreg.scid  }
0x8b: {  	s0 =	sand.u32 $0x1, s1  }
0x8c: {  	s16 =	sshll.u32 s0, $0xA;
	s2 =	sadd.s32 s3, s2  }
0x8d: {  	s2 =	sadd.s32 s2, s16  }
0x8e: {  	[smem:$0x3FBC] =	sst s2  }
0x8f: {  	_ = 	snop  }
0x90: {  	(tm) =	ssettm $0x1  }
0x91: {  	s17 =	sld [smem:$0x3FFB];
	_ =	sdelay $0x3  }
0x92: {  	_ =	strace s17  }
0x93: {  	s2 =	sld [smem:$0x3FFC];
	_ =	sdelay $0x3  }
0x94: {  	_ =	strace s2  }
0x95: {  	s2 =	sld [smem:$0x3FFD];
	_ =	sdelay $0x3  }
0x96: {  	_ =	strace s2  }
0x97: {  	_ =	strace $0x8FFFFFFF  }
0x98: {  	s18 =	sld [smem:$0x3FDB];
	_ =	sdelay $0x1  }
0x99: {  	s19 =	simm.s32 $_scs_section_size  }
0x9a: {  	s4 =	simm.s32 $_size__tile_overlayer_lowered;
	s5 =	simm.s32 $_tile_overlayer_lowered  }
0x9b: {  	s22 =	simm.s32 $0x1BFF;
	s21 =	sshll.u32 s5, $0x1;
	s2 =	sadd.s32 s19, s18  }
0x9c: {  	s6 =	simm.s32 $0x0;
	s20 =	sshll.u32 s4, $0x1;
	s4 =	sadd.s32 s21, s2  }
0x9d: {  	[timem:s6], [sflag:s22] =	dma.local [hbm:s4], s20  }
0x9e: {  	_ =	swait.ge [sflag:s22], s20  }
0x9f: {  	s3 =	ssub.s32 $0x0, s20;
	[sflag:s22] =	ssyncset.done $0x0  }
0xa0: {  	[sflag:s22] =	ssyncadd.s32 s3;
	_ =	sdelay $0x1  }
0xa1: {  	s23 =	simm.s32 $0x1B8B  }
0xa2: {  	_ =	swait.ge [sflag:s23], $0x1  }
0xa3: {  	[sflag:s23] =	ssyncset.done $0x0  }
0xa4: {  	s25 =	simm.s32 $0x1B8E;
	s24 =	sld [smem:$0x3FFE];
	[sflag:s23] =	ssyncadd.s32 $0xFFFFFFFF  }
0xa5: {  	s26 =	simm.s32 $execute0_lowered;
	[smem:$0x3FD2] =	sst s25  }
0xa6: {  	s4 =	sshll.u32 s26, $0x1;
	_ =	strace $0x80000046;
	[dreg:$0x1] =	wrdreg $0xFFFFFFFF  }
0xa7: {  	s28 =	simm.s32 $_size_execute0_lowered;
	s2 =	sadd.s32 s2, s4;
	[dreg:$0x0] =	wrdreg $0x0  }
0xa8: {  	s4 =	sshll.u32 s28, $0x1;
	[dreg:$0x2] =	wrdreg s2  }
0xa9: {  	[dreg:$0x3] =	wrdreg s4  }
0xaa: {  	[dreg:$0x4] =	wrdreg $0xC0  }
0xab: {  	_ =	task [dreg:s6], $0x5FFFF  }
0xac: {  	[dreg:$0x1] =	wrdreg $0xFFFFFFFF  }
0xad: {  	[dreg:$0x0] =	wrdreg $0x60  }
0xae: {  	[dreg:$0x2] =	wrdreg s24  }
0xaf: {  	[dreg:$0x3] =	wrdreg $0x2B800  }
0xb0: {  	[dreg:$0x4] =	wrdreg $0x9  }
0xb1: {  	_ =	task.clear_ibuf [dreg:s6], $0x5FFFF;
	_ =	strace $0x90000046  }
0xb2: {  	s29 =	simm.s32 $0x9;
	_ =	strace $0x80000048  }
0xb3: {  	_ =	swait.ge [sflag:s29], $0x1  }
0xb4: {  	[sflag:s29] =	ssyncadd.s32 $0xFFFFFFFF  }
0xb5: {  	_ =	strace $0x90000048  }
0xb6: {  	_ =	sfence  }
0xb7: {  	s30 =	sld [smem:$0x0];
	_ =	sdelay $0x2  }
0xb8: {  	s31 =	sshll.u32 s1, $0xD;
	s1 =	sshrl.u32 s1, $0x2  }
0xb9: {  	s3 =	sand.u32 $0x4000, s31;
	s1 =	sadd.s32 s1, s30  }
0xba: {  	s0 =	sor.u32 s3, s0;
	s1 =	sshll.u32 s1, $0x11  }
0xbb: {  	s0 =	sor.u32 s1, s0  }
0xbc: {  	s0 =	sadd.s32 $0x8F2B, s0  }
0xbd: {  	[sflag:s0] =	ssyncadd.remote.s32 $0x1  }
0xbe: {  	_ =	sfence.sel $0xFFFF  }
0xbf: {  	[dreg:$0x0] =	wrdreg $0xFFFFFFFF;
	(pc) =	sbr.abs _section_cstart, $3  }
0xc0: {  	[dreg:$0x1] =	wrdreg $0xFFFFFFFF  }
0xc1: {  	_ =	task.clear_ibuf [dreg:s6], $0x2FFFF;
	_ =	strace $0x9FFFFFFF  }
0xc2: {  	(tm) =	ssettm $0x7FFFFFFF  }
0xc3: {  	_ =	shalt  }
tec
execute0_lowered:
.L_overlay_start_1:
0x0: {  	(tag) =	ssettag $0x1  }
0x1: {  	s6 =	rddreg [dreg:$0x0]  }
0x2: {  	s2 =	rddreg [dreg:$0x1]  }
0x3: {  	s0 =	rddreg [dreg:$0x2]  }
0x4: {  	s4 =	srdreg.scid;
	s1 =	stileid.u32;
	s3 =	simm.s32 $0x0  }
0x5: {  	s15 =	simm.s32 $0x1;
	s16 =	simm.s32 $0x2400;
	s17 =	simm.s32 $0x2480  }
0x6: {  	s18 =	simm.s32 $0x2500;
	s19 =	simm.s32 $0x2580;
	s20 =	simm.s32 $0x2600  }
0x7: {  	s21 =	simm.s32 $0x2680;
	s22 =	simm.s32 $0x0;
	s7 =	sand.u32 $0x1, s4  }
0x8: {  	s8 =	smul.u32 $0x1388, s1;
	[smem:$0x7FF] =	sst s3;
	s10 =	sadd.s32 $0x2000, s6  }
0x9: {  	s4 =	sadd.s32 $0x16000, s6;
	s5 =	sadd.s32 $0x15C00, s6;
	s30 =	sshll.u32 s1, $0x4  }
0xa: {  	s31 =	sshll.u32 s1, $0x6;
	s9 =	smul.u32 $0x13880, s7;
	_ =	strace $0x80000047  }
0xb: {  	s11 =	ssub.s32 $0x2, s7;
	s7 =	sshll.u32 s7, $0x4;
	s14 =	sadd.s32 s30, s10  }
0xc: {  	s29 =	sshrl.u32 s11, $0x1;
	s12 =	sor.u32 s1, s7;
	s13 =	sadd.s32 s8, s2  }
0xd: {  	s9 =	sadd.s32 s8, s9;
	s11 =	ssub.s32 s11, s29;
	s7 =	smul.u32 $0x4E0, s12  }
0xe: {  	s8 =	sadd.s32 $0x9C00, s14;
	p0 =	sgt.u32 s12, $0x3;
	s9 =	sshrl.u32 s9, $0x3  }
0xf: {  	s12 =	simm.s32 $0x2;
	s14 =	simm.s32 $0x80;
	s9 =	sadd.s32 s9, s6  }
0x10: {  	s6 =	sor.u32 $0x1C02, s31;
	s7 =	sadd.s32 s10, s7;
	s10 =	smax.u32 s11, $0x1  }
0x11: {  	s11 =	sshrl.u32 s13, $0x3;
	s13 =	simm.s32 $0x2780;
	s9 =	sadd.s32 $0x16200, s9  }
.LBB2_1:
0x12: {  	[spmem:s11], [sflag:s6] =	dma.local [hbm:s5], $0x271  }
0x13: {  	_ =	swait.ge [sflag:s12], $0x271  }
0x14: {  	[sflag:s12] =	ssyncset.done $0x0  }
0x15: {  	[sflag:s12] =	ssyncadd.s32 $0xFFFFFD8F  }
0x16: {  	[tilespmem:s3], [sflag:$0x2] =	stream.linear.gather [hbm4b:s7+s3], $0x2700, $0x38;
	[tilespmem:$0x3F08] =	vst v63  }
0x17: {  	_ =	swait.ge [sflag:s12], $0x2700  }
0x18: {  	[sflag:s12] =	ssyncset.done $0x0  }
0x19: {  	s23 =	simm.s32 @!p0 $0x0;
	s24 =	simm.s32 @!p0 $0x2700;
	[sflag:s12] =	ssyncadd.s32 $0xFFFFD900  }
0x1a: {  	[tilespmem:s24], [sflag:$0x2] =	stream.linear.gather @!p0 [hbm4b:s8+s23], $0x80, $0x38;
	[tilespmem:$0x3F08] =	vst v63  }
0x1b: {  	s23 =	simm.s32 @!p0 $0x2  }
0x1c: {  	_ =	swait.ge @!p0 [sflag:s23], $0x80  }
0x1d: {  	[sflag:s23] =	ssyncset.done @!p0 $0x0  }
0x1e: {  	[sflag:s23] =	ssyncadd.s32 @!p0 $0xFFFFFF80  }
0x1f: {  	[tilespmem:s13], [sflag:$0x2] =	stream.linear.gather [hbm4b:s4+s3], $0x400, $0x38;
	[tilespmem:$0x3F08] =	vst v63  }
0x20: {  	_ =	swait.ge [sflag:s12], $0x400  }
0x21: {  	[sflag:s12] =	ssyncset.done $0x0  }
0x22: {  	[sflag:s12] =	ssyncadd.s32 $0xFFFFFC00  }
0x23: {  	s31 =	simm.s32 $0x0;
	[bflag:$0x0] =	sbarrier.arrive $0xFFFF  }
0x24: {  	[spmem:s2] =	stream.indirect.scatter.add.f32 [tilespmem:s13], [sflag:$0x1], $0x8, s31, s14, $0xb8;
	[tilespmem:$0x3F08] =	vst v63  }
0x25: {  	s24 =	simm.s32 $0x80  }
0x26: {  	[spmem:s2] =	stream.indirect.scatter.add.f32 [tilespmem:s13], [sflag:$0x1], $0x8, s24, s14, $0xb8;
	[tilespmem:$0x3F08] =	vst v63  }
0x27: {  	s25 =	simm.s32 $0x100  }
0x28: {  	[spmem:s2] =	stream.indirect.scatter.add.f32 [tilespmem:s13], [sflag:$0x1], $0x8, s25, s14, $0xb8;
	[tilespmem:$0x3F08] =	vst v63  }
0x29: {  	s26 =	simm.s32 $0x180  }
0x2a: {  	[spmem:s2] =	stream.indirect.scatter.add.f32 [tilespmem:s13], [sflag:$0x1], $0x8, s26, s14, $0xb8;
	[tilespmem:$0x3F08] =	vst v63  }
0x2b: {  	s28 =	simm.s32 $0x200  }
0x2c: {  	[spmem:s2] =	stream.indirect.scatter.add.f32 [tilespmem:s13], [sflag:$0x1], $0x8, s28, s14, $0xb8;
	[tilespmem:$0x3F08] =	vst v63  }
0x2d: {  	s29 =	simm.s32 $0x280  }
0x2e: {  	[spmem:s2] =	stream.indirect.scatter.add.f32 [tilespmem:s13], [sflag:$0x1], $0x8, s29, s14, $0xb8;
	[tilespmem:$0x3F08] =	vst v63  }
0x2f: {  	s30 =	simm.s32 $0x300  }
0x30: {  	[spmem:s2] =	stream.indirect.scatter.add.f32 [tilespmem:s13], [sflag:$0x1], $0x8, s30, s14, $0xb8;
	[tilespmem:$0x3F08] =	vst v63  }
0x31: {  	s31 =	simm.s32 $0x380  }
0x32: {  	[spmem:s2] =	stream.indirect.scatter.add.f32 [tilespmem:s13], [sflag:$0x1], $0x8, s31, s14, $0xb8;
	[tilespmem:$0x3F08] =	vst v63  }
0x33: {  	_ =	swait.ge [sflag:s15], $0x400  }
0x34: {  	[sflag:s15] =	ssyncset.done $0x0  }
0x35: {  	[sflag:s15] =	ssyncadd.s32 $0xFFFFFC00  }
0x36: {  	_ =	swait.ge [sflag:s15], $0x400  }
0x37: {  	[sflag:s15] =	ssyncset.done $0x0  }
0x38: {  	[sflag:s15] =	ssyncadd.s32 $0xFFFFFC00  }
0x39: {  	_ =	swait.ge [sflag:s15], $0x400  }
0x3a: {  	[sflag:s15] =	ssyncset.done $0x0  }
0x3b: {  	[sflag:s15] =	ssyncadd.s32 $0xFFFFFC00  }
0x3c: {  	_ =	swait.ge [sflag:s15], $0x400  }
0x3d: {  	[sflag:s15] =	ssyncset.done $0x0  }
0x3e: {  	[sflag:s15] =	ssyncadd.s32 $0xFFFFFC00  }
0x3f: {  	_ =	swait.ge [sflag:s15], $0x400  }
0x40: {  	[sflag:s15] =	ssyncset.done $0x0  }
0x41: {  	[sflag:s15] =	ssyncadd.s32 $0xFFFFFC00  }
0x42: {  	_ =	swait.ge [sflag:s15], $0x400  }
0x43: {  	[sflag:s15] =	ssyncset.done $0x0  }
0x44: {  	[sflag:s15] =	ssyncadd.s32 $0xFFFFFC00  }
0x45: {  	_ =	swait.ge [sflag:s15], $0x400  }
0x46: {  	[sflag:s15] =	ssyncset.done $0x0  }
0x47: {  	[sflag:s15] =	ssyncadd.s32 $0xFFFFFC00  }
0x48: {  	_ =	swait.ge [sflag:s15], $0x400  }
0x49: {  	s23 =	simm.s32 $0x1000;
	s25 =	simm.s32 $0x2000;
	[sflag:s15] =	ssyncset.done $0x0  }
.LBB2_2:
0x4a: {  	s26 =	sshra.s32 s23, $0x2  }
0x4b: {  	[sflag:s15] =	ssyncadd.s32 $0xFFFFFC00;
	s23 =	smov.u32 s25;
	s24 =	sadd.s32 $0x1000, s25  }
0x4c: {  	[spmem:s2] =	stream.indirect.scatter.add.f32 [tilespmem:s13], [sflag:$0x1], $0x8, s26, s14, $0xb8;
	[tilespmem:$0x3F08] =	vst v63  }
0x4d: {  	p1 =	sne.s32 s25, $0x8000;
	s25 =	sadd.s32 $0x80, s26  }
0x4e: {  	[spmem:s2] =	stream.indirect.scatter.add.f32 [tilespmem:s13], [sflag:$0x1], $0x8, s25, s14, $0xb8;
	[tilespmem:$0x3F08] =	vst v63  }
0x4f: {  	s25 =	sadd.s32 $0x100, s26  }
0x50: {  	[spmem:s2] =	stream.indirect.scatter.add.f32 [tilespmem:s13], [sflag:$0x1], $0x8, s25, s14, $0xb8;
	[tilespmem:$0x3F08] =	vst v63  }
0x51: {  	s25 =	sadd.s32 $0x180, s26  }
0x52: {  	[spmem:s2] =	stream.indirect.scatter.add.f32 [tilespmem:s13], [sflag:$0x1], $0x8, s25, s14, $0xb8;
	[tilespmem:$0x3F08] =	vst v63  }
0x53: {  	s25 =	sadd.s32 $0x200, s26  }
0x54: {  	[spmem:s2] =	stream.indirect.scatter.add.f32 [tilespmem:s13], [sflag:$0x1], $0x8, s25, s14, $0xb8;
	[tilespmem:$0x3F08] =	vst v63  }
0x55: {  	s25 =	sadd.s32 $0x280, s26  }
0x56: {  	[spmem:s2] =	stream.indirect.scatter.add.f32 [tilespmem:s13], [sflag:$0x1], $0x8, s25, s14, $0xb8;
	[tilespmem:$0x3F08] =	vst v63  }
0x57: {  	s25 =	sadd.s32 $0x300, s26  }
0x58: {  	[spmem:s2] =	stream.indirect.scatter.add.f32 [tilespmem:s13], [sflag:$0x1], $0x8, s25, s14, $0xb8;
	[tilespmem:$0x3F08] =	vst v63  }
0x59: {  	s25 =	sadd.s32 $0x380, s26  }
0x5a: {  	[spmem:s2] =	stream.indirect.scatter.add.f32 [tilespmem:s13], [sflag:$0x1], $0x8, s25, s14, $0xb8;
	[tilespmem:$0x3F08] =	vst v63  }
0x5b: {  	_ =	swait.ge [sflag:s15], $0x400  }
0x5c: {  	[sflag:s15] =	ssyncset.done $0x0  }
0x5d: {  	[sflag:s15] =	ssyncadd.s32 $0xFFFFFC00  }
0x5e: {  	_ =	swait.ge [sflag:s15], $0x400  }
0x5f: {  	[sflag:s15] =	ssyncset.done $0x0  }
0x60: {  	[sflag:s15] =	ssyncadd.s32 $0xFFFFFC00  }
0x61: {  	_ =	swait.ge [sflag:s15], $0x400  }
0x62: {  	[sflag:s15] =	ssyncset.done $0x0  }
0x63: {  	[sflag:s15] =	ssyncadd.s32 $0xFFFFFC00  }
0x64: {  	_ =	swait.ge [sflag:s15], $0x400  }
0x65: {  	[sflag:s15] =	ssyncset.done $0x0  }
0x66: {  	[sflag:s15] =	ssyncadd.s32 $0xFFFFFC00  }
0x67: {  	_ =	swait.ge [sflag:s15], $0x400  }
0x68: {  	[sflag:s15] =	ssyncset.done $0x0  }
0x69: {  	[sflag:s15] =	ssyncadd.s32 $0xFFFFFC00  }
0x6a: {  	_ =	swait.ge [sflag:s15], $0x400  }
0x6b: {  	[sflag:s15] =	ssyncset.done $0x0  }
0x6c: {  	[sflag:s15] =	ssyncadd.s32 $0xFFFFFC00  }
.Ltmp0:
0x6d: {  	_ =	swait.ge [sflag:s15], $0x400;
	(pc) =	sbr.rel @p1 .LBB2_2-.Ltmp0, $4  }
0x6e: {  	[sflag:s15] =	ssyncset.done $0x0  }
0x6f: {  	[sflag:s15] =	ssyncadd.s32 $0xFFFFFC00  }
0x70: {  	_ =	swait.ge [sflag:s15], $0x400  }
0x71: {  	s25 =	smov.u32 s24;
	[sflag:s15] =	ssyncset.done $0x0  }
0x72: {  	s23 =	sshra.s32 s23, $0x2;
	[sflag:s15] =	ssyncadd.s32 $0xFFFFFC00  }
0x73: {  	[spmem:s2] =	stream.indirect.scatter.add.f32 [tilespmem:s13], [sflag:$0x1], $0x8, s23, s14, $0xb8;
	[tilespmem:$0x3F08] =	vst v63  }
0x74: {  	s24 =	sadd.s32 $0x80, s23  }
0x75: {  	[spmem:s2] =	stream.indirect.scatter.add.f32 [tilespmem:s13], [sflag:$0x1], $0x8, s24, s14, $0xb8;
	[tilespmem:$0x3F08] =	vst v63  }
0x76: {  	s26 =	sadd.s32 $0x100, s23  }
0x77: {  	[spmem:s2] =	stream.indirect.scatter.add.f32 [tilespmem:s13], [sflag:$0x1], $0x8, s26, s14, $0xb8;
	[tilespmem:$0x3F08] =	vst v63  }
0x78: {  	s28 =	sadd.s32 $0x180, s23  }
0x79: {  	[spmem:s2] =	stream.indirect.scatter.add.f32 [tilespmem:s13], [sflag:$0x1], $0x8, s28, s14, $0xb8;
	[tilespmem:$0x3F08] =	vst v63  }
0x7a: {  	s29 =	sadd.s32 $0x200, s23  }
0x7b: {  	[spmem:s2] =	stream.indirect.scatter.add.f32 [tilespmem:s13], [sflag:$0x1], $0x8, s29, s14, $0xb8;
	[tilespmem:$0x3F08] =	vst v63  }
0x7c: {  	s30 =	sadd.s32 $0x280, s23  }
0x7d: {  	[spmem:s2] =	stream.indirect.scatter.add.f32 [tilespmem:s13], [sflag:$0x1], $0x8, s30, s14, $0xb8;
	[tilespmem:$0x3F08] =	vst v63  }
0x7e: {  	s31 =	sadd.s32 $0x300, s23  }
0x7f: {  	[spmem:s2] =	stream.indirect.scatter.add.f32 [tilespmem:s13], [sflag:$0x1], $0x8, s31, s14, $0xb8;
	[tilespmem:$0x3F08] =	vst v63  }
0x80: {  	s23 =	sadd.s32 $0x380, s23  }
0x81: {  	[spmem:s2] =	stream.indirect.scatter.add.f32 [tilespmem:s13], [sflag:$0x1], $0x8, s23, s14, $0xb8;
	[tilespmem:$0x3F08] =	vst v63  }
0x82: {  	_ =	swait.ge [sflag:s15], $0x400  }
0x83: {  	[sflag:s15] =	ssyncset.done $0x0  }
0x84: {  	[sflag:s15] =	ssyncadd.s32 $0xFFFFFC00  }
0x85: {  	_ =	swait.ge [sflag:s15], $0x400  }
0x86: {  	[sflag:s15] =	ssyncset.done $0x0  }
0x87: {  	[sflag:s15] =	ssyncadd.s32 $0xFFFFFC00  }
0x88: {  	_ =	swait.ge [sflag:s15], $0x400  }
0x89: {  	[sflag:s15] =	ssyncset.done $0x0  }
0x8a: {  	[sflag:s15] =	ssyncadd.s32 $0xFFFFFC00  }
0x8b: {  	_ =	swait.ge [sflag:s15], $0x400  }
0x8c: {  	[sflag:s15] =	ssyncset.done $0x0  }
0x8d: {  	[sflag:s15] =	ssyncadd.s32 $0xFFFFFC00  }
0x8e: {  	_ =	swait.ge [sflag:s15], $0x400  }
0x8f: {  	[sflag:s15] =	ssyncset.done $0x0  }
0x90: {  	[sflag:s15] =	ssyncadd.s32 $0xFFFFFC00  }
0x91: {  	_ =	swait.ge [sflag:s15], $0x400  }
0x92: {  	[sflag:s15] =	ssyncset.done $0x0  }
0x93: {  	[sflag:s15] =	ssyncadd.s32 $0xFFFFFC00  }
0x94: {  	_ =	swait.ge [sflag:s15], $0x400  }
0x95: {  	[sflag:s15] =	ssyncset.done $0x0  }
0x96: {  	[sflag:s15] =	ssyncadd.s32 $0xFFFFFC00  }
0x97: {  	_ =	swait.ge [sflag:s15], $0x400  }
0x98: {  	[sflag:s15] =	ssyncset.done $0x0  }
0x99: {  	[sflag:s15] =	ssyncadd.s32 $0xFFFFFC00  }
0x9a: {  	[spmem:s2] =	stream.indirect.scatter.add.f32 [tilespmem:s13], [sflag:$0x1], $0x8, s16, s14, $0xb8;
	[tilespmem:$0x3F08] =	vst v63  }
0x9b: {  	_ = 	snop  }
0x9c: {  	[spmem:s2] =	stream.indirect.scatter.add.f32 [tilespmem:s13], [sflag:$0x1], $0x8, s17, s14, $0xb8;
	[tilespmem:$0x3F08] =	vst v63  }
0x9d: {  	_ = 	snop  }
0x9e: {  	[spmem:s2] =	stream.indirect.scatter.add.f32 [tilespmem:s13], [sflag:$0x1], $0x8, s18, s14, $0xb8;
	[tilespmem:$0x3F08] =	vst v63  }
0x9f: {  	_ = 	snop  }
0xa0: {  	[spmem:s2] =	stream.indirect.scatter.add.f32 [tilespmem:s13], [sflag:$0x1], $0x8, s19, s14, $0xb8;
	[tilespmem:$0x3F08] =	vst v63  }
0xa1: {  	_ = 	snop  }
0xa2: {  	[spmem:s2] =	stream.indirect.scatter.add.f32 [tilespmem:s13], [sflag:$0x1], $0x8, s20, s14, $0xb8;
	[tilespmem:$0x3F08] =	vst v63  }
0xa3: {  	_ = 	snop  }
0xa4: {  	[spmem:s2] =	stream.indirect.scatter.add.f32 [tilespmem:s13], [sflag:$0x1], $0x8, s21, s14, $0xb8;
	[tilespmem:$0x3F08] =	vst v63  }
0xa5: {  	_ =	swait.ge [sflag:s15], $0x400  }
0xa6: {  	[sflag:s15] =	ssyncset.done $0x0  }
0xa7: {  	[sflag:s15] =	ssyncadd.s32 $0xFFFFFC00  }
0xa8: {  	_ =	swait.ge [sflag:s15], $0x400  }
0xa9: {  	[sflag:s15] =	ssyncset.done $0x0  }
0xaa: {  	[sflag:s15] =	ssyncadd.s32 $0xFFFFFC00  }
0xab: {  	_ =	swait.ge [sflag:s15], $0x400  }
0xac: {  	[sflag:s15] =	ssyncset.done $0x0  }
0xad: {  	[sflag:s15] =	ssyncadd.s32 $0xFFFFFC00  }
0xae: {  	_ =	swait.ge [sflag:s15], $0x400  }
0xaf: {  	[sflag:s15] =	ssyncset.done $0x0  }
0xb0: {  	[sflag:s15] =	ssyncadd.s32 $0xFFFFFC00  }
0xb1: {  	_ =	swait.ge [sflag:s15], $0x400  }
0xb2: {  	[sflag:s15] =	ssyncset.done $0x0  }
0xb3: {  	[sflag:s15] =	ssyncadd.s32 $0xFFFFFC00  }
0xb4: {  	_ =	swait.ge [sflag:s15], $0x400  }
0xb5: {  	s25 =	simm.s32 @!p0 $0x2780;
	[sflag:s15] =	ssyncset.done $0x0  }
0xb6: {  	s24 =	simm.s32 @!p0 $0x2700;
	s23 =	simm.s32 @!p0 $0x80;
	[sflag:s15] =	ssyncadd.s32 $0xFFFFFC00  }
0xb7: {  	[spmem:s2] =	stream.indirect.scatter.add.f32 @!p0 [tilespmem:s25], [sflag:$0x1], $0x8, s24, s23, $0xb8;
	[tilespmem:$0x3F08] =	vst v63  }
0xb8: {  	s23 =	simm.s32 @!p0 $0x1  }
0xb9: {  	_ =	swait.ge @!p0 [sflag:s23], $0x400  }
0xba: {  	s22 =	sadd.s32 $0x1, s22;
	[sflag:s23] =	ssyncset.done @!p0 $0x0  }
0xbb: {  	p1 =	sne.s32 s22, s10;
	[sflag:s23] =	ssyncadd.s32 @!p0 $0xFFFFFC00  }
.Ltmp1:
0xbc: {  	[bflag:$0x0] =	sbarrier.arrive $0xFFFF;
	(pc) =	sbr.rel @p1 .LBB2_1-.Ltmp1, $4  }
0xbd: {  	[hbm:s9], [sflag:s6] =	dma.local [spmem:s11], $0x271  }
0xbe: {  	_ =	swait.ge [sflag:s12], $0x271  }
0xbf: {  	[sflag:s12] =	ssyncset.done $0x0  }
0xc0: {  	[sflag:s12] =	ssyncadd.s32 $0xFFFFFD8F  }
0xc1: {  	_ =	sfence.sel $0x180000  }
0xc2: {  	[bflag:$0x0] =	sbarrier.arrive $0xFFFF  }
0xc3: {  	p0 =	sne.s32 s1, $0x0;
	_ =	strace $0x90000047  }
0xc4: {  	s0 =	sadd.s32 @!p0 $0x100000, s0;
	[bflag:$0x2] =	sbarrier.arrive $0xFFFF  }
0xc5: {  	[sflag:s0] =	ssyncadd.tile.s32 @!p0 $0x1;
	_ =	shalt  }
.Lfunc_end2:
_tile_overlayer_lowered:
.L_overlay_start_2:
0xc6: {  	(tag) =	ssettag $0x2  }
0xc7: {  	s0 =	rddreg [dreg:$0x0];
	s2 =	stileid.u32  }
0xc8: {  	s1 =	rddreg [dreg:$0x1];
	p0 =	sne.s32 s2, $0x0  }
0xc9: {  	s3 =	rddreg [dreg:$0x2];
	[bflag:$0x3] =	sbarrier.arrive $0xFFFF;
	s2 =	simm.s32 @!p0 $0x1C02  }
0xca: {  	[timem:s3], [sflag:s2] =	dma.local @!p0 [hbm:s0], s1  }
0xcb: {  	s0 =	simm.s32 @!p0 $0x2  }
0xcc: {  	_ =	swait.ge @!p0 [sflag:s0], s1  }
0xcd: {  	s1 =	ssub.s32 @!p0 $0x0, s1;
	[sflag:s0] =	ssyncset.done @!p0 $0x0  }
0xce: {  	[sflag:s0] =	ssyncadd.s32 @!p0 s1  }
0xcf: {  	[bflag:$0x3] =	sbarrier.arrive $0xFFFF  }
0xd0: {  	_ =	shalt  }

</sc_bundles>
